<compile_context>
chip_gen: v7x
topology: tpu7x:2x2x1
jax: 0.10.2.dev20260603
libtpu: 0.0.44.dev20260713+nightly
codegen_flags: <defaults>
</compile_context>

<pallas_src>
import functools

import jax
import jax.numpy as jnp
from jax import lax
from jax.experimental import pallas as pl
from jax.experimental.pallas import tpu as pltpu
from jax.experimental.pallas import tpu_sc as plsc

EMB_DIM = 64
NUM_EMB = 12
LANES = 16


@functools.cache
def _expand_call(T: int, N: int):
    info = plsc.get_sparse_core_info()
    NC, NS = info.num_cores, info.num_subcores
    NW = NC * NS
    blk = N // NW
    mesh = plsc.VectorSubcoreMesh(core_axis_name="c", subcore_axis_name="s")

    @functools.partial(
        pl.kernel,
        mesh=mesh,
        compiler_params=pltpu.CompilerParams(needs_layout_passes=False),
        out_type=jax.ShapeDtypeStruct((T, EMB_DIM, N), jnp.float32),
        scratch_types=[
            pltpu.VMEM((NUM_EMB * EMB_DIM * LANES,), jnp.float32),
            pltpu.VMEM((blk,), jnp.int32),
            pltpu.VMEM((blk,), jnp.int32),
            pltpu.VMEM((EMB_DIM, blk), jnp.float32),
            pltpu.VMEM((EMB_DIM, blk), jnp.float32),
            pltpu.SemaphoreType.DMA,
            pltpu.SemaphoreType.DMA,
            pltpu.SemaphoreType.DMA,
            pltpu.SemaphoreType.DMA,
        ],
    )
    def k(tbl_hbm, catt_hbm, p_hbm,
          tbl_v, ix0, ix1, ob0, ob1, si0, si1, so0, so1):
        wid = lax.axis_index("s") * NC + lax.axis_index("c")
        b0 = wid * blk
        ixb = (ix0, ix1)
        ob = (ob0, ob1)
        si = (si0, si1)
        so = (so0, so1)

        pltpu.sync_copy(tbl_hbm, tbl_v)

        def idx_start(t, u):
            pltpu.async_copy(catt_hbm.at[t, pl.ds(b0, blk)], ixb[u], si[u])

        def idx_wait(u):
            pltpu.make_async_copy(
                catt_hbm.at[0, pl.ds(b0, blk)], ixb[u], si[u]).wait()

        def out_wait(u):
            pltpu.make_async_copy(
                ob[u], p_hbm.at[0, :, pl.ds(b0, blk)], so[u]).wait()

        idx_start(0, 0)

        def half(to, u, t):
            idx_wait(u)
            if u == 0:
                idx_start(t + 1, 1)
            else:
                @pl.when(to < T // 2 - 1)
                def _():
                    idx_start(t + 1, 0)

            @pl.when(to > 0)
            def _():
                out_wait(u)

            @plsc.parallel_loop(0, blk // LANES, unroll=2)
            def jbody(j):
                v = ixb[u][pl.ds(j * LANES, LANES)]
                base = v * (EMB_DIM * LANES) + lax.iota(jnp.int32, LANES)
                for d in range(EMB_DIM):
                    ob[u][d, pl.ds(j * LANES, LANES)] = plsc.load_gather(
                        tbl_v, [base | (d * LANES)])
            pltpu.async_copy(ob[u], p_hbm.at[t, :, pl.ds(b0, blk)], so[u])

        def body(to, carry):
            half(to, 0, to * 2)
            half(to, 1, to * 2 + 1)
            return carry

        lax.fori_loop(0, T // 2, body, 0)
        out_wait(0)
        out_wait(1)

    return k


def kernel(cat_ids, table):
    T = cat_ids.shape[1]
    N = cat_ids.shape[0]
    catt = cat_ids.T.astype(jnp.int32)
    tbl_rep = jnp.tile(table.reshape(-1)[:, None], (1, LANES)).reshape(-1)
    p = _expand_call(T, N)(tbl_rep, catt)
    return jnp.transpose(p, (2, 0, 1))

# --- scband reference (transcript-rebuilt; emitter-appended) ---
"""Pipeline reference for scband-category-encoder-79645873537274 (READ-ONLY COPY).

The authoritative reference and input builder live on the scoring server;
editing this copy changes nothing except your own understanding.
"""

import jax, jax.numpy as jnp
import numpy as np

EMB_DIM = 64
NUM_EMB = 12

def setup_inputs(seed: int = 0) -> dict:
    key = jax.random.key(seed)
    k1, k2 = jax.random.split(key)
    cat_ids = jax.random.randint(k1, (16384, 200), 0, NUM_EMB, dtype=jnp.int64)
    # embedding table, sized per nn.Embedding(12, emb_dim), default init ~ N(0,1)
    table = jax.random.normal(k2, (NUM_EMB, EMB_DIM), dtype=jnp.float32)
    return {"cat_ids": cat_ids, "table": table}

def reference(cat_ids, table):
    # nn.Embedding forward: gather rows of the table by index
    return jnp.take(table, cat_ids, axis=0)

if __name__ == "__main__":
    import jax
    _d = setup_inputs()
    print(jax.jit(kernel)(*tuple(_d.values())))

</pallas_src>

<mosaic_0001>
#map = affine_map<(d0, d1) -> (0)>
#map1 = affine_map<(d0, d1) -> (0, 0)>
#map2 = affine_map<(d0, d1) -> (0, 0, 0)>
module attributes {stable_mosaic.version = 14 : i64} {
  func.func @k(%arg0: i32, %arg1: i32, %arg2: memref<12288xf32, #tpu.memory_space<hbm>>, %arg3: memref<200x16384xi32, #tpu.memory_space<hbm>>, %arg4: memref<200x64x16384xf32, #tpu.memory_space<hbm>>, %arg5: memref<12288xf32, #tpu.memory_space<vmem>>, %arg6: memref<512xi32, #tpu.memory_space<vmem>>, %arg7: memref<512xi32, #tpu.memory_space<vmem>>, %arg8: memref<64x512xf32, #tpu.memory_space<vmem>>, %arg9: memref<64x512xf32, #tpu.memory_space<vmem>>, %arg10: memref<!tpu.dma_semaphore, #tpu.memory_space<semaphore_mem>>, %arg11: memref<!tpu.dma_semaphore, #tpu.memory_space<semaphore_mem>>, %arg12: memref<!tpu.dma_semaphore, #tpu.memory_space<semaphore_mem>>, %arg13: memref<!tpu.dma_semaphore, #tpu.memory_space<semaphore_mem>>) attributes {dimension_semantics = [#tpu.dimension_semantics<core_parallel>, #tpu.dimension_semantics<subcore_parallel>], iteration_bounds = array<i64: 2, 16>, scalar_prefetch = 0 : i64, scratch_operands = 9 : i64, tpu.core_type = #tpu.core_type<sc_vector_subcore>, window_params = [{transform_indices = #map}, {transform_indices = #map1}, {transform_indices = #map2}]} {
    %mul3A = arith.constant 2 : i32
    %mul3A_0 = arith.muli %arg1, %mul3A : i32
    %add3A = arith.addi %mul3A_0, %arg0 : i32
    %mul3A_1 = arith.constant 512 : i32
    %mul3A_2 = arith.muli %add3A, %mul3A_1 : i32
    "tpu.region"() ({
      %run_scoped3A = tpu.sem_alloc : memref<!tpu.dma_semaphore, #tpu.memory_space<semaphore_mem>>
      tpu.enqueue_dma source(%arg2 : memref<12288xf32, #tpu.memory_space<hbm>>) target(%arg5 : memref<12288xf32, #tpu.memory_space<vmem>>) target_semaphore(%run_scoped3A : memref<!tpu.dma_semaphore, #tpu.memory_space<semaphore_mem>>)
      tpu.wait_dma2 semaphore(%run_scoped3A : memref<!tpu.dma_semaphore, #tpu.memory_space<semaphore_mem>>) src(%arg2 : memref<12288xf32, #tpu.memory_space<hbm>>) dst(%arg5 : memref<12288xf32, #tpu.memory_space<vmem>>)
      tpu.yield
    }) : () -> ()
    %dma_start3A = arith.constant 0 : i32
    %dma_start3A_3 = tpu.memref_slice %arg3[%dma_start3A, %mul3A_2] : memref<200x16384xi32, #tpu.memory_space<hbm>> -> memref<1x512xi32, #tpu.memory_space<hbm>>
    %dma_start3A_4 = tpu.memref_squeeze %dma_start3A_3 : memref<1x512xi32, #tpu.memory_space<hbm>> -> memref<512xi32, #tpu.memory_space<hbm>>
    %dma_start3A_5 = tpu.memref_slice %arg3[%dma_start3A, %mul3A_2] : memref<200x16384xi32, #tpu.memory_space<hbm>> -> memref<1x512xi32, #tpu.memory_space<hbm>>
    %dma_start3A_6 = tpu.memref_squeeze %dma_start3A_5 : memref<1x512xi32, #tpu.memory_space<hbm>> -> memref<512xi32, #tpu.memory_space<hbm>>
    tpu.enqueue_dma source(%dma_start3A_6 : memref<512xi32, #tpu.memory_space<hbm>>) target(%arg6 : memref<512xi32, #tpu.memory_space<vmem>>) target_semaphore(%arg10 : memref<!tpu.dma_semaphore, #tpu.memory_space<semaphore_mem>>)
    %scan3A = arith.constant 0 : i32
    %scan3A_7 = arith.constant 0 : i32
    %scan3A_8 = arith.constant 100 : i32
    %scan3A_9 = arith.addi %scan3A_7, %scan3A_8 : i32
    %scan3A_10 = arith.constant 1 : i32
    scf.for %scan3A_25 = %scan3A_7 to %scan3A_9 step %scan3A_10  : i32 {
      %mul3A_26 = arith.constant 2 : i32
      %mul3A_27 = arith.muli %scan3A_25, %mul3A_26 : i32
      %dma_wait3A_28 = arith.constant 0 : i32
      %dma_wait3A_29 = tpu.memref_slice %arg3[%dma_wait3A_28, %mul3A_2] : memref<200x16384xi32, #tpu.memory_space<hbm>> -> memref<1x512xi32, #tpu.memory_space<hbm>>
      %dma_wait3A_30 = tpu.memref_squeeze %dma_wait3A_29 : memref<1x512xi32, #tpu.memory_space<hbm>> -> memref<512xi32, #tpu.memory_space<hbm>>
      %dma_wait3A_31 = tpu.memref_slice %arg3[%dma_wait3A_28, %mul3A_2] : memref<200x16384xi32, #tpu.memory_space<hbm>> -> memref<1x512xi32, #tpu.memory_space<hbm>>
      %dma_wait3A_32 = tpu.memref_squeeze %dma_wait3A_31 : memref<1x512xi32, #tpu.memory_space<hbm>> -> memref<512xi32, #tpu.memory_space<hbm>>
      tpu.wait_dma2 semaphore(%arg10 : memref<!tpu.dma_semaphore, #tpu.memory_space<semaphore_mem>>) src(%dma_wait3A_32 : memref<512xi32, #tpu.memory_space<hbm>>) dst(%arg6 : memref<512xi32, #tpu.memory_space<vmem>>)
      %add3A_33 = arith.constant 1 : i32
      %add3A_34 = arith.addi %mul3A_27, %add3A_33 : i32
      %dma_start3A_35 = tpu.memref_slice %arg3[%add3A_34, %mul3A_2] : memref<200x16384xi32, #tpu.memory_space<hbm>> -> memref<1x512xi32, #tpu.memory_space<hbm>>
      %dma_start3A_36 = tpu.memref_squeeze %dma_start3A_35 : memref<1x512xi32, #tpu.memory_space<hbm>> -> memref<512xi32, #tpu.memory_space<hbm>>
      %dma_start3A_37 = tpu.memref_slice %arg3[%add3A_34, %mul3A_2] : memref<200x16384xi32, #tpu.memory_space<hbm>> -> memref<1x512xi32, #tpu.memory_space<hbm>>
      %dma_start3A_38 = tpu.memref_squeeze %dma_start3A_37 : memref<1x512xi32, #tpu.memory_space<hbm>> -> memref<512xi32, #tpu.memory_space<hbm>>
      tpu.enqueue_dma source(%dma_start3A_38 : memref<512xi32, #tpu.memory_space<hbm>>) target(%arg7 : memref<512xi32, #tpu.memory_space<vmem>>) target_semaphore(%arg11 : memref<!tpu.dma_semaphore, #tpu.memory_space<semaphore_mem>>)
      %gt3A = arith.constant 0 : i32
      %gt3A_39 = arith.cmpi sgt, %scan3A_25, %gt3A : i32
      %convert_element_type3A = arith.extui %gt3A_39 : i1 to i32
      %cond3A = arith.constant 0 : i32
      %cond3A_40 = arith.cmpi ne, %convert_element_type3A, %cond3A : i32
      scf.if %cond3A_40 {
        %dma_wait3A_76 = arith.constant 0 : i32
        %dma_wait3A_77 = arith.constant 0 : i32
        %dma_wait3A_78 = tpu.memref_slice %arg4[%dma_wait3A_76, %dma_wait3A_77, %mul3A_2] : memref<200x64x16384xf32, #tpu.memory_space<hbm>> -> memref<1x64x512xf32, #tpu.memory_space<hbm>>
        %dma_wait3A_79 = tpu.memref_squeeze %dma_wait3A_78 : memref<1x64x512xf32, #tpu.memory_space<hbm>> -> memref<64x512xf32, #tpu.memory_space<hbm>>
        %dma_wait3A_80 = arith.constant 0 : i32
        %dma_wait3A_81 = tpu.memref_slice %arg4[%dma_wait3A_76, %dma_wait3A_80, %mul3A_2] : memref<200x64x16384xf32, #tpu.memory_space<hbm>> -> memref<1x64x512xf32, #tpu.memory_space<hbm>>
        %dma_wait3A_82 = tpu.memref_squeeze %dma_wait3A_81 : memref<1x64x512xf32, #tpu.memory_space<hbm>> -> memref<64x512xf32, #tpu.memory_space<hbm>>
        tpu.wait_dma2 semaphore(%arg12 : memref<!tpu.dma_semaphore, #tpu.memory_space<semaphore_mem>>) src(%arg8 : memref<64x512xf32, #tpu.memory_space<vmem>>) dst(%dma_wait3A_82 : memref<64x512xf32, #tpu.memory_space<hbm>>)
      } else {
      }
      %parallel_loop3A = arith.constant 0 : i32
      %parallel_loop3A_41 = arith.constant 32 : i32
      %parallel_loop3A_42 = arith.constant 1 : i32
      scf.for %parallel_loop3A_76 = %parallel_loop3A to %parallel_loop3A_41 step %parallel_loop3A_42  : i32 {
        %parallel_loop3A_77 = arith.constant 16 : i32
        %parallel_loop3A_78 = arith.muli %parallel_loop3A_76, %parallel_loop3A_77 : i32
        %parallel_loop3A_79 = arith.index_cast %parallel_loop3A_78 : i32 to index
        %parallel_loop3A_80 = tpu.vector_load %arg6[%parallel_loop3A_79] {strides = array<i32>} : memref<512xi32, #tpu.memory_space<vmem>>, vector<16xi32>,
        %parallel_loop3A_81 = arith.constant 1024 : i32
        %parallel_loop3A_82 = vector.broadcast %parallel_loop3A_81 : i32 to vector<16xi32>
        %parallel_loop3A_83 = arith.muli %parallel_loop3A_80, %parallel_loop3A_82 : vector<16xi32>
        %parallel_loop3A_84 = tpu.iota {dimensions = array<i32: 0>} : vector<16xi32>
        %parallel_loop3A_85 = arith.addi %parallel_loop3A_83, %parallel_loop3A_84 : vector<16xi32>
        %parallel_loop3A_86 = arith.constant 0 : i32
        %parallel_loop3A_87 = vector.broadcast %parallel_loop3A_86 : i32 to vector<16xi32>
        %parallel_loop3A_88 = arith.ori %parallel_loop3A_85, %parallel_loop3A_87 : vector<16xi32>
        %parallel_loop3A_89 = tpu.vector_load_idx %arg5[%parallel_loop3A_88] : memref<12288xf32, #tpu.memory_space<vmem>>[vector<16xi32>], vector<16xf32>,
        %parallel_loop3A_90 = arith.constant 16 : i32
        %parallel_loop3A_91 = arith.muli %parallel_loop3A_76, %parallel_loop3A_90 : i32
        %parallel_loop3A_92 = arith.constant 0 : i32
        %parallel_loop3A_93 = arith.index_cast %parallel_loop3A_92 : i32 to index
        %parallel_loop3A_94 = arith.index_cast %parallel_loop3A_91 : i32 to index
        %parallel_loop3A_95 = tpu.vector_load %arg8[%parallel_loop3A_93, %parallel_loop3A_94] {strides = array<i32>} : memref<64x512xf32, #tpu.memory_space<vmem>>, vector<16xf32>,
        tpu.vector_store %arg8[%parallel_loop3A_93, %parallel_loop3A_94], %parallel_loop3A_89 {strides = array<i32>} : memref<64x512xf32, #tpu.memory_space<vmem>>, vector<16xf32>,
        %parallel_loop3A_96 = arith.constant 16 : i32
        %parallel_loop3A_97 = vector.broadcast %parallel_loop3A_96 : i32 to vector<16xi32>
        %parallel_loop3A_98 = arith.ori %parallel_loop3A_85, %parallel_loop3A_97 : vector<16xi32>
        %parallel_loop3A_99 = tpu.vector_load_idx %arg5[%parallel_loop3A_98] : memref<12288xf32, #tpu.memory_space<vmem>>[vector<16xi32>], vector<16xf32>,
        %parallel_loop3A_100 = arith.constant 16 : i32
        %parallel_loop3A_101 = arith.muli %parallel_loop3A_76, %parallel_loop3A_100 : i32
        %parallel_loop3A_102 = arith.constant 1 : i32
        %parallel_loop3A_103 = arith.index_cast %parallel_loop3A_102 : i32 to index
        %parallel_loop3A_104 = arith.index_cast %parallel_loop3A_101 : i32 to index
        %parallel_loop3A_105 = tpu.vector_load %arg8[%parallel_loop3A_103, %parallel_loop3A_104] {strides = array<i32>} : memref<64x512xf32, #tpu.memory_space<vmem>>, vector<16xf32>,
        tpu.vector_store %arg8[%parallel_loop3A_103, %parallel_loop3A_104], %parallel_loop3A_99 {strides = array<i32>} : memref<64x512xf32, #tpu.memory_space<vmem>>, vector<16xf32>,
        %parallel_loop3A_106 = arith.constant 32 : i32
        %parallel_loop3A_107 = vector.broadcast %parallel_loop3A_106 : i32 to vector<16xi32>
        %parallel_loop3A_108 = arith.ori %parallel_loop3A_85, %parallel_loop3A_107 : vector<16xi32>
        %parallel_loop3A_109 = tpu.vector_load_idx %arg5[%parallel_loop3A_108] : memref<12288xf32, #tpu.memory_space<vmem>>[vector<16xi32>], vector<16xf32>,
        %parallel_loop3A_110 = arith.constant 16 : i32
        %parallel_loop3A_111 = arith.muli %parallel_loop3A_76, %parallel_loop3A_110 : i32
        %parallel_loop3A_112 = arith.constant 2 : i32
        %parallel_loop3A_113 = arith.index_cast %parallel_loop3A_112 : i32 to index
        %parallel_loop3A_114 = arith.index_cast %parallel_loop3A_111 : i32 to index
        %parallel_loop3A_115 = tpu.vector_load %arg8[%parallel_loop3A_113, %parallel_loop3A_114] {strides = array<i32>} : memref<64x512xf32, #tpu.memory_space<vmem>>, vector<16xf32>,
        tpu.vector_store %arg8[%parallel_loop3A_113, %parallel_loop3A_114], %parallel_loop3A_109 {strides = array<i32>} : memref<64x512xf32, #tpu.memory_space<vmem>>, vector<16xf32>,
        %parallel_loop3A_116 = arith.constant 48 : i32
        %parallel_loop3A_117 = vector.broadcast %parallel_loop3A_116 : i32 to vector<16xi32>
        %parallel_loop3A_118 = arith.ori %parallel_loop3A_85, %parallel_loop3A_117 : vector<16xi32>
        %parallel_loop3A_119 = tpu.vector_load_idx %arg5[%parallel_loop3A_118] : memref<12288xf32, #tpu.memory_space<vmem>>[vector<16xi32>], vector<16xf32>,
        %parallel_loop3A_120 = arith.constant 16 : i32
        %parallel_loop3A_121 = arith.muli %parallel_loop3A_76, %parallel_loop3A_120 : i32
        %parallel_loop3A_122 = arith.constant 3 : i32
        %parallel_loop3A_123 = arith.index_cast %parallel_loop3A_122 : i32 to index
        %parallel_loop3A_124 = arith.index_cast %parallel_loop3A_121 : i32 to index
        %parallel_loop3A_125 = tpu.vector_load %arg8[%parallel_loop3A_123, %parallel_loop3A_124] {strides = array<i32>} : memref<64x512xf32, #tpu.memory_space<vmem>>, vector<16xf32>,
        tpu.vector_store %arg8[%parallel_loop3A_123, %parallel_loop3A_124], %parallel_loop3A_119 {strides = array<i32>} : memref<64x512xf32, #tpu.memory_space<vmem>>, vector<16xf32>,
        %parallel_loop3A_126 = arith.constant 64 : i32
        %parallel_loop3A_127 = vector.broadcast %parallel_loop3A_126 : i32 to vector<16xi32>
        %parallel_loop3A_128 = arith.ori %parallel_loop3A_85, %parallel_loop3A_127 : vector<16xi32>
        %parallel_loop3A_129 = tpu.vector_load_idx %arg5[%parallel_loop3A_128] : memref<12288xf32, #tpu.memory_space<vmem>>[vector<16xi32>], vector<16xf32>,
        %parallel_loop3A_130 = arith.constant 16 : i32
        %parallel_loop3A_131 = arith.muli %parallel_loop3A_76, %parallel_loop3A_130 : i32
        %parallel_loop3A_132 = arith.constant 4 : i32
        %parallel_loop3A_133 = arith.index_cast %parallel_loop3A_132 : i32 to index
        %parallel_loop3A_134 = arith.index_cast %parallel_loop3A_131 : i32 to index
        %parallel_loop3A_135 = tpu.vector_load %arg8[%parallel_loop3A_133, %parallel_loop3A_134] {strides = array<i32>} : memref<64x512xf32, #tpu.memory_space<vmem>>, vector<16xf32>,
        tpu.vector_store %arg8[%parallel_loop3A_133, %parallel_loop3A_134], %parallel_loop3A_129 {strides = array<i32>} : memref<64x512xf32, #tpu.memory_space<vmem>>, vector<16xf32>,
        %parallel_loop3A_136 = arith.constant 80 : i32
        %parallel_loop3A_137 = vector.broadcast %parallel_loop3A_136 : i32 to vector<16xi32>
        %parallel_loop3A_138 = arith.ori %parallel_loop3A_85, %parallel_loop3A_137 : vector<16xi32>
        %parallel_loop3A_139 = tpu.vector_load_idx %arg5[%parallel_loop3A_138] : memref<12288xf32, #tpu.memory_space<vmem>>[vector<16xi32>], vector<16xf32>,
        %parallel_loop3A_140 = arith.constant 16 : i32
        %parallel_loop3A_141 = arith.muli %parallel_loop3A_76, %parallel_loop3A_140 : i32
        %parallel_loop3A_142 = arith.constant 5 : i32
        %parallel_loop3A_143 = arith.index_cast %parallel_loop3A_142 : i32 to index
        %parallel_loop3A_144 = arith.index_cast %parallel_loop3A_141 : i32 to index
        %parallel_loop3A_145 = tpu.vector_load %arg8[%parallel_loop3A_143, %parallel_loop3A_144] {strides = array<i32>} : memref<64x512xf32, #tpu.memory_space<vmem>>, vector<16xf32>,
        tpu.vector_store %arg8[%parallel_loop3A_143, %parallel_loop3A_144], %parallel_loop3A_139 {strides = array<i32>} : memref<64x512xf32, #tpu.memory_space<vmem>>, vector<16xf32>,
        %parallel_loop3A_146 = arith.constant 96 : i32
        %parallel_loop3A_147 = vector.broadcast %parallel_loop3A_146 : i32 to vector<16xi32>
        %parallel_loop3A_148 = arith.ori %parallel_loop3A_85, %parallel_loop3A_147 : vector<16xi32>
        %parallel_loop3A_149 = tpu.vector_load_idx %arg5[%parallel_loop3A_148] : memref<12288xf32, #tpu.memory_space<vmem>>[vector<16xi32>], vector<16xf32>,
        %parallel_loop3A_150 = arith.constant 16 : i32
        %parallel_loop3A_151 = arith.muli %parallel_loop3A_76, %parallel_loop3A_150 : i32
        %parallel_loop3A_152 = arith.constant 6 : i32
        %parallel_loop3A_153 = arith.index_cast %parallel_loop3A_152 : i32 to index
        %parallel_loop3A_154 = arith.index_cast %parallel_loop3A_151 : i32 to index
        %parallel_loop3A_155 = tpu.vector_load %arg8[%parallel_loop3A_153, %parallel_loop3A_154] {strides = array<i32>} : memref<64x512xf32, #tpu.memory_space<vmem>>, vector<16xf32>,
        tpu.vector_store %arg8[%parallel_loop3A_153, %parallel_loop3A_154], %parallel_loop3A_149 {strides = array<i32>} : memref<64x512xf32, #tpu.memory_space<vmem>>, vector<16xf32>,
        %parallel_loop3A_156 = arith.constant 112 : i32
        %parallel_loop3A_157 = vector.broadcast %parallel_loop3A_156 : i32 to vector<16xi32>
        %parallel_loop3A_158 = arith.ori %parallel_loop3A_85, %parallel_loop3A_157 : vector<16xi32>
        %parallel_loop3A_159 = tpu.vector_load_idx %arg5[%parallel_loop3A_158] : memref<12288xf32, #tpu.memory_space<vmem>>[vector<16xi32>], vector<16xf32>,
        %parallel_loop3A_160 = arith.constant 16 : i32
        %parallel_loop3A_161 = arith.muli %parallel_loop3A_76, %parallel_loop3A_160 : i32
        %parallel_loop3A_162 = arith.constant 7 : i32
        %parallel_loop3A_163 = arith.index_cast %parallel_loop3A_162 : i32 to index
        %parallel_loop3A_164 = arith.index_cast %parallel_loop3A_161 : i32 to index
        %parallel_loop3A_165 = tpu.vector_load %arg8[%parallel_loop3A_163, %parallel_loop3A_164] {strides = array<i32>} : memref<64x512xf32, #tpu.memory_space<vmem>>, vector<16xf32>,
        tpu.vector_store %arg8[%parallel_loop3A_163, %parallel_loop3A_164], %parallel_loop3A_159 {strides = array<i32>} : memref<64x512xf32, #tpu.memory_space<vmem>>, vector<16xf32>,
        %parallel_loop3A_166 = arith.constant 128 : i32
        %parallel_loop3A_167 = vector.broadcast %parallel_loop3A_166 : i32 to vector<16xi32>
        %parallel_loop3A_168 = arith.ori %parallel_loop3A_85, %parallel_loop3A_167 : vector<16xi32>
        %parallel_loop3A_169 = tpu.vector_load_idx %arg5[%parallel_loop3A_168] : memref<12288xf32, #tpu.memory_space<vmem>>[vector<16xi32>], vector<16xf32>,
        %parallel_loop3A_170 = arith.constant 16 : i32
        %parallel_loop3A_171 = arith.muli %parallel_loop3A_76, %parallel_loop3A_170 : i32
        %parallel_loop3A_172 = arith.constant 8 : i32
        %parallel_loop3A_173 = arith.index_cast %parallel_loop3A_172 : i32 to index
        %parallel_loop3A_174 = arith.index_cast %parallel_loop3A_171 : i32 to index
        %parallel_loop3A_175 = tpu.vector_load %arg8[%parallel_loop3A_173, %parallel_loop3A_174] {strides = array<i32>} : memref<64x512xf32, #tpu.memory_space<vmem>>, vector<16xf32>,
        tpu.vector_store %arg8[%parallel_loop3A_173, %parallel_loop3A_174], %parallel_loop3A_169 {strides = array<i32>} : memref<64x512xf32, #tpu.memory_space<vmem>>, vector<16xf32>,
        %parallel_loop3A_176 = arith.constant 144 : i32
        %parallel_loop3A_177 = vector.broadcast %parallel_loop3A_176 : i32 to vector<16xi32>
        %parallel_loop3A_178 = arith.ori %parallel_loop3A_85, %parallel_loop3A_177 : vector<16xi32>
        %parallel_loop3A_179 = tpu.vector_load_idx %arg5[%parallel_loop3A_178] : memref<12288xf32, #tpu.memory_space<vmem>>[vector<16xi32>], vector<16xf32>,
        %parallel_loop3A_180 = arith.constant 16 : i32
        %parallel_loop3A_181 = arith.muli %parallel_loop3A_76, %parallel_loop3A_180 : i32
        %parallel_loop3A_182 = arith.constant 9 : i32
        %parallel_loop3A_183 = arith.index_cast %parallel_loop3A_182 : i32 to index
        %parallel_loop3A_184 = arith.index_cast %parallel_loop3A_181 : i32 to index
        %parallel_loop3A_185 = tpu.vector_load %arg8[%parallel_loop3A_183, %parallel_loop3A_184] {strides = array<i32>} : memref<64x512xf32, #tpu.memory_space<vmem>>, vector<16xf32>,
        tpu.vector_store %arg8[%parallel_loop3A_183, %parallel_loop3A_184], %parallel_loop3A_179 {strides = array<i32>} : memref<64x512xf32, #tpu.memory_space<vmem>>, vector<16xf32>,
        %parallel_loop3A_186 = arith.constant 160 : i32
        %parallel_loop3A_187 = vector.broadcast %parallel_loop3A_186 : i32 to vector<16xi32>
        %parallel_loop3A_188 = arith.ori %parallel_loop3A_85, %parallel_loop3A_187 : vector<16xi32>
        %parallel_loop3A_189 = tpu.vector_load_idx %arg5[%parallel_loop3A_188] : memref<12288xf32, #tpu.memory_space<vmem>>[vector<16xi32>], vector<16xf32>,
        %parallel_loop3A_190 = arith.constant 16 : i32
        %parallel_loop3A_191 = arith.muli %parallel_loop3A_76, %parallel_loop3A_190 : i32
        %parallel_loop3A_192 = arith.constant 10 : i32
        %parallel_loop3A_193 = arith.index_cast %parallel_loop3A_192 : i32 to index
        %parallel_loop3A_194 = arith.index_cast %parallel_loop3A_191 : i32 to index
        %parallel_loop3A_195 = tpu.vector_load %arg8[%parallel_loop3A_193, %parallel_loop3A_194] {strides = array<i32>} : memref<64x512xf32, #tpu.memory_space<vmem>>, vector<16xf32>,
        tpu.vector_store %arg8[%parallel_loop3A_193, %parallel_loop3A_194], %parallel_loop3A_189 {strides = array<i32>} : memref<64x512xf32, #tpu.memory_space<vmem>>, vector<16xf32>,
        %parallel_loop3A_196 = arith.constant 176 : i32
        %parallel_loop3A_197 = vector.broadcast %parallel_loop3A_196 : i32 to vector<16xi32>
        %parallel_loop3A_198 = arith.ori %parallel_loop3A_85, %parallel_loop3A_197 : vector<16xi32>
        %parallel_loop3A_199 = tpu.vector_load_idx %arg5[%parallel_loop3A_198] : memref<12288xf32, #tpu.memory_space<vmem>>[vector<16xi32>], vector<16xf32>,
        %parallel_loop3A_200 = arith.constant 16 : i32
        %parallel_loop3A_201 = arith.muli %parallel_loop3A_76, %parallel_loop3A_200 : i32
        %parallel_loop3A_202 = arith.constant 11 : i32
        %parallel_loop3A_203 = arith.index_cast %parallel_loop3A_202 : i32 to index
        %parallel_loop3A_204 = arith.index_cast %parallel_loop3A_201 : i32 to index
        %parallel_loop3A_205 = tpu.vector_load %arg8[%parallel_loop3A_203, %parallel_loop3A_204] {strides = array<i32>} : memref<64x512xf32, #tpu.memory_space<vmem>>, vector<16xf32>,
        tpu.vector_store %arg8[%parallel_loop3A_203, %parallel_loop3A_204], %parallel_loop3A_199 {strides = array<i32>} : memref<64x512xf32, #tpu.memory_space<vmem>>, vector<16xf32>,
        %parallel_loop3A_206 = arith.constant 192 : i32
        %parallel_loop3A_207 = vector.broadcast %parallel_loop3A_206 : i32 to vector<16xi32>
        %parallel_loop3A_208 = arith.ori %parallel_loop3A_85, %parallel_loop3A_207 : vector<16xi32>
        %parallel_loop3A_209 = tpu.vector_load_idx %arg5[%parallel_loop3A_208] : memref<12288xf32, #tpu.memory_space<vmem>>[vector<16xi32>], vector<16xf32>,
        %parallel_loop3A_210 = arith.constant 16 : i32
        %parallel_loop3A_211 = arith.muli %parallel_loop3A_76, %parallel_loop3A_210 : i32
        %parallel_loop3A_212 = arith.constant 12 : i32
        %parallel_loop3A_213 = arith.index_cast %parallel_loop3A_212 : i32 to index
        %parallel_loop3A_214 = arith.index_cast %parallel_loop3A_211 : i32 to index
        %parallel_loop3A_215 = tpu.vector_load %arg8[%parallel_loop3A_213, %parallel_loop3A_214] {strides = array<i32>} : memref<64x512xf32, #tpu.memory_space<vmem>>, vector<16xf32>,
        tpu.vector_store %arg8[%parallel_loop3A_213, %parallel_loop3A_214], %parallel_loop3A_209 {strides = array<i32>} : memref<64x512xf32, #tpu.memory_space<vmem>>, vector<16xf32>,
        %parallel_loop3A_216 = arith.constant 208 : i32
        %parallel_loop3A_217 = vector.broadcast %parallel_loop3A_216 : i32 to vector<16xi32>
        %parallel_loop3A_218 = arith.ori %parallel_loop3A_85, %parallel_loop3A_217 : vector<16xi32>
        %parallel_loop3A_219 = tpu.vector_load_idx %arg5[%parallel_loop3A_218] : memref<12288xf32, #tpu.memory_space<vmem>>[vector<16xi32>], vector<16xf32>,
        %parallel_loop3A_220 = arith.constant 16 : i32
        %parallel_loop3A_221 = arith.muli %parallel_loop3A_76, %parallel_loop3A_220 : i32
        %parallel_loop3A_222 = arith.constant 13 : i32
        %parallel_loop3A_223 = arith.index_cast %parallel_loop3A_222 : i32 to index
        %parallel_loop3A_224 = arith.index_cast %parallel_loop3A_221 : i32 to index
        %parallel_loop3A_225 = tpu.vector_load %arg8[%parallel_loop3A_223, %parallel_loop3A_224] {strides = array<i32>} : memref<64x512xf32, #tpu.memory_space<vmem>>, vector<16xf32>,
        tpu.vector_store %arg8[%parallel_loop3A_223, %parallel_loop3A_224], %parallel_loop3A_219 {strides = array<i32>} : memref<64x512xf32, #tpu.memory_space<vmem>>, vector<16xf32>,
        %parallel_loop3A_226 = arith.constant 224 : i32
        %parallel_loop3A_227 = vector.broadcast %parallel_loop3A_226 : i32 to vector<16xi32>
        %parallel_loop3A_228 = arith.ori %parallel_loop3A_85, %parallel_loop3A_227 : vector<16xi32>
        %parallel_loop3A_229 = tpu.vector_load_idx %arg5[%parallel_loop3A_228] : memref<12288xf32, #tpu.memory_space<vmem>>[vector<16xi32>], vector<16xf32>,
        %parallel_loop3A_230 = arith.constant 16 : i32
        %parallel_loop3A_231 = arith.muli %parallel_loop3A_76, %parallel_loop3A_230 : i32
        %parallel_loop3A_232 = arith.constant 14 : i32
        %parallel_loop3A_233 = arith.index_cast %parallel_loop3A_232 : i32 to index
        %parallel_loop3A_234 = arith.index_cast %parallel_loop3A_231 : i32 to index
        %parallel_loop3A_235 = tpu.vector_load %arg8[%parallel_loop3A_233, %parallel_loop3A_234] {strides = array<i32>} : memref<64x512xf32, #tpu.memory_space<vmem>>, vector<16xf32>,
        tpu.vector_store %arg8[%parallel_loop3A_233, %parallel_loop3A_234], %parallel_loop3A_229 {strides = array<i32>} : memref<64x512xf32, #tpu.memory_space<vmem>>, vector<16xf32>,
        %parallel_loop3A_236 = arith.constant 240 : i32
        %parallel_loop3A_237 = vector.broadcast %parallel_loop3A_236 : i32 to vector<16xi32>
        %parallel_loop3A_238 = arith.ori %parallel_loop3A_85, %parallel_loop3A_237 : vector<16xi32>
        %parallel_loop3A_239 = tpu.vector_load_idx %arg5[%parallel_loop3A_238] : memref<12288xf32, #tpu.memory_space<vmem>>[vector<16xi32>], vector<16xf32>,
        %parallel_loop3A_240 = arith.constant 16 : i32
        %parallel_loop3A_241 = arith.muli %parallel_loop3A_76, %parallel_loop3A_240 : i32
        %parallel_loop3A_242 = arith.constant 15 : i32
        %parallel_loop3A_243 = arith.index_cast %parallel_loop3A_242 : i32 to index
        %parallel_loop3A_244 = arith.index_cast %parallel_loop3A_241 : i32 to index
        %parallel_loop3A_245 = tpu.vector_load %arg8[%parallel_loop3A_243, %parallel_loop3A_244] {strides = array<i32>} : memref<64x512xf32, #tpu.memory_space<vmem>>, vector<16xf32>,
        tpu.vector_store %arg8[%parallel_loop3A_243, %parallel_loop3A_244], %parallel_loop3A_239 {strides = array<i32>} : memref<64x512xf32, #tpu.memory_space<vmem>>, vector<16xf32>,
        %parallel_loop3A_246 = arith.constant 256 : i32
        %parallel_loop3A_247 = vector.broadcast %parallel_loop3A_246 : i32 to vector<16xi32>
        %parallel_loop3A_248 = arith.ori %parallel_loop3A_85, %parallel_loop3A_247 : vector<16xi32>
        %parallel_loop3A_249 = tpu.vector_load_idx %arg5[%parallel_loop3A_248] : memref<12288xf32, #tpu.memory_space<vmem>>[vector<16xi32>], vector<16xf32>,
        %parallel_loop3A_250 = arith.constant 16 : i32
        %parallel_loop3A_251 = arith.muli %parallel_loop3A_76, %parallel_loop3A_250 : i32
        %parallel_loop3A_252 = arith.constant 16 : i32
        %parallel_loop3A_253 = arith.index_cast %parallel_loop3A_252 : i32 to index
        %parallel_loop3A_254 = arith.index_cast %parallel_loop3A_251 : i32 to index
        %parallel_loop3A_255 = tpu.vector_load %arg8[%parallel_loop3A_253, %parallel_loop3A_254] {strides = array<i32>} : memref<64x512xf32, #tpu.memory_space<vmem>>, vector<16xf32>,
        tpu.vector_store %arg8[%parallel_loop3A_253, %parallel_loop3A_254], %parallel_loop3A_249 {strides = array<i32>} : memref<64x512xf32, #tpu.memory_space<vmem>>, vector<16xf32>,
        %parallel_loop3A_256 = arith.constant 272 : i32
        %parallel_loop3A_257 = vector.broadcast %parallel_loop3A_256 : i32 to vector<16xi32>
        %parallel_loop3A_258 = arith.ori %parallel_loop3A_85, %parallel_loop3A_257 : vector<16xi32>
        %parallel_loop3A_259 = tpu.vector_load_idx %arg5[%parallel_loop3A_258] : memref<12288xf32, #tpu.memory_space<vmem>>[vector<16xi32>], vector<16xf32>,
        %parallel_loop3A_260 = arith.constant 16 : i32
        %parallel_loop3A_261 = arith.muli %parallel_loop3A_76, %parallel_loop3A_260 : i32
        %parallel_loop3A_262 = arith.constant 17 : i32
        %parallel_loop3A_263 = arith.index_cast %parallel_loop3A_262 : i32 to index
        %parallel_loop3A_264 = arith.index_cast %parallel_loop3A_261 : i32 to index
        %parallel_loop3A_265 = tpu.vector_load %arg8[%parallel_loop3A_263, %parallel_loop3A_264] {strides = array<i32>} : memref<64x512xf32, #tpu.memory_space<vmem>>, vector<16xf32>,
        tpu.vector_store %arg8[%parallel_loop3A_263, %parallel_loop3A_264], %parallel_loop3A_259 {strides = array<i32>} : memref<64x512xf32, #tpu.memory_space<vmem>>, vector<16xf32>,
        %parallel_loop3A_266 = arith.constant 288 : i32
        %parallel_loop3A_267 = vector.broadcast %parallel_loop3A_266 : i32 to vector<16xi32>
        %parallel_loop3A_268 = arith.ori %parallel_loop3A_85, %parallel_loop3A_267 : vector<16xi32>
        %parallel_loop3A_269 = tpu.vector_load_idx %arg5[%parallel_loop3A_268] : memref<12288xf32, #tpu.memory_space<vmem>>[vector<16xi32>], vector<16xf32>,
        %parallel_loop3A_270 = arith.constant 16 : i32
        %parallel_loop3A_271 = arith.muli %parallel_loop3A_76, %parallel_loop3A_270 : i32
        %parallel_loop3A_272 = arith.constant 18 : i32
        %parallel_loop3A_273 = arith.index_cast %parallel_loop3A_272 : i32 to index
        %parallel_loop3A_274 = arith.index_cast %parallel_loop3A_271 : i32 to index
        %parallel_loop3A_275 = tpu.vector_load %arg8[%parallel_loop3A_273, %parallel_loop3A_274] {strides = array<i32>} : memref<64x512xf32, #tpu.memory_space<vmem>>, vector<16xf32>,
        tpu.vector_store %arg8[%parallel_loop3A_273, %parallel_loop3A_274], %parallel_loop3A_269 {strides = array<i32>} : memref<64x512xf32, #tpu.memory_space<vmem>>, vector<16xf32>,
        %parallel_loop3A_276 = arith.constant 304 : i32
        %parallel_loop3A_277 = vector.broadcast %parallel_loop3A_276 : i32 to vector<16xi32>
        %parallel_loop3A_278 = arith.ori %parallel_loop3A_85, %parallel_loop3A_277 : vector<16xi32>
        %parallel_loop3A_279 = tpu.vector_load_idx %arg5[%parallel_loop3A_278] : memref<12288xf32, #tpu.memory_space<vmem>>[vector<16xi32>], vector<16xf32>,
        %parallel_loop3A_280 = arith.constant 16 : i32
        %parallel_loop3A_281 = arith.muli %parallel_loop3A_76, %parallel_loop3A_280 : i32
        %parallel_loop3A_282 = arith.constant 19 : i32
        %parallel_loop3A_283 = arith.index_cast %parallel_loop3A_282 : i32 to index
        %parallel_loop3A_284 = arith.index_cast %parallel_loop3A_281 : i32 to index
        %parallel_loop3A_285 = tpu.vector_load %arg8[%parallel_loop3A_283, %parallel_loop3A_284] {strides = array<i32>} : memref<64x512xf32, #tpu.memory_space<vmem>>, vector<16xf32>,
        tpu.vector_store %arg8[%parallel_loop3A_283, %parallel_loop3A_284], %parallel_loop3A_279 {strides = array<i32>} : memref<64x512xf32, #tpu.memory_space<vmem>>, vector<16xf32>,
        %parallel_loop3A_286 = arith.constant 320 : i32
        %parallel_loop3A_287 = vector.broadcast %parallel_loop3A_286 : i32 to vector<16xi32>
        %parallel_loop3A_288 = arith.ori %parallel_loop3A_85, %parallel_loop3A_287 : vector<16xi32>
        %parallel_loop3A_289 = tpu.vector_load_idx %arg5[%parallel_loop3A_288] : memref<12288xf32, #tpu.memory_space<vmem>>[vector<16xi32>], vector<16xf32>,
        %parallel_loop3A_290 = arith.constant 16 : i32
        %parallel_loop3A_291 = arith.muli %parallel_loop3A_76, %parallel_loop3A_290 : i32
        %parallel_loop3A_292 = arith.constant 20 : i32
        %parallel_loop3A_293 = arith.index_cast %parallel_loop3A_292 : i32 to index
        %parallel_loop3A_294 = arith.index_cast %parallel_loop3A_291 : i32 to index
        %parallel_loop3A_295 = tpu.vector_load %arg8[%parallel_loop3A_293, %parallel_loop3A_294] {strides = array<i32>} : memref<64x512xf32, #tpu.memory_space<vmem>>, vector<16xf32>,
        tpu.vector_store %arg8[%parallel_loop3A_293, %parallel_loop3A_294], %parallel_loop3A_289 {strides = array<i32>} : memref<64x512xf32, #tpu.memory_space<vmem>>, vector<16xf32>,
        %parallel_loop3A_296 = arith.constant 336 : i32
        %parallel_loop3A_297 = vector.broadcast %parallel_loop3A_296 : i32 to vector<16xi32>
        %parallel_loop3A_298 = arith.ori %parallel_loop3A_85, %parallel_loop3A_297 : vector<16xi32>
        %parallel_loop3A_299 = tpu.vector_load_idx %arg5[%parallel_loop3A_298] : memref<12288xf32, #tpu.memory_space<vmem>>[vector<16xi32>], vector<16xf32>,
        %parallel_loop3A_300 = arith.constant 16 : i32
        %parallel_loop3A_301 = arith.muli %parallel_loop3A_76, %parallel_loop3A_300 : i32
        %parallel_loop3A_302 = arith.constant 21 : i32
        %parallel_loop3A_303 = arith.index_cast %parallel_loop3A_302 : i32 to index
        %parallel_loop3A_304 = arith.index_cast %parallel_loop3A_301 : i32 to index
        %parallel_loop3A_305 = tpu.vector_load %arg8[%parallel_loop3A_303, %parallel_loop3A_304] {strides = array<i32>} : memref<64x512xf32, #tpu.memory_space<vmem>>, vector<16xf32>,
        tpu.vector_store %arg8[%parallel_loop3A_303, %parallel_loop3A_304], %parallel_loop3A_299 {strides = array<i32>} : memref<64x512xf32, #tpu.memory_space<vmem>>, vector<16xf32>,
        %parallel_loop3A_306 = arith.constant 352 : i32
        %parallel_loop3A_307 = vector.broadcast %parallel_loop3A_306 : i32 to vector<16xi32>
        %parallel_loop3A_308 = arith.ori %parallel_loop3A_85, %parallel_loop3A_307 : vector<16xi32>
        %parallel_loop3A_309 = tpu.vector_load_idx %arg5[%parallel_loop3A_308] : memref<12288xf32, #tpu.memory_space<vmem>>[vector<16xi32>], vector<16xf32>,
        %parallel_loop3A_310 = arith.constant 16 : i32
        %parallel_loop3A_311 = arith.muli %parallel_loop3A_76, %parallel_loop3A_310 : i32
        %parallel_loop3A_312 = arith.constant 22 : i32
        %parallel_loop3A_313 = arith.index_cast %parallel_loop3A_312 : i32 to index
        %parallel_loop3A_314 = arith.index_cast %parallel_loop3A_311 : i32 to index
        %parallel_loop3A_315 = tpu.vector_load %arg8[%parallel_loop3A_313, %parallel_loop3A_314] {strides = array<i32>} : memref<64x512xf32, #tpu.memory_space<vmem>>, vector<16xf32>,
        tpu.vector_store %arg8[%parallel_loop3A_313, %parallel_loop3A_314], %parallel_loop3A_309 {strides = array<i32>} : memref<64x512xf32, #tpu.memory_space<vmem>>, vector<16xf32>,
        %parallel_loop3A_316 = arith.constant 368 : i32
        %parallel_loop3A_317 = vector.broadcast %parallel_loop3A_316 : i32 to vector<16xi32>
        %parallel_loop3A_318 = arith.ori %parallel_loop3A_85, %parallel_loop3A_317 : vector<16xi32>
        %parallel_loop3A_319 = tpu.vector_load_idx %arg5[%parallel_loop3A_318] : memref<12288xf32, #tpu.memory_space<vmem>>[vector<16xi32>], vector<16xf32>,
        %parallel_loop3A_320 = arith.constant 16 : i32
        %parallel_loop3A_321 = arith.muli %parallel_loop3A_76, %parallel_loop3A_320 : i32
        %parallel_loop3A_322 = arith.constant 23 : i32
        %parallel_loop3A_323 = arith.index_cast %parallel_loop3A_322 : i32 to index
        %parallel_loop3A_324 = arith.index_cast %parallel_loop3A_321 : i32 to index
        %parallel_loop3A_325 = tpu.vector_load %arg8[%parallel_loop3A_323, %parallel_loop3A_324] {strides = array<i32>} : memref<64x512xf32, #tpu.memory_space<vmem>>, vector<16xf32>,
        tpu.vector_store %arg8[%parallel_loop3A_323, %parallel_loop3A_324], %parallel_loop3A_319 {strides = array<i32>} : memref<64x512xf32, #tpu.memory_space<vmem>>, vector<16xf32>,
        %parallel_loop3A_326 = arith.constant 384 : i32
        %parallel_loop3A_327 = vector.broadcast %parallel_loop3A_326 : i32 to vector<16xi32>
        %parallel_loop3A_328 = arith.ori %parallel_loop3A_85, %parallel_loop3A_327 : vector<16xi32>
        %parallel_loop3A_329 = tpu.vector_load_idx %arg5[%parallel_loop3A_328] : memref<12288xf32, #tpu.memory_space<vmem>>[vector<16xi32>], vector<16xf32>,
        %parallel_loop3A_330 = arith.constant 16 : i32
        %parallel_loop3A_331 = arith.muli %parallel_loop3A_76, %parallel_loop3A_330 : i32
        %parallel_loop3A_332 = arith.constant 24 : i32
        %parallel_loop3A_333 = arith.index_cast %parallel_loop3A_332 : i32 to index
        %parallel_loop3A_334 = arith.index_cast %parallel_loop3A_331 : i32 to index
        %parallel_loop3A_335 = tpu.vector_load %arg8[%parallel_loop3A_333, %parallel_loop3A_334] {strides = array<i32>} : memref<64x512xf32, #tpu.memory_space<vmem>>, vector<16xf32>,
        tpu.vector_store %arg8[%parallel_loop3A_333, %parallel_loop3A_334], %parallel_loop3A_329 {strides = array<i32>} : memref<64x512xf32, #tpu.memory_space<vmem>>, vector<16xf32>,
        %parallel_loop3A_336 = arith.constant 400 : i32
        %parallel_loop3A_337 = vector.broadcast %parallel_loop3A_336 : i32 to vector<16xi32>
        %parallel_loop3A_338 = arith.ori %parallel_loop3A_85, %parallel_loop3A_337 : vector<16xi32>
        %parallel_loop3A_339 = tpu.vector_load_idx %arg5[%parallel_loop3A_338] : memref<12288xf32, #tpu.memory_space<vmem>>[vector<16xi32>], vector<16xf32>,
        %parallel_loop3A_340 = arith.constant 16 : i32
        %parallel_loop3A_341 = arith.muli %parallel_loop3A_76, %parallel_loop3A_340 : i32
        %parallel_loop3A_342 = arith.constant 25 : i32
        %parallel_loop3A_343 = arith.index_cast %parallel_loop3A_342 : i32 to index
        %parallel_loop3A_344 = arith.index_cast %parallel_loop3A_341 : i32 to index
        %parallel_loop3A_345 = tpu.vector_load %arg8[%parallel_loop3A_343, %parallel_loop3A_344] {strides = array<i32>} : memref<64x512xf32, #tpu.memory_space<vmem>>, vector<16xf32>,
        tpu.vector_store %arg8[%parallel_loop3A_343, %parallel_loop3A_344], %parallel_loop3A_339 {strides = array<i32>} : memref<64x512xf32, #tpu.memory_space<vmem>>, vector<16xf32>,
        %parallel_loop3A_346 = arith.constant 416 : i32
        %parallel_loop3A_347 = vector.broadcast %parallel_loop3A_346 : i32 to vector<16xi32>
        %parallel_loop3A_348 = arith.ori %parallel_loop3A_85, %parallel_loop3A_347 : vector<16xi32>
        %parallel_loop3A_349 = tpu.vector_load_idx %arg5[%parallel_loop3A_348] : memref<12288xf32, #tpu.memory_space<vmem>>[vector<16xi32>], vector<16xf32>,
        %parallel_loop3A_350 = arith.constant 16 : i32
        %parallel_loop3A_351 = arith.muli %parallel_loop3A_76, %parallel_loop3A_350 : i32
        %parallel_loop3A_352 = arith.constant 26 : i32
        %parallel_loop3A_353 = arith.index_cast %parallel_loop3A_352 : i32 to index
        %parallel_loop3A_354 = arith.index_cast %parallel_loop3A_351 : i32 to index
        %parallel_loop3A_355 = tpu.vector_load %arg8[%parallel_loop3A_353, %parallel_loop3A_354] {strides = array<i32>} : memref<64x512xf32, #tpu.memory_space<vmem>>, vector<16xf32>,
        tpu.vector_store %arg8[%parallel_loop3A_353, %parallel_loop3A_354], %parallel_loop3A_349 {strides = array<i32>} : memref<64x512xf32, #tpu.memory_space<vmem>>, vector<16xf32>,
        %parallel_loop3A_356 = arith.constant 432 : i32
        %parallel_loop3A_357 = vector.broadcast %parallel_loop3A_356 : i32 to vector<16xi32>
        %parallel_loop3A_358 = arith.ori %parallel_loop3A_85, %parallel_loop3A_357 : vector<16xi32>
        %parallel_loop3A_359 = tpu.vector_load_idx %arg5[%parallel_loop3A_358] : memref<12288xf32, #tpu.memory_space<vmem>>[vector<16xi32>], vector<16xf32>,
        %parallel_loop3A_360 = arith.constant 16 : i32
        %parallel_loop3A_361 = arith.muli %parallel_loop3A_76, %parallel_loop3A_360 : i32
        %parallel_loop3A_362 = arith.constant 27 : i32
        %parallel_loop3A_363 = arith.index_cast %parallel_loop3A_362 : i32 to index
        %parallel_loop3A_364 = arith.index_cast %parallel_loop3A_361 : i32 to index
        %parallel_loop3A_365 = tpu.vector_load %arg8[%parallel_loop3A_363, %parallel_loop3A_364] {strides = array<i32>} : memref<64x512xf32, #tpu.memory_space<vmem>>, vector<16xf32>,
        tpu.vector_store %arg8[%parallel_loop3A_363, %parallel_loop3A_364], %parallel_loop3A_359 {strides = array<i32>} : memref<64x512xf32, #tpu.memory_space<vmem>>, vector<16xf32>,
        %parallel_loop3A_366 = arith.constant 448 : i32
        %parallel_loop3A_367 = vector.broadcast %parallel_loop3A_366 : i32 to vector<16xi32>
        %parallel_loop3A_368 = arith.ori %parallel_loop3A_85, %parallel_loop3A_367 : vector<16xi32>
        %parallel_loop3A_369 = tpu.vector_load_idx %arg5[%parallel_loop3A_368] : memref<12288xf32, #tpu.memory_space<vmem>>[vector<16xi32>], vector<16xf32>,
        %parallel_loop3A_370 = arith.constant 16 : i32
        %parallel_loop3A_371 = arith.muli %parallel_loop3A_76, %parallel_loop3A_370 : i32
        %parallel_loop3A_372 = arith.constant 28 : i32
        %parallel_loop3A_373 = arith.index_cast %parallel_loop3A_372 : i32 to index
        %parallel_loop3A_374 = arith.index_cast %parallel_loop3A_371 : i32 to index
        %parallel_loop3A_375 = tpu.vector_load %arg8[%parallel_loop3A_373, %parallel_loop3A_374] {strides = array<i32>} : memref<64x512xf32, #tpu.memory_space<vmem>>, vector<16xf32>,
        tpu.vector_store %arg8[%parallel_loop3A_373, %parallel_loop3A_374], %parallel_loop3A_369 {strides = array<i32>} : memref<64x512xf32, #tpu.memory_space<vmem>>, vector<16xf32>,
        %parallel_loop3A_376 = arith.constant 464 : i32
        %parallel_loop3A_377 = vector.broadcast %parallel_loop3A_376 : i32 to vector<16xi32>
        %parallel_loop3A_378 = arith.ori %parallel_loop3A_85, %parallel_loop3A_377 : vector<16xi32>
        %parallel_loop3A_379 = tpu.vector_load_idx %arg5[%parallel_loop3A_378] : memref<12288xf32, #tpu.memory_space<vmem>>[vector<16xi32>], vector<16xf32>,
        %parallel_loop3A_380 = arith.constant 16 : i32
        %parallel_loop3A_381 = arith.muli %parallel_loop3A_76, %parallel_loop3A_380 : i32
        %parallel_loop3A_382 = arith.constant 29 : i32
        %parallel_loop3A_383 = arith.index_cast %parallel_loop3A_382 : i32 to index
        %parallel_loop3A_384 = arith.index_cast %parallel_loop3A_381 : i32 to index
        %parallel_loop3A_385 = tpu.vector_load %arg8[%parallel_loop3A_383, %parallel_loop3A_384] {strides = array<i32>} : memref<64x512xf32, #tpu.memory_space<vmem>>, vector<16xf32>,
        tpu.vector_store %arg8[%parallel_loop3A_383, %parallel_loop3A_384], %parallel_loop3A_379 {strides = array<i32>} : memref<64x512xf32, #tpu.memory_space<vmem>>, vector<16xf32>,
        %parallel_loop3A_386 = arith.constant 480 : i32
        %parallel_loop3A_387 = vector.broadcast %parallel_loop3A_386 : i32 to vector<16xi32>
        %parallel_loop3A_388 = arith.ori %parallel_loop3A_85, %parallel_loop3A_387 : vector<16xi32>
        %parallel_loop3A_389 = tpu.vector_load_idx %arg5[%parallel_loop3A_388] : memref<12288xf32, #tpu.memory_space<vmem>>[vector<16xi32>], vector<16xf32>,
        %parallel_loop3A_390 = arith.constant 16 : i32
        %parallel_loop3A_391 = arith.muli %parallel_loop3A_76, %parallel_loop3A_390 : i32
        %parallel_loop3A_392 = arith.constant 30 : i32
        %parallel_loop3A_393 = arith.index_cast %parallel_loop3A_392 : i32 to index
        %parallel_loop3A_394 = arith.index_cast %parallel_loop3A_391 : i32 to index
        %parallel_loop3A_395 = tpu.vector_load %arg8[%parallel_loop3A_393, %parallel_loop3A_394] {strides = array<i32>} : memref<64x512xf32, #tpu.memory_space<vmem>>, vector<16xf32>,
        tpu.vector_store %arg8[%parallel_loop3A_393, %parallel_loop3A_394], %parallel_loop3A_389 {strides = array<i32>} : memref<64x512xf32, #tpu.memory_space<vmem>>, vector<16xf32>,
        %parallel_loop3A_396 = arith.constant 496 : i32
        %parallel_loop3A_397 = vector.broadcast %parallel_loop3A_396 : i32 to vector<16xi32>
        %parallel_loop3A_398 = arith.ori %parallel_loop3A_85, %parallel_loop3A_397 : vector<16xi32>
        %parallel_loop3A_399 = tpu.vector_load_idx %arg5[%parallel_loop3A_398] : memref<12288xf32, #tpu.memory_space<vmem>>[vector<16xi32>], vector<16xf32>,
        %parallel_loop3A_400 = arith.constant 16 : i32
        %parallel_loop3A_401 = arith.muli %parallel_loop3A_76, %parallel_loop3A_400 : i32
        %parallel_loop3A_402 = arith.constant 31 : i32
        %parallel_loop3A_403 = arith.index_cast %parallel_loop3A_402 : i32 to index
        %parallel_loop3A_404 = arith.index_cast %parallel_loop3A_401 : i32 to index
        %parallel_loop3A_405 = tpu.vector_load %arg8[%parallel_loop3A_403, %parallel_loop3A_404] {strides = array<i32>} : memref<64x512xf32, #tpu.memory_space<vmem>>, vector<16xf32>,
        tpu.vector_store %arg8[%parallel_loop3A_403, %parallel_loop3A_404], %parallel_loop3A_399 {strides = array<i32>} : memref<64x512xf32, #tpu.memory_space<vmem>>, vector<16xf32>,
        %parallel_loop3A_406 = arith.constant 512 : i32
        %parallel_loop3A_407 = vector.broadcast %parallel_loop3A_406 : i32 to vector<16xi32>
        %parallel_loop3A_408 = arith.ori %parallel_loop3A_85, %parallel_loop3A_407 : vector<16xi32>
        %parallel_loop3A_409 = tpu.vector_load_idx %arg5[%parallel_loop3A_408] : memref<12288xf32, #tpu.memory_space<vmem>>[vector<16xi32>], vector<16xf32>,
        %parallel_loop3A_410 = arith.constant 16 : i32
        %parallel_loop3A_411 = arith.muli %parallel_loop3A_76, %parallel_loop3A_410 : i32
        %parallel_loop3A_412 = arith.constant 32 : i32
        %parallel_loop3A_413 = arith.index_cast %parallel_loop3A_412 : i32 to index
        %parallel_loop3A_414 = arith.index_cast %parallel_loop3A_411 : i32 to index
        %parallel_loop3A_415 = tpu.vector_load %arg8[%parallel_loop3A_413, %parallel_loop3A_414] {strides = array<i32>} : memref<64x512xf32, #tpu.memory_space<vmem>>, vector<16xf32>,
        tpu.vector_store %arg8[%parallel_loop3A_413, %parallel_loop3A_414], %parallel_loop3A_409 {strides = array<i32>} : memref<64x512xf32, #tpu.memory_space<vmem>>, vector<16xf32>,
        %parallel_loop3A_416 = arith.constant 528 : i32
        %parallel_loop3A_417 = vector.broadcast %parallel_loop3A_416 : i32 to vector<16xi32>
        %parallel_loop3A_418 = arith.ori %parallel_loop3A_85, %parallel_loop3A_417 : vector<16xi32>
        %parallel_loop3A_419 = tpu.vector_load_idx %arg5[%parallel_loop3A_418] : memref<12288xf32, #tpu.memory_space<vmem>>[vector<16xi32>], vector<16xf32>,
        %parallel_loop3A_420 = arith.constant 16 : i32
        %parallel_loop3A_421 = arith.muli %parallel_loop3A_76, %parallel_loop3A_420 : i32
        %parallel_loop3A_422 = arith.constant 33 : i32
        %parallel_loop3A_423 = arith.index_cast %parallel_loop3A_422 : i32 to index
        %parallel_loop3A_424 = arith.index_cast %parallel_loop3A_421 : i32 to index
        %parallel_loop3A_425 = tpu.vector_load %arg8[%parallel_loop3A_423, %parallel_loop3A_424] {strides = array<i32>} : memref<64x512xf32, #tpu.memory_space<vmem>>, vector<16xf32>,
        tpu.vector_store %arg8[%parallel_loop3A_423, %parallel_loop3A_424], %parallel_loop3A_419 {strides = array<i32>} : memref<64x512xf32, #tpu.memory_space<vmem>>, vector<16xf32>,
        %parallel_loop3A_426 = arith.constant 544 : i32
        %parallel_loop3A_427 = vector.broadcast %parallel_loop3A_426 : i32 to vector<16xi32>
        %parallel_loop3A_428 = arith.ori %parallel_loop3A_85, %parallel_loop3A_427 : vector<16xi32>
        %parallel_loop3A_429 = tpu.vector_load_idx %arg5[%parallel_loop3A_428] : memref<12288xf32, #tpu.memory_space<vmem>>[vector<16xi32>], vector<16xf32>,
        %parallel_loop3A_430 = arith.constant 16 : i32
        %parallel_loop3A_431 = arith.muli %parallel_loop3A_76, %parallel_loop3A_430 : i32
        %parallel_loop3A_432 = arith.constant 34 : i32
        %parallel_loop3A_433 = arith.index_cast %parallel_loop3A_432 : i32 to index
        %parallel_loop3A_434 = arith.index_cast %parallel_loop3A_431 : i32 to index
        %parallel_loop3A_435 = tpu.vector_load %arg8[%parallel_loop3A_433, %parallel_loop3A_434] {strides = array<i32>} : memref<64x512xf32, #tpu.memory_space<vmem>>, vector<16xf32>,
        tpu.vector_store %arg8[%parallel_loop3A_433, %parallel_loop3A_434], %parallel_loop3A_429 {strides = array<i32>} : memref<64x512xf32, #tpu.memory_space<vmem>>, vector<16xf32>,
        %parallel_loop3A_436 = arith.constant 560 : i32
        %parallel_loop3A_437 = vector.broadcast %parallel_loop3A_436 : i32 to vector<16xi32>
        %parallel_loop3A_438 = arith.ori %parallel_loop3A_85, %parallel_loop3A_437 : vector<16xi32>
        %parallel_loop3A_439 = tpu.vector_load_idx %arg5[%parallel_loop3A_438] : memref<12288xf32, #tpu.memory_space<vmem>>[vector<16xi32>], vector<16xf32>,
        %parallel_loop3A_440 = arith.constant 16 : i32
        %parallel_loop3A_441 = arith.muli %parallel_loop3A_76, %parallel_loop3A_440 : i32
        %parallel_loop3A_442 = arith.constant 35 : i32
        %parallel_loop3A_443 = arith.index_cast %parallel_loop3A_442 : i32 to index
        %parallel_loop3A_444 = arith.index_cast %parallel_loop3A_441 : i32 to index
        %parallel_loop3A_445 = tpu.vector_load %arg8[%parallel_loop3A_443, %parallel_loop3A_444] {strides = array<i32>} : memref<64x512xf32, #tpu.memory_space<vmem>>, vector<16xf32>,
        tpu.vector_store %arg8[%parallel_loop3A_443, %parallel_loop3A_444], %parallel_loop3A_439 {strides = array<i32>} : memref<64x512xf32, #tpu.memory_space<vmem>>, vector<16xf32>,
        %parallel_loop3A_446 = arith.constant 576 : i32
        %parallel_loop3A_447 = vector.broadcast %parallel_loop3A_446 : i32 to vector<16xi32>
        %parallel_loop3A_448 = arith.ori %parallel_loop3A_85, %parallel_loop3A_447 : vector<16xi32>
        %parallel_loop3A_449 = tpu.vector_load_idx %arg5[%parallel_loop3A_448] : memref<12288xf32, #tpu.memory_space<vmem>>[vector<16xi32>], vector<16xf32>,
        %parallel_loop3A_450 = arith.constant 16 : i32
        %parallel_loop3A_451 = arith.muli %parallel_loop3A_76, %parallel_loop3A_450 : i32
        %parallel_loop3A_452 = arith.constant 36 : i32
        %parallel_loop3A_453 = arith.index_cast %parallel_loop3A_452 : i32 to index
        %parallel_loop3A_454 = arith.index_cast %parallel_loop3A_451 : i32 to index
        %parallel_loop3A_455 = tpu.vector_load %arg8[%parallel_loop3A_453, %parallel_loop3A_454] {strides = array<i32>} : memref<64x512xf32, #tpu.memory_space<vmem>>, vector<16xf32>,
        tpu.vector_store %arg8[%parallel_loop3A_453, %parallel_loop3A_454], %parallel_loop3A_449 {strides = array<i32>} : memref<64x512xf32, #tpu.memory_space<vmem>>, vector<16xf32>,
        %parallel_loop3A_456 = arith.constant 592 : i32
        %parallel_loop3A_457 = vector.broadcast %parallel_loop3A_456 : i32 to vector<16xi32>
        %parallel_loop3A_458 = arith.ori %parallel_loop3A_85, %parallel_loop3A_457 : vector<16xi32>
        %parallel_loop3A_459 = tpu.vector_load_idx %arg5[%parallel_loop3A_458] : memref<12288xf32, #tpu.memory_space<vmem>>[vector<16xi32>], vector<16xf32>,
        %parallel_loop3A_460 = arith.constant 16 : i32
        %parallel_loop3A_461 = arith.muli %parallel_loop3A_76, %parallel_loop3A_460 : i32
        %parallel_loop3A_462 = arith.constant 37 : i32
        %parallel_loop3A_463 = arith.index_cast %parallel_loop3A_462 : i32 to index
        %parallel_loop3A_464 = arith.index_cast %parallel_loop3A_461 : i32 to index
        %parallel_loop3A_465 = tpu.vector_load %arg8[%parallel_loop3A_463, %parallel_loop3A_464] {strides = array<i32>} : memref<64x512xf32, #tpu.memory_space<vmem>>, vector<16xf32>,
        tpu.vector_store %arg8[%parallel_loop3A_463, %parallel_loop3A_464], %parallel_loop3A_459 {strides = array<i32>} : memref<64x512xf32, #tpu.memory_space<vmem>>, vector<16xf32>,
        %parallel_loop3A_466 = arith.constant 608 : i32
        %parallel_loop3A_467 = vector.broadcast %parallel_loop3A_466 : i32 to vector<16xi32>
        %parallel_loop3A_468 = arith.ori %parallel_loop3A_85, %parallel_loop3A_467 : vector<16xi32>
        %parallel_loop3A_469 = tpu.vector_load_idx %arg5[%parallel_loop3A_468] : memref<12288xf32, #tpu.memory_space<vmem>>[vector<16xi32>], vector<16xf32>,
        %parallel_loop3A_470 = arith.constant 16 : i32
        %parallel_loop3A_471 = arith.muli %parallel_loop3A_76, %parallel_loop3A_470 : i32
        %parallel_loop3A_472 = arith.constant 38 : i32
        %parallel_loop3A_473 = arith.index_cast %parallel_loop3A_472 : i32 to index
        %parallel_loop3A_474 = arith.index_cast %parallel_loop3A_471 : i32 to index
        %parallel_loop3A_475 = tpu.vector_load %arg8[%parallel_loop3A_473, %parallel_loop3A_474] {strides = array<i32>} : memref<64x512xf32, #tpu.memory_space<vmem>>, vector<16xf32>,
        tpu.vector_store %arg8[%parallel_loop3A_473, %parallel_loop3A_474], %parallel_loop3A_469 {strides = array<i32>} : memref<64x512xf32, #tpu.memory_space<vmem>>, vector<16xf32>,
        %parallel_loop3A_476 = arith.constant 624 : i32
        %parallel_loop3A_477 = vector.broadcast %parallel_loop3A_476 : i32 to vector<16xi32>
        %parallel_loop3A_478 = arith.ori %parallel_loop3A_85, %parallel_loop3A_477 : vector<16xi32>
        %parallel_loop3A_479 = tpu.vector_load_idx %arg5[%parallel_loop3A_478] : memref<12288xf32, #tpu.memory_space<vmem>>[vector<16xi32>], vector<16xf32>,
        %parallel_loop3A_480 = arith.constant 16 : i32
        %parallel_loop3A_481 = arith.muli %parallel_loop3A_76, %parallel_loop3A_480 : i32
        %parallel_loop3A_482 = arith.constant 39 : i32
        %parallel_loop3A_483 = arith.index_cast %parallel_loop3A_482 : i32 to index
        %parallel_loop3A_484 = arith.index_cast %parallel_loop3A_481 : i32 to index
        %parallel_loop3A_485 = tpu.vector_load %arg8[%parallel_loop3A_483, %parallel_loop3A_484] {strides = array<i32>} : memref<64x512xf32, #tpu.memory_space<vmem>>, vector<16xf32>,
        tpu.vector_store %arg8[%parallel_loop3A_483, %parallel_loop3A_484], %parallel_loop3A_479 {strides = array<i32>} : memref<64x512xf32, #tpu.memory_space<vmem>>, vector<16xf32>,
        %parallel_loop3A_486 = arith.constant 640 : i32
        %parallel_loop3A_487 = vector.broadcast %parallel_loop3A_486 : i32 to vector<16xi32>
        %parallel_loop3A_488 = arith.ori %parallel_loop3A_85, %parallel_loop3A_487 : vector<16xi32>
        %parallel_loop3A_489 = tpu.vector_load_idx %arg5[%parallel_loop3A_488] : memref<12288xf32, #tpu.memory_space<vmem>>[vector<16xi32>], vector<16xf32>,
        %parallel_loop3A_490 = arith.constant 16 : i32
        %parallel_loop3A_491 = arith.muli %parallel_loop3A_76, %parallel_loop3A_490 : i32
        %parallel_loop3A_492 = arith.constant 40 : i32
        %parallel_loop3A_493 = arith.index_cast %parallel_loop3A_492 : i32 to index
        %parallel_loop3A_494 = arith.index_cast %parallel_loop3A_491 : i32 to index
        %parallel_loop3A_495 = tpu.vector_load %arg8[%parallel_loop3A_493, %parallel_loop3A_494] {strides = array<i32>} : memref<64x512xf32, #tpu.memory_space<vmem>>, vector<16xf32>,
        tpu.vector_store %arg8[%parallel_loop3A_493, %parallel_loop3A_494], %parallel_loop3A_489 {strides = array<i32>} : memref<64x512xf32, #tpu.memory_space<vmem>>, vector<16xf32>,
        %parallel_loop3A_496 = arith.constant 656 : i32
        %parallel_loop3A_497 = vector.broadcast %parallel_loop3A_496 : i32 to vector<16xi32>
        %parallel_loop3A_498 = arith.ori %parallel_loop3A_85, %parallel_loop3A_497 : vector<16xi32>
        %parallel_loop3A_499 = tpu.vector_load_idx %arg5[%parallel_loop3A_498] : memref<12288xf32, #tpu.memory_space<vmem>>[vector<16xi32>], vector<16xf32>,
        %parallel_loop3A_500 = arith.constant 16 : i32
        %parallel_loop3A_501 = arith.muli %parallel_loop3A_76, %parallel_loop3A_500 : i32
        %parallel_loop3A_502 = arith.constant 41 : i32
        %parallel_loop3A_503 = arith.index_cast %parallel_loop3A_502 : i32 to index
        %parallel_loop3A_504 = arith.index_cast %parallel_loop3A_501 : i32 to index
        %parallel_loop3A_505 = tpu.vector_load %arg8[%parallel_loop3A_503, %parallel_loop3A_504] {strides = array<i32>} : memref<64x512xf32, #tpu.memory_space<vmem>>, vector<16xf32>,
        tpu.vector_store %arg8[%parallel_loop3A_503, %parallel_loop3A_504], %parallel_loop3A_499 {strides = array<i32>} : memref<64x512xf32, #tpu.memory_space<vmem>>, vector<16xf32>,
        %parallel_loop3A_506 = arith.constant 672 : i32
        %parallel_loop3A_507 = vector.broadcast %parallel_loop3A_506 : i32 to vector<16xi32>
        %parallel_loop3A_508 = arith.ori %parallel_loop3A_85, %parallel_loop3A_507 : vector<16xi32>
        %parallel_loop3A_509 = tpu.vector_load_idx %arg5[%parallel_loop3A_508] : memref<12288xf32, #tpu.memory_space<vmem>>[vector<16xi32>], vector<16xf32>,
        %parallel_loop3A_510 = arith.constant 16 : i32
        %parallel_loop3A_511 = arith.muli %parallel_loop3A_76, %parallel_loop3A_510 : i32
        %parallel_loop3A_512 = arith.constant 42 : i32
        %parallel_loop3A_513 = arith.index_cast %parallel_loop3A_512 : i32 to index
        %parallel_loop3A_514 = arith.index_cast %parallel_loop3A_511 : i32 to index
        %parallel_loop3A_515 = tpu.vector_load %arg8[%parallel_loop3A_513, %parallel_loop3A_514] {strides = array<i32>} : memref<64x512xf32, #tpu.memory_space<vmem>>, vector<16xf32>,
        tpu.vector_store %arg8[%parallel_loop3A_513, %parallel_loop3A_514], %parallel_loop3A_509 {strides = array<i32>} : memref<64x512xf32, #tpu.memory_space<vmem>>, vector<16xf32>,
        %parallel_loop3A_516 = arith.constant 688 : i32
        %parallel_loop3A_517 = vector.broadcast %parallel_loop3A_516 : i32 to vector<16xi32>
        %parallel_loop3A_518 = arith.ori %parallel_loop3A_85, %parallel_loop3A_517 : vector<16xi32>
        %parallel_loop3A_519 = tpu.vector_load_idx %arg5[%parallel_loop3A_518] : memref<12288xf32, #tpu.memory_space<vmem>>[vector<16xi32>], vector<16xf32>,
        %parallel_loop3A_520 = arith.constant 16 : i32
        %parallel_loop3A_521 = arith.muli %parallel_loop3A_76, %parallel_loop3A_520 : i32
        %parallel_loop3A_522 = arith.constant 43 : i32
        %parallel_loop3A_523 = arith.index_cast %parallel_loop3A_522 : i32 to index
        %parallel_loop3A_524 = arith.index_cast %parallel_loop3A_521 : i32 to index
        %parallel_loop3A_525 = tpu.vector_load %arg8[%parallel_loop3A_523, %parallel_loop3A_524] {strides = array<i32>} : memref<64x512xf32, #tpu.memory_space<vmem>>, vector<16xf32>,
        tpu.vector_store %arg8[%parallel_loop3A_523, %parallel_loop3A_524], %parallel_loop3A_519 {strides = array<i32>} : memref<64x512xf32, #tpu.memory_space<vmem>>, vector<16xf32>,
        %parallel_loop3A_526 = arith.constant 704 : i32
        %parallel_loop3A_527 = vector.broadcast %parallel_loop3A_526 : i32 to vector<16xi32>
        %parallel_loop3A_528 = arith.ori %parallel_loop3A_85, %parallel_loop3A_527 : vector<16xi32>
        %parallel_loop3A_529 = tpu.vector_load_idx %arg5[%parallel_loop3A_528] : memref<12288xf32, #tpu.memory_space<vmem>>[vector<16xi32>], vector<16xf32>,
        %parallel_loop3A_530 = arith.constant 16 : i32
        %parallel_loop3A_531 = arith.muli %parallel_loop3A_76, %parallel_loop3A_530 : i32
        %parallel_loop3A_532 = arith.constant 44 : i32
        %parallel_loop3A_533 = arith.index_cast %parallel_loop3A_532 : i32 to index
        %parallel_loop3A_534 = arith.index_cast %parallel_loop3A_531 : i32 to index
        %parallel_loop3A_535 = tpu.vector_load %arg8[%parallel_loop3A_533, %parallel_loop3A_534] {strides = array<i32>} : memref<64x512xf32, #tpu.memory_space<vmem>>, vector<16xf32>,
        tpu.vector_store %arg8[%parallel_loop3A_533, %parallel_loop3A_534], %parallel_loop3A_529 {strides = array<i32>} : memref<64x512xf32, #tpu.memory_space<vmem>>, vector<16xf32>,
        %parallel_loop3A_536 = arith.constant 720 : i32
        %parallel_loop3A_537 = vector.broadcast %parallel_loop3A_536 : i32 to vector<16xi32>
        %parallel_loop3A_538 = arith.ori %parallel_loop3A_85, %parallel_loop3A_537 : vector<16xi32>
        %parallel_loop3A_539 = tpu.vector_load_idx %arg5[%parallel_loop3A_538] : memref<12288xf32, #tpu.memory_space<vmem>>[vector<16xi32>], vector<16xf32>,
        %parallel_loop3A_540 = arith.constant 16 : i32
        %parallel_loop3A_541 = arith.muli %parallel_loop3A_76, %parallel_loop3A_540 : i32
        %parallel_loop3A_542 = arith.constant 45 : i32
        %parallel_loop3A_543 = arith.index_cast %parallel_loop3A_542 : i32 to index
        %parallel_loop3A_544 = arith.index_cast %parallel_loop3A_541 : i32 to index
        %parallel_loop3A_545 = tpu.vector_load %arg8[%parallel_loop3A_543, %parallel_loop3A_544] {strides = array<i32>} : memref<64x512xf32, #tpu.memory_space<vmem>>, vector<16xf32>,
        tpu.vector_store %arg8[%parallel_loop3A_543, %parallel_loop3A_544], %parallel_loop3A_539 {strides = array<i32>} : memref<64x512xf32, #tpu.memory_space<vmem>>, vector<16xf32>,
        %parallel_loop3A_546 = arith.constant 736 : i32
        %parallel_loop3A_547 = vector.broadcast %parallel_loop3A_546 : i32 to vector<16xi32>
        %parallel_loop3A_548 = arith.ori %parallel_loop3A_85, %parallel_loop3A_547 : vector<16xi32>
        %parallel_loop3A_549 = tpu.vector_load_idx %arg5[%parallel_loop3A_548] : memref<12288xf32, #tpu.memory_space<vmem>>[vector<16xi32>], vector<16xf32>,
        %parallel_loop3A_550 = arith.constant 16 : i32
        %parallel_loop3A_551 = arith.muli %parallel_loop3A_76, %parallel_loop3A_550 : i32
        %parallel_loop3A_552 = arith.constant 46 : i32
        %parallel_loop3A_553 = arith.index_cast %parallel_loop3A_552 : i32 to index
        %parallel_loop3A_554 = arith.index_cast %parallel_loop3A_551 : i32 to index
        %parallel_loop3A_555 = tpu.vector_load %arg8[%parallel_loop3A_553, %parallel_loop3A_554] {strides = array<i32>} : memref<64x512xf32, #tpu.memory_space<vmem>>, vector<16xf32>,
        tpu.vector_store %arg8[%parallel_loop3A_553, %parallel_loop3A_554], %parallel_loop3A_549 {strides = array<i32>} : memref<64x512xf32, #tpu.memory_space<vmem>>, vector<16xf32>,
        %parallel_loop3A_556 = arith.constant 752 : i32
        %parallel_loop3A_557 = vector.broadcast %parallel_loop3A_556 : i32 to vector<16xi32>
        %parallel_loop3A_558 = arith.ori %parallel_loop3A_85, %parallel_loop3A_557 : vector<16xi32>
        %parallel_loop3A_559 = tpu.vector_load_idx %arg5[%parallel_loop3A_558] : memref<12288xf32, #tpu.memory_space<vmem>>[vector<16xi32>], vector<16xf32>,
        %parallel_loop3A_560 = arith.constant 16 : i32
        %parallel_loop3A_561 = arith.muli %parallel_loop3A_76, %parallel_loop3A_560 : i32
        %parallel_loop3A_562 = arith.constant 47 : i32
        %parallel_loop3A_563 = arith.index_cast %parallel_loop3A_562 : i32 to index
        %parallel_loop3A_564 = arith.index_cast %parallel_loop3A_561 : i32 to index
        %parallel_loop3A_565 = tpu.vector_load %arg8[%parallel_loop3A_563, %parallel_loop3A_564] {strides = array<i32>} : memref<64x512xf32, #tpu.memory_space<vmem>>, vector<16xf32>,
        tpu.vector_store %arg8[%parallel_loop3A_563, %parallel_loop3A_564], %parallel_loop3A_559 {strides = array<i32>} : memref<64x512xf32, #tpu.memory_space<vmem>>, vector<16xf32>,
        %parallel_loop3A_566 = arith.constant 768 : i32
        %parallel_loop3A_567 = vector.broadcast %parallel_loop3A_566 : i32 to vector<16xi32>
        %parallel_loop3A_568 = arith.ori %parallel_loop3A_85, %parallel_loop3A_567 : vector<16xi32>
        %parallel_loop3A_569 = tpu.vector_load_idx %arg5[%parallel_loop3A_568] : memref<12288xf32, #tpu.memory_space<vmem>>[vector<16xi32>], vector<16xf32>,
        %parallel_loop3A_570 = arith.constant 16 : i32
        %parallel_loop3A_571 = arith.muli %parallel_loop3A_76, %parallel_loop3A_570 : i32
        %parallel_loop3A_572 = arith.constant 48 : i32
        %parallel_loop3A_573 = arith.index_cast %parallel_loop3A_572 : i32 to index
        %parallel_loop3A_574 = arith.index_cast %parallel_loop3A_571 : i32 to index
        %parallel_loop3A_575 = tpu.vector_load %arg8[%parallel_loop3A_573, %parallel_loop3A_574] {strides = array<i32>} : memref<64x512xf32, #tpu.memory_space<vmem>>, vector<16xf32>,
        tpu.vector_store %arg8[%parallel_loop3A_573, %parallel_loop3A_574], %parallel_loop3A_569 {strides = array<i32>} : memref<64x512xf32, #tpu.memory_space<vmem>>, vector<16xf32>,
        %parallel_loop3A_576 = arith.constant 784 : i32
        %parallel_loop3A_577 = vector.broadcast %parallel_loop3A_576 : i32 to vector<16xi32>
        %parallel_loop3A_578 = arith.ori %parallel_loop3A_85, %parallel_loop3A_577 : vector<16xi32>
        %parallel_loop3A_579 = tpu.vector_load_idx %arg5[%parallel_loop3A_578] : memref<12288xf32, #tpu.memory_space<vmem>>[vector<16xi32>], vector<16xf32>,
        %parallel_loop3A_580 = arith.constant 16 : i32
        %parallel_loop3A_581 = arith.muli %parallel_loop3A_76, %parallel_loop3A_580 : i32
        %parallel_loop3A_582 = arith.constant 49 : i32
        %parallel_loop3A_583 = arith.index_cast %parallel_loop3A_582 : i32 to index
        %parallel_loop3A_584 = arith.index_cast %parallel_loop3A_581 : i32 to index
        %parallel_loop3A_585 = tpu.vector_load %arg8[%parallel_loop3A_583, %parallel_loop3A_584] {strides = array<i32>} : memref<64x512xf32, #tpu.memory_space<vmem>>, vector<16xf32>,
        tpu.vector_store %arg8[%parallel_loop3A_583, %parallel_loop3A_584], %parallel_loop3A_579 {strides = array<i32>} : memref<64x512xf32, #tpu.memory_space<vmem>>, vector<16xf32>,
        %parallel_loop3A_586 = arith.constant 800 : i32
        %parallel_loop3A_587 = vector.broadcast %parallel_loop3A_586 : i32 to vector<16xi32>
        %parallel_loop3A_588 = arith.ori %parallel_loop3A_85, %parallel_loop3A_587 : vector<16xi32>
        %parallel_loop3A_589 = tpu.vector_load_idx %arg5[%parallel_loop3A_588] : memref<12288xf32, #tpu.memory_space<vmem>>[vector<16xi32>], vector<16xf32>,
        %parallel_loop3A_590 = arith.constant 16 : i32
        %parallel_loop3A_591 = arith.muli %parallel_loop3A_76, %parallel_loop3A_590 : i32
        %parallel_loop3A_592 = arith.constant 50 : i32
        %parallel_loop3A_593 = arith.index_cast %parallel_loop3A_592 : i32 to index
        %parallel_loop3A_594 = arith.index_cast %parallel_loop3A_591 : i32 to index
        %parallel_loop3A_595 = tpu.vector_load %arg8[%parallel_loop3A_593, %parallel_loop3A_594] {strides = array<i32>} : memref<64x512xf32, #tpu.memory_space<vmem>>, vector<16xf32>,
        tpu.vector_store %arg8[%parallel_loop3A_593, %parallel_loop3A_594], %parallel_loop3A_589 {strides = array<i32>} : memref<64x512xf32, #tpu.memory_space<vmem>>, vector<16xf32>,
        %parallel_loop3A_596 = arith.constant 816 : i32
        %parallel_loop3A_597 = vector.broadcast %parallel_loop3A_596 : i32 to vector<16xi32>
        %parallel_loop3A_598 = arith.ori %parallel_loop3A_85, %parallel_loop3A_597 : vector<16xi32>
        %parallel_loop3A_599 = tpu.vector_load_idx %arg5[%parallel_loop3A_598] : memref<12288xf32, #tpu.memory_space<vmem>>[vector<16xi32>], vector<16xf32>,
        %parallel_loop3A_600 = arith.constant 16 : i32
        %parallel_loop3A_601 = arith.muli %parallel_loop3A_76, %parallel_loop3A_600 : i32
        %parallel_loop3A_602 = arith.constant 51 : i32
        %parallel_loop3A_603 = arith.index_cast %parallel_loop3A_602 : i32 to index
        %parallel_loop3A_604 = arith.index_cast %parallel_loop3A_601 : i32 to index
        %parallel_loop3A_605 = tpu.vector_load %arg8[%parallel_loop3A_603, %parallel_loop3A_604] {strides = array<i32>} : memref<64x512xf32, #tpu.memory_space<vmem>>, vector<16xf32>,
        tpu.vector_store %arg8[%parallel_loop3A_603, %parallel_loop3A_604], %parallel_loop3A_599 {strides = array<i32>} : memref<64x512xf32, #tpu.memory_space<vmem>>, vector<16xf32>,
        %parallel_loop3A_606 = arith.constant 832 : i32
        %parallel_loop3A_607 = vector.broadcast %parallel_loop3A_606 : i32 to vector<16xi32>
        %parallel_loop3A_608 = arith.ori %parallel_loop3A_85, %parallel_loop3A_607 : vector<16xi32>
        %parallel_loop3A_609 = tpu.vector_load_idx %arg5[%parallel_loop3A_608] : memref<12288xf32, #tpu.memory_space<vmem>>[vector<16xi32>], vector<16xf32>,
        %parallel_loop3A_610 = arith.constant 16 : i32
        %parallel_loop3A_611 = arith.muli %parallel_loop3A_76, %parallel_loop3A_610 : i32
        %parallel_loop3A_612 = arith.constant 52 : i32
        %parallel_loop3A_613 = arith.index_cast %parallel_loop3A_612 : i32 to index
        %parallel_loop3A_614 = arith.index_cast %parallel_loop3A_611 : i32 to index
        %parallel_loop3A_615 = tpu.vector_load %arg8[%parallel_loop3A_613, %parallel_loop3A_614] {strides = array<i32>} : memref<64x512xf32, #tpu.memory_space<vmem>>, vector<16xf32>,
        tpu.vector_store %arg8[%parallel_loop3A_613, %parallel_loop3A_614], %parallel_loop3A_609 {strides = array<i32>} : memref<64x512xf32, #tpu.memory_space<vmem>>, vector<16xf32>,
        %parallel_loop3A_616 = arith.constant 848 : i32
        %parallel_loop3A_617 = vector.broadcast %parallel_loop3A_616 : i32 to vector<16xi32>
        %parallel_loop3A_618 = arith.ori %parallel_loop3A_85, %parallel_loop3A_617 : vector<16xi32>
        %parallel_loop3A_619 = tpu.vector_load_idx %arg5[%parallel_loop3A_618] : memref<12288xf32, #tpu.memory_space<vmem>>[vector<16xi32>], vector<16xf32>,
        %parallel_loop3A_620 = arith.constant 16 : i32
        %parallel_loop3A_621 = arith.muli %parallel_loop3A_76, %parallel_loop3A_620 : i32
        %parallel_loop3A_622 = arith.constant 53 : i32
        %parallel_loop3A_623 = arith.index_cast %parallel_loop3A_622 : i32 to index
        %parallel_loop3A_624 = arith.index_cast %parallel_loop3A_621 : i32 to index
        %parallel_loop3A_625 = tpu.vector_load %arg8[%parallel_loop3A_623, %parallel_loop3A_624] {strides = array<i32>} : memref<64x512xf32, #tpu.memory_space<vmem>>, vector<16xf32>,
        tpu.vector_store %arg8[%parallel_loop3A_623, %parallel_loop3A_624], %parallel_loop3A_619 {strides = array<i32>} : memref<64x512xf32, #tpu.memory_space<vmem>>, vector<16xf32>,
        %parallel_loop3A_626 = arith.constant 864 : i32
        %parallel_loop3A_627 = vector.broadcast %parallel_loop3A_626 : i32 to vector<16xi32>
        %parallel_loop3A_628 = arith.ori %parallel_loop3A_85, %parallel_loop3A_627 : vector<16xi32>
        %parallel_loop3A_629 = tpu.vector_load_idx %arg5[%parallel_loop3A_628] : memref<12288xf32, #tpu.memory_space<vmem>>[vector<16xi32>], vector<16xf32>,
        %parallel_loop3A_630 = arith.constant 16 : i32
        %parallel_loop3A_631 = arith.muli %parallel_loop3A_76, %parallel_loop3A_630 : i32
        %parallel_loop3A_632 = arith.constant 54 : i32
        %parallel_loop3A_633 = arith.index_cast %parallel_loop3A_632 : i32 to index
        %parallel_loop3A_634 = arith.index_cast %parallel_loop3A_631 : i32 to index
        %parallel_loop3A_635 = tpu.vector_load %arg8[%parallel_loop3A_633, %parallel_loop3A_634] {strides = array<i32>} : memref<64x512xf32, #tpu.memory_space<vmem>>, vector<16xf32>,
        tpu.vector_store %arg8[%parallel_loop3A_633, %parallel_loop3A_634], %parallel_loop3A_629 {strides = array<i32>} : memref<64x512xf32, #tpu.memory_space<vmem>>, vector<16xf32>,
        %parallel_loop3A_636 = arith.constant 880 : i32
        %parallel_loop3A_637 = vector.broadcast %parallel_loop3A_636 : i32 to vector<16xi32>
        %parallel_loop3A_638 = arith.ori %parallel_loop3A_85, %parallel_loop3A_637 : vector<16xi32>
        %parallel_loop3A_639 = tpu.vector_load_idx %arg5[%parallel_loop3A_638] : memref<12288xf32, #tpu.memory_space<vmem>>[vector<16xi32>], vector<16xf32>,
        %parallel_loop3A_640 = arith.constant 16 : i32
        %parallel_loop3A_641 = arith.muli %parallel_loop3A_76, %parallel_loop3A_640 : i32
        %parallel_loop3A_642 = arith.constant 55 : i32
        %parallel_loop3A_643 = arith.index_cast %parallel_loop3A_642 : i32 to index
        %parallel_loop3A_644 = arith.index_cast %parallel_loop3A_641 : i32 to index
        %parallel_loop3A_645 = tpu.vector_load %arg8[%parallel_loop3A_643, %parallel_loop3A_644] {strides = array<i32>} : memref<64x512xf32, #tpu.memory_space<vmem>>, vector<16xf32>,
        tpu.vector_store %arg8[%parallel_loop3A_643, %parallel_loop3A_644], %parallel_loop3A_639 {strides = array<i32>} : memref<64x512xf32, #tpu.memory_space<vmem>>, vector<16xf32>,
        %parallel_loop3A_646 = arith.constant 896 : i32
        %parallel_loop3A_647 = vector.broadcast %parallel_loop3A_646 : i32 to vector<16xi32>
        %parallel_loop3A_648 = arith.ori %parallel_loop3A_85, %parallel_loop3A_647 : vector<16xi32>
        %parallel_loop3A_649 = tpu.vector_load_idx %arg5[%parallel_loop3A_648] : memref<12288xf32, #tpu.memory_space<vmem>>[vector<16xi32>], vector<16xf32>,
        %parallel_loop3A_650 = arith.constant 16 : i32
        %parallel_loop3A_651 = arith.muli %parallel_loop3A_76, %parallel_loop3A_650 : i32
        %parallel_loop3A_652 = arith.constant 56 : i32
        %parallel_loop3A_653 = arith.index_cast %parallel_loop3A_652 : i32 to index
        %parallel_loop3A_654 = arith.index_cast %parallel_loop3A_651 : i32 to index
        %parallel_loop3A_655 = tpu.vector_load %arg8[%parallel_loop3A_653, %parallel_loop3A_654] {strides = array<i32>} : memref<64x512xf32, #tpu.memory_space<vmem>>, vector<16xf32>,
        tpu.vector_store %arg8[%parallel_loop3A_653, %parallel_loop3A_654], %parallel_loop3A_649 {strides = array<i32>} : memref<64x512xf32, #tpu.memory_space<vmem>>, vector<16xf32>,
        %parallel_loop3A_656 = arith.constant 912 : i32
        %parallel_loop3A_657 = vector.broadcast %parallel_loop3A_656 : i32 to vector<16xi32>
        %parallel_loop3A_658 = arith.ori %parallel_loop3A_85, %parallel_loop3A_657 : vector<16xi32>
        %parallel_loop3A_659 = tpu.vector_load_idx %arg5[%parallel_loop3A_658] : memref<12288xf32, #tpu.memory_space<vmem>>[vector<16xi32>], vector<16xf32>,
        %parallel_loop3A_660 = arith.constant 16 : i32
        %parallel_loop3A_661 = arith.muli %parallel_loop3A_76, %parallel_loop3A_660 : i32
        %parallel_loop3A_662 = arith.constant 57 : i32
        %parallel_loop3A_663 = arith.index_cast %parallel_loop3A_662 : i32 to index
        %parallel_loop3A_664 = arith.index_cast %parallel_loop3A_661 : i32 to index
        %parallel_loop3A_665 = tpu.vector_load %arg8[%parallel_loop3A_663, %parallel_loop3A_664] {strides = array<i32>} : memref<64x512xf32, #tpu.memory_space<vmem>>, vector<16xf32>,
        tpu.vector_store %arg8[%parallel_loop3A_663, %parallel_loop3A_664], %parallel_loop3A_659 {strides = array<i32>} : memref<64x512xf32, #tpu.memory_space<vmem>>, vector<16xf32>,
        %parallel_loop3A_666 = arith.constant 928 : i32
        %parallel_loop3A_667 = vector.broadcast %parallel_loop3A_666 : i32 to vector<16xi32>
        %parallel_loop3A_668 = arith.ori %parallel_loop3A_85, %parallel_loop3A_667 : vector<16xi32>
        %parallel_loop3A_669 = tpu.vector_load_idx %arg5[%parallel_loop3A_668] : memref<12288xf32, #tpu.memory_space<vmem>>[vector<16xi32>], vector<16xf32>,
        %parallel_loop3A_670 = arith.constant 16 : i32
        %parallel_loop3A_671 = arith.muli %parallel_loop3A_76, %parallel_loop3A_670 : i32
        %parallel_loop3A_672 = arith.constant 58 : i32
        %parallel_loop3A_673 = arith.index_cast %parallel_loop3A_672 : i32 to index
        %parallel_loop3A_674 = arith.index_cast %parallel_loop3A_671 : i32 to index
        %parallel_loop3A_675 = tpu.vector_load %arg8[%parallel_loop3A_673, %parallel_loop3A_674] {strides = array<i32>} : memref<64x512xf32, #tpu.memory_space<vmem>>, vector<16xf32>,
        tpu.vector_store %arg8[%parallel_loop3A_673, %parallel_loop3A_674], %parallel_loop3A_669 {strides = array<i32>} : memref<64x512xf32, #tpu.memory_space<vmem>>, vector<16xf32>,
        %parallel_loop3A_676 = arith.constant 944 : i32
        %parallel_loop3A_677 = vector.broadcast %parallel_loop3A_676 : i32 to vector<16xi32>
        %parallel_loop3A_678 = arith.ori %parallel_loop3A_85, %parallel_loop3A_677 : vector<16xi32>
        %parallel_loop3A_679 = tpu.vector_load_idx %arg5[%parallel_loop3A_678] : memref<12288xf32, #tpu.memory_space<vmem>>[vector<16xi32>], vector<16xf32>,
        %parallel_loop3A_680 = arith.constant 16 : i32
        %parallel_loop3A_681 = arith.muli %parallel_loop3A_76, %parallel_loop3A_680 : i32
        %parallel_loop3A_682 = arith.constant 59 : i32
        %parallel_loop3A_683 = arith.index_cast %parallel_loop3A_682 : i32 to index
        %parallel_loop3A_684 = arith.index_cast %parallel_loop3A_681 : i32 to index
        %parallel_loop3A_685 = tpu.vector_load %arg8[%parallel_loop3A_683, %parallel_loop3A_684] {strides = array<i32>} : memref<64x512xf32, #tpu.memory_space<vmem>>, vector<16xf32>,
        tpu.vector_store %arg8[%parallel_loop3A_683, %parallel_loop3A_684], %parallel_loop3A_679 {strides = array<i32>} : memref<64x512xf32, #tpu.memory_space<vmem>>, vector<16xf32>,
        %parallel_loop3A_686 = arith.constant 960 : i32
        %parallel_loop3A_687 = vector.broadcast %parallel_loop3A_686 : i32 to vector<16xi32>
        %parallel_loop3A_688 = arith.ori %parallel_loop3A_85, %parallel_loop3A_687 : vector<16xi32>
        %parallel_loop3A_689 = tpu.vector_load_idx %arg5[%parallel_loop3A_688] : memref<12288xf32, #tpu.memory_space<vmem>>[vector<16xi32>], vector<16xf32>,
        %parallel_loop3A_690 = arith.constant 16 : i32
        %parallel_loop3A_691 = arith.muli %parallel_loop3A_76, %parallel_loop3A_690 : i32
        %parallel_loop3A_692 = arith.constant 60 : i32
        %parallel_loop3A_693 = arith.index_cast %parallel_loop3A_692 : i32 to index
        %parallel_loop3A_694 = arith.index_cast %parallel_loop3A_691 : i32 to index
        %parallel_loop3A_695 = tpu.vector_load %arg8[%parallel_loop3A_693, %parallel_loop3A_694] {strides = array<i32>} : memref<64x512xf32, #tpu.memory_space<vmem>>, vector<16xf32>,
        tpu.vector_store %arg8[%parallel_loop3A_693, %parallel_loop3A_694], %parallel_loop3A_689 {strides = array<i32>} : memref<64x512xf32, #tpu.memory_space<vmem>>, vector<16xf32>,
        %parallel_loop3A_696 = arith.constant 976 : i32
        %parallel_loop3A_697 = vector.broadcast %parallel_loop3A_696 : i32 to vector<16xi32>
        %parallel_loop3A_698 = arith.ori %parallel_loop3A_85, %parallel_loop3A_697 : vector<16xi32>
        %parallel_loop3A_699 = tpu.vector_load_idx %arg5[%parallel_loop3A_698] : memref<12288xf32, #tpu.memory_space<vmem>>[vector<16xi32>], vector<16xf32>,
        %parallel_loop3A_700 = arith.constant 16 : i32
        %parallel_loop3A_701 = arith.muli %parallel_loop3A_76, %parallel_loop3A_700 : i32
        %parallel_loop3A_702 = arith.constant 61 : i32
        %parallel_loop3A_703 = arith.index_cast %parallel_loop3A_702 : i32 to index
        %parallel_loop3A_704 = arith.index_cast %parallel_loop3A_701 : i32 to index
        %parallel_loop3A_705 = tpu.vector_load %arg8[%parallel_loop3A_703, %parallel_loop3A_704] {strides = array<i32>} : memref<64x512xf32, #tpu.memory_space<vmem>>, vector<16xf32>,
        tpu.vector_store %arg8[%parallel_loop3A_703, %parallel_loop3A_704], %parallel_loop3A_699 {strides = array<i32>} : memref<64x512xf32, #tpu.memory_space<vmem>>, vector<16xf32>,
        %parallel_loop3A_706 = arith.constant 992 : i32
        %parallel_loop3A_707 = vector.broadcast %parallel_loop3A_706 : i32 to vector<16xi32>
        %parallel_loop3A_708 = arith.ori %parallel_loop3A_85, %parallel_loop3A_707 : vector<16xi32>
        %parallel_loop3A_709 = tpu.vector_load_idx %arg5[%parallel_loop3A_708] : memref<12288xf32, #tpu.memory_space<vmem>>[vector<16xi32>], vector<16xf32>,
        %parallel_loop3A_710 = arith.constant 16 : i32
        %parallel_loop3A_711 = arith.muli %parallel_loop3A_76, %parallel_loop3A_710 : i32
        %parallel_loop3A_712 = arith.constant 62 : i32
        %parallel_loop3A_713 = arith.index_cast %parallel_loop3A_712 : i32 to index
        %parallel_loop3A_714 = arith.index_cast %parallel_loop3A_711 : i32 to index
        %parallel_loop3A_715 = tpu.vector_load %arg8[%parallel_loop3A_713, %parallel_loop3A_714] {strides = array<i32>} : memref<64x512xf32, #tpu.memory_space<vmem>>, vector<16xf32>,
        tpu.vector_store %arg8[%parallel_loop3A_713, %parallel_loop3A_714], %parallel_loop3A_709 {strides = array<i32>} : memref<64x512xf32, #tpu.memory_space<vmem>>, vector<16xf32>,
        %parallel_loop3A_716 = arith.constant 1008 : i32
        %parallel_loop3A_717 = vector.broadcast %parallel_loop3A_716 : i32 to vector<16xi32>
        %parallel_loop3A_718 = arith.ori %parallel_loop3A_85, %parallel_loop3A_717 : vector<16xi32>
        %parallel_loop3A_719 = tpu.vector_load_idx %arg5[%parallel_loop3A_718] : memref<12288xf32, #tpu.memory_space<vmem>>[vector<16xi32>], vector<16xf32>,
        %parallel_loop3A_720 = arith.constant 16 : i32
        %parallel_loop3A_721 = arith.muli %parallel_loop3A_76, %parallel_loop3A_720 : i32
        %parallel_loop3A_722 = arith.constant 63 : i32
        %parallel_loop3A_723 = arith.index_cast %parallel_loop3A_722 : i32 to index
        %parallel_loop3A_724 = arith.index_cast %parallel_loop3A_721 : i32 to index
        %parallel_loop3A_725 = tpu.vector_load %arg8[%parallel_loop3A_723, %parallel_loop3A_724] {strides = array<i32>} : memref<64x512xf32, #tpu.memory_space<vmem>>, vector<16xf32>,
        tpu.vector_store %arg8[%parallel_loop3A_723, %parallel_loop3A_724], %parallel_loop3A_719 {strides = array<i32>} : memref<64x512xf32, #tpu.memory_space<vmem>>, vector<16xf32>,
      } {sc.loop_unroll_factor = 2 : i64, sc.parallel_access}
      %dma_start3A_43 = arith.constant 0 : i32
      %dma_start3A_44 = tpu.memref_slice %arg4[%mul3A_27, %dma_start3A_43, %mul3A_2] : memref<200x64x16384xf32, #tpu.memory_space<hbm>> -> memref<1x64x512xf32, #tpu.memory_space<hbm>>
      %dma_start3A_45 = tpu.memref_squeeze %dma_start3A_44 : memref<1x64x512xf32, #tpu.memory_space<hbm>> -> memref<64x512xf32, #tpu.memory_space<hbm>>
      %dma_start3A_46 = arith.constant 0 : i32
      %dma_start3A_47 = tpu.memref_slice %arg4[%mul3A_27, %dma_start3A_46, %mul3A_2] : memref<200x64x16384xf32, #tpu.memory_space<hbm>> -> memref<1x64x512xf32, #tpu.memory_space<hbm>>
      %dma_start3A_48 = tpu.memref_squeeze %dma_start3A_47 : memref<1x64x512xf32, #tpu.memory_space<hbm>> -> memref<64x512xf32, #tpu.memory_space<hbm>>
      tpu.enqueue_dma source(%arg8 : memref<64x512xf32, #tpu.memory_space<vmem>>) target(%dma_start3A_48 : memref<64x512xf32, #tpu.memory_space<hbm>>) target_semaphore(%arg12 : memref<!tpu.dma_semaphore, #tpu.memory_space<semaphore_mem>>)
      %mul3A_49 = arith.constant 2 : i32
      %mul3A_50 = arith.muli %scan3A_25, %mul3A_49 : i32
      %add3A_51 = arith.constant 1 : i32
      %add3A_52 = arith.addi %mul3A_50, %add3A_51 : i32
      %dma_wait3A_53 = arith.constant 0 : i32
      %dma_wait3A_54 = tpu.memref_slice %arg3[%dma_wait3A_53, %mul3A_2] : memref<200x16384xi32, #tpu.memory_space<hbm>> -> memref<1x512xi32, #tpu.memory_space<hbm>>
      %dma_wait3A_55 = tpu.memref_squeeze %dma_wait3A_54 : memref<1x512xi32, #tpu.memory_space<hbm>> -> memref<512xi32, #tpu.memory_space<hbm>>
      %dma_wait3A_56 = tpu.memref_slice %arg3[%dma_wait3A_53, %mul3A_2] : memref<200x16384xi32, #tpu.memory_space<hbm>> -> memref<1x512xi32, #tpu.memory_space<hbm>>
      %dma_wait3A_57 = tpu.memref_squeeze %dma_wait3A_56 : memref<1x512xi32, #tpu.memory_space<hbm>> -> memref<512xi32, #tpu.memory_space<hbm>>
      tpu.wait_dma2 semaphore(%arg11 : memref<!tpu.dma_semaphore, #tpu.memory_space<semaphore_mem>>) src(%dma_wait3A_57 : memref<512xi32, #tpu.memory_space<hbm>>) dst(%arg7 : memref<512xi32, #tpu.memory_space<vmem>>)
      %lt3A = arith.constant 99 : i32
      %lt3A_58 = arith.cmpi slt, %scan3A_25, %lt3A : i32
      %convert_element_type3A_59 = arith.extui %lt3A_58 : i1 to i32
      %cond3A_60 = arith.constant 0 : i32
      %cond3A_61 = arith.cmpi ne, %convert_element_type3A_59, %cond3A_60 : i32
      scf.if %cond3A_61 {
        %add3A_76 = arith.constant 1 : i32
        %add3A_77 = arith.addi %add3A_52, %add3A_76 : i32
        %dma_start3A_78 = tpu.memref_slice %arg3[%add3A_77, %mul3A_2] : memref<200x16384xi32, #tpu.memory_space<hbm>> -> memref<1x512xi32, #tpu.memory_space<hbm>>
        %dma_start3A_79 = tpu.memref_squeeze %dma_start3A_78 : memref<1x512xi32, #tpu.memory_space<hbm>> -> memref<512xi32, #tpu.memory_space<hbm>>
        %dma_start3A_80 = tpu.memref_slice %arg3[%add3A_77, %mul3A_2] : memref<200x16384xi32, #tpu.memory_space<hbm>> -> memref<1x512xi32, #tpu.memory_space<hbm>>
        %dma_start3A_81 = tpu.memref_squeeze %dma_start3A_80 : memref<1x512xi32, #tpu.memory_space<hbm>> -> memref<512xi32, #tpu.memory_space<hbm>>
        tpu.enqueue_dma source(%dma_start3A_81 : memref<512xi32, #tpu.memory_space<hbm>>) target(%arg6 : memref<512xi32, #tpu.memory_space<vmem>>) target_semaphore(%arg10 : memref<!tpu.dma_semaphore, #tpu.memory_space<semaphore_mem>>)
      } else {
      }
      %gt3A_62 = arith.constant 0 : i32
      %gt3A_63 = arith.cmpi sgt, %scan3A_25, %gt3A_62 : i32
      %convert_element_type3A_64 = arith.extui %gt3A_63 : i1 to i32
      %cond3A_65 = arith.constant 0 : i32
      %cond3A_66 = arith.cmpi ne, %convert_element_type3A_64, %cond3A_65 : i32
      scf.if %cond3A_66 {
        %dma_wait3A_76 = arith.constant 0 : i32
        %dma_wait3A_77 = arith.constant 0 : i32
        %dma_wait3A_78 = tpu.memref_slice %arg4[%dma_wait3A_76, %dma_wait3A_77, %mul3A_2] : memref<200x64x16384xf32, #tpu.memory_space<hbm>> -> memref<1x64x512xf32, #tpu.memory_space<hbm>>
        %dma_wait3A_79 = tpu.memref_squeeze %dma_wait3A_78 : memref<1x64x512xf32, #tpu.memory_space<hbm>> -> memref<64x512xf32, #tpu.memory_space<hbm>>
        %dma_wait3A_80 = arith.constant 0 : i32
        %dma_wait3A_81 = tpu.memref_slice %arg4[%dma_wait3A_76, %dma_wait3A_80, %mul3A_2] : memref<200x64x16384xf32, #tpu.memory_space<hbm>> -> memref<1x64x512xf32, #tpu.memory_space<hbm>>
        %dma_wait3A_82 = tpu.memref_squeeze %dma_wait3A_81 : memref<1x64x512xf32, #tpu.memory_space<hbm>> -> memref<64x512xf32, #tpu.memory_space<hbm>>
        tpu.wait_dma2 semaphore(%arg13 : memref<!tpu.dma_semaphore, #tpu.memory_space<semaphore_mem>>) src(%arg9 : memref<64x512xf32, #tpu.memory_space<vmem>>) dst(%dma_wait3A_82 : memref<64x512xf32, #tpu.memory_space<hbm>>)
      } else {
      }
      %parallel_loop3A_67 = arith.constant 0 : i32
      %parallel_loop3A_68 = arith.constant 32 : i32
      %parallel_loop3A_69 = arith.constant 1 : i32
      scf.for %parallel_loop3A_76 = %parallel_loop3A_67 to %parallel_loop3A_68 step %parallel_loop3A_69  : i32 {
        %parallel_loop3A_77 = arith.constant 16 : i32
        %parallel_loop3A_78 = arith.muli %parallel_loop3A_76, %parallel_loop3A_77 : i32
        %parallel_loop3A_79 = arith.index_cast %parallel_loop3A_78 : i32 to index
        %parallel_loop3A_80 = tpu.vector_load %arg7[%parallel_loop3A_79] {strides = array<i32>} : memref<512xi32, #tpu.memory_space<vmem>>, vector<16xi32>,
        %parallel_loop3A_81 = arith.constant 1024 : i32
        %parallel_loop3A_82 = vector.broadcast %parallel_loop3A_81 : i32 to vector<16xi32>
        %parallel_loop3A_83 = arith.muli %parallel_loop3A_80, %parallel_loop3A_82 : vector<16xi32>
        %parallel_loop3A_84 = tpu.iota {dimensions = array<i32: 0>} : vector<16xi32>
        %parallel_loop3A_85 = arith.addi %parallel_loop3A_83, %parallel_loop3A_84 : vector<16xi32>
        %parallel_loop3A_86 = arith.constant 0 : i32
        %parallel_loop3A_87 = vector.broadcast %parallel_loop3A_86 : i32 to vector<16xi32>
        %parallel_loop3A_88 = arith.ori %parallel_loop3A_85, %parallel_loop3A_87 : vector<16xi32>
        %parallel_loop3A_89 = tpu.vector_load_idx %arg5[%parallel_loop3A_88] : memref<12288xf32, #tpu.memory_space<vmem>>[vector<16xi32>], vector<16xf32>,
        %parallel_loop3A_90 = arith.constant 16 : i32
        %parallel_loop3A_91 = arith.muli %parallel_loop3A_76, %parallel_loop3A_90 : i32
        %parallel_loop3A_92 = arith.constant 0 : i32
        %parallel_loop3A_93 = arith.index_cast %parallel_loop3A_92 : i32 to index
        %parallel_loop3A_94 = arith.index_cast %parallel_loop3A_91 : i32 to index
        %parallel_loop3A_95 = tpu.vector_load %arg9[%parallel_loop3A_93, %parallel_loop3A_94] {strides = array<i32>} : memref<64x512xf32, #tpu.memory_space<vmem>>, vector<16xf32>,
        tpu.vector_store %arg9[%parallel_loop3A_93, %parallel_loop3A_94], %parallel_loop3A_89 {strides = array<i32>} : memref<64x512xf32, #tpu.memory_space<vmem>>, vector<16xf32>,
        %parallel_loop3A_96 = arith.constant 16 : i32
        %parallel_loop3A_97 = vector.broadcast %parallel_loop3A_96 : i32 to vector<16xi32>
        %parallel_loop3A_98 = arith.ori %parallel_loop3A_85, %parallel_loop3A_97 : vector<16xi32>
        %parallel_loop3A_99 = tpu.vector_load_idx %arg5[%parallel_loop3A_98] : memref<12288xf32, #tpu.memory_space<vmem>>[vector<16xi32>], vector<16xf32>,
        %parallel_loop3A_100 = arith.constant 16 : i32
        %parallel_loop3A_101 = arith.muli %parallel_loop3A_76, %parallel_loop3A_100 : i32
        %parallel_loop3A_102 = arith.constant 1 : i32
        %parallel_loop3A_103 = arith.index_cast %parallel_loop3A_102 : i32 to index
        %parallel_loop3A_104 = arith.index_cast %parallel_loop3A_101 : i32 to index
        %parallel_loop3A_105 = tpu.vector_load %arg9[%parallel_loop3A_103, %parallel_loop3A_104] {strides = array<i32>} : memref<64x512xf32, #tpu.memory_space<vmem>>, vector<16xf32>,
        tpu.vector_store %arg9[%parallel_loop3A_103, %parallel_loop3A_104], %parallel_loop3A_99 {strides = array<i32>} : memref<64x512xf32, #tpu.memory_space<vmem>>, vector<16xf32>,
        %parallel_loop3A_106 = arith.constant 32 : i32
        %parallel_loop3A_107 = vector.broadcast %parallel_loop3A_106 : i32 to vector<16xi32>
        %parallel_loop3A_108 = arith.ori %parallel_loop3A_85, %parallel_loop3A_107 : vector<16xi32>
        %parallel_loop3A_109 = tpu.vector_load_idx %arg5[%parallel_loop3A_108] : memref<12288xf32, #tpu.memory_space<vmem>>[vector<16xi32>], vector<16xf32>,
        %parallel_loop3A_110 = arith.constant 16 : i32
        %parallel_loop3A_111 = arith.muli %parallel_loop3A_76, %parallel_loop3A_110 : i32
        %parallel_loop3A_112 = arith.constant 2 : i32
        %parallel_loop3A_113 = arith.index_cast %parallel_loop3A_112 : i32 to index
        %parallel_loop3A_114 = arith.index_cast %parallel_loop3A_111 : i32 to index
        %parallel_loop3A_115 = tpu.vector_load %arg9[%parallel_loop3A_113, %parallel_loop3A_114] {strides = array<i32>} : memref<64x512xf32, #tpu.memory_space<vmem>>, vector<16xf32>,
        tpu.vector_store %arg9[%parallel_loop3A_113, %parallel_loop3A_114], %parallel_loop3A_109 {strides = array<i32>} : memref<64x512xf32, #tpu.memory_space<vmem>>, vector<16xf32>,
        %parallel_loop3A_116 = arith.constant 48 : i32
        %parallel_loop3A_117 = vector.broadcast %parallel_loop3A_116 : i32 to vector<16xi32>
        %parallel_loop3A_118 = arith.ori %parallel_loop3A_85, %parallel_loop3A_117 : vector<16xi32>
        %parallel_loop3A_119 = tpu.vector_load_idx %arg5[%parallel_loop3A_118] : memref<12288xf32, #tpu.memory_space<vmem>>[vector<16xi32>], vector<16xf32>,
        %parallel_loop3A_120 = arith.constant 16 : i32
        %parallel_loop3A_121 = arith.muli %parallel_loop3A_76, %parallel_loop3A_120 : i32
        %parallel_loop3A_122 = arith.constant 3 : i32
        %parallel_loop3A_123 = arith.index_cast %parallel_loop3A_122 : i32 to index
        %parallel_loop3A_124 = arith.index_cast %parallel_loop3A_121 : i32 to index
        %parallel_loop3A_125 = tpu.vector_load %arg9[%parallel_loop3A_123, %parallel_loop3A_124] {strides = array<i32>} : memref<64x512xf32, #tpu.memory_space<vmem>>, vector<16xf32>,
        tpu.vector_store %arg9[%parallel_loop3A_123, %parallel_loop3A_124], %parallel_loop3A_119 {strides = array<i32>} : memref<64x512xf32, #tpu.memory_space<vmem>>, vector<16xf32>,
        %parallel_loop3A_126 = arith.constant 64 : i32
        %parallel_loop3A_127 = vector.broadcast %parallel_loop3A_126 : i32 to vector<16xi32>
        %parallel_loop3A_128 = arith.ori %parallel_loop3A_85, %parallel_loop3A_127 : vector<16xi32>
        %parallel_loop3A_129 = tpu.vector_load_idx %arg5[%parallel_loop3A_128] : memref<12288xf32, #tpu.memory_space<vmem>>[vector<16xi32>], vector<16xf32>,
        %parallel_loop3A_130 = arith.constant 16 : i32
        %parallel_loop3A_131 = arith.muli %parallel_loop3A_76, %parallel_loop3A_130 : i32
        %parallel_loop3A_132 = arith.constant 4 : i32
        %parallel_loop3A_133 = arith.index_cast %parallel_loop3A_132 : i32 to index
        %parallel_loop3A_134 = arith.index_cast %parallel_loop3A_131 : i32 to index
        %parallel_loop3A_135 = tpu.vector_load %arg9[%parallel_loop3A_133, %parallel_loop3A_134] {strides = array<i32>} : memref<64x512xf32, #tpu.memory_space<vmem>>, vector<16xf32>,
        tpu.vector_store %arg9[%parallel_loop3A_133, %parallel_loop3A_134], %parallel_loop3A_129 {strides = array<i32>} : memref<64x512xf32, #tpu.memory_space<vmem>>, vector<16xf32>,
        %parallel_loop3A_136 = arith.constant 80 : i32
        %parallel_loop3A_137 = vector.broadcast %parallel_loop3A_136 : i32 to vector<16xi32>
        %parallel_loop3A_138 = arith.ori %parallel_loop3A_85, %parallel_loop3A_137 : vector<16xi32>
        %parallel_loop3A_139 = tpu.vector_load_idx %arg5[%parallel_loop3A_138] : memref<12288xf32, #tpu.memory_space<vmem>>[vector<16xi32>], vector<16xf32>,
        %parallel_loop3A_140 = arith.constant 16 : i32
        %parallel_loop3A_141 = arith.muli %parallel_loop3A_76, %parallel_loop3A_140 : i32
        %parallel_loop3A_142 = arith.constant 5 : i32
        %parallel_loop3A_143 = arith.index_cast %parallel_loop3A_142 : i32 to index
        %parallel_loop3A_144 = arith.index_cast %parallel_loop3A_141 : i32 to index
        %parallel_loop3A_145 = tpu.vector_load %arg9[%parallel_loop3A_143, %parallel_loop3A_144] {strides = array<i32>} : memref<64x512xf32, #tpu.memory_space<vmem>>, vector<16xf32>,
        tpu.vector_store %arg9[%parallel_loop3A_143, %parallel_loop3A_144], %parallel_loop3A_139 {strides = array<i32>} : memref<64x512xf32, #tpu.memory_space<vmem>>, vector<16xf32>,
        %parallel_loop3A_146 = arith.constant 96 : i32
        %parallel_loop3A_147 = vector.broadcast %parallel_loop3A_146 : i32 to vector<16xi32>
        %parallel_loop3A_148 = arith.ori %parallel_loop3A_85, %parallel_loop3A_147 : vector<16xi32>
        %parallel_loop3A_149 = tpu.vector_load_idx %arg5[%parallel_loop3A_148] : memref<12288xf32, #tpu.memory_space<vmem>>[vector<16xi32>], vector<16xf32>,
        %parallel_loop3A_150 = arith.constant 16 : i32
        %parallel_loop3A_151 = arith.muli %parallel_loop3A_76, %parallel_loop3A_150 : i32
        %parallel_loop3A_152 = arith.constant 6 : i32
        %parallel_loop3A_153 = arith.index_cast %parallel_loop3A_152 : i32 to index
        %parallel_loop3A_154 = arith.index_cast %parallel_loop3A_151 : i32 to index
        %parallel_loop3A_155 = tpu.vector_load %arg9[%parallel_loop3A_153, %parallel_loop3A_154] {strides = array<i32>} : memref<64x512xf32, #tpu.memory_space<vmem>>, vector<16xf32>,
        tpu.vector_store %arg9[%parallel_loop3A_153, %parallel_loop3A_154], %parallel_loop3A_149 {strides = array<i32>} : memref<64x512xf32, #tpu.memory_space<vmem>>, vector<16xf32>,
        %parallel_loop3A_156 = arith.constant 112 : i32
        %parallel_loop3A_157 = vector.broadcast %parallel_loop3A_156 : i32 to vector<16xi32>
        %parallel_loop3A_158 = arith.ori %parallel_loop3A_85, %parallel_loop3A_157 : vector<16xi32>
        %parallel_loop3A_159 = tpu.vector_load_idx %arg5[%parallel_loop3A_158] : memref<12288xf32, #tpu.memory_space<vmem>>[vector<16xi32>], vector<16xf32>,
        %parallel_loop3A_160 = arith.constant 16 : i32
        %parallel_loop3A_161 = arith.muli %parallel_loop3A_76, %parallel_loop3A_160 : i32
        %parallel_loop3A_162 = arith.constant 7 : i32
        %parallel_loop3A_163 = arith.index_cast %parallel_loop3A_162 : i32 to index
        %parallel_loop3A_164 = arith.index_cast %parallel_loop3A_161 : i32 to index
        %parallel_loop3A_165 = tpu.vector_load %arg9[%parallel_loop3A_163, %parallel_loop3A_164] {strides = array<i32>} : memref<64x512xf32, #tpu.memory_space<vmem>>, vector<16xf32>,
        tpu.vector_store %arg9[%parallel_loop3A_163, %parallel_loop3A_164], %parallel_loop3A_159 {strides = array<i32>} : memref<64x512xf32, #tpu.memory_space<vmem>>, vector<16xf32>,
        %parallel_loop3A_166 = arith.constant 128 : i32
        %parallel_loop3A_167 = vector.broadcast %parallel_loop3A_166 : i32 to vector<16xi32>
        %parallel_loop3A_168 = arith.ori %parallel_loop3A_85, %parallel_loop3A_167 : vector<16xi32>
        %parallel_loop3A_169 = tpu.vector_load_idx %arg5[%parallel_loop3A_168] : memref<12288xf32, #tpu.memory_space<vmem>>[vector<16xi32>], vector<16xf32>,
        %parallel_loop3A_170 = arith.constant 16 : i32
        %parallel_loop3A_171 = arith.muli %parallel_loop3A_76, %parallel_loop3A_170 : i32
        %parallel_loop3A_172 = arith.constant 8 : i32
        %parallel_loop3A_173 = arith.index_cast %parallel_loop3A_172 : i32 to index
        %parallel_loop3A_174 = arith.index_cast %parallel_loop3A_171 : i32 to index
        %parallel_loop3A_175 = tpu.vector_load %arg9[%parallel_loop3A_173, %parallel_loop3A_174] {strides = array<i32>} : memref<64x512xf32, #tpu.memory_space<vmem>>, vector<16xf32>,
        tpu.vector_store %arg9[%parallel_loop3A_173, %parallel_loop3A_174], %parallel_loop3A_169 {strides = array<i32>} : memref<64x512xf32, #tpu.memory_space<vmem>>, vector<16xf32>,
        %parallel_loop3A_176 = arith.constant 144 : i32
        %parallel_loop3A_177 = vector.broadcast %parallel_loop3A_176 : i32 to vector<16xi32>
        %parallel_loop3A_178 = arith.ori %parallel_loop3A_85, %parallel_loop3A_177 : vector<16xi32>
        %parallel_loop3A_179 = tpu.vector_load_idx %arg5[%parallel_loop3A_178] : memref<12288xf32, #tpu.memory_space<vmem>>[vector<16xi32>], vector<16xf32>,
        %parallel_loop3A_180 = arith.constant 16 : i32
        %parallel_loop3A_181 = arith.muli %parallel_loop3A_76, %parallel_loop3A_180 : i32
        %parallel_loop3A_182 = arith.constant 9 : i32
        %parallel_loop3A_183 = arith.index_cast %parallel_loop3A_182 : i32 to index
        %parallel_loop3A_184 = arith.index_cast %parallel_loop3A_181 : i32 to index
        %parallel_loop3A_185 = tpu.vector_load %arg9[%parallel_loop3A_183, %parallel_loop3A_184] {strides = array<i32>} : memref<64x512xf32, #tpu.memory_space<vmem>>, vector<16xf32>,
        tpu.vector_store %arg9[%parallel_loop3A_183, %parallel_loop3A_184], %parallel_loop3A_179 {strides = array<i32>} : memref<64x512xf32, #tpu.memory_space<vmem>>, vector<16xf32>,
        %parallel_loop3A_186 = arith.constant 160 : i32
        %parallel_loop3A_187 = vector.broadcast %parallel_loop3A_186 : i32 to vector<16xi32>
        %parallel_loop3A_188 = arith.ori %parallel_loop3A_85, %parallel_loop3A_187 : vector<16xi32>
        %parallel_loop3A_189 = tpu.vector_load_idx %arg5[%parallel_loop3A_188] : memref<12288xf32, #tpu.memory_space<vmem>>[vector<16xi32>], vector<16xf32>,
        %parallel_loop3A_190 = arith.constant 16 : i32
        %parallel_loop3A_191 = arith.muli %parallel_loop3A_76, %parallel_loop3A_190 : i32
        %parallel_loop3A_192 = arith.constant 10 : i32
        %parallel_loop3A_193 = arith.index_cast %parallel_loop3A_192 : i32 to index
        %parallel_loop3A_194 = arith.index_cast %parallel_loop3A_191 : i32 to index
        %parallel_loop3A_195 = tpu.vector_load %arg9[%parallel_loop3A_193, %parallel_loop3A_194] {strides = array<i32>} : memref<64x512xf32, #tpu.memory_space<vmem>>, vector<16xf32>,
        tpu.vector_store %arg9[%parallel_loop3A_193, %parallel_loop3A_194], %parallel_loop3A_189 {strides = array<i32>} : memref<64x512xf32, #tpu.memory_space<vmem>>, vector<16xf32>,
        %parallel_loop3A_196 = arith.constant 176 : i32
        %parallel_loop3A_197 = vector.broadcast %parallel_loop3A_196 : i32 to vector<16xi32>
        %parallel_loop3A_198 = arith.ori %parallel_loop3A_85, %parallel_loop3A_197 : vector<16xi32>
        %parallel_loop3A_199 = tpu.vector_load_idx %arg5[%parallel_loop3A_198] : memref<12288xf32, #tpu.memory_space<vmem>>[vector<16xi32>], vector<16xf32>,
        %parallel_loop3A_200 = arith.constant 16 : i32
        %parallel_loop3A_201 = arith.muli %parallel_loop3A_76, %parallel_loop3A_200 : i32
        %parallel_loop3A_202 = arith.constant 11 : i32
        %parallel_loop3A_203 = arith.index_cast %parallel_loop3A_202 : i32 to index
        %parallel_loop3A_204 = arith.index_cast %parallel_loop3A_201 : i32 to index
        %parallel_loop3A_205 = tpu.vector_load %arg9[%parallel_loop3A_203, %parallel_loop3A_204] {strides = array<i32>} : memref<64x512xf32, #tpu.memory_space<vmem>>, vector<16xf32>,
        tpu.vector_store %arg9[%parallel_loop3A_203, %parallel_loop3A_204], %parallel_loop3A_199 {strides = array<i32>} : memref<64x512xf32, #tpu.memory_space<vmem>>, vector<16xf32>,
        %parallel_loop3A_206 = arith.constant 192 : i32
        %parallel_loop3A_207 = vector.broadcast %parallel_loop3A_206 : i32 to vector<16xi32>
        %parallel_loop3A_208 = arith.ori %parallel_loop3A_85, %parallel_loop3A_207 : vector<16xi32>
        %parallel_loop3A_209 = tpu.vector_load_idx %arg5[%parallel_loop3A_208] : memref<12288xf32, #tpu.memory_space<vmem>>[vector<16xi32>], vector<16xf32>,
        %parallel_loop3A_210 = arith.constant 16 : i32
        %parallel_loop3A_211 = arith.muli %parallel_loop3A_76, %parallel_loop3A_210 : i32
        %parallel_loop3A_212 = arith.constant 12 : i32
        %parallel_loop3A_213 = arith.index_cast %parallel_loop3A_212 : i32 to index
        %parallel_loop3A_214 = arith.index_cast %parallel_loop3A_211 : i32 to index
        %parallel_loop3A_215 = tpu.vector_load %arg9[%parallel_loop3A_213, %parallel_loop3A_214] {strides = array<i32>} : memref<64x512xf32, #tpu.memory_space<vmem>>, vector<16xf32>,
        tpu.vector_store %arg9[%parallel_loop3A_213, %parallel_loop3A_214], %parallel_loop3A_209 {strides = array<i32>} : memref<64x512xf32, #tpu.memory_space<vmem>>, vector<16xf32>,
        %parallel_loop3A_216 = arith.constant 208 : i32
        %parallel_loop3A_217 = vector.broadcast %parallel_loop3A_216 : i32 to vector<16xi32>
        %parallel_loop3A_218 = arith.ori %parallel_loop3A_85, %parallel_loop3A_217 : vector<16xi32>
        %parallel_loop3A_219 = tpu.vector_load_idx %arg5[%parallel_loop3A_218] : memref<12288xf32, #tpu.memory_space<vmem>>[vector<16xi32>], vector<16xf32>,
        %parallel_loop3A_220 = arith.constant 16 : i32
        %parallel_loop3A_221 = arith.muli %parallel_loop3A_76, %parallel_loop3A_220 : i32
        %parallel_loop3A_222 = arith.constant 13 : i32
        %parallel_loop3A_223 = arith.index_cast %parallel_loop3A_222 : i32 to index
        %parallel_loop3A_224 = arith.index_cast %parallel_loop3A_221 : i32 to index
        %parallel_loop3A_225 = tpu.vector_load %arg9[%parallel_loop3A_223, %parallel_loop3A_224] {strides = array<i32>} : memref<64x512xf32, #tpu.memory_space<vmem>>, vector<16xf32>,
        tpu.vector_store %arg9[%parallel_loop3A_223, %parallel_loop3A_224], %parallel_loop3A_219 {strides = array<i32>} : memref<64x512xf32, #tpu.memory_space<vmem>>, vector<16xf32>,
        %parallel_loop3A_226 = arith.constant 224 : i32
        %parallel_loop3A_227 = vector.broadcast %parallel_loop3A_226 : i32 to vector<16xi32>
        %parallel_loop3A_228 = arith.ori %parallel_loop3A_85, %parallel_loop3A_227 : vector<16xi32>
        %parallel_loop3A_229 = tpu.vector_load_idx %arg5[%parallel_loop3A_228] : memref<12288xf32, #tpu.memory_space<vmem>>[vector<16xi32>], vector<16xf32>,
        %parallel_loop3A_230 = arith.constant 16 : i32
        %parallel_loop3A_231 = arith.muli %parallel_loop3A_76, %parallel_loop3A_230 : i32
        %parallel_loop3A_232 = arith.constant 14 : i32
        %parallel_loop3A_233 = arith.index_cast %parallel_loop3A_232 : i32 to index
        %parallel_loop3A_234 = arith.index_cast %parallel_loop3A_231 : i32 to index
        %parallel_loop3A_235 = tpu.vector_load %arg9[%parallel_loop3A_233, %parallel_loop3A_234] {strides = array<i32>} : memref<64x512xf32, #tpu.memory_space<vmem>>, vector<16xf32>,
        tpu.vector_store %arg9[%parallel_loop3A_233, %parallel_loop3A_234], %parallel_loop3A_229 {strides = array<i32>} : memref<64x512xf32, #tpu.memory_space<vmem>>, vector<16xf32>,
        %parallel_loop3A_236 = arith.constant 240 : i32
        %parallel_loop3A_237 = vector.broadcast %parallel_loop3A_236 : i32 to vector<16xi32>
        %parallel_loop3A_238 = arith.ori %parallel_loop3A_85, %parallel_loop3A_237 : vector<16xi32>
        %parallel_loop3A_239 = tpu.vector_load_idx %arg5[%parallel_loop3A_238] : memref<12288xf32, #tpu.memory_space<vmem>>[vector<16xi32>], vector<16xf32>,
        %parallel_loop3A_240 = arith.constant 16 : i32
        %parallel_loop3A_241 = arith.muli %parallel_loop3A_76, %parallel_loop3A_240 : i32
        %parallel_loop3A_242 = arith.constant 15 : i32
        %parallel_loop3A_243 = arith.index_cast %parallel_loop3A_242 : i32 to index
        %parallel_loop3A_244 = arith.index_cast %parallel_loop3A_241 : i32 to index
        %parallel_loop3A_245 = tpu.vector_load %arg9[%parallel_loop3A_243, %parallel_loop3A_244] {strides = array<i32>} : memref<64x512xf32, #tpu.memory_space<vmem>>, vector<16xf32>,
        tpu.vector_store %arg9[%parallel_loop3A_243, %parallel_loop3A_244], %parallel_loop3A_239 {strides = array<i32>} : memref<64x512xf32, #tpu.memory_space<vmem>>, vector<16xf32>,
        %parallel_loop3A_246 = arith.constant 256 : i32
        %parallel_loop3A_247 = vector.broadcast %parallel_loop3A_246 : i32 to vector<16xi32>
        %parallel_loop3A_248 = arith.ori %parallel_loop3A_85, %parallel_loop3A_247 : vector<16xi32>
        %parallel_loop3A_249 = tpu.vector_load_idx %arg5[%parallel_loop3A_248] : memref<12288xf32, #tpu.memory_space<vmem>>[vector<16xi32>], vector<16xf32>,
        %parallel_loop3A_250 = arith.constant 16 : i32
        %parallel_loop3A_251 = arith.muli %parallel_loop3A_76, %parallel_loop3A_250 : i32
        %parallel_loop3A_252 = arith.constant 16 : i32
        %parallel_loop3A_253 = arith.index_cast %parallel_loop3A_252 : i32 to index
        %parallel_loop3A_254 = arith.index_cast %parallel_loop3A_251 : i32 to index
        %parallel_loop3A_255 = tpu.vector_load %arg9[%parallel_loop3A_253, %parallel_loop3A_254] {strides = array<i32>} : memref<64x512xf32, #tpu.memory_space<vmem>>, vector<16xf32>,
        tpu.vector_store %arg9[%parallel_loop3A_253, %parallel_loop3A_254], %parallel_loop3A_249 {strides = array<i32>} : memref<64x512xf32, #tpu.memory_space<vmem>>, vector<16xf32>,
        %parallel_loop3A_256 = arith.constant 272 : i32
        %parallel_loop3A_257 = vector.broadcast %parallel_loop3A_256 : i32 to vector<16xi32>
        %parallel_loop3A_258 = arith.ori %parallel_loop3A_85, %parallel_loop3A_257 : vector<16xi32>
        %parallel_loop3A_259 = tpu.vector_load_idx %arg5[%parallel_loop3A_258] : memref<12288xf32, #tpu.memory_space<vmem>>[vector<16xi32>], vector<16xf32>,
        %parallel_loop3A_260 = arith.constant 16 : i32
        %parallel_loop3A_261 = arith.muli %parallel_loop3A_76, %parallel_loop3A_260 : i32
        %parallel_loop3A_262 = arith.constant 17 : i32
        %parallel_loop3A_263 = arith.index_cast %parallel_loop3A_262 : i32 to index
        %parallel_loop3A_264 = arith.index_cast %parallel_loop3A_261 : i32 to index
        %parallel_loop3A_265 = tpu.vector_load %arg9[%parallel_loop3A_263, %parallel_loop3A_264] {strides = array<i32>} : memref<64x512xf32, #tpu.memory_space<vmem>>, vector<16xf32>,
        tpu.vector_store %arg9[%parallel_loop3A_263, %parallel_loop3A_264], %parallel_loop3A_259 {strides = array<i32>} : memref<64x512xf32, #tpu.memory_space<vmem>>, vector<16xf32>,
        %parallel_loop3A_266 = arith.constant 288 : i32
        %parallel_loop3A_267 = vector.broadcast %parallel_loop3A_266 : i32 to vector<16xi32>
        %parallel_loop3A_268 = arith.ori %parallel_loop3A_85, %parallel_loop3A_267 : vector<16xi32>
        %parallel_loop3A_269 = tpu.vector_load_idx %arg5[%parallel_loop3A_268] : memref<12288xf32, #tpu.memory_space<vmem>>[vector<16xi32>], vector<16xf32>,
        %parallel_loop3A_270 = arith.constant 16 : i32
        %parallel_loop3A_271 = arith.muli %parallel_loop3A_76, %parallel_loop3A_270 : i32
        %parallel_loop3A_272 = arith.constant 18 : i32
        %parallel_loop3A_273 = arith.index_cast %parallel_loop3A_272 : i32 to index
        %parallel_loop3A_274 = arith.index_cast %parallel_loop3A_271 : i32 to index
        %parallel_loop3A_275 = tpu.vector_load %arg9[%parallel_loop3A_273, %parallel_loop3A_274] {strides = array<i32>} : memref<64x512xf32, #tpu.memory_space<vmem>>, vector<16xf32>,
        tpu.vector_store %arg9[%parallel_loop3A_273, %parallel_loop3A_274], %parallel_loop3A_269 {strides = array<i32>} : memref<64x512xf32, #tpu.memory_space<vmem>>, vector<16xf32>,
        %parallel_loop3A_276 = arith.constant 304 : i32
        %parallel_loop3A_277 = vector.broadcast %parallel_loop3A_276 : i32 to vector<16xi32>
        %parallel_loop3A_278 = arith.ori %parallel_loop3A_85, %parallel_loop3A_277 : vector<16xi32>
        %parallel_loop3A_279 = tpu.vector_load_idx %arg5[%parallel_loop3A_278] : memref<12288xf32, #tpu.memory_space<vmem>>[vector<16xi32>], vector<16xf32>,
        %parallel_loop3A_280 = arith.constant 16 : i32
        %parallel_loop3A_281 = arith.muli %parallel_loop3A_76, %parallel_loop3A_280 : i32
        %parallel_loop3A_282 = arith.constant 19 : i32
        %parallel_loop3A_283 = arith.index_cast %parallel_loop3A_282 : i32 to index
        %parallel_loop3A_284 = arith.index_cast %parallel_loop3A_281 : i32 to index
        %parallel_loop3A_285 = tpu.vector_load %arg9[%parallel_loop3A_283, %parallel_loop3A_284] {strides = array<i32>} : memref<64x512xf32, #tpu.memory_space<vmem>>, vector<16xf32>,
        tpu.vector_store %arg9[%parallel_loop3A_283, %parallel_loop3A_284], %parallel_loop3A_279 {strides = array<i32>} : memref<64x512xf32, #tpu.memory_space<vmem>>, vector<16xf32>,
        %parallel_loop3A_286 = arith.constant 320 : i32
        %parallel_loop3A_287 = vector.broadcast %parallel_loop3A_286 : i32 to vector<16xi32>
        %parallel_loop3A_288 = arith.ori %parallel_loop3A_85, %parallel_loop3A_287 : vector<16xi32>
        %parallel_loop3A_289 = tpu.vector_load_idx %arg5[%parallel_loop3A_288] : memref<12288xf32, #tpu.memory_space<vmem>>[vector<16xi32>], vector<16xf32>,
        %parallel_loop3A_290 = arith.constant 16 : i32
        %parallel_loop3A_291 = arith.muli %parallel_loop3A_76, %parallel_loop3A_290 : i32
        %parallel_loop3A_292 = arith.constant 20 : i32
        %parallel_loop3A_293 = arith.index_cast %parallel_loop3A_292 : i32 to index
        %parallel_loop3A_294 = arith.index_cast %parallel_loop3A_291 : i32 to index
        %parallel_loop3A_295 = tpu.vector_load %arg9[%parallel_loop3A_293, %parallel_loop3A_294] {strides = array<i32>} : memref<64x512xf32, #tpu.memory_space<vmem>>, vector<16xf32>,
        tpu.vector_store %arg9[%parallel_loop3A_293, %parallel_loop3A_294], %parallel_loop3A_289 {strides = array<i32>} : memref<64x512xf32, #tpu.memory_space<vmem>>, vector<16xf32>,
        %parallel_loop3A_296 = arith.constant 336 : i32
        %parallel_loop3A_297 = vector.broadcast %parallel_loop3A_296 : i32 to vector<16xi32>
        %parallel_loop3A_298 = arith.ori %parallel_loop3A_85, %parallel_loop3A_297 : vector<16xi32>
        %parallel_loop3A_299 = tpu.vector_load_idx %arg5[%parallel_loop3A_298] : memref<12288xf32, #tpu.memory_space<vmem>>[vector<16xi32>], vector<16xf32>,
        %parallel_loop3A_300 = arith.constant 16 : i32
        %parallel_loop3A_301 = arith.muli %parallel_loop3A_76, %parallel_loop3A_300 : i32
        %parallel_loop3A_302 = arith.constant 21 : i32
        %parallel_loop3A_303 = arith.index_cast %parallel_loop3A_302 : i32 to index
        %parallel_loop3A_304 = arith.index_cast %parallel_loop3A_301 : i32 to index
        %parallel_loop3A_305 = tpu.vector_load %arg9[%parallel_loop3A_303, %parallel_loop3A_304] {strides = array<i32>} : memref<64x512xf32, #tpu.memory_space<vmem>>, vector<16xf32>,
        tpu.vector_store %arg9[%parallel_loop3A_303, %parallel_loop3A_304], %parallel_loop3A_299 {strides = array<i32>} : memref<64x512xf32, #tpu.memory_space<vmem>>, vector<16xf32>,
        %parallel_loop3A_306 = arith.constant 352 : i32
        %parallel_loop3A_307 = vector.broadcast %parallel_loop3A_306 : i32 to vector<16xi32>
        %parallel_loop3A_308 = arith.ori %parallel_loop3A_85, %parallel_loop3A_307 : vector<16xi32>
        %parallel_loop3A_309 = tpu.vector_load_idx %arg5[%parallel_loop3A_308] : memref<12288xf32, #tpu.memory_space<vmem>>[vector<16xi32>], vector<16xf32>,
        %parallel_loop3A_310 = arith.constant 16 : i32
        %parallel_loop3A_311 = arith.muli %parallel_loop3A_76, %parallel_loop3A_310 : i32
        %parallel_loop3A_312 = arith.constant 22 : i32
        %parallel_loop3A_313 = arith.index_cast %parallel_loop3A_312 : i32 to index
        %parallel_loop3A_314 = arith.index_cast %parallel_loop3A_311 : i32 to index
        %parallel_loop3A_315 = tpu.vector_load %arg9[%parallel_loop3A_313, %parallel_loop3A_314] {strides = array<i32>} : memref<64x512xf32, #tpu.memory_space<vmem>>, vector<16xf32>,
        tpu.vector_store %arg9[%parallel_loop3A_313, %parallel_loop3A_314], %parallel_loop3A_309 {strides = array<i32>} : memref<64x512xf32, #tpu.memory_space<vmem>>, vector<16xf32>,
        %parallel_loop3A_316 = arith.constant 368 : i32
        %parallel_loop3A_317 = vector.broadcast %parallel_loop3A_316 : i32 to vector<16xi32>
        %parallel_loop3A_318 = arith.ori %parallel_loop3A_85, %parallel_loop3A_317 : vector<16xi32>
        %parallel_loop3A_319 = tpu.vector_load_idx %arg5[%parallel_loop3A_318] : memref<12288xf32, #tpu.memory_space<vmem>>[vector<16xi32>], vector<16xf32>,
        %parallel_loop3A_320 = arith.constant 16 : i32
        %parallel_loop3A_321 = arith.muli %parallel_loop3A_76, %parallel_loop3A_320 : i32
        %parallel_loop3A_322 = arith.constant 23 : i32
        %parallel_loop3A_323 = arith.index_cast %parallel_loop3A_322 : i32 to index
        %parallel_loop3A_324 = arith.index_cast %parallel_loop3A_321 : i32 to index
        %parallel_loop3A_325 = tpu.vector_load %arg9[%parallel_loop3A_323, %parallel_loop3A_324] {strides = array<i32>} : memref<64x512xf32, #tpu.memory_space<vmem>>, vector<16xf32>,
        tpu.vector_store %arg9[%parallel_loop3A_323, %parallel_loop3A_324], %parallel_loop3A_319 {strides = array<i32>} : memref<64x512xf32, #tpu.memory_space<vmem>>, vector<16xf32>,
        %parallel_loop3A_326 = arith.constant 384 : i32
        %parallel_loop3A_327 = vector.broadcast %parallel_loop3A_326 : i32 to vector<16xi32>
        %parallel_loop3A_328 = arith.ori %parallel_loop3A_85, %parallel_loop3A_327 : vector<16xi32>
        %parallel_loop3A_329 = tpu.vector_load_idx %arg5[%parallel_loop3A_328] : memref<12288xf32, #tpu.memory_space<vmem>>[vector<16xi32>], vector<16xf32>,
        %parallel_loop3A_330 = arith.constant 16 : i32
        %parallel_loop3A_331 = arith.muli %parallel_loop3A_76, %parallel_loop3A_330 : i32
        %parallel_loop3A_332 = arith.constant 24 : i32
        %parallel_loop3A_333 = arith.index_cast %parallel_loop3A_332 : i32 to index
        %parallel_loop3A_334 = arith.index_cast %parallel_loop3A_331 : i32 to index
        %parallel_loop3A_335 = tpu.vector_load %arg9[%parallel_loop3A_333, %parallel_loop3A_334] {strides = array<i32>} : memref<64x512xf32, #tpu.memory_space<vmem>>, vector<16xf32>,
        tpu.vector_store %arg9[%parallel_loop3A_333, %parallel_loop3A_334], %parallel_loop3A_329 {strides = array<i32>} : memref<64x512xf32, #tpu.memory_space<vmem>>, vector<16xf32>,
        %parallel_loop3A_336 = arith.constant 400 : i32
        %parallel_loop3A_337 = vector.broadcast %parallel_loop3A_336 : i32 to vector<16xi32>
        %parallel_loop3A_338 = arith.ori %parallel_loop3A_85, %parallel_loop3A_337 : vector<16xi32>
        %parallel_loop3A_339 = tpu.vector_load_idx %arg5[%parallel_loop3A_338] : memref<12288xf32, #tpu.memory_space<vmem>>[vector<16xi32>], vector<16xf32>,
        %parallel_loop3A_340 = arith.constant 16 : i32
        %parallel_loop3A_341 = arith.muli %parallel_loop3A_76, %parallel_loop3A_340 : i32
        %parallel_loop3A_342 = arith.constant 25 : i32
        %parallel_loop3A_343 = arith.index_cast %parallel_loop3A_342 : i32 to index
        %parallel_loop3A_344 = arith.index_cast %parallel_loop3A_341 : i32 to index
        %parallel_loop3A_345 = tpu.vector_load %arg9[%parallel_loop3A_343, %parallel_loop3A_344] {strides = array<i32>} : memref<64x512xf32, #tpu.memory_space<vmem>>, vector<16xf32>,
        tpu.vector_store %arg9[%parallel_loop3A_343, %parallel_loop3A_344], %parallel_loop3A_339 {strides = array<i32>} : memref<64x512xf32, #tpu.memory_space<vmem>>, vector<16xf32>,
        %parallel_loop3A_346 = arith.constant 416 : i32
        %parallel_loop3A_347 = vector.broadcast %parallel_loop3A_346 : i32 to vector<16xi32>
        %parallel_loop3A_348 = arith.ori %parallel_loop3A_85, %parallel_loop3A_347 : vector<16xi32>
        %parallel_loop3A_349 = tpu.vector_load_idx %arg5[%parallel_loop3A_348] : memref<12288xf32, #tpu.memory_space<vmem>>[vector<16xi32>], vector<16xf32>,
        %parallel_loop3A_350 = arith.constant 16 : i32
        %parallel_loop3A_351 = arith.muli %parallel_loop3A_76, %parallel_loop3A_350 : i32
        %parallel_loop3A_352 = arith.constant 26 : i32
        %parallel_loop3A_353 = arith.index_cast %parallel_loop3A_352 : i32 to index
        %parallel_loop3A_354 = arith.index_cast %parallel_loop3A_351 : i32 to index
        %parallel_loop3A_355 = tpu.vector_load %arg9[%parallel_loop3A_353, %parallel_loop3A_354] {strides = array<i32>} : memref<64x512xf32, #tpu.memory_space<vmem>>, vector<16xf32>,
        tpu.vector_store %arg9[%parallel_loop3A_353, %parallel_loop3A_354], %parallel_loop3A_349 {strides = array<i32>} : memref<64x512xf32, #tpu.memory_space<vmem>>, vector<16xf32>,
        %parallel_loop3A_356 = arith.constant 432 : i32
        %parallel_loop3A_357 = vector.broadcast %parallel_loop3A_356 : i32 to vector<16xi32>
        %parallel_loop3A_358 = arith.ori %parallel_loop3A_85, %parallel_loop3A_357 : vector<16xi32>
        %parallel_loop3A_359 = tpu.vector_load_idx %arg5[%parallel_loop3A_358] : memref<12288xf32, #tpu.memory_space<vmem>>[vector<16xi32>], vector<16xf32>,
        %parallel_loop3A_360 = arith.constant 16 : i32
        %parallel_loop3A_361 = arith.muli %parallel_loop3A_76, %parallel_loop3A_360 : i32
        %parallel_loop3A_362 = arith.constant 27 : i32
        %parallel_loop3A_363 = arith.index_cast %parallel_loop3A_362 : i32 to index
        %parallel_loop3A_364 = arith.index_cast %parallel_loop3A_361 : i32 to index
        %parallel_loop3A_365 = tpu.vector_load %arg9[%parallel_loop3A_363, %parallel_loop3A_364] {strides = array<i32>} : memref<64x512xf32, #tpu.memory_space<vmem>>, vector<16xf32>,
        tpu.vector_store %arg9[%parallel_loop3A_363, %parallel_loop3A_364], %parallel_loop3A_359 {strides = array<i32>} : memref<64x512xf32, #tpu.memory_space<vmem>>, vector<16xf32>,
        %parallel_loop3A_366 = arith.constant 448 : i32
        %parallel_loop3A_367 = vector.broadcast %parallel_loop3A_366 : i32 to vector<16xi32>
        %parallel_loop3A_368 = arith.ori %parallel_loop3A_85, %parallel_loop3A_367 : vector<16xi32>
        %parallel_loop3A_369 = tpu.vector_load_idx %arg5[%parallel_loop3A_368] : memref<12288xf32, #tpu.memory_space<vmem>>[vector<16xi32>], vector<16xf32>,
        %parallel_loop3A_370 = arith.constant 16 : i32
        %parallel_loop3A_371 = arith.muli %parallel_loop3A_76, %parallel_loop3A_370 : i32
        %parallel_loop3A_372 = arith.constant 28 : i32
        %parallel_loop3A_373 = arith.index_cast %parallel_loop3A_372 : i32 to index
        %parallel_loop3A_374 = arith.index_cast %parallel_loop3A_371 : i32 to index
        %parallel_loop3A_375 = tpu.vector_load %arg9[%parallel_loop3A_373, %parallel_loop3A_374] {strides = array<i32>} : memref<64x512xf32, #tpu.memory_space<vmem>>, vector<16xf32>,
        tpu.vector_store %arg9[%parallel_loop3A_373, %parallel_loop3A_374], %parallel_loop3A_369 {strides = array<i32>} : memref<64x512xf32, #tpu.memory_space<vmem>>, vector<16xf32>,
        %parallel_loop3A_376 = arith.constant 464 : i32
        %parallel_loop3A_377 = vector.broadcast %parallel_loop3A_376 : i32 to vector<16xi32>
        %parallel_loop3A_378 = arith.ori %parallel_loop3A_85, %parallel_loop3A_377 : vector<16xi32>
        %parallel_loop3A_379 = tpu.vector_load_idx %arg5[%parallel_loop3A_378] : memref<12288xf32, #tpu.memory_space<vmem>>[vector<16xi32>], vector<16xf32>,
        %parallel_loop3A_380 = arith.constant 16 : i32
        %parallel_loop3A_381 = arith.muli %parallel_loop3A_76, %parallel_loop3A_380 : i32
        %parallel_loop3A_382 = arith.constant 29 : i32
        %parallel_loop3A_383 = arith.index_cast %parallel_loop3A_382 : i32 to index
        %parallel_loop3A_384 = arith.index_cast %parallel_loop3A_381 : i32 to index
        %parallel_loop3A_385 = tpu.vector_load %arg9[%parallel_loop3A_383, %parallel_loop3A_384] {strides = array<i32>} : memref<64x512xf32, #tpu.memory_space<vmem>>, vector<16xf32>,
        tpu.vector_store %arg9[%parallel_loop3A_383, %parallel_loop3A_384], %parallel_loop3A_379 {strides = array<i32>} : memref<64x512xf32, #tpu.memory_space<vmem>>, vector<16xf32>,
        %parallel_loop3A_386 = arith.constant 480 : i32
        %parallel_loop3A_387 = vector.broadcast %parallel_loop3A_386 : i32 to vector<16xi32>
        %parallel_loop3A_388 = arith.ori %parallel_loop3A_85, %parallel_loop3A_387 : vector<16xi32>
        %parallel_loop3A_389 = tpu.vector_load_idx %arg5[%parallel_loop3A_388] : memref<12288xf32, #tpu.memory_space<vmem>>[vector<16xi32>], vector<16xf32>,
        %parallel_loop3A_390 = arith.constant 16 : i32
        %parallel_loop3A_391 = arith.muli %parallel_loop3A_76, %parallel_loop3A_390 : i32
        %parallel_loop3A_392 = arith.constant 30 : i32
        %parallel_loop3A_393 = arith.index_cast %parallel_loop3A_392 : i32 to index
        %parallel_loop3A_394 = arith.index_cast %parallel_loop3A_391 : i32 to index
        %parallel_loop3A_395 = tpu.vector_load %arg9[%parallel_loop3A_393, %parallel_loop3A_394] {strides = array<i32>} : memref<64x512xf32, #tpu.memory_space<vmem>>, vector<16xf32>,
        tpu.vector_store %arg9[%parallel_loop3A_393, %parallel_loop3A_394], %parallel_loop3A_389 {strides = array<i32>} : memref<64x512xf32, #tpu.memory_space<vmem>>, vector<16xf32>,
        %parallel_loop3A_396 = arith.constant 496 : i32
        %parallel_loop3A_397 = vector.broadcast %parallel_loop3A_396 : i32 to vector<16xi32>
        %parallel_loop3A_398 = arith.ori %parallel_loop3A_85, %parallel_loop3A_397 : vector<16xi32>
        %parallel_loop3A_399 = tpu.vector_load_idx %arg5[%parallel_loop3A_398] : memref<12288xf32, #tpu.memory_space<vmem>>[vector<16xi32>], vector<16xf32>,
        %parallel_loop3A_400 = arith.constant 16 : i32
        %parallel_loop3A_401 = arith.muli %parallel_loop3A_76, %parallel_loop3A_400 : i32
        %parallel_loop3A_402 = arith.constant 31 : i32
        %parallel_loop3A_403 = arith.index_cast %parallel_loop3A_402 : i32 to index
        %parallel_loop3A_404 = arith.index_cast %parallel_loop3A_401 : i32 to index
        %parallel_loop3A_405 = tpu.vector_load %arg9[%parallel_loop3A_403, %parallel_loop3A_404] {strides = array<i32>} : memref<64x512xf32, #tpu.memory_space<vmem>>, vector<16xf32>,
        tpu.vector_store %arg9[%parallel_loop3A_403, %parallel_loop3A_404], %parallel_loop3A_399 {strides = array<i32>} : memref<64x512xf32, #tpu.memory_space<vmem>>, vector<16xf32>,
        %parallel_loop3A_406 = arith.constant 512 : i32
        %parallel_loop3A_407 = vector.broadcast %parallel_loop3A_406 : i32 to vector<16xi32>
        %parallel_loop3A_408 = arith.ori %parallel_loop3A_85, %parallel_loop3A_407 : vector<16xi32>
        %parallel_loop3A_409 = tpu.vector_load_idx %arg5[%parallel_loop3A_408] : memref<12288xf32, #tpu.memory_space<vmem>>[vector<16xi32>], vector<16xf32>,
        %parallel_loop3A_410 = arith.constant 16 : i32
        %parallel_loop3A_411 = arith.muli %parallel_loop3A_76, %parallel_loop3A_410 : i32
        %parallel_loop3A_412 = arith.constant 32 : i32
        %parallel_loop3A_413 = arith.index_cast %parallel_loop3A_412 : i32 to index
        %parallel_loop3A_414 = arith.index_cast %parallel_loop3A_411 : i32 to index
        %parallel_loop3A_415 = tpu.vector_load %arg9[%parallel_loop3A_413, %parallel_loop3A_414] {strides = array<i32>} : memref<64x512xf32, #tpu.memory_space<vmem>>, vector<16xf32>,
        tpu.vector_store %arg9[%parallel_loop3A_413, %parallel_loop3A_414], %parallel_loop3A_409 {strides = array<i32>} : memref<64x512xf32, #tpu.memory_space<vmem>>, vector<16xf32>,
        %parallel_loop3A_416 = arith.constant 528 : i32
        %parallel_loop3A_417 = vector.broadcast %parallel_loop3A_416 : i32 to vector<16xi32>
        %parallel_loop3A_418 = arith.ori %parallel_loop3A_85, %parallel_loop3A_417 : vector<16xi32>
        %parallel_loop3A_419 = tpu.vector_load_idx %arg5[%parallel_loop3A_418] : memref<12288xf32, #tpu.memory_space<vmem>>[vector<16xi32>], vector<16xf32>,
        %parallel_loop3A_420 = arith.constant 16 : i32
        %parallel_loop3A_421 = arith.muli %parallel_loop3A_76, %parallel_loop3A_420 : i32
        %parallel_loop3A_422 = arith.constant 33 : i32
        %parallel_loop3A_423 = arith.index_cast %parallel_loop3A_422 : i32 to index
        %parallel_loop3A_424 = arith.index_cast %parallel_loop3A_421 : i32 to index
        %parallel_loop3A_425 = tpu.vector_load %arg9[%parallel_loop3A_423, %parallel_loop3A_424] {strides = array<i32>} : memref<64x512xf32, #tpu.memory_space<vmem>>, vector<16xf32>,
        tpu.vector_store %arg9[%parallel_loop3A_423, %parallel_loop3A_424], %parallel_loop3A_419 {strides = array<i32>} : memref<64x512xf32, #tpu.memory_space<vmem>>, vector<16xf32>,
        %parallel_loop3A_426 = arith.constant 544 : i32
        %parallel_loop3A_427 = vector.broadcast %parallel_loop3A_426 : i32 to vector<16xi32>
        %parallel_loop3A_428 = arith.ori %parallel_loop3A_85, %parallel_loop3A_427 : vector<16xi32>
        %parallel_loop3A_429 = tpu.vector_load_idx %arg5[%parallel_loop3A_428] : memref<12288xf32, #tpu.memory_space<vmem>>[vector<16xi32>], vector<16xf32>,
        %parallel_loop3A_430 = arith.constant 16 : i32
        %parallel_loop3A_431 = arith.muli %parallel_loop3A_76, %parallel_loop3A_430 : i32
        %parallel_loop3A_432 = arith.constant 34 : i32
        %parallel_loop3A_433 = arith.index_cast %parallel_loop3A_432 : i32 to index
        %parallel_loop3A_434 = arith.index_cast %parallel_loop3A_431 : i32 to index
        %parallel_loop3A_435 = tpu.vector_load %arg9[%parallel_loop3A_433, %parallel_loop3A_434] {strides = array<i32>} : memref<64x512xf32, #tpu.memory_space<vmem>>, vector<16xf32>,
        tpu.vector_store %arg9[%parallel_loop3A_433, %parallel_loop3A_434], %parallel_loop3A_429 {strides = array<i32>} : memref<64x512xf32, #tpu.memory_space<vmem>>, vector<16xf32>,
        %parallel_loop3A_436 = arith.constant 560 : i32
        %parallel_loop3A_437 = vector.broadcast %parallel_loop3A_436 : i32 to vector<16xi32>
        %parallel_loop3A_438 = arith.ori %parallel_loop3A_85, %parallel_loop3A_437 : vector<16xi32>
        %parallel_loop3A_439 = tpu.vector_load_idx %arg5[%parallel_loop3A_438] : memref<12288xf32, #tpu.memory_space<vmem>>[vector<16xi32>], vector<16xf32>,
        %parallel_loop3A_440 = arith.constant 16 : i32
        %parallel_loop3A_441 = arith.muli %parallel_loop3A_76, %parallel_loop3A_440 : i32
        %parallel_loop3A_442 = arith.constant 35 : i32
        %parallel_loop3A_443 = arith.index_cast %parallel_loop3A_442 : i32 to index
        %parallel_loop3A_444 = arith.index_cast %parallel_loop3A_441 : i32 to index
        %parallel_loop3A_445 = tpu.vector_load %arg9[%parallel_loop3A_443, %parallel_loop3A_444] {strides = array<i32>} : memref<64x512xf32, #tpu.memory_space<vmem>>, vector<16xf32>,
        tpu.vector_store %arg9[%parallel_loop3A_443, %parallel_loop3A_444], %parallel_loop3A_439 {strides = array<i32>} : memref<64x512xf32, #tpu.memory_space<vmem>>, vector<16xf32>,
        %parallel_loop3A_446 = arith.constant 576 : i32
        %parallel_loop3A_447 = vector.broadcast %parallel_loop3A_446 : i32 to vector<16xi32>
        %parallel_loop3A_448 = arith.ori %parallel_loop3A_85, %parallel_loop3A_447 : vector<16xi32>
        %parallel_loop3A_449 = tpu.vector_load_idx %arg5[%parallel_loop3A_448] : memref<12288xf32, #tpu.memory_space<vmem>>[vector<16xi32>], vector<16xf32>,
        %parallel_loop3A_450 = arith.constant 16 : i32
        %parallel_loop3A_451 = arith.muli %parallel_loop3A_76, %parallel_loop3A_450 : i32
        %parallel_loop3A_452 = arith.constant 36 : i32
        %parallel_loop3A_453 = arith.index_cast %parallel_loop3A_452 : i32 to index
        %parallel_loop3A_454 = arith.index_cast %parallel_loop3A_451 : i32 to index
        %parallel_loop3A_455 = tpu.vector_load %arg9[%parallel_loop3A_453, %parallel_loop3A_454] {strides = array<i32>} : memref<64x512xf32, #tpu.memory_space<vmem>>, vector<16xf32>,
        tpu.vector_store %arg9[%parallel_loop3A_453, %parallel_loop3A_454], %parallel_loop3A_449 {strides = array<i32>} : memref<64x512xf32, #tpu.memory_space<vmem>>, vector<16xf32>,
        %parallel_loop3A_456 = arith.constant 592 : i32
        %parallel_loop3A_457 = vector.broadcast %parallel_loop3A_456 : i32 to vector<16xi32>
        %parallel_loop3A_458 = arith.ori %parallel_loop3A_85, %parallel_loop3A_457 : vector<16xi32>
        %parallel_loop3A_459 = tpu.vector_load_idx %arg5[%parallel_loop3A_458] : memref<12288xf32, #tpu.memory_space<vmem>>[vector<16xi32>], vector<16xf32>,
        %parallel_loop3A_460 = arith.constant 16 : i32
        %parallel_loop3A_461 = arith.muli %parallel_loop3A_76, %parallel_loop3A_460 : i32
        %parallel_loop3A_462 = arith.constant 37 : i32
        %parallel_loop3A_463 = arith.index_cast %parallel_loop3A_462 : i32 to index
        %parallel_loop3A_464 = arith.index_cast %parallel_loop3A_461 : i32 to index
        %parallel_loop3A_465 = tpu.vector_load %arg9[%parallel_loop3A_463, %parallel_loop3A_464] {strides = array<i32>} : memref<64x512xf32, #tpu.memory_space<vmem>>, vector<16xf32>,
        tpu.vector_store %arg9[%parallel_loop3A_463, %parallel_loop3A_464], %parallel_loop3A_459 {strides = array<i32>} : memref<64x512xf32, #tpu.memory_space<vmem>>, vector<16xf32>,
        %parallel_loop3A_466 = arith.constant 608 : i32
        %parallel_loop3A_467 = vector.broadcast %parallel_loop3A_466 : i32 to vector<16xi32>
        %parallel_loop3A_468 = arith.ori %parallel_loop3A_85, %parallel_loop3A_467 : vector<16xi32>
        %parallel_loop3A_469 = tpu.vector_load_idx %arg5[%parallel_loop3A_468] : memref<12288xf32, #tpu.memory_space<vmem>>[vector<16xi32>], vector<16xf32>,
        %parallel_loop3A_470 = arith.constant 16 : i32
        %parallel_loop3A_471 = arith.muli %parallel_loop3A_76, %parallel_loop3A_470 : i32
        %parallel_loop3A_472 = arith.constant 38 : i32
        %parallel_loop3A_473 = arith.index_cast %parallel_loop3A_472 : i32 to index
        %parallel_loop3A_474 = arith.index_cast %parallel_loop3A_471 : i32 to index
        %parallel_loop3A_475 = tpu.vector_load %arg9[%parallel_loop3A_473, %parallel_loop3A_474] {strides = array<i32>} : memref<64x512xf32, #tpu.memory_space<vmem>>, vector<16xf32>,
        tpu.vector_store %arg9[%parallel_loop3A_473, %parallel_loop3A_474], %parallel_loop3A_469 {strides = array<i32>} : memref<64x512xf32, #tpu.memory_space<vmem>>, vector<16xf32>,
        %parallel_loop3A_476 = arith.constant 624 : i32
        %parallel_loop3A_477 = vector.broadcast %parallel_loop3A_476 : i32 to vector<16xi32>
        %parallel_loop3A_478 = arith.ori %parallel_loop3A_85, %parallel_loop3A_477 : vector<16xi32>
        %parallel_loop3A_479 = tpu.vector_load_idx %arg5[%parallel_loop3A_478] : memref<12288xf32, #tpu.memory_space<vmem>>[vector<16xi32>], vector<16xf32>,
        %parallel_loop3A_480 = arith.constant 16 : i32
        %parallel_loop3A_481 = arith.muli %parallel_loop3A_76, %parallel_loop3A_480 : i32
        %parallel_loop3A_482 = arith.constant 39 : i32
        %parallel_loop3A_483 = arith.index_cast %parallel_loop3A_482 : i32 to index
        %parallel_loop3A_484 = arith.index_cast %parallel_loop3A_481 : i32 to index
        %parallel_loop3A_485 = tpu.vector_load %arg9[%parallel_loop3A_483, %parallel_loop3A_484] {strides = array<i32>} : memref<64x512xf32, #tpu.memory_space<vmem>>, vector<16xf32>,
        tpu.vector_store %arg9[%parallel_loop3A_483, %parallel_loop3A_484], %parallel_loop3A_479 {strides = array<i32>} : memref<64x512xf32, #tpu.memory_space<vmem>>, vector<16xf32>,
        %parallel_loop3A_486 = arith.constant 640 : i32
        %parallel_loop3A_487 = vector.broadcast %parallel_loop3A_486 : i32 to vector<16xi32>
        %parallel_loop3A_488 = arith.ori %parallel_loop3A_85, %parallel_loop3A_487 : vector<16xi32>
        %parallel_loop3A_489 = tpu.vector_load_idx %arg5[%parallel_loop3A_488] : memref<12288xf32, #tpu.memory_space<vmem>>[vector<16xi32>], vector<16xf32>,
        %parallel_loop3A_490 = arith.constant 16 : i32
        %parallel_loop3A_491 = arith.muli %parallel_loop3A_76, %parallel_loop3A_490 : i32
        %parallel_loop3A_492 = arith.constant 40 : i32
        %parallel_loop3A_493 = arith.index_cast %parallel_loop3A_492 : i32 to index
        %parallel_loop3A_494 = arith.index_cast %parallel_loop3A_491 : i32 to index
        %parallel_loop3A_495 = tpu.vector_load %arg9[%parallel_loop3A_493, %parallel_loop3A_494] {strides = array<i32>} : memref<64x512xf32, #tpu.memory_space<vmem>>, vector<16xf32>,
        tpu.vector_store %arg9[%parallel_loop3A_493, %parallel_loop3A_494], %parallel_loop3A_489 {strides = array<i32>} : memref<64x512xf32, #tpu.memory_space<vmem>>, vector<16xf32>,
        %parallel_loop3A_496 = arith.constant 656 : i32
        %parallel_loop3A_497 = vector.broadcast %parallel_loop3A_496 : i32 to vector<16xi32>
        %parallel_loop3A_498 = arith.ori %parallel_loop3A_85, %parallel_loop3A_497 : vector<16xi32>
        %parallel_loop3A_499 = tpu.vector_load_idx %arg5[%parallel_loop3A_498] : memref<12288xf32, #tpu.memory_space<vmem>>[vector<16xi32>], vector<16xf32>,
        %parallel_loop3A_500 = arith.constant 16 : i32
        %parallel_loop3A_501 = arith.muli %parallel_loop3A_76, %parallel_loop3A_500 : i32
        %parallel_loop3A_502 = arith.constant 41 : i32
        %parallel_loop3A_503 = arith.index_cast %parallel_loop3A_502 : i32 to index
        %parallel_loop3A_504 = arith.index_cast %parallel_loop3A_501 : i32 to index
        %parallel_loop3A_505 = tpu.vector_load %arg9[%parallel_loop3A_503, %parallel_loop3A_504] {strides = array<i32>} : memref<64x512xf32, #tpu.memory_space<vmem>>, vector<16xf32>,
        tpu.vector_store %arg9[%parallel_loop3A_503, %parallel_loop3A_504], %parallel_loop3A_499 {strides = array<i32>} : memref<64x512xf32, #tpu.memory_space<vmem>>, vector<16xf32>,
        %parallel_loop3A_506 = arith.constant 672 : i32
        %parallel_loop3A_507 = vector.broadcast %parallel_loop3A_506 : i32 to vector<16xi32>
        %parallel_loop3A_508 = arith.ori %parallel_loop3A_85, %parallel_loop3A_507 : vector<16xi32>
        %parallel_loop3A_509 = tpu.vector_load_idx %arg5[%parallel_loop3A_508] : memref<12288xf32, #tpu.memory_space<vmem>>[vector<16xi32>], vector<16xf32>,
        %parallel_loop3A_510 = arith.constant 16 : i32
        %parallel_loop3A_511 = arith.muli %parallel_loop3A_76, %parallel_loop3A_510 : i32
        %parallel_loop3A_512 = arith.constant 42 : i32
        %parallel_loop3A_513 = arith.index_cast %parallel_loop3A_512 : i32 to index
        %parallel_loop3A_514 = arith.index_cast %parallel_loop3A_511 : i32 to index
        %parallel_loop3A_515 = tpu.vector_load %arg9[%parallel_loop3A_513, %parallel_loop3A_514] {strides = array<i32>} : memref<64x512xf32, #tpu.memory_space<vmem>>, vector<16xf32>,
        tpu.vector_store %arg9[%parallel_loop3A_513, %parallel_loop3A_514], %parallel_loop3A_509 {strides = array<i32>} : memref<64x512xf32, #tpu.memory_space<vmem>>, vector<16xf32>,
        %parallel_loop3A_516 = arith.constant 688 : i32
        %parallel_loop3A_517 = vector.broadcast %parallel_loop3A_516 : i32 to vector<16xi32>
        %parallel_loop3A_518 = arith.ori %parallel_loop3A_85, %parallel_loop3A_517 : vector<16xi32>
        %parallel_loop3A_519 = tpu.vector_load_idx %arg5[%parallel_loop3A_518] : memref<12288xf32, #tpu.memory_space<vmem>>[vector<16xi32>], vector<16xf32>,
        %parallel_loop3A_520 = arith.constant 16 : i32
        %parallel_loop3A_521 = arith.muli %parallel_loop3A_76, %parallel_loop3A_520 : i32
        %parallel_loop3A_522 = arith.constant 43 : i32
        %parallel_loop3A_523 = arith.index_cast %parallel_loop3A_522 : i32 to index
        %parallel_loop3A_524 = arith.index_cast %parallel_loop3A_521 : i32 to index
        %parallel_loop3A_525 = tpu.vector_load %arg9[%parallel_loop3A_523, %parallel_loop3A_524] {strides = array<i32>} : memref<64x512xf32, #tpu.memory_space<vmem>>, vector<16xf32>,
        tpu.vector_store %arg9[%parallel_loop3A_523, %parallel_loop3A_524], %parallel_loop3A_519 {strides = array<i32>} : memref<64x512xf32, #tpu.memory_space<vmem>>, vector<16xf32>,
        %parallel_loop3A_526 = arith.constant 704 : i32
        %parallel_loop3A_527 = vector.broadcast %parallel_loop3A_526 : i32 to vector<16xi32>
        %parallel_loop3A_528 = arith.ori %parallel_loop3A_85, %parallel_loop3A_527 : vector<16xi32>
        %parallel_loop3A_529 = tpu.vector_load_idx %arg5[%parallel_loop3A_528] : memref<12288xf32, #tpu.memory_space<vmem>>[vector<16xi32>], vector<16xf32>,
        %parallel_loop3A_530 = arith.constant 16 : i32
        %parallel_loop3A_531 = arith.muli %parallel_loop3A_76, %parallel_loop3A_530 : i32
        %parallel_loop3A_532 = arith.constant 44 : i32
        %parallel_loop3A_533 = arith.index_cast %parallel_loop3A_532 : i32 to index
        %parallel_loop3A_534 = arith.index_cast %parallel_loop3A_531 : i32 to index
        %parallel_loop3A_535 = tpu.vector_load %arg9[%parallel_loop3A_533, %parallel_loop3A_534] {strides = array<i32>} : memref<64x512xf32, #tpu.memory_space<vmem>>, vector<16xf32>,
        tpu.vector_store %arg9[%parallel_loop3A_533, %parallel_loop3A_534], %parallel_loop3A_529 {strides = array<i32>} : memref<64x512xf32, #tpu.memory_space<vmem>>, vector<16xf32>,
        %parallel_loop3A_536 = arith.constant 720 : i32
        %parallel_loop3A_537 = vector.broadcast %parallel_loop3A_536 : i32 to vector<16xi32>
        %parallel_loop3A_538 = arith.ori %parallel_loop3A_85, %parallel_loop3A_537 : vector<16xi32>
        %parallel_loop3A_539 = tpu.vector_load_idx %arg5[%parallel_loop3A_538] : memref<12288xf32, #tpu.memory_space<vmem>>[vector<16xi32>], vector<16xf32>,
        %parallel_loop3A_540 = arith.constant 16 : i32
        %parallel_loop3A_541 = arith.muli %parallel_loop3A_76, %parallel_loop3A_540 : i32
        %parallel_loop3A_542 = arith.constant 45 : i32
        %parallel_loop3A_543 = arith.index_cast %parallel_loop3A_542 : i32 to index
        %parallel_loop3A_544 = arith.index_cast %parallel_loop3A_541 : i32 to index
        %parallel_loop3A_545 = tpu.vector_load %arg9[%parallel_loop3A_543, %parallel_loop3A_544] {strides = array<i32>} : memref<64x512xf32, #tpu.memory_space<vmem>>, vector<16xf32>,
        tpu.vector_store %arg9[%parallel_loop3A_543, %parallel_loop3A_544], %parallel_loop3A_539 {strides = array<i32>} : memref<64x512xf32, #tpu.memory_space<vmem>>, vector<16xf32>,
        %parallel_loop3A_546 = arith.constant 736 : i32
        %parallel_loop3A_547 = vector.broadcast %parallel_loop3A_546 : i32 to vector<16xi32>
        %parallel_loop3A_548 = arith.ori %parallel_loop3A_85, %parallel_loop3A_547 : vector<16xi32>
        %parallel_loop3A_549 = tpu.vector_load_idx %arg5[%parallel_loop3A_548] : memref<12288xf32, #tpu.memory_space<vmem>>[vector<16xi32>], vector<16xf32>,
        %parallel_loop3A_550 = arith.constant 16 : i32
        %parallel_loop3A_551 = arith.muli %parallel_loop3A_76, %parallel_loop3A_550 : i32
        %parallel_loop3A_552 = arith.constant 46 : i32
        %parallel_loop3A_553 = arith.index_cast %parallel_loop3A_552 : i32 to index
        %parallel_loop3A_554 = arith.index_cast %parallel_loop3A_551 : i32 to index
        %parallel_loop3A_555 = tpu.vector_load %arg9[%parallel_loop3A_553, %parallel_loop3A_554] {strides = array<i32>} : memref<64x512xf32, #tpu.memory_space<vmem>>, vector<16xf32>,
        tpu.vector_store %arg9[%parallel_loop3A_553, %parallel_loop3A_554], %parallel_loop3A_549 {strides = array<i32>} : memref<64x512xf32, #tpu.memory_space<vmem>>, vector<16xf32>,
        %parallel_loop3A_556 = arith.constant 752 : i32
        %parallel_loop3A_557 = vector.broadcast %parallel_loop3A_556 : i32 to vector<16xi32>
        %parallel_loop3A_558 = arith.ori %parallel_loop3A_85, %parallel_loop3A_557 : vector<16xi32>
        %parallel_loop3A_559 = tpu.vector_load_idx %arg5[%parallel_loop3A_558] : memref<12288xf32, #tpu.memory_space<vmem>>[vector<16xi32>], vector<16xf32>,
        %parallel_loop3A_560 = arith.constant 16 : i32
        %parallel_loop3A_561 = arith.muli %parallel_loop3A_76, %parallel_loop3A_560 : i32
        %parallel_loop3A_562 = arith.constant 47 : i32
        %parallel_loop3A_563 = arith.index_cast %parallel_loop3A_562 : i32 to index
        %parallel_loop3A_564 = arith.index_cast %parallel_loop3A_561 : i32 to index
        %parallel_loop3A_565 = tpu.vector_load %arg9[%parallel_loop3A_563, %parallel_loop3A_564] {strides = array<i32>} : memref<64x512xf32, #tpu.memory_space<vmem>>, vector<16xf32>,
        tpu.vector_store %arg9[%parallel_loop3A_563, %parallel_loop3A_564], %parallel_loop3A_559 {strides = array<i32>} : memref<64x512xf32, #tpu.memory_space<vmem>>, vector<16xf32>,
        %parallel_loop3A_566 = arith.constant 768 : i32
        %parallel_loop3A_567 = vector.broadcast %parallel_loop3A_566 : i32 to vector<16xi32>
        %parallel_loop3A_568 = arith.ori %parallel_loop3A_85, %parallel_loop3A_567 : vector<16xi32>
        %parallel_loop3A_569 = tpu.vector_load_idx %arg5[%parallel_loop3A_568] : memref<12288xf32, #tpu.memory_space<vmem>>[vector<16xi32>], vector<16xf32>,
        %parallel_loop3A_570 = arith.constant 16 : i32
        %parallel_loop3A_571 = arith.muli %parallel_loop3A_76, %parallel_loop3A_570 : i32
        %parallel_loop3A_572 = arith.constant 48 : i32
        %parallel_loop3A_573 = arith.index_cast %parallel_loop3A_572 : i32 to index
        %parallel_loop3A_574 = arith.index_cast %parallel_loop3A_571 : i32 to index
        %parallel_loop3A_575 = tpu.vector_load %arg9[%parallel_loop3A_573, %parallel_loop3A_574] {strides = array<i32>} : memref<64x512xf32, #tpu.memory_space<vmem>>, vector<16xf32>,
        tpu.vector_store %arg9[%parallel_loop3A_573, %parallel_loop3A_574], %parallel_loop3A_569 {strides = array<i32>} : memref<64x512xf32, #tpu.memory_space<vmem>>, vector<16xf32>,
        %parallel_loop3A_576 = arith.constant 784 : i32
        %parallel_loop3A_577 = vector.broadcast %parallel_loop3A_576 : i32 to vector<16xi32>
        %parallel_loop3A_578 = arith.ori %parallel_loop3A_85, %parallel_loop3A_577 : vector<16xi32>
        %parallel_loop3A_579 = tpu.vector_load_idx %arg5[%parallel_loop3A_578] : memref<12288xf32, #tpu.memory_space<vmem>>[vector<16xi32>], vector<16xf32>,
        %parallel_loop3A_580 = arith.constant 16 : i32
        %parallel_loop3A_581 = arith.muli %parallel_loop3A_76, %parallel_loop3A_580 : i32
        %parallel_loop3A_582 = arith.constant 49 : i32
        %parallel_loop3A_583 = arith.index_cast %parallel_loop3A_582 : i32 to index
        %parallel_loop3A_584 = arith.index_cast %parallel_loop3A_581 : i32 to index
        %parallel_loop3A_585 = tpu.vector_load %arg9[%parallel_loop3A_583, %parallel_loop3A_584] {strides = array<i32>} : memref<64x512xf32, #tpu.memory_space<vmem>>, vector<16xf32>,
        tpu.vector_store %arg9[%parallel_loop3A_583, %parallel_loop3A_584], %parallel_loop3A_579 {strides = array<i32>} : memref<64x512xf32, #tpu.memory_space<vmem>>, vector<16xf32>,
        %parallel_loop3A_586 = arith.constant 800 : i32
        %parallel_loop3A_587 = vector.broadcast %parallel_loop3A_586 : i32 to vector<16xi32>
        %parallel_loop3A_588 = arith.ori %parallel_loop3A_85, %parallel_loop3A_587 : vector<16xi32>
        %parallel_loop3A_589 = tpu.vector_load_idx %arg5[%parallel_loop3A_588] : memref<12288xf32, #tpu.memory_space<vmem>>[vector<16xi32>], vector<16xf32>,
        %parallel_loop3A_590 = arith.constant 16 : i32
        %parallel_loop3A_591 = arith.muli %parallel_loop3A_76, %parallel_loop3A_590 : i32
        %parallel_loop3A_592 = arith.constant 50 : i32
        %parallel_loop3A_593 = arith.index_cast %parallel_loop3A_592 : i32 to index
        %parallel_loop3A_594 = arith.index_cast %parallel_loop3A_591 : i32 to index
        %parallel_loop3A_595 = tpu.vector_load %arg9[%parallel_loop3A_593, %parallel_loop3A_594] {strides = array<i32>} : memref<64x512xf32, #tpu.memory_space<vmem>>, vector<16xf32>,
        tpu.vector_store %arg9[%parallel_loop3A_593, %parallel_loop3A_594], %parallel_loop3A_589 {strides = array<i32>} : memref<64x512xf32, #tpu.memory_space<vmem>>, vector<16xf32>,
        %parallel_loop3A_596 = arith.constant 816 : i32
        %parallel_loop3A_597 = vector.broadcast %parallel_loop3A_596 : i32 to vector<16xi32>
        %parallel_loop3A_598 = arith.ori %parallel_loop3A_85, %parallel_loop3A_597 : vector<16xi32>
        %parallel_loop3A_599 = tpu.vector_load_idx %arg5[%parallel_loop3A_598] : memref<12288xf32, #tpu.memory_space<vmem>>[vector<16xi32>], vector<16xf32>,
        %parallel_loop3A_600 = arith.constant 16 : i32
        %parallel_loop3A_601 = arith.muli %parallel_loop3A_76, %parallel_loop3A_600 : i32
        %parallel_loop3A_602 = arith.constant 51 : i32
        %parallel_loop3A_603 = arith.index_cast %parallel_loop3A_602 : i32 to index
        %parallel_loop3A_604 = arith.index_cast %parallel_loop3A_601 : i32 to index
        %parallel_loop3A_605 = tpu.vector_load %arg9[%parallel_loop3A_603, %parallel_loop3A_604] {strides = array<i32>} : memref<64x512xf32, #tpu.memory_space<vmem>>, vector<16xf32>,
        tpu.vector_store %arg9[%parallel_loop3A_603, %parallel_loop3A_604], %parallel_loop3A_599 {strides = array<i32>} : memref<64x512xf32, #tpu.memory_space<vmem>>, vector<16xf32>,
        %parallel_loop3A_606 = arith.constant 832 : i32
        %parallel_loop3A_607 = vector.broadcast %parallel_loop3A_606 : i32 to vector<16xi32>
        %parallel_loop3A_608 = arith.ori %parallel_loop3A_85, %parallel_loop3A_607 : vector<16xi32>
        %parallel_loop3A_609 = tpu.vector_load_idx %arg5[%parallel_loop3A_608] : memref<12288xf32, #tpu.memory_space<vmem>>[vector<16xi32>], vector<16xf32>,
        %parallel_loop3A_610 = arith.constant 16 : i32
        %parallel_loop3A_611 = arith.muli %parallel_loop3A_76, %parallel_loop3A_610 : i32
        %parallel_loop3A_612 = arith.constant 52 : i32
        %parallel_loop3A_613 = arith.index_cast %parallel_loop3A_612 : i32 to index
        %parallel_loop3A_614 = arith.index_cast %parallel_loop3A_611 : i32 to index
        %parallel_loop3A_615 = tpu.vector_load %arg9[%parallel_loop3A_613, %parallel_loop3A_614] {strides = array<i32>} : memref<64x512xf32, #tpu.memory_space<vmem>>, vector<16xf32>,
        tpu.vector_store %arg9[%parallel_loop3A_613, %parallel_loop3A_614], %parallel_loop3A_609 {strides = array<i32>} : memref<64x512xf32, #tpu.memory_space<vmem>>, vector<16xf32>,
        %parallel_loop3A_616 = arith.constant 848 : i32
        %parallel_loop3A_617 = vector.broadcast %parallel_loop3A_616 : i32 to vector<16xi32>
        %parallel_loop3A_618 = arith.ori %parallel_loop3A_85, %parallel_loop3A_617 : vector<16xi32>
        %parallel_loop3A_619 = tpu.vector_load_idx %arg5[%parallel_loop3A_618] : memref<12288xf32, #tpu.memory_space<vmem>>[vector<16xi32>], vector<16xf32>,
        %parallel_loop3A_620 = arith.constant 16 : i32
        %parallel_loop3A_621 = arith.muli %parallel_loop3A_76, %parallel_loop3A_620 : i32
        %parallel_loop3A_622 = arith.constant 53 : i32
        %parallel_loop3A_623 = arith.index_cast %parallel_loop3A_622 : i32 to index
        %parallel_loop3A_624 = arith.index_cast %parallel_loop3A_621 : i32 to index
        %parallel_loop3A_625 = tpu.vector_load %arg9[%parallel_loop3A_623, %parallel_loop3A_624] {strides = array<i32>} : memref<64x512xf32, #tpu.memory_space<vmem>>, vector<16xf32>,
        tpu.vector_store %arg9[%parallel_loop3A_623, %parallel_loop3A_624], %parallel_loop3A_619 {strides = array<i32>} : memref<64x512xf32, #tpu.memory_space<vmem>>, vector<16xf32>,
        %parallel_loop3A_626 = arith.constant 864 : i32
        %parallel_loop3A_627 = vector.broadcast %parallel_loop3A_626 : i32 to vector<16xi32>
        %parallel_loop3A_628 = arith.ori %parallel_loop3A_85, %parallel_loop3A_627 : vector<16xi32>
        %parallel_loop3A_629 = tpu.vector_load_idx %arg5[%parallel_loop3A_628] : memref<12288xf32, #tpu.memory_space<vmem>>[vector<16xi32>], vector<16xf32>,
        %parallel_loop3A_630 = arith.constant 16 : i32
        %parallel_loop3A_631 = arith.muli %parallel_loop3A_76, %parallel_loop3A_630 : i32
        %parallel_loop3A_632 = arith.constant 54 : i32
        %parallel_loop3A_633 = arith.index_cast %parallel_loop3A_632 : i32 to index
        %parallel_loop3A_634 = arith.index_cast %parallel_loop3A_631 : i32 to index
        %parallel_loop3A_635 = tpu.vector_load %arg9[%parallel_loop3A_633, %parallel_loop3A_634] {strides = array<i32>} : memref<64x512xf32, #tpu.memory_space<vmem>>, vector<16xf32>,
        tpu.vector_store %arg9[%parallel_loop3A_633, %parallel_loop3A_634], %parallel_loop3A_629 {strides = array<i32>} : memref<64x512xf32, #tpu.memory_space<vmem>>, vector<16xf32>,
        %parallel_loop3A_636 = arith.constant 880 : i32
        %parallel_loop3A_637 = vector.broadcast %parallel_loop3A_636 : i32 to vector<16xi32>
        %parallel_loop3A_638 = arith.ori %parallel_loop3A_85, %parallel_loop3A_637 : vector<16xi32>
        %parallel_loop3A_639 = tpu.vector_load_idx %arg5[%parallel_loop3A_638] : memref<12288xf32, #tpu.memory_space<vmem>>[vector<16xi32>], vector<16xf32>,
        %parallel_loop3A_640 = arith.constant 16 : i32
        %parallel_loop3A_641 = arith.muli %parallel_loop3A_76, %parallel_loop3A_640 : i32
        %parallel_loop3A_642 = arith.constant 55 : i32
        %parallel_loop3A_643 = arith.index_cast %parallel_loop3A_642 : i32 to index
        %parallel_loop3A_644 = arith.index_cast %parallel_loop3A_641 : i32 to index
        %parallel_loop3A_645 = tpu.vector_load %arg9[%parallel_loop3A_643, %parallel_loop3A_644] {strides = array<i32>} : memref<64x512xf32, #tpu.memory_space<vmem>>, vector<16xf32>,
        tpu.vector_store %arg9[%parallel_loop3A_643, %parallel_loop3A_644], %parallel_loop3A_639 {strides = array<i32>} : memref<64x512xf32, #tpu.memory_space<vmem>>, vector<16xf32>,
        %parallel_loop3A_646 = arith.constant 896 : i32
        %parallel_loop3A_647 = vector.broadcast %parallel_loop3A_646 : i32 to vector<16xi32>
        %parallel_loop3A_648 = arith.ori %parallel_loop3A_85, %parallel_loop3A_647 : vector<16xi32>
        %parallel_loop3A_649 = tpu.vector_load_idx %arg5[%parallel_loop3A_648] : memref<12288xf32, #tpu.memory_space<vmem>>[vector<16xi32>], vector<16xf32>,
        %parallel_loop3A_650 = arith.constant 16 : i32
        %parallel_loop3A_651 = arith.muli %parallel_loop3A_76, %parallel_loop3A_650 : i32
        %parallel_loop3A_652 = arith.constant 56 : i32
        %parallel_loop3A_653 = arith.index_cast %parallel_loop3A_652 : i32 to index
        %parallel_loop3A_654 = arith.index_cast %parallel_loop3A_651 : i32 to index
        %parallel_loop3A_655 = tpu.vector_load %arg9[%parallel_loop3A_653, %parallel_loop3A_654] {strides = array<i32>} : memref<64x512xf32, #tpu.memory_space<vmem>>, vector<16xf32>,
        tpu.vector_store %arg9[%parallel_loop3A_653, %parallel_loop3A_654], %parallel_loop3A_649 {strides = array<i32>} : memref<64x512xf32, #tpu.memory_space<vmem>>, vector<16xf32>,
        %parallel_loop3A_656 = arith.constant 912 : i32
        %parallel_loop3A_657 = vector.broadcast %parallel_loop3A_656 : i32 to vector<16xi32>
        %parallel_loop3A_658 = arith.ori %parallel_loop3A_85, %parallel_loop3A_657 : vector<16xi32>
        %parallel_loop3A_659 = tpu.vector_load_idx %arg5[%parallel_loop3A_658] : memref<12288xf32, #tpu.memory_space<vmem>>[vector<16xi32>], vector<16xf32>,
        %parallel_loop3A_660 = arith.constant 16 : i32
        %parallel_loop3A_661 = arith.muli %parallel_loop3A_76, %parallel_loop3A_660 : i32
        %parallel_loop3A_662 = arith.constant 57 : i32
        %parallel_loop3A_663 = arith.index_cast %parallel_loop3A_662 : i32 to index
        %parallel_loop3A_664 = arith.index_cast %parallel_loop3A_661 : i32 to index
        %parallel_loop3A_665 = tpu.vector_load %arg9[%parallel_loop3A_663, %parallel_loop3A_664] {strides = array<i32>} : memref<64x512xf32, #tpu.memory_space<vmem>>, vector<16xf32>,
        tpu.vector_store %arg9[%parallel_loop3A_663, %parallel_loop3A_664], %parallel_loop3A_659 {strides = array<i32>} : memref<64x512xf32, #tpu.memory_space<vmem>>, vector<16xf32>,
        %parallel_loop3A_666 = arith.constant 928 : i32
        %parallel_loop3A_667 = vector.broadcast %parallel_loop3A_666 : i32 to vector<16xi32>
        %parallel_loop3A_668 = arith.ori %parallel_loop3A_85, %parallel_loop3A_667 : vector<16xi32>
        %parallel_loop3A_669 = tpu.vector_load_idx %arg5[%parallel_loop3A_668] : memref<12288xf32, #tpu.memory_space<vmem>>[vector<16xi32>], vector<16xf32>,
        %parallel_loop3A_670 = arith.constant 16 : i32
        %parallel_loop3A_671 = arith.muli %parallel_loop3A_76, %parallel_loop3A_670 : i32
        %parallel_loop3A_672 = arith.constant 58 : i32
        %parallel_loop3A_673 = arith.index_cast %parallel_loop3A_672 : i32 to index
        %parallel_loop3A_674 = arith.index_cast %parallel_loop3A_671 : i32 to index
        %parallel_loop3A_675 = tpu.vector_load %arg9[%parallel_loop3A_673, %parallel_loop3A_674] {strides = array<i32>} : memref<64x512xf32, #tpu.memory_space<vmem>>, vector<16xf32>,
        tpu.vector_store %arg9[%parallel_loop3A_673, %parallel_loop3A_674], %parallel_loop3A_669 {strides = array<i32>} : memref<64x512xf32, #tpu.memory_space<vmem>>, vector<16xf32>,
        %parallel_loop3A_676 = arith.constant 944 : i32
        %parallel_loop3A_677 = vector.broadcast %parallel_loop3A_676 : i32 to vector<16xi32>
        %parallel_loop3A_678 = arith.ori %parallel_loop3A_85, %parallel_loop3A_677 : vector<16xi32>
        %parallel_loop3A_679 = tpu.vector_load_idx %arg5[%parallel_loop3A_678] : memref<12288xf32, #tpu.memory_space<vmem>>[vector<16xi32>], vector<16xf32>,
        %parallel_loop3A_680 = arith.constant 16 : i32
        %parallel_loop3A_681 = arith.muli %parallel_loop3A_76, %parallel_loop3A_680 : i32
        %parallel_loop3A_682 = arith.constant 59 : i32
        %parallel_loop3A_683 = arith.index_cast %parallel_loop3A_682 : i32 to index
        %parallel_loop3A_684 = arith.index_cast %parallel_loop3A_681 : i32 to index
        %parallel_loop3A_685 = tpu.vector_load %arg9[%parallel_loop3A_683, %parallel_loop3A_684] {strides = array<i32>} : memref<64x512xf32, #tpu.memory_space<vmem>>, vector<16xf32>,
        tpu.vector_store %arg9[%parallel_loop3A_683, %parallel_loop3A_684], %parallel_loop3A_679 {strides = array<i32>} : memref<64x512xf32, #tpu.memory_space<vmem>>, vector<16xf32>,
        %parallel_loop3A_686 = arith.constant 960 : i32
        %parallel_loop3A_687 = vector.broadcast %parallel_loop3A_686 : i32 to vector<16xi32>
        %parallel_loop3A_688 = arith.ori %parallel_loop3A_85, %parallel_loop3A_687 : vector<16xi32>
        %parallel_loop3A_689 = tpu.vector_load_idx %arg5[%parallel_loop3A_688] : memref<12288xf32, #tpu.memory_space<vmem>>[vector<16xi32>], vector<16xf32>,
        %parallel_loop3A_690 = arith.constant 16 : i32
        %parallel_loop3A_691 = arith.muli %parallel_loop3A_76, %parallel_loop3A_690 : i32
        %parallel_loop3A_692 = arith.constant 60 : i32
        %parallel_loop3A_693 = arith.index_cast %parallel_loop3A_692 : i32 to index
        %parallel_loop3A_694 = arith.index_cast %parallel_loop3A_691 : i32 to index
        %parallel_loop3A_695 = tpu.vector_load %arg9[%parallel_loop3A_693, %parallel_loop3A_694] {strides = array<i32>} : memref<64x512xf32, #tpu.memory_space<vmem>>, vector<16xf32>,
        tpu.vector_store %arg9[%parallel_loop3A_693, %parallel_loop3A_694], %parallel_loop3A_689 {strides = array<i32>} : memref<64x512xf32, #tpu.memory_space<vmem>>, vector<16xf32>,
        %parallel_loop3A_696 = arith.constant 976 : i32
        %parallel_loop3A_697 = vector.broadcast %parallel_loop3A_696 : i32 to vector<16xi32>
        %parallel_loop3A_698 = arith.ori %parallel_loop3A_85, %parallel_loop3A_697 : vector<16xi32>
        %parallel_loop3A_699 = tpu.vector_load_idx %arg5[%parallel_loop3A_698] : memref<12288xf32, #tpu.memory_space<vmem>>[vector<16xi32>], vector<16xf32>,
        %parallel_loop3A_700 = arith.constant 16 : i32
        %parallel_loop3A_701 = arith.muli %parallel_loop3A_76, %parallel_loop3A_700 : i32
        %parallel_loop3A_702 = arith.constant 61 : i32
        %parallel_loop3A_703 = arith.index_cast %parallel_loop3A_702 : i32 to index
        %parallel_loop3A_704 = arith.index_cast %parallel_loop3A_701 : i32 to index
        %parallel_loop3A_705 = tpu.vector_load %arg9[%parallel_loop3A_703, %parallel_loop3A_704] {strides = array<i32>} : memref<64x512xf32, #tpu.memory_space<vmem>>, vector<16xf32>,
        tpu.vector_store %arg9[%parallel_loop3A_703, %parallel_loop3A_704], %parallel_loop3A_699 {strides = array<i32>} : memref<64x512xf32, #tpu.memory_space<vmem>>, vector<16xf32>,
        %parallel_loop3A_706 = arith.constant 992 : i32
        %parallel_loop3A_707 = vector.broadcast %parallel_loop3A_706 : i32 to vector<16xi32>
        %parallel_loop3A_708 = arith.ori %parallel_loop3A_85, %parallel_loop3A_707 : vector<16xi32>
        %parallel_loop3A_709 = tpu.vector_load_idx %arg5[%parallel_loop3A_708] : memref<12288xf32, #tpu.memory_space<vmem>>[vector<16xi32>], vector<16xf32>,
        %parallel_loop3A_710 = arith.constant 16 : i32
        %parallel_loop3A_711 = arith.muli %parallel_loop3A_76, %parallel_loop3A_710 : i32
        %parallel_loop3A_712 = arith.constant 62 : i32
        %parallel_loop3A_713 = arith.index_cast %parallel_loop3A_712 : i32 to index
        %parallel_loop3A_714 = arith.index_cast %parallel_loop3A_711 : i32 to index
        %parallel_loop3A_715 = tpu.vector_load %arg9[%parallel_loop3A_713, %parallel_loop3A_714] {strides = array<i32>} : memref<64x512xf32, #tpu.memory_space<vmem>>, vector<16xf32>,
        tpu.vector_store %arg9[%parallel_loop3A_713, %parallel_loop3A_714], %parallel_loop3A_709 {strides = array<i32>} : memref<64x512xf32, #tpu.memory_space<vmem>>, vector<16xf32>,
        %parallel_loop3A_716 = arith.constant 1008 : i32
        %parallel_loop3A_717 = vector.broadcast %parallel_loop3A_716 : i32 to vector<16xi32>
        %parallel_loop3A_718 = arith.ori %parallel_loop3A_85, %parallel_loop3A_717 : vector<16xi32>
        %parallel_loop3A_719 = tpu.vector_load_idx %arg5[%parallel_loop3A_718] : memref<12288xf32, #tpu.memory_space<vmem>>[vector<16xi32>], vector<16xf32>,
        %parallel_loop3A_720 = arith.constant 16 : i32
        %parallel_loop3A_721 = arith.muli %parallel_loop3A_76, %parallel_loop3A_720 : i32
        %parallel_loop3A_722 = arith.constant 63 : i32
        %parallel_loop3A_723 = arith.index_cast %parallel_loop3A_722 : i32 to index
        %parallel_loop3A_724 = arith.index_cast %parallel_loop3A_721 : i32 to index
        %parallel_loop3A_725 = tpu.vector_load %arg9[%parallel_loop3A_723, %parallel_loop3A_724] {strides = array<i32>} : memref<64x512xf32, #tpu.memory_space<vmem>>, vector<16xf32>,
        tpu.vector_store %arg9[%parallel_loop3A_723, %parallel_loop3A_724], %parallel_loop3A_719 {strides = array<i32>} : memref<64x512xf32, #tpu.memory_space<vmem>>, vector<16xf32>,
      } {sc.loop_unroll_factor = 2 : i64, sc.parallel_access}
      %dma_start3A_70 = arith.constant 0 : i32
      %dma_start3A_71 = tpu.memref_slice %arg4[%add3A_52, %dma_start3A_70, %mul3A_2] : memref<200x64x16384xf32, #tpu.memory_space<hbm>> -> memref<1x64x512xf32, #tpu.memory_space<hbm>>
      %dma_start3A_72 = tpu.memref_squeeze %dma_start3A_71 : memref<1x64x512xf32, #tpu.memory_space<hbm>> -> memref<64x512xf32, #tpu.memory_space<hbm>>
      %dma_start3A_73 = arith.constant 0 : i32
      %dma_start3A_74 = tpu.memref_slice %arg4[%add3A_52, %dma_start3A_73, %mul3A_2] : memref<200x64x16384xf32, #tpu.memory_space<hbm>> -> memref<1x64x512xf32, #tpu.memory_space<hbm>>
      %dma_start3A_75 = tpu.memref_squeeze %dma_start3A_74 : memref<1x64x512xf32, #tpu.memory_space<hbm>> -> memref<64x512xf32, #tpu.memory_space<hbm>>
      tpu.enqueue_dma source(%arg9 : memref<64x512xf32, #tpu.memory_space<vmem>>) target(%dma_start3A_75 : memref<64x512xf32, #tpu.memory_space<hbm>>) target_semaphore(%arg13 : memref<!tpu.dma_semaphore, #tpu.memory_space<semaphore_mem>>)
    }
    %scan3A_11 = arith.constant 100 : i32
    %dma_wait3A = arith.constant 0 : i32
    %dma_wait3A_12 = arith.constant 0 : i32
    %dma_wait3A_13 = tpu.memref_slice %arg4[%dma_wait3A, %dma_wait3A_12, %mul3A_2] : memref<200x64x16384xf32, #tpu.memory_space<hbm>> -> memref<1x64x512xf32, #tpu.memory_space<hbm>>
    %dma_wait3A_14 = tpu.memref_squeeze %dma_wait3A_13 : memref<1x64x512xf32, #tpu.memory_space<hbm>> -> memref<64x512xf32, #tpu.memory_space<hbm>>
    %dma_wait3A_15 = arith.constant 0 : i32
    %dma_wait3A_16 = tpu.memref_slice %arg4[%dma_wait3A, %dma_wait3A_15, %mul3A_2] : memref<200x64x16384xf32, #tpu.memory_space<hbm>> -> memref<1x64x512xf32, #tpu.memory_space<hbm>>
    %dma_wait3A_17 = tpu.memref_squeeze %dma_wait3A_16 : memref<1x64x512xf32, #tpu.memory_space<hbm>> -> memref<64x512xf32, #tpu.memory_space<hbm>>
    tpu.wait_dma2 semaphore(%arg12 : memref<!tpu.dma_semaphore, #tpu.memory_space<semaphore_mem>>) src(%arg8 : memref<64x512xf32, #tpu.memory_space<vmem>>) dst(%dma_wait3A_17 : memref<64x512xf32, #tpu.memory_space<hbm>>)
    %dma_wait3A_18 = arith.constant 0 : i32
    %dma_wait3A_19 = arith.constant 0 : i32
    %dma_wait3A_20 = tpu.memref_slice %arg4[%dma_wait3A_18, %dma_wait3A_19, %mul3A_2] : memref<200x64x16384xf32, #tpu.memory_space<hbm>> -> memref<1x64x512xf32, #tpu.memory_space<hbm>>
    %dma_wait3A_21 = tpu.memref_squeeze %dma_wait3A_20 : memref<1x64x512xf32, #tpu.memory_space<hbm>> -> memref<64x512xf32, #tpu.memory_space<hbm>>
    %dma_wait3A_22 = arith.constant 0 : i32
    %dma_wait3A_23 = tpu.memref_slice %arg4[%dma_wait3A_18, %dma_wait3A_22, %mul3A_2] : memref<200x64x16384xf32, #tpu.memory_space<hbm>> -> memref<1x64x512xf32, #tpu.memory_space<hbm>>
    %dma_wait3A_24 = tpu.memref_squeeze %dma_wait3A_23 : memref<1x64x512xf32, #tpu.memory_space<hbm>> -> memref<64x512xf32, #tpu.memory_space<hbm>>
    tpu.wait_dma2 semaphore(%arg13 : memref<!tpu.dma_semaphore, #tpu.memory_space<semaphore_mem>>) src(%arg9 : memref<64x512xf32, #tpu.memory_space<vmem>>) dst(%dma_wait3A_24 : memref<64x512xf32, #tpu.memory_space<hbm>>)
    return
  }
}

</mosaic_0001>

<sc_bundles>
// kernel: kernel.3.cloned.1.call-start
scs
__scs_entry_jumppad:
0x0: {  	(pc) =	sbr.rel $0x88, $3  }
0x1: {  	(tag) =	ssettag $0x0;
	lr =	simm.s32 $0x1  }
0x2: {  	[smem:$0x3F9F] =	sst lr;
	_ =	strace $0xD0000000  }
0x3: {  	_ = 	snop  }
0x4: {  	_ = 	snop  }
0x5: {  	_ = 	snop  }
0x6: {  	_ = 	snop  }
0x7: {  	_ = 	snop  }
__scs_overlays_trampoline_lowered:
0x8: {  	[smem:$0x3FAE] =	sst s0  }
0x9: {  	[smem:$0x3FAF] =	sst s1  }
0xa: {  	[smem:$0x3FB0] =	sst s2  }
0xb: {  	[smem:$0x3FB1] =	sst s3  }
0xc: {  	[smem:$0x3FB2] =	sst s4  }
0xd: {  	[smem:$0x3FB3] =	sst s5  }
0xe: {  	[smem:$0x3FB4] =	sst s6  }
0xf: {  	[smem:$0x3FB5] =	sst s7  }
0x10: {  	[smem:$0x3FB6] =	sst s8  }
0x11: {  	[smem:$0x3FB7] =	sst s9;
	s0 =	simm.s32 @!p0 $0x0  }
0x12: {  	s1 =	sld [smem:$0x3F9D];
	s0 =	simm.s32 @p0 $0x1  }
0x13: {  	[smem:$0x3FB8] =	sst s0;
	s0 =	simm.s32 @!p1 $0x0  }
0x14: {  	s2 =	sld [smem:$0x3F9C];
	s0 =	simm.s32 @p1 $0x1  }
0x15: {  	[smem:$0x3FB9] =	sst s0;
	s0 =	simm.s32 @!p2 $0x0  }
0x16: {  	s3 =	sld [smem:$0x3FDB];
	s0 =	simm.s32 @p2 $0x1  }
0x17: {  	s4 =	simm.s32 $0x1BF5;
	[smem:$0x3FBB] =	sst s0  }
0x18: {  	s0 =	sld [smem:$0x3F9E];
	_ =	swait.ge [sflag:s4], $0x0  }
0x19: {  	s7 =	sld [smem:$0x3F9F]  }
0x1a: {  	s8 =	sadd.s32 $0xFFFFE003, lr  }
0x1b: {  	s9 =	sadd.s32 $0xFFFFFEF7, lr;
	s5 =	simm.s32 $0xFFFFFFFF;
	p2 =	slt.u32 s8, $0xFFFFF086  }
0x1c: {  	p1 =	slt.u32 s9, $0xF7A;
	s5 =	simm.s32 @!p2 $0x0  }
0x1d: {  	s5 =	simm.s32 @p1 $0x1;
	p0 =	seq.s32 s7, s2  }
0x1e: {  	s7 =	smul.u32 @!p0 $0xF7A, s2;
	p2 =	seq.s32 @!p0 s5, $0x0  }
0x1f: {  	s9 =	smul.u32 $0xF7A, s1;
	s8 =	simm.s32 @!p0 $0x1BF5;
	p2 =	por !p2, p0  }
0x20: {  	[sflag:s8] =	ssyncset.s32 @!p0 $0xFFFFF086;
	s6 =	sadd.s32 @!p0 s3, s7;
	s7 =	simm.s32 @!p0 $0x108  }
0x21: {  	s3 =	sadd.s32 s3, s9;
	s6 =	sadd.s32 @!p0 $0x88, s6;
	s7 =	simm.s32 @p2 $0x1082  }
0x22: {  	[simem:s7], [sflag:s8] =	dma.local @!p0 [hbm:s6], $0xF7A  }
0x23: {  	s9 =	sor.u32 $0xD0000000, s2;
	s6 =	simm.s32 $0x108;
	_ =	swait.ge @!p0 [sflag:s8], $0x0  }
0x24: {  	s3 =	sadd.s32 $0x88, s3;
	s6 =	simm.s32 @!p1 $0x1082;
	[sflag:s4] =	ssyncset.s32 $0xFFFFF086  }
0x25: {  	[simem:s6], [sflag:s4] =	dma.local [hbm:s3], $0xF7A  }
0x26: {  	[smem:$0x3F9F] =	sst s1;
	(tag) =	ssettag s2;
	_ =	strace s9  }
0x27: {  	s1 =	sld [smem:$0x3FAF]  }
0x28: {  	s2 =	sld [smem:$0x3FB0]  }
0x29: {  	s4 =	sld [smem:$0x3FB2]  }
0x2a: {  	p0 =	seq.s32 s5, $0x0;
	s5 =	sld [smem:$0x3FB3]  }
0x2b: {  	s6 =	sld [smem:$0x3FB4]  }
0x2c: {  	s7 =	sld [smem:$0x3FB5]  }
0x2d: {  	s3 =	simm.s32 $0x108;
	s8 =	sld [smem:$0x3FB6]  }
0x2e: {  	s3 =	simm.s32 @!p0 $0x1082;
	s9 =	sld [smem:$0x3FB7]  }
0x2f: {  	lr =	sadd.s32 s0, s3;
	s0 =	sld [smem:$0x3FAE]  }
0x30: {  	s3 =	sld [smem:$0x3FB1]  }
0x31: {  	[smem:$0x3FBA] =	sst s10  }
0x32: {  	s10 =	sld [smem:$0x3FB8];
	_ =	sdelay $0x3  }
0x33: {  	p0 =	seq.s32 s10, $0x1;
	s10 =	sld [smem:$0x3FBA];
	_ =	sdelay $0x3  }
0x34: {  	[smem:$0x3FBA] =	sst s10  }
0x35: {  	s10 =	sld [smem:$0x3FB9];
	_ =	sdelay $0x3  }
0x36: {  	p1 =	seq.s32 s10, $0x1;
	s10 =	sld [smem:$0x3FBA];
	_ =	sdelay $0x3  }
0x37: {  	[smem:$0x3FBA] =	sst s10  }
0x38: {  	s10 =	sld [smem:$0x3FBB]  }
0x39: {  	_ = 	snop;
	(pc) =	sbr.ind lr, $3  }
0x3a: {  	_ = 	snop  }
0x3b: {  	_ = 	snop  }
0x3c: {  	p2 =	seq.s32 s10, $0x1;
	s10 =	sld [smem:$0x3FBA]  }
0x3d: {  	_ =	shalt  }
0x3e: {  	_ =	shalt  }
0x3f: {  	_ =	shalt  }
0x40: {  	_ =	shalt  }
0x41: {  	_ =	shalt  }
0x42: {  	_ =	shalt  }
0x43: {  	_ =	shalt  }
0x44: {  	_ =	shalt  }
0x45: {  	_ =	shalt  }
0x46: {  	_ =	shalt  }
0x47: {  	_ =	shalt  }
0x48: {  	_ =	shalt  }
0x49: {  	_ =	shalt  }
0x4a: {  	_ =	shalt  }
0x4b: {  	_ =	shalt  }
0x4c: {  	_ =	shalt  }
0x4d: {  	_ =	shalt  }
0x4e: {  	_ =	shalt  }
0x4f: {  	_ =	shalt  }
0x50: {  	_ =	shalt  }
0x51: {  	_ =	shalt  }
0x52: {  	_ =	shalt  }
0x53: {  	_ =	shalt  }
0x54: {  	_ =	shalt  }
0x55: {  	_ =	shalt  }
0x56: {  	_ =	shalt  }
0x57: {  	_ =	shalt  }
0x58: {  	_ =	shalt  }
0x59: {  	_ =	shalt  }
0x5a: {  	_ =	shalt  }
0x5b: {  	_ =	shalt  }
0x5c: {  	_ =	shalt  }
0x5d: {  	_ =	shalt  }
0x5e: {  	_ =	shalt  }
0x5f: {  	_ =	shalt  }
0x60: {  	_ =	shalt  }
0x61: {  	_ =	shalt  }
0x62: {  	_ =	shalt  }
0x63: {  	_ =	shalt  }
0x64: {  	_ =	shalt  }
0x65: {  	_ =	shalt  }
0x66: {  	_ =	shalt  }
0x67: {  	_ =	shalt  }
0x68: {  	_ =	shalt  }
0x69: {  	_ =	shalt  }
0x6a: {  	_ =	shalt  }
0x6b: {  	_ =	shalt  }
0x6c: {  	_ =	shalt  }
0x6d: {  	_ =	shalt  }
0x6e: {  	_ =	shalt  }
0x6f: {  	_ =	shalt  }
0x70: {  	_ =	shalt  }
0x71: {  	_ =	shalt  }
0x72: {  	_ =	shalt  }
0x73: {  	_ =	shalt  }
0x74: {  	_ =	shalt  }
0x75: {  	_ =	shalt  }
0x76: {  	_ =	shalt  }
0x77: {  	_ =	shalt  }
0x78: {  	_ =	shalt  }
0x79: {  	_ =	shalt  }
0x7a: {  	_ =	shalt  }
0x7b: {  	_ =	shalt  }
0x7c: {  	_ =	shalt  }
0x7d: {  	_ =	shalt  }
0x7e: {  	_ =	shalt  }
0x7f: {  	_ =	shalt  }
0x80: {  	_ =	shalt  }
0x81: {  	_ =	shalt  }
0x82: {  	_ =	shalt  }
0x83: {  	_ =	shalt  }
0x84: {  	_ =	shalt  }
0x85: {  	_ =	shalt  }
0x86: {  	_ =	shalt  }
0x87: {  	_ =	shalt  }
.Lfunc_end0:
.L_simem_size_0:
called_computation_lowered:
.L_overlay_start_0:
0x88: {  	s2 =	sld [smem:$0x3FD9]  }
0x89: {  	s3 =	sld [smem:$0x3FFE];
	_ =	sdelay $0x1  }
0x8a: {  	s1 =	srdreg.scid  }
0x8b: {  	s0 =	sand.u32 $0x1, s1  }
0x8c: {  	s17 =	sshll.u32 s0, $0xA;
	s2 =	sadd.s32 s3, s2  }
0x8d: {  	s2 =	sadd.s32 s2, s17  }
0x8e: {  	[smem:$0x3FC6] =	sst s2  }
0x8f: {  	_ = 	snop  }
0x90: {  	s2 =	sld [smem:$0x3FC9]  }
0x91: {  	s18 =	sld [smem:$0x3FD0];
	(tm) =	ssettm $0x1  }
0x92: {  	s4 =	sld [smem:$0x3FFB];
	_ =	sdelay $0x3  }
0x93: {  	_ =	strace s4  }
0x94: {  	s4 =	sld [smem:$0x3FFC];
	_ =	sdelay $0x3  }
0x95: {  	_ =	strace s4  }
0x96: {  	s4 =	sld [smem:$0x3FFD];
	_ =	sdelay $0x3  }
0x97: {  	_ =	strace s4  }
0x98: {  	_ =	strace $0x8FFFFFFF  }
0x99: {  	s19 =	sld [smem:$0x3FDB];
	_ =	sdelay $0x1  }
0x9a: {  	s5 =	simm.s32 $_scs_section_size  }
0x9b: {  	s6 =	simm.s32 $_size__tile_overlayer_lowered;
	s7 =	simm.s32 $_tile_overlayer_lowered  }
0x9c: {  	s22 =	simm.s32 $0x1BFF;
	s21 =	sshll.u32 s7, $0x1;
	s4 =	sadd.s32 s5, s19  }
0x9d: {  	s8 =	simm.s32 $0x0;
	s20 =	sshll.u32 s6, $0x1;
	s6 =	sadd.s32 s21, s4  }
0x9e: {  	[timem:s8], [sflag:s22] =	dma.local [hbm:s6], s20  }
0x9f: {  	_ =	swait.ge [sflag:s22], s20  }
0xa0: {  	s5 =	ssub.s32 $0x0, s20;
	[sflag:s22] =	ssyncset.done $0x0  }
0xa1: {  	[sflag:s22] =	ssyncadd.s32 s5;
	_ =	sdelay $0x1  }
0xa2: {  	s23 =	simm.s32 $0x1B8B  }
0xa3: {  	_ =	swait.ge [sflag:s23], $0x1  }
0xa4: {  	[sflag:s23] =	ssyncset.done $0x0  }
0xa5: {  	s25 =	simm.s32 $0x1B8E;
	s24 =	sld [smem:$0x3FFE];
	[sflag:s23] =	ssyncadd.s32 $0xFFFFFFFF  }
0xa6: {  	s26 =	simm.s32 $execute0_lowered;
	[smem:$0x3FD2] =	sst s25  }
0xa7: {  	s6 =	sshll.u32 s26, $0x1;
	_ =	strace $0x80000046;
	[dreg:$0x1] =	wrdreg $0xFFFFFFFF  }
0xa8: {  	s28 =	simm.s32 $_size_execute0_lowered;
	s4 =	sadd.s32 s4, s6;
	[dreg:$0x0] =	wrdreg $0x0  }
0xa9: {  	s6 =	sshll.u32 s28, $0x1;
	[dreg:$0x2] =	wrdreg s4  }
0xaa: {  	[dreg:$0x3] =	wrdreg s6  }
0xab: {  	[dreg:$0x4] =	wrdreg $0xC0  }
0xac: {  	_ =	task [dreg:s8], $0x5FFFF  }
0xad: {  	[dreg:$0x1] =	wrdreg $0xFFFFFFFF  }
0xae: {  	[dreg:$0x0] =	wrdreg $0x60  }
0xaf: {  	[dreg:$0x2] =	wrdreg s24  }
0xb0: {  	[dreg:$0x3] =	wrdreg s2  }
0xb1: {  	[dreg:$0x4] =	wrdreg s18  }
0xb2: {  	[dreg:$0x5] =	wrdreg $0x9  }
0xb3: {  	_ =	task.clear_ibuf [dreg:s8], $0x6FFFF;
	_ =	strace $0x90000046  }
0xb4: {  	s29 =	simm.s32 $0x9;
	_ =	strace $0x80000048  }
0xb5: {  	_ =	swait.ge [sflag:s29], $0x1  }
0xb6: {  	[sflag:s29] =	ssyncadd.s32 $0xFFFFFFFF  }
0xb7: {  	_ =	strace $0x90000048  }
0xb8: {  	_ =	sfence  }
0xb9: {  	s30 =	sld [smem:$0x0];
	_ =	sdelay $0x2  }
0xba: {  	s31 =	sshll.u32 s1, $0xD;
	s1 =	sshrl.u32 s1, $0x2  }
0xbb: {  	s3 =	sand.u32 $0x4000, s31;
	s1 =	sadd.s32 s1, s30  }
0xbc: {  	s0 =	sor.u32 s3, s0;
	s1 =	sshll.u32 s1, $0x11  }
0xbd: {  	s0 =	sor.u32 s1, s0  }
0xbe: {  	s0 =	sadd.s32 $0x8F2B, s0  }
0xbf: {  	[sflag:s0] =	ssyncadd.remote.s32 $0x1  }
0xc0: {  	_ =	sfence.sel $0xFFFF  }
0xc1: {  	[dreg:$0x0] =	wrdreg $0xFFFFFFFF;
	(pc) =	sbr.abs _section_cstart, $3  }
0xc2: {  	[dreg:$0x1] =	wrdreg $0xFFFFFFFF  }
0xc3: {  	_ =	task.clear_ibuf [dreg:s8], $0x2FFFF;
	_ =	strace $0x9FFFFFFF  }
0xc4: {  	(tm) =	ssettm $0x7FFFFFFF  }
0xc5: {  	_ =	shalt  }
tec
execute0_lowered:
.L_overlay_start_1:
0x0: {  	(tag) =	ssettag $0x1  }
0x1: {  	v1 =	vlaneseq.u32;
	s0 =	rddreg [dreg:$0x0];
	s4 =	simm.s32 $0x0  }
0x2: {  	[smem:$0x7FF] =	sst s4;
	v0 =	vor.u32 $0x300, v1  }
0x3: {  	s5 =	rddreg [dreg:$0x1];
	v57 =	vor.u32 $0x2F0, v1;
	_ =	strace $0x80000047;
	[tilespmem:$0x1FD40] =	vst v0  }
0x4: {  	v16 =	vor.u32 $0x350, v1;
	[tilespmem:$0x1FE20] =	vst v57  }
0x5: {  	v31 =	vor.u32 $0x2D0, v1;
	[tilespmem:$0x1FE30] =	vst v16  }
0x6: {  	v40 =	vor.u32 $0x110, v1;
	[tilespmem:$0x1FE50] =	vst v31  }
0x7: {  	v14 =	vor.u32 $0x240, v1;
	[tilespmem:$0x1FE60] =	vst v40  }
0x8: {  	v44 =	vor.u32 $0x150, v1;
	[tilespmem:$0x1FE70] =	vst v14  }
0x9: {  	v12 =	vor.u32 $0x230, v1;
	[tilespmem:$0x1FE80] =	vst v44  }
0xa: {  	v61 =	vor.u32 $0x270, v1;
	[tilespmem:$0x1FE90] =	vst v12  }
0xb: {  	v23 =	vor.u32 $0x1D0, v1;
	[tilespmem:$0x1FEA0] =	vst v61  }
0xc: {  	v63 =	vor.u32 $0x290, v1;
	[tilespmem:$0x1FEB0] =	vst v23  }
0xd: {  	v3 =	vor.u32 $0x200, v1;
	[tilespmem:$0x1FEC0] =	vst v63  }
0xe: {  	v2 =	vor.u32 $0x1C0, v1;
	[tilespmem:$0x1FED0] =	vst v3  }
0xf: {  	v49 =	vor.u32 $0x1F0, v1;
	[tilespmem:$0x1FEE0] =	vst v2  }
0x10: {  	v13 =	vor.u32 $0x220, v1;
	[tilespmem:$0x1FEF0] =	vst v49  }
0x11: {  	v50 =	vor.u32 $0x1B0, v1;
	[tilespmem:$0x1FF00] =	vst v13  }
0x12: {  	v5 =	vor.u32 $0xE0, v1;
	[tilespmem:$0x1FF10] =	vst v50  }
0x13: {  	v15 =	vor.u32 $0x250, v1;
	[tilespmem:$0x1FF20] =	vst v5  }
0x14: {  	v22 =	vor.u32 $0x80, v1;
	[tilespmem:$0x1FF30] =	vst v15  }
0x15: {  	v58 =	vor.u32 $0x2B0, v1;
	[tilespmem:$0x1FF40] =	vst v22  }
0x16: {  	v59 =	vor.u32 $0x2A0, v1;
	[tilespmem:$0x1FF50] =	vst v58  }
0x17: {  	v55 =	vor.u32 $0x2E0, v1;
	[tilespmem:$0x1FF60] =	vst v59  }
0x18: {  	v41 =	vor.u32 $0x2C0, v1;
	[tilespmem:$0x1FF70] =	vst v55  }
0x19: {  	v20 =	vor.u32 $0x210, v1;
	[tilespmem:$0x1FF80] =	vst v41  }
0x1a: {  	v17 =	vor.u32 $0x1E0, v1;
	[tilespmem:$0x1FF90] =	vst v20  }
0x1b: {  	v7 =	vor.u32 $0xB0, v1;
	[tilespmem:$0x1FFA0] =	vst v17  }
0x1c: {  	v36 =	vor.u32 $0x120, v1;
	[tilespmem:$0x1FFB0] =	vst v7  }
0x1d: {  	v43 =	vor.u32 $0x140, v1;
	[tilespmem:$0x1FFC0] =	vst v36  }
0x1e: {  	v4 =	vor.u32 $0x260, v1;
	[tilespmem:$0x1FFD0] =	vst v43  }
0x1f: {  	v6 =	vor.u32 $0xD0, v1;
	[tilespmem:$0x1FFE0] =	vst v4  }
0x20: {  	v0 =	vor.u32 $0x310, v1;
	[tilespmem:$0x1FFF0] =	vst v6  }
0x21: {  	[tilespmem:$0x1FD50] =	vst v0;
	v0 =	vor.u32 $0x320, v1  }
0x22: {  	[tilespmem:$0x1FD60] =	vst v0;
	v0 =	vor.u32 $0x330, v1  }
0x23: {  	[tilespmem:$0x1FD70] =	vst v0;
	v0 =	vor.u32 $0x340, v1  }
0x24: {  	v24 =	vor.u32 $0x10, v1;
	[tilespmem:$0x1FD80] =	vst v0;
	v0 =	vor.u32 $0x360, v1  }
0x25: {  	v25 =	vor.u32 $0x20, v1;
	v26 =	vor.u32 $0x30, v1;
	[tilespmem:$0x1FD90] =	vst v0;
	v0 =	vor.u32 $0x370, v1  }
0x26: {  	v27 =	vor.u32 $0x40, v1;
	v28 =	vor.u32 $0x50, v1;
	[tilespmem:$0x1FDA0] =	vst v0;
	v0 =	vor.u32 $0x380, v1  }
0x27: {  	s1 =	srdreg.scid;
	v29 =	vor.u32 $0x60, v1;
	v34 =	vor.u32 $0x70, v1;
	[tilespmem:$0x1FDB0] =	vst v0;
	v0 =	vor.u32 $0x390, v1  }
0x28: {  	s2 =	stileid.u32;
	v32 =	vor.u32 $0x90, v1;
	v33 =	vor.u32 $0xA0, v1;
	s1 =	sand.u32 $0x1, s1;
	[tilespmem:$0x1FDC0] =	vst v0;
	v0 =	vor.u32 $0x3A0, v1  }
0x29: {  	v30 =	vor.u32 $0xC0, v1;
	v35 =	vor.u32 $0xF0, v1;
	s2 =	sshll.u32 s2, $0xD;
	s3 =	sshll.u32 s1, $0xC;
	[tilespmem:$0x1FDD0] =	vst v0;
	v0 =	vor.u32 $0x3B0, v1  }
0x2a: {  	v21 =	vor.u32 $0x100, v1;
	v39 =	vor.u32 $0x130, v1;
	s0 =	sadd.s32 $0x400, s0;
	s1 =	ssub.s32 $0x2, s1;
	s6 =	sor.u32 s3, s2;
	[tilespmem:$0x1FDE0] =	vst v0;
	v0 =	vor.u32 $0x3C0, v1  }
0x2b: {  	v45 =	vor.u32 $0x160, v1;
	v46 =	vor.u32 $0x170, v1;
	[dreg:$0x7] =	wrdreg s0;
	s29 =	sshrl.u32 s1, $0x1;
	s3 =	sshrl.u32 s6, $0x3;
	[tilespmem:$0x1FDF0] =	vst v0;
	v0 =	vor.u32 $0x3D0, v1  }
0x2c: {  	v47 =	vor.u32 $0x180, v1;
	v48 =	vor.u32 $0x190, v1;
	s30 =	ssub.s32 s1, s29;
	[dreg:$0x6] =	wrdreg s6;
	s31 =	sadd.s32 s5, s3;
	[tilespmem:$0x1FE00] =	vst v0;
	v0 =	vor.u32 $0x3E0, v1  }
0x2d: {  	v37 =	vor.u32 $0x1A0, v1;
	v62 =	vor.u32 $0x280, v1;
	s0 =	smax.u32 s30, $0x1;
	[dreg:$0x8] =	wrdreg s31;
	v1 =	vor.u32 $0x3F0, v1;
	[tilespmem:$0x1FE10] =	vst v0  }
0x2e: {  	s2 =	simm.s32 $0x0;
	[dreg:$0x9] =	wrdreg s0;
	[tilespmem:$0x1FE40] =	vst v1  }
.LBB2_1:
0x2f: {  	[dreg:$0xa] =	wrdreg s2  }
0x30: {  	s0 =	rddreg [dreg:$0x7];
	s29 =	simm.s32 $0x5  }
0x31: {  	[tilespmem:s4], [sflag:$0x5] =	stream.linear.gather [hbm4b:s0+s4], $0x3000, $0x38;
	[tilespmem:$0x13400] =	vst v63  }
0x32: {  	s1 =	simm.s32 $0x80;
	_ =	swait.ge [sflag:s29], $0x3000  }
0x33: {  	s31 =	simm.s32 $0x400;
	s3 =	simm.s32 $0x3000;
	[sflag:s29] =	ssyncset.done $0x0  }
0x34: {  	s5 =	simm.s32 $0x0;
	s30 =	rddreg [dreg:$0x8];
	[sflag:s29] =	ssyncadd.s32 $0xFFFFD000  }
0x35: {  	v19 =	vmov v23;
	v23 =	vmov v3;
	[tilespmem:s3], [sflag:$0x1] =	stream.strided.gather [hbm4b:s30+s1], $0x200, s31, s1, $0x38;
	[tilespmem:$0x13400] =	vst v63  }
.LBB2_2:
0x36: {  	[dreg:$0xb] =	wrdreg s5  }
0x37: {  	s0 =	sshllo.u32 s5, $0x1;
	s1 =	sshll.u32 s5, $0xF;
	s21 =	simm.s32 $0x1  }
0x38: {  	s22 =	simm.s32 $0x80;
	[dreg:$0xc] =	wrdreg s0;
	s0 =	sshll.u32 s0, $0x7  }
0x39: {  	s1 =	sand.u32 $0x3E0000, s1;
	s0 =	sand.u32 $0x380, s0;
	_ =	swait.ge [sflag:s21], $0x200  }
0x3a: {  	s2 =	simm.s32 $0x400;
	s0 =	sor.u32 s0, s1;
	[sflag:s21] =	ssyncset.done $0x0  }
0x3b: {  	s3 =	simm.s32 $0x3200;
	s0 =	sor.u32 s6, s0;
	[sflag:s21] =	ssyncadd.s32 $0xFFFFFE00  }
0x3c: {  	p0 =	seq.s32 s5, $0x0;
	s0 =	sshrl.u32 s0, $0x3;
	s1 =	rddreg [dreg:$0x1]  }
0x3d: {  	s23 =	simm.s32 $0x0;
	s0 =	sadd.s32 s1, s0;
	s1 =	simm.s32 @!p0 $0x3  }
0x3e: {  	[tilespmem:s3], [sflag:$0x2] =	stream.strided.gather [hbm4b:s0+s22], $0x200, s2, s22, $0x38;
	[tilespmem:$0x13400] =	vst v63  }
0x3f: {  	s7 =	sand.u32 $0x60, s23;
	_ =	swait.ge @!p0 [sflag:s1], $0x8000  }
0x40: {  	s24 =	sand.u32 $0x180, s23;
	s12 =	sor.u32 $0x10, s7;
	[sflag:s1] =	ssyncset.done @!p0 $0x0  }
0x41: {  	s25 =	sor.u32 s12, s24;
	[sflag:s1] =	ssyncadd.s32 @!p0 $0xFFFF8000  }
0x42: {  	s26 =	simm.s32 $0x3000;
	v0 =	vld [tilespmem:s25+$0x3000]  }
0x43: {  	v1 =	vld [tilespmem:s26+$0x0];
	_ =	sdelay $0x4  }
0x44: {  	v38 =	vshll.u32 v0, $0xA;
	v52 =	vshll.u32 v1, $0xA;
	v1 =	vlaneseq.u32  }
0x45: {  	v0 =	vor.u32 v1, v38  }
0x46: {  	v1 =	vor.u32 v1, v52;
	_ =	sdelay $0x3  }
0x47: {  	v0 =	vld.idx.msk [tilespmem:v0+s4+$0x0], $0xffff  }
0x48: {  	v3 =	vor.u32 v24, v38;
	v1 =	vld.idx.msk [tilespmem:v1+s4+$0x0], $0xffff  }
0x49: {  	v53 =	vmov v4;
	s8 =	sand.u32 $0xC00, s23;
	v4 =	vor.u32 v24, v52  }
0x4a: {  	s3 =	sadd.s32 $0x3400, s8  }
0x4b: {  	s5 =	sor.u32 s12, s3  }
0x4c: {  	s1 =	sor.u32 s7, s3;
	[tilespmem:s5+$0x0] =	vst v0  }
0x4d: {  	[tilespmem:s1+$0x0] =	vst v1;
	v0 =	vld.idx.msk [tilespmem:v3+s4+$0x0], $0xffff  }
0x4e: {  	v1 =	vld.idx.msk [tilespmem:v4+s4+$0x0], $0xffff;
	v3 =	vor.u32 v25, v38  }
0x4f: {  	v4 =	vor.u32 v25, v52;
	_ =	sdelay $0x2  }
0x50: {  	[tilespmem:s5+$0x80] =	vst v0  }
0x51: {  	[tilespmem:s1+$0x80] =	vst v1;
	v0 =	vld.idx.msk [tilespmem:v3+s4+$0x0], $0xffff  }
0x52: {  	v1 =	vld.idx.msk [tilespmem:v4+s4+$0x0], $0xffff;
	v3 =	vor.u32 v26, v38  }
0x53: {  	v4 =	vor.u32 v26, v52;
	_ =	sdelay $0x2  }
0x54: {  	[tilespmem:s5+$0x100] =	vst v0  }
0x55: {  	[tilespmem:s1+$0x100] =	vst v1;
	v0 =	vld.idx.msk [tilespmem:v3+s4+$0x0], $0xffff  }
0x56: {  	v1 =	vld.idx.msk [tilespmem:v4+s4+$0x0], $0xffff;
	v3 =	vor.u32 v27, v38  }
0x57: {  	v4 =	vor.u32 v27, v52;
	_ =	sdelay $0x2  }
0x58: {  	[tilespmem:s5+$0x180] =	vst v0  }
0x59: {  	[tilespmem:s1+$0x180] =	vst v1;
	v0 =	vld.idx.msk [tilespmem:v3+s4+$0x0], $0xffff  }
0x5a: {  	v1 =	vld.idx.msk [tilespmem:v4+s4+$0x0], $0xffff;
	v3 =	vor.u32 v28, v38  }
0x5b: {  	v4 =	vor.u32 v28, v52;
	_ =	sdelay $0x2  }
0x5c: {  	[tilespmem:s5+$0x200] =	vst v0  }
0x5d: {  	[tilespmem:s1+$0x200] =	vst v1;
	v0 =	vld.idx.msk [tilespmem:v3+s4+$0x0], $0xffff  }
0x5e: {  	v1 =	vld.idx.msk [tilespmem:v4+s4+$0x0], $0xffff;
	v3 =	vor.u32 v29, v38  }
0x5f: {  	v4 =	vor.u32 v29, v52;
	_ =	sdelay $0x2  }
0x60: {  	[tilespmem:s5+$0x280] =	vst v0  }
0x61: {  	s6 =	sand.u32 $0x3, s23;
	[tilespmem:s1+$0x280] =	vst v1;
	v0 =	vld.idx.msk [tilespmem:v3+s4+$0x0], $0xffff  }
0x62: {  	s1 =	sshll.u32 s6, $0x5;
	v1 =	vld.idx.msk [tilespmem:v4+s4+$0x0], $0xffff;
	v3 =	vor.u32 v34, v38  }
0x63: {  	s1 =	sadd.s32 $0x0, s1;
	v4 =	vor.u32 v34, v52  }
0x64: {  	s9 =	sadd.s32 $0x10, s1  }
0x65: {  	s10 =	sor.u32 $0x300, s9  }
0x66: {  	s1 =	sor.u32 $0x300, s1;
	[tilespmem:s10+$0x3400] =	vst v0  }
0x67: {  	[tilespmem:s1+$0x3400] =	vst v1;
	v0 =	vld.idx.msk [tilespmem:v3+s4+$0x0], $0xffff  }
0x68: {  	v1 =	vld.idx.msk [tilespmem:v4+s4+$0x0], $0xffff;
	v3 =	vor.u32 v22, v38  }
0x69: {  	v4 =	vor.u32 v22, v52;
	_ =	sdelay $0x1  }
0x6a: {  	s0 =	sor.u32 s23, s23;
	s11 =	sor.u32 $0x380, s9  }
0x6b: {  	s0 =	sor.u32 $0x380, s0;
	[tilespmem:s11+$0x3400] =	vst v0  }
0x6c: {  	[tilespmem:s0+$0x3400] =	vst v1;
	v0 =	vld.idx.msk [tilespmem:v3+s4+$0x0], $0xffff  }
0x6d: {  	v1 =	vld.idx.msk [tilespmem:v4+s4+$0x0], $0xffff;
	v3 =	vor.u32 v32, v38  }
0x6e: {  	v4 =	vor.u32 v32, v52  }
0x6f: {  	s13 =	sadd.s32 $0x4400, s8  }
0x70: {  	s14 =	sor.u32 s12, s13  }
0x71: {  	s0 =	sor.u32 s7, s13;
	[tilespmem:s14+$0x0] =	vst v0  }
0x72: {  	[tilespmem:s0+$0x0] =	vst v1;
	v0 =	vld.idx.msk [tilespmem:v3+s4+$0x0], $0xffff  }
0x73: {  	v1 =	vld.idx.msk [tilespmem:v4+s4+$0x0], $0xffff;
	v3 =	vor.u32 v33, v38  }
0x74: {  	v4 =	vor.u32 v33, v52  }
0x75: {  	s15 =	sadd.s32 $0x4480, s8  }
0x76: {  	s16 =	sor.u32 s12, s15  }
0x77: {  	s0 =	sor.u32 s7, s15;
	[tilespmem:s16+$0x0] =	vst v0  }
0x78: {  	[tilespmem:s0+$0x0] =	vst v1;
	v0 =	vld.idx.msk [tilespmem:v3+s4+$0x0], $0xffff  }
0x79: {  	v1 =	vld.idx.msk [tilespmem:v4+s4+$0x0], $0xffff;
	v3 =	vor.u32 v7, v38  }
0x7a: {  	v4 =	vor.u32 v7, v52  }
0x7b: {  	s17 =	sadd.s32 $0x4500, s8  }
0x7c: {  	s18 =	sor.u32 s12, s17  }
0x7d: {  	s0 =	sor.u32 s7, s17;
	[tilespmem:s18+$0x0] =	vst v0  }
0x7e: {  	[tilespmem:s0+$0x0] =	vst v1;
	v0 =	vld.idx.msk [tilespmem:v3+s4+$0x0], $0xffff  }
0x7f: {  	v1 =	vld.idx.msk [tilespmem:v4+s4+$0x0], $0xffff;
	v3 =	vor.u32 v30, v38  }
0x80: {  	v4 =	vor.u32 v30, v52  }
0x81: {  	s19 =	sadd.s32 $0x4580, s8  }
0x82: {  	s20 =	sor.u32 s12, s19  }
0x83: {  	s0 =	sor.u32 s7, s19;
	[tilespmem:s20+$0x0] =	vst v0  }
0x84: {  	[tilespmem:s0+$0x0] =	vst v1;
	v0 =	vld.idx.msk [tilespmem:v3+s4+$0x0], $0xffff  }
0x85: {  	v1 =	vld.idx.msk [tilespmem:v4+s4+$0x0], $0xffff;
	v3 =	vor.u32 v6, v38  }
0x86: {  	v4 =	vor.u32 v6, v52  }
0x87: {  	s21 =	sadd.s32 $0x4600, s8  }
0x88: {  	s22 =	sor.u32 s12, s21  }
0x89: {  	s0 =	sor.u32 s7, s21;
	[tilespmem:s22+$0x0] =	vst v0  }
0x8a: {  	[tilespmem:s0+$0x0] =	vst v1;
	v0 =	vld.idx.msk [tilespmem:v3+s4+$0x0], $0xffff  }
0x8b: {  	v1 =	vld.idx.msk [tilespmem:v4+s4+$0x0], $0xffff;
	v3 =	vor.u32 v5, v38  }
0x8c: {  	v4 =	vor.u32 v5, v52  }
0x8d: {  	s23 =	sadd.s32 $0x4680, s8  }
0x8e: {  	s24 =	sor.u32 s12, s23  }
0x8f: {  	s0 =	sor.u32 s7, s23;
	[tilespmem:s24+$0x0] =	vst v0  }
0x90: {  	[tilespmem:s0+$0x0] =	vst v1;
	v0 =	vld.idx.msk [tilespmem:v3+s4+$0x0], $0xffff  }
0x91: {  	v1 =	vld.idx.msk [tilespmem:v4+s4+$0x0], $0xffff;
	v3 =	vor.u32 v35, v38  }
0x92: {  	v4 =	vor.u32 v35, v52  }
0x93: {  	s25 =	sadd.s32 $0x4700, s8  }
0x94: {  	s26 =	sor.u32 s12, s25  }
0x95: {  	s0 =	sor.u32 s7, s25;
	[tilespmem:s26+$0x0] =	vst v0  }
0x96: {  	[tilespmem:s0+$0x0] =	vst v1;
	v0 =	vld.idx.msk [tilespmem:v3+s4+$0x0], $0xffff  }
0x97: {  	v1 =	vld.idx.msk [tilespmem:v4+s4+$0x0], $0xffff  }
0x98: {  	v3 =	vor.u32 v21, v38  }
0x99: {  	s2 =	sadd.s32 $0x4780, s8  }
0x9a: {  	s3 =	sor.u32 s12, s2  }
0x9b: {  	s0 =	sor.u32 s7, s2;
	[tilespmem:s3+$0x0] =	vst v0  }
0x9c: {  	[tilespmem:s0+$0x0] =	vst v1;
	v1 =	vor.u32 v21, v52;
	s0 =	simm.s32 $0x20  }
0x9d: {  	v3 =	vld.idx.msk [tilespmem:v3+s4+$0x0], $0xffff;
	s25 =	sand.u32 $0x60, s0  }
0x9e: {  	v4 =	vor.u32 v40, v38;
	s6 =	sand.u32 $0x180, s0;
	s26 =	sor.u32 $0x10, s25  }
0x9f: {  	s1 =	sor.u32 s26, s6  }
0xa0: {  	v18 =	vmov v5;
	s9 =	sadd.s32 $0x5400, s8;
	v5 =	vld [tilespmem:s1+$0x3000]  }
0xa1: {  	v56 =	vmov v6;
	s5 =	simm.s32 $0x3020;
	s10 =	sor.u32 s12, s9;
	v6 =	vld.idx.msk [tilespmem:v1+s4+$0x0], $0xffff  }
0xa2: {  	v0 =	vld [tilespmem:s5+$0x0];
	[tilespmem:s10+$0x0] =	vst v3  }
0xa3: {  	v3 =	vor.u32 v40, v52;
	v4 =	vld.idx.msk [tilespmem:v4+s4+$0x0], $0xffff  }
0xa4: {  	v42 =	vmov v41;
	v41 =	vmov v7;
	v7 =	vor.u32 v36, v38  }
0xa5: {  	s11 =	sor.u32 s7, s9  }
0xa6: {  	s13 =	sadd.s32 $0x5480, s8;
	v1 =	vshll.u32 v5, $0xA;
	[tilespmem:s11+$0x0] =	vst v6;
	v6 =	vlaneseq.u32  }
0xa7: {  	s14 =	sor.u32 s12, s13;
	v0 =	vshll.u32 v0, $0xA;
	v5 =	vor.u32 v6, v1  }
0xa8: {  	v6 =	vor.u32 v6, v0;
	v3 =	vld.idx.msk [tilespmem:v3+s4+$0x0], $0xffff;
	[tilespmem:s14+$0x0] =	vst v4  }
0xa9: {  	v4 =	vor.u32 v36, v52;
	v7 =	vld.idx.msk [tilespmem:v7+s4+$0x0], $0xffff  }
0xaa: {  	v8 =	vor.u32 v39, v38;
	_ =	sdelay $0x1  }
0xab: {  	s15 =	sor.u32 s7, s13;
	s16 =	sadd.s32 $0x5500, s8;
	v5 =	vld.idx.msk [tilespmem:v5+s4+$0x0], $0xffff  }
0xac: {  	s17 =	sor.u32 s12, s16;
	s1 =	simm.s32 $0x100;
	v6 =	vld.idx.msk [tilespmem:v6+s4+$0x0], $0xffff;
	[tilespmem:s15+$0x0] =	vst v3;
	v3 =	vor.u32 v24, v1  }
0xad: {  	s28 =	sand.u32 $0xC00, s1;
	v4 =	vld.idx.msk [tilespmem:v4+s4+$0x0], $0xffff;
	[tilespmem:s17+$0x0] =	vst v7;
	v7 =	vor.u32 v24, v0  }
0xae: {  	v9 =	vor.u32 v39, v52;
	s18 =	sadd.s32 $0x3400, s28;
	v8 =	vld.idx.msk [tilespmem:v8+s4+$0x0], $0xffff  }
0xaf: {  	v10 =	vor.u32 v43, v38;
	s19 =	sor.u32 s26, s18  }
0xb0: {  	s2 =	sor.u32 s25, s18;
	[tilespmem:s19+$0x0] =	vst v5  }
0xb1: {  	s9 =	sadd.s32 $0x5580, s8;
	s6 =	sor.u32 s7, s16;
	[tilespmem:s2+$0x0] =	vst v6;
	v3 =	vld.idx.msk [tilespmem:v3+s4+$0x0], $0xffff  }
0xb2: {  	s20 =	sor.u32 s12, s9;
	v5 =	vor.u32 v25, v1;
	[tilespmem:s6+$0x0] =	vst v4;
	v4 =	vld.idx.msk [tilespmem:v7+s4+$0x0], $0xffff  }
0xb3: {  	v6 =	vld.idx.msk [tilespmem:v9+s4+$0x0], $0xffff;
	v7 =	vor.u32 v25, v0;
	[tilespmem:s20+$0x0] =	vst v8  }
0xb4: {  	v8 =	vor.u32 v43, v52;
	v9 =	vld.idx.msk [tilespmem:v10+s4+$0x0], $0xffff  }
0xb5: {  	v10 =	vor.u32 v44, v38  }
0xb6: {  	[tilespmem:s19+$0x80] =	vst v3  }
0xb7: {  	s21 =	sor.u32 s7, s9;
	s22 =	sadd.s32 $0x5600, s8;
	[tilespmem:s2+$0x80] =	vst v4;
	v3 =	vld.idx.msk [tilespmem:v5+s4+$0x0], $0xffff  }
0xb8: {  	s23 =	sor.u32 s12, s22;
	[tilespmem:s21+$0x0] =	vst v6;
	v5 =	vor.u32 v26, v1;
	v4 =	vld.idx.msk [tilespmem:v7+s4+$0x0], $0xffff  }
0xb9: {  	v6 =	vld.idx.msk [tilespmem:v8+s4+$0x0], $0xffff;
	v7 =	vor.u32 v26, v0;
	[tilespmem:s23+$0x0] =	vst v9  }
0xba: {  	v8 =	vor.u32 v44, v52;
	v9 =	vld.idx.msk [tilespmem:v10+s4+$0x0], $0xffff  }
0xbb: {  	v10 =	vor.u32 v45, v38  }
0xbc: {  	[tilespmem:s19+$0x100] =	vst v3  }
0xbd: {  	s24 =	sor.u32 s7, s22;
	s5 =	sadd.s32 $0x5680, s8;
	[tilespmem:s2+$0x100] =	vst v4;
	v3 =	vld.idx.msk [tilespmem:v5+s4+$0x0], $0xffff  }
0xbe: {  	s10 =	sor.u32 s12, s5;
	[tilespmem:s24+$0x0] =	vst v6;
	v5 =	vor.u32 v27, v1;
	v4 =	vld.idx.msk [tilespmem:v7+s4+$0x0], $0xffff  }
0xbf: {  	v6 =	vld.idx.msk [tilespmem:v8+s4+$0x0], $0xffff;
	v7 =	vor.u32 v27, v0;
	[tilespmem:s10+$0x0] =	vst v9  }
0xc0: {  	v8 =	vor.u32 v45, v52;
	v9 =	vld.idx.msk [tilespmem:v10+s4+$0x0], $0xffff  }
0xc1: {  	v10 =	vor.u32 v46, v38  }
0xc2: {  	[tilespmem:s19+$0x180] =	vst v3  }
0xc3: {  	s13 =	sadd.s32 $0x5700, s8;
	s11 =	sor.u32 s7, s5;
	[tilespmem:s2+$0x180] =	vst v4;
	v3 =	vld.idx.msk [tilespmem:v5+s4+$0x0], $0xffff  }
0xc4: {  	s14 =	sor.u32 s12, s13;
	[tilespmem:s11+$0x0] =	vst v6;
	v5 =	vor.u32 v28, v1;
	v4 =	vld.idx.msk [tilespmem:v7+s4+$0x0], $0xffff  }
0xc5: {  	v6 =	vld.idx.msk [tilespmem:v8+s4+$0x0], $0xffff;
	v7 =	vor.u32 v28, v0;
	[tilespmem:s14+$0x0] =	vst v9  }
0xc6: {  	v8 =	vor.u32 v46, v52;
	v9 =	vld.idx.msk [tilespmem:v10+s4+$0x0], $0xffff  }
0xc7: {  	v10 =	vor.u32 v47, v38  }
0xc8: {  	[tilespmem:s19+$0x200] =	vst v3  }
0xc9: {  	s16 =	sadd.s32 $0x5780, s8;
	s15 =	sor.u32 s7, s13;
	[tilespmem:s2+$0x200] =	vst v4;
	v3 =	vld.idx.msk [tilespmem:v5+s4+$0x0], $0xffff  }
0xca: {  	s17 =	sor.u32 s12, s16;
	[tilespmem:s15+$0x0] =	vst v6;
	v5 =	vor.u32 v29, v1;
	v4 =	vld.idx.msk [tilespmem:v7+s4+$0x0], $0xffff  }
0xcb: {  	v6 =	vld.idx.msk [tilespmem:v8+s4+$0x0], $0xffff;
	v7 =	vor.u32 v29, v0;
	[tilespmem:s17+$0x0] =	vst v9  }
0xcc: {  	v8 =	vor.u32 v47, v52;
	v9 =	vld.idx.msk [tilespmem:v10+s4+$0x0], $0xffff  }
0xcd: {  	v10 =	vor.u32 v48, v38  }
0xce: {  	s18 =	simm.s32 $0x1;
	[tilespmem:s19+$0x280] =	vst v3  }
0xcf: {  	s3 =	sand.u32 $0x3, s18;
	s20 =	sadd.s32 $0x6400, s8;
	s19 =	sor.u32 s7, s16;
	[tilespmem:s2+$0x280] =	vst v4;
	v3 =	vld.idx.msk [tilespmem:v5+s4+$0x0], $0xffff  }
0xd0: {  	s3 =	sshll.u32 s3, $0x5;
	s21 =	sor.u32 s12, s20;
	[tilespmem:s19+$0x0] =	vst v6;
	v5 =	vor.u32 v34, v1;
	v4 =	vld.idx.msk [tilespmem:v7+s4+$0x0], $0xffff  }
0xd1: {  	s3 =	sadd.s32 $0x100, s3;
	v6 =	vld.idx.msk [tilespmem:v8+s4+$0x0], $0xffff;
	v7 =	vor.u32 v34, v0;
	[tilespmem:s21+$0x0] =	vst v9  }
0xd2: {  	s22 =	sadd.s32 $0x10, s3;
	v8 =	vor.u32 v48, v52;
	v9 =	vld.idx.msk [tilespmem:v10+s4+$0x0], $0xffff  }
0xd3: {  	s23 =	sor.u32 $0x300, s22;
	v10 =	vor.u32 v37, v38  }
0xd4: {  	s3 =	sor.u32 $0x300, s3;
	[tilespmem:s23+$0x3400] =	vst v3  }
0xd5: {  	s24 =	sadd.s32 $0x6480, s8;
	s2 =	sor.u32 s7, s20;
	[tilespmem:s3+$0x3400] =	vst v4;
	v3 =	vld.idx.msk [tilespmem:v5+s4+$0x0], $0xffff  }
0xd6: {  	s5 =	sor.u32 s12, s24;
	[tilespmem:s2+$0x0] =	vst v6;
	v5 =	vor.u32 v22, v1;
	v4 =	vld.idx.msk [tilespmem:v7+s4+$0x0], $0xffff  }
0xd7: {  	v6 =	vld.idx.msk [tilespmem:v8+s4+$0x0], $0xffff;
	v7 =	vor.u32 v22, v0;
	[tilespmem:s5+$0x0] =	vst v9  }
0xd8: {  	v8 =	vor.u32 v37, v52;
	v9 =	vld.idx.msk [tilespmem:v10+s4+$0x0], $0xffff  }
0xd9: {  	s0 =	sor.u32 s1, s0;
	s6 =	sor.u32 $0x380, s22;
	v10 =	vor.u32 v50, v38  }
0xda: {  	s0 =	sor.u32 $0x380, s0;
	[tilespmem:s6+$0x3400] =	vst v3  }
0xdb: {  	s9 =	sor.u32 s7, s24;
	s10 =	sadd.s32 $0x6500, s8;
	[tilespmem:s0+$0x3400] =	vst v4;
	v3 =	vld.idx.msk [tilespmem:v5+s4+$0x0], $0xffff  }
0xdc: {  	s11 =	sor.u32 s12, s10;
	[tilespmem:s9+$0x0] =	vst v6;
	v5 =	vor.u32 v32, v1;
	v4 =	vld.idx.msk [tilespmem:v7+s4+$0x0], $0xffff  }
0xdd: {  	v6 =	vld.idx.msk [tilespmem:v8+s4+$0x0], $0xffff;
	v7 =	vor.u32 v32, v0;
	[tilespmem:s11+$0x0] =	vst v9  }
0xde: {  	s13 =	sadd.s32 $0x4400, s28;
	v8 =	vor.u32 v50, v52;
	v9 =	vld.idx.msk [tilespmem:v10+s4+$0x0], $0xffff  }
0xdf: {  	s14 =	sor.u32 s26, s13;
	v10 =	vor.u32 v2, v38  }
0xe0: {  	s1 =	sor.u32 s25, s13;
	[tilespmem:s14+$0x0] =	vst v3  }
0xe1: {  	s15 =	sadd.s32 $0x6580, s8;
	s0 =	sor.u32 s7, s10;
	[tilespmem:s1+$0x0] =	vst v4;
	v3 =	vld.idx.msk [tilespmem:v5+s4+$0x0], $0xffff  }
0xe2: {  	s16 =	sor.u32 s12, s15;
	[tilespmem:s0+$0x0] =	vst v6;
	v5 =	vor.u32 v33, v1;
	v4 =	vld.idx.msk [tilespmem:v7+s4+$0x0], $0xffff  }
0xe3: {  	v6 =	vld.idx.msk [tilespmem:v8+s4+$0x0], $0xffff;
	v7 =	vor.u32 v33, v0;
	[tilespmem:s16+$0x0] =	vst v9  }
0xe4: {  	s17 =	sadd.s32 $0x4480, s28;
	v8 =	vor.u32 v2, v52;
	v9 =	vld.idx.msk [tilespmem:v10+s4+$0x0], $0xffff  }
0xe5: {  	s18 =	sor.u32 s26, s17;
	v10 =	vor.u32 v19, v38  }
0xe6: {  	s0 =	sor.u32 s25, s17;
	[tilespmem:s18+$0x0] =	vst v3  }
0xe7: {  	s19 =	sadd.s32 $0x6600, s8;
	s1 =	sor.u32 s7, s15;
	[tilespmem:s0+$0x0] =	vst v4;
	v3 =	vld.idx.msk [tilespmem:v5+s4+$0x0], $0xffff  }
0xe8: {  	s20 =	sor.u32 s12, s19;
	[tilespmem:s1+$0x0] =	vst v6;
	v5 =	vor.u32 v41, v1;
	v4 =	vld.idx.msk [tilespmem:v7+s4+$0x0], $0xffff  }
0xe9: {  	v6 =	vld.idx.msk [tilespmem:v8+s4+$0x0], $0xffff;
	v7 =	vor.u32 v41, v0;
	[tilespmem:s20+$0x0] =	vst v9  }
0xea: {  	s21 =	sadd.s32 $0x4500, s28;
	v8 =	vor.u32 v19, v52;
	v9 =	vld.idx.msk [tilespmem:v10+s4+$0x0], $0xffff  }
0xeb: {  	s22 =	sor.u32 s26, s21;
	v10 =	vor.u32 v17, v38  }
0xec: {  	s1 =	sor.u32 s25, s21;
	[tilespmem:s22+$0x0] =	vst v3  }
0xed: {  	s23 =	sadd.s32 $0x6680, s8;
	s0 =	sor.u32 s7, s19;
	[tilespmem:s1+$0x0] =	vst v4;
	v3 =	vld.idx.msk [tilespmem:v5+s4+$0x0], $0xffff  }
0xee: {  	s24 =	sor.u32 s12, s23;
	[tilespmem:s0+$0x0] =	vst v6;
	v5 =	vor.u32 v30, v1;
	v4 =	vld.idx.msk [tilespmem:v7+s4+$0x0], $0xffff  }
0xef: {  	v6 =	vld.idx.msk [tilespmem:v8+s4+$0x0], $0xffff;
	v7 =	vor.u32 v30, v0;
	[tilespmem:s24+$0x0] =	vst v9  }
0xf0: {  	s2 =	sadd.s32 $0x4580, s28;
	v8 =	vor.u32 v17, v52;
	v9 =	vld.idx.msk [tilespmem:v10+s4+$0x0], $0xffff  }
0xf1: {  	s3 =	sor.u32 s26, s2;
	v10 =	vor.u32 v49, v38  }
0xf2: {  	s0 =	sor.u32 s25, s2;
	[tilespmem:s3+$0x0] =	vst v3  }
0xf3: {  	s5 =	sadd.s32 $0x6700, s8;
	s1 =	sor.u32 s7, s23;
	[tilespmem:s0+$0x0] =	vst v4;
	v3 =	vld.idx.msk [tilespmem:v5+s4+$0x0], $0xffff  }
0xf4: {  	s6 =	sor.u32 s12, s5;
	[tilespmem:s1+$0x0] =	vst v6;
	v5 =	vor.u32 v56, v1;
	v4 =	vld.idx.msk [tilespmem:v7+s4+$0x0], $0xffff  }
0xf5: {  	v6 =	vld.idx.msk [tilespmem:v8+s4+$0x0], $0xffff;
	v7 =	vor.u32 v56, v0;
	[tilespmem:s6+$0x0] =	vst v9  }
0xf6: {  	s9 =	sadd.s32 $0x4600, s28;
	v8 =	vor.u32 v49, v52;
	v9 =	vld.idx.msk [tilespmem:v10+s4+$0x0], $0xffff  }
0xf7: {  	s10 =	sor.u32 s26, s9;
	v10 =	vor.u32 v23, v38  }
0xf8: {  	s1 =	sor.u32 s25, s9;
	[tilespmem:s10+$0x0] =	vst v3  }
0xf9: {  	s11 =	sadd.s32 $0x6780, s8;
	s0 =	sor.u32 s7, s5;
	[tilespmem:s1+$0x0] =	vst v4;
	v3 =	vld.idx.msk [tilespmem:v5+s4+$0x0], $0xffff  }
0xfa: {  	s13 =	sor.u32 s12, s11;
	[tilespmem:s0+$0x0] =	vst v6;
	v5 =	vor.u32 v18, v1;
	v4 =	vld.idx.msk [tilespmem:v7+s4+$0x0], $0xffff  }
0xfb: {  	v6 =	vld.idx.msk [tilespmem:v8+s4+$0x0], $0xffff;
	v7 =	vor.u32 v18, v0;
	[tilespmem:s13+$0x0] =	vst v9  }
0xfc: {  	s14 =	sadd.s32 $0x4680, s28;
	v8 =	vor.u32 v23, v52;
	v9 =	vld.idx.msk [tilespmem:v10+s4+$0x0], $0xffff  }
0xfd: {  	s15 =	sor.u32 s26, s14;
	v10 =	vor.u32 v20, v38  }
0xfe: {  	s0 =	sor.u32 s25, s14;
	[tilespmem:s15+$0x0] =	vst v3  }
0xff: {  	s16 =	sadd.s32 $0x7400, s8;
	s1 =	sor.u32 s7, s11;
	[tilespmem:s0+$0x0] =	vst v4;
	v3 =	vld.idx.msk [tilespmem:v5+s4+$0x0], $0xffff  }
0x100: {  	s17 =	sor.u32 s12, s16;
	[tilespmem:s1+$0x0] =	vst v6;
	v5 =	vor.u32 v35, v1;
	v4 =	vld.idx.msk [tilespmem:v7+s4+$0x0], $0xffff  }
0x101: {  	v6 =	vld.idx.msk [tilespmem:v8+s4+$0x0], $0xffff;
	v7 =	vor.u32 v35, v0;
	[tilespmem:s17+$0x0] =	vst v9  }
0x102: {  	s18 =	sadd.s32 $0x4700, s28;
	v8 =	vor.u32 v20, v52;
	v9 =	vld.idx.msk [tilespmem:v10+s4+$0x0], $0xffff  }
0x103: {  	s19 =	sor.u32 s26, s18;
	v10 =	vor.u32 v13, v38  }
0x104: {  	s1 =	sor.u32 s25, s18;
	[tilespmem:s19+$0x0] =	vst v3  }
0x105: {  	s20 =	sadd.s32 $0x7480, s8;
	s0 =	sor.u32 s7, s16;
	[tilespmem:s1+$0x0] =	vst v4;
	v3 =	vld.idx.msk [tilespmem:v5+s4+$0x0], $0xffff  }
0x106: {  	s21 =	sor.u32 s12, s20;
	[tilespmem:s0+$0x0] =	vst v6;
	v5 =	vor.u32 v21, v1;
	v4 =	vld.idx.msk [tilespmem:v7+s4+$0x0], $0xffff  }
0x107: {  	v6 =	vld.idx.msk [tilespmem:v8+s4+$0x0], $0xffff;
	v7 =	vor.u32 v21, v0;
	[tilespmem:s21+$0x0] =	vst v9  }
0x108: {  	s22 =	sadd.s32 $0x4780, s28;
	v8 =	vor.u32 v13, v52;
	v9 =	vld.idx.msk [tilespmem:v10+s4+$0x0], $0xffff  }
0x109: {  	s23 =	sor.u32 s26, s22;
	v10 =	vor.u32 v12, v38  }
0x10a: {  	s0 =	sor.u32 s25, s22;
	[tilespmem:s23+$0x0] =	vst v3  }
0x10b: {  	s24 =	sadd.s32 $0x7500, s8;
	s1 =	sor.u32 s7, s20;
	[tilespmem:s0+$0x0] =	vst v4;
	v3 =	vld.idx.msk [tilespmem:v5+s4+$0x0], $0xffff  }
0x10c: {  	s3 =	sor.u32 s12, s24;
	[tilespmem:s1+$0x0] =	vst v6;
	s0 =	simm.s32 $0x40;
	v5 =	vor.u32 v40, v1;
	v4 =	vld.idx.msk [tilespmem:v7+s4+$0x0], $0xffff  }
0x10d: {  	s5 =	simm.s32 $0x3040;
	v6 =	vld.idx.msk [tilespmem:v8+s4+$0x0], $0xffff;
	s29 =	sand.u32 $0x60, s0;
	v7 =	vor.u32 v40, v0;
	[tilespmem:s3+$0x0] =	vst v9  }
0x10e: {  	s9 =	sadd.s32 $0x5400, s28;
	v8 =	vor.u32 v12, v52;
	s6 =	sand.u32 $0x180, s0;
	s30 =	sor.u32 $0x10, s29;
	v9 =	vld.idx.msk [tilespmem:v10+s4+$0x0], $0xffff  }
0x10f: {  	v11 =	vor.u32 v14, v38;
	s10 =	sor.u32 s26, s9;
	v10 =	vld [tilespmem:s5+$0x0];
	s1 =	sor.u32 s30, s6  }
0x110: {  	s11 =	sor.u32 s25, s9;
	v12 =	vld [tilespmem:s1+$0x3000];
	[tilespmem:s10+$0x0] =	vst v3  }
0x111: {  	s2 =	sor.u32 s7, s24;
	s13 =	sadd.s32 $0x7580, s8;
	[tilespmem:s11+$0x0] =	vst v4;
	v5 =	vld.idx.msk [tilespmem:v5+s4+$0x0], $0xffff  }
0x112: {  	s14 =	sor.u32 s12, s13;
	[tilespmem:s2+$0x0] =	vst v6;
	v6 =	vld.idx.msk [tilespmem:v7+s4+$0x0], $0xffff;
	v7 =	vor.u32 v36, v1  }
0x113: {  	v8 =	vld.idx.msk [tilespmem:v8+s4+$0x0], $0xffff;
	[tilespmem:s14+$0x0] =	vst v9;
	v9 =	vor.u32 v36, v0  }
0x114: {  	v60 =	vmov v13;
	s15 =	sadd.s32 $0x5480, s28;
	v13 =	vor.u32 v14, v52;
	v11 =	vld.idx.msk [tilespmem:v11+s4+$0x0], $0xffff  }
0x115: {  	v51 =	vlaneseq.u32;
	s16 =	sor.u32 s26, s15;
	v4 =	vshll.u32 v12, $0xA;
	v12 =	vor.u32 v15, v38  }
0x116: {  	s2 =	sor.u32 s25, s15;
	v3 =	vshll.u32 v10, $0xA;
	v10 =	vor.u32 v51, v4;
	[tilespmem:s16+$0x0] =	vst v5  }
0x117: {  	s17 =	sadd.s32 $0x7600, s8;
	s1 =	sor.u32 s7, s13;
	v5 =	vor.u32 v51, v3;
	[tilespmem:s2+$0x0] =	vst v6;
	v6 =	vld.idx.msk [tilespmem:v7+s4+$0x0], $0xffff  }
0x118: {  	s18 =	sor.u32 s12, s17;
	[tilespmem:s1+$0x0] =	vst v8;
	v8 =	vor.u32 v39, v1;
	v7 =	vld.idx.msk [tilespmem:v9+s4+$0x0], $0xffff  }
0x119: {  	v9 =	vld.idx.msk [tilespmem:v13+s4+$0x0], $0xffff;
	[tilespmem:s18+$0x0] =	vst v11;
	v11 =	vor.u32 v39, v0  }
0x11a: {  	s19 =	sadd.s32 $0x5500, s28;
	v13 =	vor.u32 v15, v52;
	v12 =	vld.idx.msk [tilespmem:v12+s4+$0x0], $0xffff  }
0x11b: {  	s20 =	sor.u32 s26, s19;
	v14 =	vor.u32 v53, v38;
	v10 =	vld.idx.msk [tilespmem:v10+s4+$0x0], $0xffff  }
0x11c: {  	v57 =	vmov v15;
	s21 =	sor.u32 s25, s19;
	s1 =	simm.s32 $0x200;
	v15 =	vor.u32 v24, v4;
	v5 =	vld.idx.msk [tilespmem:v5+s4+$0x0], $0xffff;
	[tilespmem:s20+$0x0] =	vst v6  }
0x11d: {  	s22 =	sadd.s32 $0x7680, s8;
	s2 =	sor.u32 s7, s17;
	s31 =	sand.u32 $0xC00, s1;
	v6 =	vor.u32 v24, v3;
	[tilespmem:s21+$0x0] =	vst v7;
	v7 =	vld.idx.msk [tilespmem:v8+s4+$0x0], $0xffff  }
0x11e: {  	s24 =	sor.u32 s12, s22;
	s23 =	sadd.s32 $0x3400, s31;
	[tilespmem:s2+$0x0] =	vst v9;
	v9 =	vor.u32 v43, v1;
	v8 =	vld.idx.msk [tilespmem:v11+s4+$0x0], $0xffff  }
0x11f: {  	s3 =	sor.u32 s30, s23;
	v11 =	vld.idx.msk [tilespmem:v13+s4+$0x0], $0xffff;
	[tilespmem:s24+$0x0] =	vst v12;
	v12 =	vor.u32 v43, v0  }
0x120: {  	s5 =	sadd.s32 $0x5580, s28;
	s2 =	sor.u32 s29, s23;
	v13 =	vor.u32 v53, v52;
	[tilespmem:s3+$0x0] =	vst v10;
	v10 =	vld.idx.msk [tilespmem:v14+s4+$0x0], $0xffff  }
0x121: {  	s10 =	sor.u32 s26, s5;
	[tilespmem:s2+$0x0] =	vst v5;
	v5 =	vld.idx.msk [tilespmem:v15+s4+$0x0], $0xffff;
	v14 =	vor.u32 v61, v38  }
0x122: {  	s9 =	sor.u32 s25, s5;
	v15 =	vor.u32 v25, v4;
	v6 =	vld.idx.msk [tilespmem:v6+s4+$0x0], $0xffff;
	[tilespmem:s10+$0x0] =	vst v7  }
0x123: {  	s6 =	sor.u32 s7, s22;
	s11 =	sadd.s32 $0x7700, s8;
	v7 =	vor.u32 v25, v3;
	[tilespmem:s9+$0x0] =	vst v8;
	v8 =	vld.idx.msk [tilespmem:v9+s4+$0x0], $0xffff  }
0x124: {  	s13 =	sor.u32 s12, s11;
	[tilespmem:s6+$0x0] =	vst v11;
	v11 =	vor.u32 v44, v1;
	v9 =	vld.idx.msk [tilespmem:v12+s4+$0x0], $0xffff  }
0x125: {  	v12 =	vld.idx.msk [tilespmem:v13+s4+$0x0], $0xffff;
	[tilespmem:s13+$0x0] =	vst v10;
	v10 =	vor.u32 v44, v0  }
0x126: {  	s14 =	sadd.s32 $0x5600, s28;
	v13 =	vor.u32 v61, v52;
	[tilespmem:s3+$0x80] =	vst v5;
	v5 =	vld.idx.msk [tilespmem:v14+s4+$0x0], $0xffff  }
0x127: {  	s15 =	sor.u32 s26, s14;
	[tilespmem:s2+$0x80] =	vst v6;
	v6 =	vld.idx.msk [tilespmem:v15+s4+$0x0], $0xffff;
	v14 =	vor.u32 v62, v38  }
0x128: {  	s6 =	sor.u32 s25, s14;
	v15 =	vor.u32 v26, v4;
	v7 =	vld.idx.msk [tilespmem:v7+s4+$0x0], $0xffff;
	[tilespmem:s15+$0x0] =	vst v8  }
0x129: {  	s16 =	sadd.s32 $0x7780, s8;
	s9 =	sor.u32 s7, s11;
	v8 =	vor.u32 v26, v3;
	[tilespmem:s6+$0x0] =	vst v9;
	v9 =	vld.idx.msk [tilespmem:v11+s4+$0x0], $0xffff  }
0x12a: {  	s17 =	sor.u32 s12, s16;
	[tilespmem:s9+$0x0] =	vst v12;
	v11 =	vor.u32 v45, v1;
	v10 =	vld.idx.msk [tilespmem:v10+s4+$0x0], $0xffff  }
0x12b: {  	v12 =	vld.idx.msk [tilespmem:v13+s4+$0x0], $0xffff;
	[tilespmem:s17+$0x0] =	vst v5;
	v5 =	vor.u32 v45, v0  }
0x12c: {  	s18 =	sadd.s32 $0x5680, s28;
	v13 =	vor.u32 v62, v52;
	[tilespmem:s3+$0x100] =	vst v6;
	v6 =	vld.idx.msk [tilespmem:v14+s4+$0x0], $0xffff  }
0x12d: {  	s19 =	sor.u32 s26, s18;
	[tilespmem:s2+$0x100] =	vst v7;
	v7 =	vld.idx.msk [tilespmem:v15+s4+$0x0], $0xffff;
	v14 =	vor.u32 v63, v38  }
0x12e: {  	s9 =	sor.u32 s25, s18;
	v15 =	vor.u32 v27, v4;
	v8 =	vld.idx.msk [tilespmem:v8+s4+$0x0], $0xffff;
	[tilespmem:s19+$0x0] =	vst v9  }
0x12f: {  	s20 =	sadd.s32 $0x8400, s8;
	s6 =	sor.u32 s7, s16;
	v9 =	vor.u32 v27, v3;
	[tilespmem:s9+$0x0] =	vst v10;
	v10 =	vld.idx.msk [tilespmem:v11+s4+$0x0], $0xffff  }
0x130: {  	s21 =	sor.u32 s12, s20;
	[tilespmem:s6+$0x0] =	vst v12;
	v11 =	vor.u32 v46, v1;
	v5 =	vld.idx.msk [tilespmem:v5+s4+$0x0], $0xffff  }
0x131: {  	v12 =	vld.idx.msk [tilespmem:v13+s4+$0x0], $0xffff;
	[tilespmem:s21+$0x0] =	vst v6;
	v6 =	vor.u32 v46, v0  }
0x132: {  	s22 =	sadd.s32 $0x5700, s28;
	v13 =	vor.u32 v63, v52;
	[tilespmem:s3+$0x180] =	vst v7;
	v7 =	vld.idx.msk [tilespmem:v14+s4+$0x0], $0xffff  }
0x133: {  	s23 =	sor.u32 s26, s22;
	[tilespmem:s2+$0x180] =	vst v8;
	v8 =	vld.idx.msk [tilespmem:v15+s4+$0x0], $0xffff;
	v14 =	vor.u32 v59, v38  }
0x134: {  	s6 =	sor.u32 s25, s22;
	v15 =	vor.u32 v28, v4;
	v9 =	vld.idx.msk [tilespmem:v9+s4+$0x0], $0xffff;
	[tilespmem:s23+$0x0] =	vst v10  }
0x135: {  	s24 =	sadd.s32 $0x8480, s8;
	s9 =	sor.u32 s7, s20;
	v10 =	vor.u32 v28, v3;
	[tilespmem:s6+$0x0] =	vst v5;
	v5 =	vld.idx.msk [tilespmem:v11+s4+$0x0], $0xffff  }
0x136: {  	s5 =	sor.u32 s12, s24;
	[tilespmem:s9+$0x0] =	vst v12;
	v11 =	vor.u32 v47, v1;
	v6 =	vld.idx.msk [tilespmem:v6+s4+$0x0], $0xffff  }
0x137: {  	v12 =	vld.idx.msk [tilespmem:v13+s4+$0x0], $0xffff;
	[tilespmem:s5+$0x0] =	vst v7;
	v7 =	vor.u32 v47, v0  }
0x138: {  	s10 =	sadd.s32 $0x5780, s28;
	v13 =	vor.u32 v59, v52;
	[tilespmem:s3+$0x200] =	vst v8;
	v8 =	vld.idx.msk [tilespmem:v14+s4+$0x0], $0xffff  }
0x139: {  	s11 =	sor.u32 s26, s10;
	[tilespmem:s2+$0x200] =	vst v9;
	v9 =	vld.idx.msk [tilespmem:v15+s4+$0x0], $0xffff;
	v14 =	vor.u32 v58, v38  }
0x13a: {  	s9 =	sor.u32 s25, s10;
	v15 =	vor.u32 v29, v4;
	v10 =	vld.idx.msk [tilespmem:v10+s4+$0x0], $0xffff;
	[tilespmem:s11+$0x0] =	vst v5  }
0x13b: {  	s13 =	sadd.s32 $0x8500, s8;
	s6 =	sor.u32 s7, s24;
	v5 =	vor.u32 v29, v3;
	[tilespmem:s9+$0x0] =	vst v6;
	v6 =	vld.idx.msk [tilespmem:v11+s4+$0x0], $0xffff  }
0x13c: {  	s14 =	sor.u32 s12, s13;
	[tilespmem:s6+$0x0] =	vst v12;
	v11 =	vor.u32 v48, v1;
	v7 =	vld.idx.msk [tilespmem:v7+s4+$0x0], $0xffff  }
0x13d: {  	v12 =	vld.idx.msk [tilespmem:v13+s4+$0x0], $0xffff;
	[tilespmem:s14+$0x0] =	vst v8;
	v8 =	vor.u32 v48, v0  }
0x13e: {  	s15 =	sadd.s32 $0x6400, s28;
	s16 =	simm.s32 $0x2;
	v13 =	vor.u32 v58, v52;
	[tilespmem:s3+$0x280] =	vst v9;
	v9 =	vld.idx.msk [tilespmem:v14+s4+$0x0], $0xffff  }
0x13f: {  	s18 =	sor.u32 s26, s15;
	s17 =	sand.u32 $0x3, s16;
	[tilespmem:s2+$0x280] =	vst v10;
	v10 =	vld.idx.msk [tilespmem:v15+s4+$0x0], $0xffff;
	v14 =	vor.u32 v42, v38  }
0x140: {  	s3 =	sor.u32 s25, s15;
	s2 =	sshll.u32 s17, $0x5;
	v15 =	vor.u32 v34, v4;
	v5 =	vld.idx.msk [tilespmem:v5+s4+$0x0], $0xffff;
	[tilespmem:s18+$0x0] =	vst v6  }
0x141: {  	s19 =	sor.u32 s7, s13;
	s20 =	sadd.s32 $0x8580, s8;
	s2 =	sadd.s32 $0x200, s2;
	v6 =	vor.u32 v34, v3;
	[tilespmem:s3+$0x0] =	vst v7;
	v7 =	vld.idx.msk [tilespmem:v11+s4+$0x0], $0xffff  }
0x142: {  	s22 =	sor.u32 s12, s20;
	s21 =	sadd.s32 $0x10, s2;
	[tilespmem:s19+$0x0] =	vst v12;
	v11 =	vor.u32 v37, v1;
	v8 =	vld.idx.msk [tilespmem:v8+s4+$0x0], $0xffff  }
0x143: {  	s23 =	sor.u32 $0x300, s21;
	v12 =	vld.idx.msk [tilespmem:v13+s4+$0x0], $0xffff;
	[tilespmem:s22+$0x0] =	vst v9;
	v9 =	vor.u32 v37, v0  }
0x144: {  	s24 =	sadd.s32 $0x6480, s28;
	s2 =	sor.u32 $0x300, s2;
	v13 =	vor.u32 v42, v52;
	[tilespmem:s23+$0x3400] =	vst v10;
	v10 =	vld.idx.msk [tilespmem:v14+s4+$0x0], $0xffff  }
0x145: {  	s5 =	sor.u32 s26, s24;
	[tilespmem:s2+$0x3400] =	vst v5;
	v5 =	vld.idx.msk [tilespmem:v15+s4+$0x0], $0xffff;
	v14 =	vor.u32 v31, v38  }
0x146: {  	s6 =	sor.u32 s25, s24;
	v15 =	vor.u32 v22, v4;
	v6 =	vld.idx.msk [tilespmem:v6+s4+$0x0], $0xffff;
	[tilespmem:s5+$0x0] =	vst v7  }
0x147: {  	s10 =	sor.u32 s7, s20;
	s11 =	sadd.s32 $0x8600, s8;
	v7 =	vor.u32 v22, v3;
	[tilespmem:s6+$0x0] =	vst v8;
	v8 =	vld.idx.msk [tilespmem:v11+s4+$0x0], $0xffff  }
0x148: {  	s13 =	sor.u32 s12, s11;
	[tilespmem:s10+$0x0] =	vst v12;
	v11 =	vor.u32 v50, v1;
	v9 =	vld.idx.msk [tilespmem:v9+s4+$0x0], $0xffff  }
0x149: {  	s0 =	sor.u32 s1, s0;
	s14 =	sor.u32 $0x380, s21;
	v12 =	vld.idx.msk [tilespmem:v13+s4+$0x0], $0xffff;
	[tilespmem:s13+$0x0] =	vst v10;
	v10 =	vor.u32 v50, v0  }
0x14a: {  	s0 =	sor.u32 $0x380, s0;
	s15 =	sadd.s32 $0x6500, s28;
	[tilespmem:s14+$0x3400] =	vst v5;
	v13 =	vld.idx.msk [tilespmem:v14+s4+$0x0], $0xffff;
	v14 =	vor.u32 v31, v52  }
0x14b: {  	v54 =	vmov v59;
	s17 =	sor.u32 s26, s15;
	[tilespmem:s0+$0x3400] =	vst v6;
	v6 =	vld.idx.msk [tilespmem:v15+s4+$0x0], $0xffff;
	v15 =	vor.u32 v55, v38  }
0x14c: {  	v59 =	vmovc v23;
	v23 =	vmov v19;
	v19 =	vmov v16;
	v16 =	vor.u32 v32, v4;
	s0 =	sor.u32 s25, s15;
	v7 =	vld.idx.msk [tilespmem:v7+s4+$0x0], $0xffff;
	[tilespmem:s17+$0x0] =	vst v8  }
0x14d: {  	s18 =	sor.u32 s7, s11;
	s19 =	sadd.s32 $0x8680, s8;
	[tilespmem:s0+$0x0] =	vst v9;
	v9 =	vld.idx.msk [tilespmem:v11+s4+$0x0], $0xffff  }
0x14e: {  	s20 =	sadd.s32 $0x4400, s31;
	s21 =	sor.u32 s12, s19;
	v8 =	vor.u32 v32, v3;
	[tilespmem:s18+$0x0] =	vst v12;
	v10 =	vld.idx.msk [tilespmem:v10+s4+$0x0], $0xffff  }
0x14f: {  	s22 =	sor.u32 s30, s20;
	v11 =	vor.u32 v2, v1;
	v12 =	vld.idx.msk [tilespmem:v14+s4+$0x0], $0xffff;
	[tilespmem:s21+$0x0] =	vst v13  }
0x150: {  	s24 =	sadd.s32 $0x6580, s28;
	s23 =	sor.u32 s29, s20;
	v13 =	vor.u32 v2, v0;
	[tilespmem:s22+$0x0] =	vst v6;
	v6 =	vld.idx.msk [tilespmem:v15+s4+$0x0], $0xffff  }
0x151: {  	s3 =	sor.u32 s26, s24;
	v14 =	vor.u32 v55, v52;
	[tilespmem:s23+$0x0] =	vst v7;
	v7 =	vld.idx.msk [tilespmem:v16+s4+$0x0], $0xffff  }
0x152: {  	s2 =	sor.u32 s25, s24;
	v15 =	vld [tilespmem:$0x1FE20];
	[tilespmem:s3+$0x0] =	vst v9  }
0x153: {  	s5 =	sadd.s32 $0x8700, s8;
	s0 =	sor.u32 s7, s19;
	v16 =	vor.u32 v33, v4;
	v8 =	vld.idx.msk [tilespmem:v8+s4+$0x0], $0xffff;
	[tilespmem:s2+$0x0] =	vst v10  }
0x154: {  	s6 =	sadd.s32 $0x4480, s31;
	s9 =	sor.u32 s12, s5;
	v10 =	vld.idx.msk [tilespmem:v11+s4+$0x0], $0xffff;
	[tilespmem:s0+$0x0] =	vst v12  }
0x155: {  	s10 =	sor.u32 s30, s6;
	v9 =	vor.u32 v33, v3;
	v11 =	vld.idx.msk [tilespmem:v13+s4+$0x0], $0xffff;
	[tilespmem:s9+$0x0] =	vst v6  }
0x156: {  	v13 =	vld.idx.msk [tilespmem:v14+s4+$0x0], $0xffff;
	[tilespmem:s10+$0x0] =	vst v7  }
0x157: {  	s11 =	sor.u32 s29, s6;
	v15 =	vor.u32 v15, v38;
	v14 =	vld [tilespmem:$0x1FE20]  }
0x158: {  	v12 =	vor.u32 v23, v1;
	[tilespmem:s11+$0x0] =	vst v8;
	v8 =	vld.idx.msk [tilespmem:v16+s4+$0x0], $0xffff  }
0x159: {  	v53 =	vmovc v42;
	v42 =	vmov v32;
	s13 =	sadd.s32 $0x6600, s28;
	v32 =	vmov v18;
	v6 =	vor.u32 v23, v0;
	v18 =	vld [tilespmem:$0x1FD40]  }
0x15a: {  	s16 =	simm.s32 $0x3060;
	s14 =	sor.u32 s26, s13;
	v16 =	vor.u32 v41, v4;
	v9 =	vld.idx.msk [tilespmem:v9+s4+$0x0], $0xffff  }
0x15b: {  	v5 =	vld [tilespmem:s16+$0x0];
	[tilespmem:s14+$0x0] =	vst v10;
	v10 =	vor.u32 v41, v3  }
0x15c: {  	s17 =	sadd.s32 $0x4500, s31;
	s2 =	sor.u32 s25, s13;
	v7 =	vld.idx.msk [tilespmem:v15+s4+$0x0], $0xffff;
	v14 =	vor.u32 v14, v52  }
0x15d: {  	s19 =	sor.u32 s30, s17;
	[tilespmem:s2+$0x0] =	vst v11;
	v11 =	vld.idx.msk [tilespmem:v12+s4+$0x0], $0xffff  }
0x15e: {  	s20 =	sor.u32 s29, s17;
	v6 =	vld.idx.msk [tilespmem:v6+s4+$0x0], $0xffff;
	[tilespmem:s19+$0x0] =	vst v8;
	v15 =	vor.u32 v18, v38  }
0x15f: {  	s16 =	sadd.s32 $0x8780, s8;
	s15 =	sor.u32 s7, s5;
	[tilespmem:s20+$0x0] =	vst v9;
	v9 =	vld.idx.msk [tilespmem:v16+s4+$0x0], $0xffff  }
0x160: {  	s18 =	sor.u32 s12, s16;
	v12 =	vor.u32 v17, v1;
	[tilespmem:s15+$0x0] =	vst v13;
	v10 =	vld.idx.msk [tilespmem:v10+s4+$0x0], $0xffff  }
0x161: {  	s21 =	sadd.s32 $0x6680, s28;
	v16 =	vor.u32 v30, v4;
	v13 =	vld.idx.msk [tilespmem:v14+s4+$0x0], $0xffff;
	[tilespmem:s18+$0x0] =	vst v7  }
0x162: {  	s22 =	sor.u32 s26, s21;
	v7 =	vor.u32 v17, v0;
	v14 =	vor.u32 v18, v52;
	v18 =	vld [tilespmem:$0x1FD50]  }
0x163: {  	s5 =	sadd.s32 $0x4580, s31;
	s2 =	sor.u32 s25, s21;
	v8 =	vld.idx.msk [tilespmem:v15+s4+$0x0], $0xffff;
	[tilespmem:s22+$0x0] =	vst v11  }
0x164: {  	s9 =	sor.u32 s30, s5;
	[tilespmem:s2+$0x0] =	vst v6  }
0x165: {  	s10 =	sor.u32 s29, s5;
	v11 =	vor.u32 v30, v3;
	[tilespmem:s9+$0x0] =	vst v9;
	v6 =	vld.idx.msk [tilespmem:v12+s4+$0x0], $0xffff  }
0x166: {  	s24 =	sadd.s32 $0x9400, s8;
	s23 =	sor.u32 s7, s16;
	[tilespmem:s10+$0x0] =	vst v10;
	v10 =	vld.idx.msk [tilespmem:v16+s4+$0x0], $0xffff  }
0x167: {  	s6 =	sor.u32 s12, s24;
	v7 =	vld.idx.msk [tilespmem:v7+s4+$0x0], $0xffff;
	[tilespmem:s23+$0x0] =	vst v13;
	v15 =	vor.u32 v18, v38  }
0x168: {  	v12 =	vor.u32 v49, v1;
	v13 =	vld.idx.msk [tilespmem:v14+s4+$0x0], $0xffff;
	[tilespmem:s6+$0x0] =	vst v8  }
0x169: {  	s11 =	sadd.s32 $0x6700, s28;
	v8 =	vor.u32 v49, v0;
	v14 =	vor.u32 v18, v52;
	v18 =	vld [tilespmem:$0x1FD60]  }
0x16a: {  	s16 =	sadd.s32 $0x4600, s31;
	s13 =	sor.u32 s26, s11;
	v16 =	vor.u32 v56, v4;
	v11 =	vld.idx.msk [tilespmem:v11+s4+$0x0], $0xffff  }
0x16b: {  	s18 =	sor.u32 s30, s16;
	[tilespmem:s13+$0x0] =	vst v6  }
0x16c: {  	s2 =	sor.u32 s25, s11;
	v6 =	vor.u32 v56, v3;
	[tilespmem:s18+$0x0] =	vst v10;
	v9 =	vld.idx.msk [tilespmem:v15+s4+$0x0], $0xffff  }
0x16d: {  	s14 =	sor.u32 s7, s24;
	[tilespmem:s2+$0x0] =	vst v7;
	v7 =	vld.idx.msk [tilespmem:v12+s4+$0x0], $0xffff  }
0x16e: {  	s19 =	sor.u32 s29, s16;
	v8 =	vld.idx.msk [tilespmem:v8+s4+$0x0], $0xffff;
	[tilespmem:s14+$0x0] =	vst v13;
	v15 =	vor.u32 v18, v38  }
0x16f: {  	s15 =	sadd.s32 $0x9480, s8;
	[tilespmem:s19+$0x0] =	vst v11;
	v11 =	vld.idx.msk [tilespmem:v16+s4+$0x0], $0xffff  }
0x170: {  	s17 =	sor.u32 s12, s15;
	v12 =	vor.u32 v59, v1;
	v13 =	vld.idx.msk [tilespmem:v14+s4+$0x0], $0xffff  }
0x171: {  	s20 =	sadd.s32 $0x6780, s28;
	v6 =	vld.idx.msk [tilespmem:v6+s4+$0x0], $0xffff;
	[tilespmem:s17+$0x0] =	vst v9;
	v9 =	vor.u32 v59, v0  }
0x172: {  	s21 =	sor.u32 s26, s20;
	v14 =	vor.u32 v18, v52;
	v18 =	vld [tilespmem:$0x1FD70]  }
0x173: {  	s2 =	sor.u32 s25, s20;
	v16 =	vor.u32 v32, v4;
	v10 =	vld.idx.msk [tilespmem:v15+s4+$0x0], $0xffff;
	[tilespmem:s21+$0x0] =	vst v7  }
0x174: {  	s24 =	sadd.s32 $0x4680, s31;
	s22 =	sor.u32 s7, s15;
	[tilespmem:s2+$0x0] =	vst v8  }
0x175: {  	s5 =	sor.u32 s30, s24;
	v7 =	vor.u32 v32, v3;
	[tilespmem:s22+$0x0] =	vst v13;
	v8 =	vld.idx.msk [tilespmem:v12+s4+$0x0], $0xffff  }
0x176: {  	s23 =	sadd.s32 $0x9500, s8;
	s6 =	sor.u32 s29, s24;
	[tilespmem:s5+$0x0] =	vst v11;
	v12 =	vor.u32 v20, v1;
	v9 =	vld.idx.msk [tilespmem:v9+s4+$0x0], $0xffff  }
0x177: {  	s3 =	sor.u32 s12, s23;
	[tilespmem:s6+$0x0] =	vst v6;
	v13 =	vld.idx.msk [tilespmem:v14+s4+$0x0], $0xffff;
	v15 =	vor.u32 v18, v38  }
0x178: {  	s9 =	sadd.s32 $0x7400, s28;
	v6 =	vld.idx.msk [tilespmem:v16+s4+$0x0], $0xffff;
	[tilespmem:s3+$0x0] =	vst v10;
	v10 =	vor.u32 v20, v0  }
0x179: {  	s10 =	sor.u32 s26, s9;
	v14 =	vor.u32 v18, v52;
	v18 =	vld [tilespmem:$0x1FD80]  }
0x17a: {  	s2 =	sor.u32 s25, s9;
	v7 =	vld.idx.msk [tilespmem:v7+s4+$0x0], $0xffff;
	[tilespmem:s10+$0x0] =	vst v8  }
0x17b: {  	v16 =	vor.u32 v35, v4;
	[tilespmem:s2+$0x0] =	vst v9;
	v9 =	vld.idx.msk [tilespmem:v12+s4+$0x0], $0xffff  }
0x17c: {  	s11 =	sor.u32 s7, s23;
	s14 =	sadd.s32 $0x4700, s31;
	v8 =	vor.u32 v35, v3;
	v11 =	vld.idx.msk [tilespmem:v15+s4+$0x0], $0xffff  }
0x17d: {  	s16 =	sor.u32 s30, s14;
	[tilespmem:s11+$0x0] =	vst v13;
	v12 =	vor.u32 v60, v1;
	v10 =	vld.idx.msk [tilespmem:v10+s4+$0x0], $0xffff  }
0x17e: {  	s18 =	sadd.s32 $0x7480, s28;
	s17 =	sor.u32 s29, s14;
	[tilespmem:s16+$0x0] =	vst v6;
	v13 =	vld.idx.msk [tilespmem:v14+s4+$0x0], $0xffff;
	v15 =	vor.u32 v18, v38  }
0x17f: {  	s13 =	sadd.s32 $0x9580, s8;
	s19 =	sor.u32 s26, s18;
	[tilespmem:s17+$0x0] =	vst v7  }
0x180: {  	s15 =	sor.u32 s12, s13;
	v7 =	vld.idx.msk [tilespmem:v16+s4+$0x0], $0xffff;
	v14 =	vor.u32 v18, v52;
	[tilespmem:s19+$0x0] =	vst v9  }
0x181: {  	s2 =	sor.u32 s25, s18;
	v8 =	vld.idx.msk [tilespmem:v8+s4+$0x0], $0xffff;
	[tilespmem:s15+$0x0] =	vst v11;
	v11 =	vor.u32 v60, v0  }
0x182: {  	s20 =	sor.u32 s7, s13;
	v16 =	vor.u32 v21, v4;
	[tilespmem:s2+$0x0] =	vst v10;
	v10 =	vld.idx.msk [tilespmem:v12+s4+$0x0], $0xffff  }
0x183: {  	v9 =	vor.u32 v21, v3;
	[tilespmem:s20+$0x0] =	vst v13;
	v6 =	vld.idx.msk [tilespmem:v15+s4+$0x0], $0xffff  }
0x184: {  	s22 =	sadd.s32 $0x4780, s31;
	v15 =	vor.u32 v19, v38;
	v2 =	vld [tilespmem:$0x1FE90]  }
0x185: {  	s24 =	sor.u32 s30, s22;
	v13 =	vld.idx.msk [tilespmem:v14+s4+$0x0], $0xffff  }
0x186: {  	s21 =	sadd.s32 $0x9600, s8;
	s1 =	sor.u32 s29, s22;
	[tilespmem:s24+$0x0] =	vst v7;
	v11 =	vld.idx.msk [tilespmem:v11+s4+$0x0], $0xffff  }
0x187: {  	s23 =	sor.u32 s12, s21;
	[tilespmem:s1+$0x0] =	vst v8;
	v8 =	vld.idx.msk [tilespmem:v16+s4+$0x0], $0xffff  }
0x188: {  	s5 =	sadd.s32 $0x7500, s28;
	v9 =	vld.idx.msk [tilespmem:v9+s4+$0x0], $0xffff;
	[tilespmem:s23+$0x0] =	vst v6  }
0x189: {  	s6 =	sor.u32 s26, s5;
	v7 =	vld.idx.msk [tilespmem:v15+s4+$0x0], $0xffff  }
0x18a: {  	s14 =	sadd.s32 $0x5400, s31;
	s9 =	sor.u32 s25, s5;
	v12 =	vor.u32 v2, v1;
	v59 =	vld [tilespmem:$0x1FD90];
	[tilespmem:s6+$0x0] =	vst v10  }
0x18b: {  	s16 =	sor.u32 s30, s14;
	[tilespmem:s9+$0x0] =	vst v11  }
0x18c: {  	v56 =	vmov v20;
	v20 =	vmov v58;
	v6 =	vor.u32 v2, v0;
	s9 =	sor.u32 s29, s14;
	v58 =	vld [tilespmem:$0x1FE70];
	[tilespmem:s16+$0x0] =	vst v8  }
0x18d: {  	s13 =	sadd.s32 $0x9680, s8;
	s17 =	sor.u32 s7, s21;
	[tilespmem:s9+$0x0] =	vst v9  }
0x18e: {  	s20 =	simm.s32 $0x60;
	s15 =	sor.u32 s12, s13;
	v15 =	vor.u32 v40, v4;
	[tilespmem:s17+$0x0] =	vst v13  }
0x18f: {  	s3 =	sand.u32 $0x60, s20;
	v11 =	vld.idx.msk [tilespmem:v12+s4+$0x0], $0xffff;
	v14 =	vor.u32 v59, v38;
	[tilespmem:s15+$0x0] =	vst v7  }
0x190: {  	s10 =	sand.u32 $0x180, s20;
	s11 =	sor.u32 $0x10, s3;
	v16 =	vor.u32 v19, v52;
	v10 =	vor.u32 v40, v3;
	v19 =	vld [tilespmem:$0x1FDA0]  }
0x191: {  	s0 =	sor.u32 s11, s10;
	v2 =	vlaneseq.u32;
	v12 =	vld.idx.msk [tilespmem:v6+s4+$0x0], $0xffff;
	v6 =	vshll.u32 v5, $0xA  }
0x192: {  	v51 =	vmovc v33;
	v33 =	vmov v31;
	v31 =	vmov v17;
	v17 =	vld [tilespmem:s0+$0x3000];
	v8 =	vor.u32 v2, v6  }
0x193: {  	v9 =	vld.idx.msk [tilespmem:v15+s4+$0x0], $0xffff;
	v18 =	vor.u32 v58, v1  }
0x194: {  	s18 =	sadd.s32 $0x7580, s28;
	v5 =	vor.u32 v58, v0;
	v7 =	vld.idx.msk [tilespmem:v14+s4+$0x0], $0xffff  }
0x195: {  	s19 =	sor.u32 s26, s18;
	v10 =	vld.idx.msk [tilespmem:v10+s4+$0x0], $0xffff;
	v13 =	vor.u32 v19, v38  }
0x196: {  	v15 =	vor.u32 v36, v3;
	[tilespmem:s19+$0x0] =	vst v11;
	v11 =	vld.idx.msk [tilespmem:v16+s4+$0x0], $0xffff  }
0x197: {  	s21 =	sadd.s32 $0x9700, s8;
	s2 =	sor.u32 s25, s18;
	v14 =	vor.u32 v36, v4;
	v8 =	vld.idx.msk [tilespmem:v8+s4+$0x0], $0xffff  }
0x198: {  	s22 =	sadd.s32 $0x5480, s31;
	s23 =	sor.u32 s12, s21;
	[tilespmem:s2+$0x0] =	vst v12;
	v12 =	vld.idx.msk [tilespmem:v18+s4+$0x0], $0xffff  }
0x199: {  	s0 =	sor.u32 s29, s22;
	v16 =	vld.idx.msk [tilespmem:v5+s4+$0x0], $0xffff;
	v18 =	vor.u32 v59, v52;
	[tilespmem:s23+$0x0] =	vst v7  }
0x19a: {  	s24 =	sor.u32 s30, s22;
	[tilespmem:s0+$0x0] =	vst v10;
	v5 =	vshll.u32 v17, $0xA;
	v7 =	vor.u32 v57, v1;
	v13 =	vld.idx.msk [tilespmem:v13+s4+$0x0], $0xffff  }
0x19b: {  	s1 =	sadd.s32 $0x7600, s28;
	s6 =	sor.u32 s7, s13;
	[tilespmem:s24+$0x0] =	vst v9;
	v15 =	vld.idx.msk [tilespmem:v15+s4+$0x0], $0xffff;
	v9 =	vor.u32 v2, v5  }
0x19c: {  	s5 =	sor.u32 s26, s1;
	[tilespmem:s6+$0x0] =	vst v11;
	v10 =	vld.idx.msk [tilespmem:v14+s4+$0x0], $0xffff  }
0x19d: {  	s10 =	sor.u32 s25, s1;
	s23 =	sadd.s32 $0x9780, s8;
	v11 =	vld [tilespmem:$0x1FDB0];
	[tilespmem:s5+$0x0] =	vst v12  }
0x19e: {  	s14 =	sor.u32 s12, s23;
	v17 =	vld.idx.msk [tilespmem:v18+s4+$0x0], $0xffff;
	[tilespmem:s10+$0x0] =	vst v16  }
0x19f: {  	s13 =	sadd.s32 $0x5500, s31;
	v7 =	vld.idx.msk [tilespmem:v7+s4+$0x0], $0xffff;
	[tilespmem:s14+$0x0] =	vst v13  }
0x1a0: {  	s15 =	sor.u32 s30, s13;
	v9 =	vld.idx.msk [tilespmem:v9+s4+$0x0], $0xffff;
	[tilespmem:$0x1FD20] =	vst v52  }
0x1a1: {  	s6 =	sor.u32 s29, s13;
	[tilespmem:s15+$0x0] =	vst v10  }
0x1a2: {  	s18 =	sadd.s32 $0x7680, s28;
	s2 =	sor.u32 s7, s21;
	v13 =	vor.u32 v19, v52;
	v19 =	vld [tilespmem:$0x1FFE0];
	[tilespmem:s6+$0x0] =	vst v15  }
0x1a3: {  	s21 =	sor.u32 s26, s18;
	[tilespmem:s2+$0x0] =	vst v17  }
0x1a4: {  	[tilespmem:s21+$0x0] =	vst v7  }
0x1a5: {  	v7 =	vld [tilespmem:$0x1FDC0];
	_ =	sdelay $0x1  }
0x1a6: {  	v11 =	vor.u32 v11, v38  }
0x1a7: {  	v12 =	vor.u32 v39, v4  }
0x1a8: {  	v16 =	vor.u32 v39, v3  }
0x1a9: {  	s17 =	simm.s32 $0x300;
	v14 =	vor.u32 v57, v0;
	v18 =	vor.u32 v7, v38;
	v7 =	vld.idx.msk [tilespmem:v13+s4+$0x0], $0xffff  }
0x1aa: {  	s16 =	sand.u32 $0xC00, s17;
	v10 =	vor.u32 v19, v1  }
0x1ab: {  	s19 =	sadd.s32 $0x3400, s16;
	v15 =	vor.u32 v24, v5;
	v11 =	vld.idx.msk [tilespmem:v11+s4+$0x0], $0xffff  }
0x1ac: {  	s0 =	smov.u32 s11;
	s11 =	sor.u32 s11, s19;
	v17 =	vor.u32 v24, v6;
	v12 =	vld.idx.msk [tilespmem:v12+s4+$0x0], $0xffff  }
0x1ad: {  	v16 =	vld.idx.msk [tilespmem:v16+s4+$0x0], $0xffff;
	[tilespmem:s11+$0x0] =	vst v9  }
0x1ae: {  	s9 =	sadd.s32 $0xA400, s8;
	v14 =	vld.idx.msk [tilespmem:v14+s4+$0x0], $0xffff;
	s2 =	sor.u32 s3, s19;
	v9 =	vor.u32 v43, v4;
	[tilespmem:$0x1FD30] =	vst v7  }
0x1af: {  	s13 =	sadd.s32 $0x5580, s31;
	s14 =	sor.u32 s12, s9;
	[tilespmem:s2+$0x0] =	vst v8;
	v8 =	vor.u32 v43, v3;
	v10 =	vld.idx.msk [tilespmem:v10+s4+$0x0], $0xffff  }
0x1b0: {  	s22 =	sor.u32 s30, s13;
	v13 =	vld.idx.msk [tilespmem:v15+s4+$0x0], $0xffff;
	[tilespmem:s14+$0x0] =	vst v11  }
0x1b1: {  	s13 =	sor.u32 s29, s13;
	v11 =	vor.u32 v19, v0;
	[tilespmem:s22+$0x0] =	vst v12;
	v15 =	vld.idx.msk [tilespmem:v17+s4+$0x0], $0xffff  }
0x1b2: {  	s24 =	sadd.s32 $0x7700, s28;
	s10 =	sor.u32 s25, s18;
	v12 =	vor.u32 v61, v1;
	[tilespmem:s13+$0x0] =	vst v16;
	v17 =	vld.idx.msk [tilespmem:v18+s4+$0x0], $0xffff  }
0x1b3: {  	s6 =	smov.u32 s3;
	s3 =	sor.u32 s26, s24;
	v16 =	vor.u32 v25, v5;
	[tilespmem:s10+$0x0] =	vst v14;
	v9 =	vld.idx.msk [tilespmem:v9+s4+$0x0], $0xffff  }
0x1b4: {  	v14 =	vor.u32 v25, v6;
	v8 =	vld.idx.msk [tilespmem:v8+s4+$0x0], $0xffff;
	[tilespmem:s3+$0x0] =	vst v10  }
0x1b5: {  	s10 =	sadd.s32 $0xA480, s8;
	v7 =	vld [tilespmem:$0x1FDD0];
	[tilespmem:s11+$0x80] =	vst v13;
	v13 =	vor.u32 v44, v4  }
0x1b6: {  	s15 =	sor.u32 s12, s10;
	v11 =	vld.idx.msk [tilespmem:v11+s4+$0x0], $0xffff;
	[tilespmem:s2+$0x80] =	vst v15;
	v15 =	vor.u32 v44, v3  }
0x1b7: {  	s5 =	sadd.s32 $0x5600, s31;
	v12 =	vld.idx.msk [tilespmem:v12+s4+$0x0], $0xffff;
	[tilespmem:s15+$0x0] =	vst v17;
	v17 =	vor.u32 v61, v0  }
0x1b8: {  	s1 =	smov.u32 s16;
	s16 =	sor.u32 s30, s5;
	v16 =	vld.idx.msk [tilespmem:v16+s4+$0x0], $0xffff  }
0x1b9: {  	s14 =	sor.u32 s29, s5;
	[tilespmem:s16+$0x0] =	vst v9;
	v9 =	vor.u32 v62, v1;
	v14 =	vld.idx.msk [tilespmem:v14+s4+$0x0], $0xffff  }
0x1ba: {  	s18 =	sadd.s32 $0x7780, s28;
	s13 =	sor.u32 s25, s24;
	[tilespmem:s14+$0x0] =	vst v8;
	v10 =	vor.u32 v7, v38;
	v13 =	vld.idx.msk [tilespmem:v13+s4+$0x0], $0xffff  }
0x1bb: {  	s19 =	sor.u32 s26, s18;
	[tilespmem:s13+$0x0] =	vst v11;
	v15 =	vld.idx.msk [tilespmem:v15+s4+$0x0], $0xffff  }
0x1bc: {  	[tilespmem:s19+$0x0] =	vst v12;
	v17 =	vld.idx.msk [tilespmem:v17+s4+$0x0], $0xffff  }
0x1bd: {  	v8 =	vor.u32 v26, v5;
	v7 =	vld [tilespmem:$0x1FDE0]  }
0x1be: {  	s21 =	sadd.s32 $0x5680, s31;
	v11 =	vor.u32 v26, v6;
	[tilespmem:s11+$0x100] =	vst v16;
	v9 =	vld.idx.msk [tilespmem:v9+s4+$0x0], $0xffff  }
0x1bf: {  	s22 =	sor.u32 s30, s21;
	v16 =	vor.u32 v45, v4;
	[tilespmem:s2+$0x100] =	vst v14;
	v10 =	vld.idx.msk [tilespmem:v10+s4+$0x0], $0xffff  }
0x1c0: {  	s15 =	sor.u32 s29, s21;
	[tilespmem:s22+$0x0] =	vst v13  }
0x1c1: {  	s24 =	sadd.s32 $0x8400, s28;
	s14 =	sor.u32 s25, s18;
	v14 =	vor.u32 v45, v3;
	[tilespmem:s15+$0x0] =	vst v15  }
0x1c2: {  	s3 =	sor.u32 s26, s24;
	s13 =	sadd.s32 $0xA500, s8;
	v8 =	vld.idx.msk [tilespmem:v8+s4+$0x0], $0xffff;
	[tilespmem:s14+$0x0] =	vst v17;
	v12 =	vor.u32 v7, v38  }
0x1c3: {  	s16 =	sor.u32 s12, s13;
	v11 =	vld.idx.msk [tilespmem:v11+s4+$0x0], $0xffff;
	v13 =	vor.u32 v63, v1;
	[tilespmem:s3+$0x0] =	vst v9  }
0x1c4: {  	v15 =	vor.u32 v27, v5;
	v16 =	vld.idx.msk [tilespmem:v16+s4+$0x0], $0xffff;
	[tilespmem:s16+$0x0] =	vst v10  }
0x1c5: {  	v10 =	vor.u32 v62, v0;
	v7 =	vld [tilespmem:$0x1FDF0]  }
0x1c6: {  	v17 =	vor.u32 v27, v6;
	v14 =	vld.idx.msk [tilespmem:v14+s4+$0x0], $0xffff  }
0x1c7: {  	s5 =	sadd.s32 $0x5700, s31;
	v12 =	vld.idx.msk [tilespmem:v12+s4+$0x0], $0xffff;
	[tilespmem:s11+$0x180] =	vst v8;
	v8 =	vor.u32 v46, v4  }
0x1c8: {  	s19 =	sor.u32 s30, s5;
	v13 =	vld.idx.msk [tilespmem:v13+s4+$0x0], $0xffff;
	[tilespmem:s2+$0x180] =	vst v11;
	v11 =	vor.u32 v46, v3  }
0x1c9: {  	[tilespmem:s19+$0x0] =	vst v16;
	v16 =	vor.u32 v54, v1;
	v15 =	vld.idx.msk [tilespmem:v15+s4+$0x0], $0xffff  }
0x1ca: {  	s14 =	sadd.s32 $0xA580, s8;
	s16 =	sor.u32 s29, s5;
	v10 =	vld.idx.msk [tilespmem:v10+s4+$0x0], $0xffff;
	v9 =	vor.u32 v7, v38  }
0x1cb: {  	s21 =	sadd.s32 $0x8480, s28;
	s18 =	sor.u32 s12, s14;
	[tilespmem:s16+$0x0] =	vst v14;
	v17 =	vld.idx.msk [tilespmem:v17+s4+$0x0], $0xffff  }
0x1cc: {  	s22 =	sor.u32 s26, s21;
	[tilespmem:s18+$0x0] =	vst v12;
	v12 =	vor.u32 v63, v0;
	v8 =	vld.idx.msk [tilespmem:v8+s4+$0x0], $0xffff  }
0x1cd: {  	[tilespmem:s22+$0x0] =	vst v13;
	v11 =	vld.idx.msk [tilespmem:v11+s4+$0x0], $0xffff  }
0x1ce: {  	s15 =	sor.u32 s25, s24;
	v16 =	vld.idx.msk [tilespmem:v16+s4+$0x0], $0xffff  }
0x1cf: {  	[tilespmem:s15+$0x0] =	vst v10;
	v10 =	vor.u32 v28, v6;
	v9 =	vld.idx.msk [tilespmem:v9+s4+$0x0], $0xffff  }
0x1d0: {  	s24 =	sadd.s32 $0x5780, s31;
	v14 =	vor.u32 v28, v5;
	v7 =	vld [tilespmem:$0x1FE00];
	[tilespmem:s11+$0x200] =	vst v15  }
0x1d1: {  	s3 =	sor.u32 s30, s24;
	v15 =	vor.u32 v47, v4;
	v12 =	vld.idx.msk [tilespmem:v12+s4+$0x0], $0xffff;
	[tilespmem:s2+$0x200] =	vst v17  }
0x1d2: {  	s5 =	sadd.s32 $0x8500, s28;
	s18 =	sor.u32 s29, s24;
	[tilespmem:s3+$0x0] =	vst v8  }
0x1d3: {  	s16 =	sor.u32 s25, s21;
	s21 =	sor.u32 s26, s5;
	s15 =	sadd.s32 $0xA600, s8;
	v17 =	vor.u32 v47, v3;
	[tilespmem:s18+$0x0] =	vst v11  }
0x1d4: {  	s19 =	sor.u32 s12, s15;
	v8 =	vor.u32 v20, v1;
	[tilespmem:s21+$0x0] =	vst v16;
	v10 =	vld.idx.msk [tilespmem:v10+s4+$0x0], $0xffff  }
0x1d5: {  	v14 =	vld.idx.msk [tilespmem:v14+s4+$0x0], $0xffff;
	v13 =	vor.u32 v7, v38;
	[tilespmem:s19+$0x0] =	vst v9  }
0x1d6: {  	v9 =	vor.u32 v54, v0;
	[tilespmem:s16+$0x0] =	vst v12;
	v15 =	vld.idx.msk [tilespmem:v15+s4+$0x0], $0xffff  }
0x1d7: {  	v7 =	vld [tilespmem:$0x1FE10]  }
0x1d8: {  	v11 =	vor.u32 v29, v5;
	v17 =	vld.idx.msk [tilespmem:v17+s4+$0x0], $0xffff  }
0x1d9: {  	v12 =	vor.u32 v29, v6;
	v8 =	vld.idx.msk [tilespmem:v8+s4+$0x0], $0xffff;
	[tilespmem:s2+$0x280] =	vst v10;
	s2 =	simm.s32 $0x3  }
0x1da: {  	s22 =	sadd.s32 $0x6400, s31;
	[tilespmem:s11+$0x280] =	vst v14;
	v14 =	vor.u32 v48, v4;
	v13 =	vld.idx.msk [tilespmem:v13+s4+$0x0], $0xffff;
	s3 =	sand.u32 $0x3, s2  }
0x1db: {  	s21 =	sor.u32 s30, s22;
	s18 =	sor.u32 s25, s5;
	v10 =	vor.u32 v48, v3;
	v9 =	vld.idx.msk [tilespmem:v9+s4+$0x0], $0xffff;
	s19 =	sshll.u32 s3, $0x5  }
0x1dc: {  	s11 =	sor.u32 s29, s22;
	[tilespmem:s21+$0x0] =	vst v15;
	v16 =	vor.u32 v7, v38;
	s5 =	sadd.s32 $0x300, s19;
	s19 =	sadd.s32 $0x8580, s28  }
0x1dd: {  	s16 =	sadd.s32 $0xA680, s8;
	v11 =	vld.idx.msk [tilespmem:v11+s4+$0x0], $0xffff;
	[tilespmem:s11+$0x0] =	vst v17;
	s22 =	sor.u32 s26, s19  }
0x1de: {  	s24 =	sor.u32 s12, s16;
	v12 =	vld.idx.msk [tilespmem:v12+s4+$0x0], $0xffff;
	[tilespmem:s22+$0x0] =	vst v8  }
0x1df: {  	v14 =	vld.idx.msk [tilespmem:v14+s4+$0x0], $0xffff;
	[tilespmem:s24+$0x0] =	vst v13;
	v13 =	vor.u32 v20, v0  }
0x1e0: {  	v8 =	vld.idx.msk [tilespmem:v10+s4+$0x0], $0xffff;
	[tilespmem:s18+$0x0] =	vst v9;
	v9 =	vor.u32 v34, v6  }
0x1e1: {  	v15 =	vor.u32 v53, v1;
	v16 =	vld.idx.msk [tilespmem:v16+s4+$0x0], $0xffff  }
0x1e2: {  	v17 =	vor.u32 v34, v5;
	s11 =	sor.u32 $0x300, s5;
	s18 =	sadd.s32 $0x10, s5;
	v7 =	vld [tilespmem:$0x1FE40]  }
0x1e3: {  	s24 =	sor.u32 $0x300, s18;
	[tilespmem:s11+$0x3400] =	vst v12;
	s11 =	sadd.s32 $0x6480, s31  }
0x1e4: {  	[tilespmem:s24+$0x3400] =	vst v11;
	s22 =	sor.u32 s30, s11;
	v13 =	vld.idx.msk [tilespmem:v13+s4+$0x0], $0xffff  }
0x1e5: {  	s24 =	sadd.s32 $0xA700, s8;
	s11 =	sor.u32 s29, s11;
	[tilespmem:s22+$0x0] =	vst v14;
	v9 =	vld.idx.msk [tilespmem:v9+s4+$0x0], $0xffff  }
0x1e6: {  	v20 =	vor.u32 v37, v4;
	v15 =	vld.idx.msk [tilespmem:v15+s4+$0x0], $0xffff;
	s3 =	sor.u32 s12, s24;
	[tilespmem:s11+$0x0] =	vst v8  }
0x1e7: {  	s9 =	sor.u32 s7, s9;
	v10 =	vor.u32 v7, v38;
	[tilespmem:s3+$0x0] =	vst v16;
	v16 =	vld.idx.msk [tilespmem:v17+s4+$0x0], $0xffff  }
0x1e8: {  	s5 =	sor.u32 s17, s20;
	s11 =	sor.u32 s25, s19;
	v7 =	vor.u32 v37, v3;
	[dreg:$0x5] =	wrdreg s9  }
0x1e9: {  	s21 =	sor.u32 s7, s23;
	s23 =	sadd.s32 $0x8600, s28;
	s5 =	sor.u32 $0x380, s5;
	v17 =	vor.u32 v53, v0;
	[tilespmem:s11+$0x0] =	vst v13  }
0x1ea: {  	v18 =	vor.u32 v33, v1;
	s11 =	sor.u32 s7, s10;
	s10 =	sor.u32 s7, s13;
	s13 =	sor.u32 s26, s23;
	[tilespmem:s5+$0x3400] =	vst v9  }
0x1eb: {  	v11 =	vor.u32 v22, v5;
	s19 =	sor.u32 s7, s14;
	s14 =	sor.u32 s7, s15;
	s15 =	sor.u32 $0x380, s18;
	v13 =	vld.idx.msk [tilespmem:v20+s4+$0x0], $0xffff;
	[tilespmem:s13+$0x0] =	vst v15  }
0x1ec: {  	v12 =	vor.u32 v22, v6;
	v61 =	vld.idx.msk [tilespmem:v10+s4+$0x0], $0xffff;
	[tilespmem:s15+$0x3400] =	vst v16  }
0x1ed: {  	s9 =	sor.u32 s7, s24;
	v14 =	vld.idx.msk [tilespmem:v7+s4+$0x0], $0xffff;
	s24 =	rddreg [dreg:$0xb]  }
0x1ee: {  	v10 =	vld.idx.msk [tilespmem:v17+s4+$0x0], $0xffff;
	s3 =	sshll.u32 s24, $0x1  }
0x1ef: {  	s8 =	sadd.s32 $0xA780, s8;
	v8 =	vld.idx.msk [tilespmem:v18+s4+$0x0], $0xffff;
	[dreg:$0xd] =	wrdreg s3  }
0x1f0: {  	s22 =	sor.u32 s7, s16;
	s7 =	sor.u32 s7, s8;
	s8 =	sor.u32 s12, s8;
	v17 =	vld.idx.msk [tilespmem:v11+s4+$0x0], $0xffff  }
0x1f1: {  	v59 =	vmov v40;
	v18 =	vld.idx.msk [tilespmem:v12+s4+$0x0], $0xffff;
	[tilespmem:s8+$0x0] =	vst v61  }
0x1f2: {  	v2 =	vmovc v33;
	v52 =	vmovc v23;
	v33 =	vmov v57;
	v54 =	vmov v41;
	v41 =	vmov v36;
	v57 =	vld [tilespmem:$0x1FE20]  }
0x1f3: {  	v22 =	vmovc v63;
	v63 =	vmovc v62;
	s18 =	sadd.s32 $0x6500, s31;
	v38 =	vmov v35;
	v35 =	vmov v30;
	v30 =	vmov v34;
	v36 =	vld [tilespmem:$0x1FFF0]  }
0x1f4: {  	s16 =	sor.u32 s30, s18;
	v53 =	vmovc v31;
	v31 =	vmovc v55;
	v9 =	vor.u32 v55, v1;
	v20 =	vmov v58;
	v15 =	vor.u32 v50, v4;
	s13 =	sor.u32 s29, s18;
	v58 =	vld [tilespmem:$0x1FE90]  }
0x1f5: {  	v16 =	vor.u32 v50, v3;
	s15 =	simm.s32 $0x3080;
	s24 =	sor.u32 s25, s23;
	v11 =	vor.u32 v2, v0;
	v2 =	vmovc v49;
	v49 =	vmovc v37;
	s8 =	simm.s32 $0x6;
	v61 =	vmov v19;
	v55 =	vld [tilespmem:$0x1FED0]  }
.LBB2_3:
0x1f6: {  	v12 =	vld [tilespmem:s15+$0x0]  }
0x1f7: {  	v23 =	vld [tilespmem:$0x1FDB0]  }
0x1f8: {  	v62 =	vmov v22;
	v22 =	vld [tilespmem:$0x1FD20]  }
0x1f9: {  	v7 =	vld [tilespmem:$0x1FEE0]  }
0x1fa: {  	v34 =	vld [tilespmem:$0x1FDC0]  }
0x1fb: {  	v37 =	vld [tilespmem:$0x1FDD0]  }
0x1fc: {  	v40 =	vld [tilespmem:$0x1FDE0]  }
0x1fd: {  	v43 =	vld [tilespmem:$0x1FDF0]  }
0x1fe: {  	[tilespmem:s16+$0x0] =	vst v13;
	s16 =	smov.u32 s25;
	s25 =	smov.u32 s29;
	v44 =	vld [tilespmem:$0x1FE00]  }
0x1ff: {  	s29 =	smov.u32 s6;
	s3 =	sadd.s32 $0x8680, s28;
	[tilespmem:s13+$0x0] =	vst v14;
	v14 =	vld.idx.msk [tilespmem:v15+s4+$0x0], $0xffff;
	s13 =	smov.u32 s26  }
0x200: {  	v19 =	vor.u32 v42, v5;
	s5 =	sadd.s32 $0x4400, s1;
	s23 =	sor.u32 s16, s3;
	v15 =	vld.idx.msk [tilespmem:v16+s4+$0x0], $0xffff;
	[tilespmem:s24+$0x0] =	vst v10;
	s3 =	sor.u32 s13, s3  }
0x201: {  	v13 =	vor.u32 v42, v6;
	s12 =	sor.u32 s29, s5;
	s5 =	sor.u32 s0, s5;
	[tilespmem:s3+$0x0] =	vst v8;
	v16 =	vor.u32 v7, v4;
	v8 =	vor.u32 v7, v3;
	v7 =	vld [tilespmem:$0x1FD30]  }
0x202: {  	v11 =	vld.idx.msk [tilespmem:v11+s4+$0x0], $0xffff;
	v10 =	vor.u32 v23, v22;
	[tilespmem:s5+$0x0] =	vst v17  }
0x203: {  	s26 =	smov.u32 s30;
	s3 =	sadd.s32 $0x6580, s31;
	v9 =	vld.idx.msk [tilespmem:v9+s4+$0x0], $0xffff  }
0x204: {  	s18 =	smov.u32 s1;
	[tilespmem:s12+$0x0] =	vst v18;
	v18 =	vor.u32 v31, v0;
	v31 =	vld [tilespmem:$0x1FD40];
	s1 =	sor.u32 s26, s3  }
0x205: {  	v17 =	vld.idx.msk [tilespmem:v19+s4+$0x0], $0xffff;
	[tilespmem:s1+$0x0] =	vst v14  }
0x206: {  	s6 =	sadd.s32 $0x8700, s28;
	v13 =	vld.idx.msk [tilespmem:v13+s4+$0x0], $0xffff;
	s5 =	sor.u32 s25, s3;
	v19 =	vor.u32 v57, v1;
	[tilespmem:s21+$0x0] =	vst v7  }
0x207: {  	s30 =	smov.u32 s0;
	s0 =	sor.u32 s13, s6;
	v10 =	vld.idx.msk [tilespmem:v10+s4+$0x0], $0xffff;
	[tilespmem:s5+$0x0] =	vst v15  }
0x208: {  	s12 =	sadd.s32 $0x4480, s18;
	v14 =	vor.u32 v51, v6;
	v15 =	vld.idx.msk [tilespmem:v16+s4+$0x0], $0xffff;
	[tilespmem:s0+$0x0] =	vst v9  }
0x209: {  	s1 =	sor.u32 s30, s12;
	v7 =	vor.u32 v51, v5;
	v8 =	vld.idx.msk [tilespmem:v8+s4+$0x0], $0xffff;
	[tilespmem:s23+$0x0] =	vst v11  }
0x20a: {  	v11 =	vor.u32 v34, v22;
	[tilespmem:s1+$0x0] =	vst v17;
	v18 =	vld.idx.msk [tilespmem:v18+s4+$0x0], $0xffff  }
0x20b: {  	s21 =	sor.u32 s29, s12;
	v16 =	vor.u32 v52, v4;
	v17 =	vld.idx.msk [tilespmem:v19+s4+$0x0], $0xffff  }
0x20c: {  	v9 =	vor.u32 v52, v3;
	[tilespmem:s21+$0x0] =	vst v13;
	v13 =	vor.u32 v57, v0;
	v57 =	vld [tilespmem:$0x1FE10]  }
0x20d: {  	s3 =	sor.u32 s16, s6;
	s6 =	rddreg [dreg:$0x5];
	s23 =	sadd.s32 $0x6600, s31;
	v14 =	vld.idx.msk [tilespmem:v14+s4+$0x0], $0xffff  }
0x20e: {  	s0 =	sor.u32 s26, s23;
	v7 =	vld.idx.msk [tilespmem:v7+s4+$0x0], $0xffff;
	[tilespmem:s6+$0x0] =	vst v10  }
0x20f: {  	s24 =	sor.u32 s25, s23;
	[tilespmem:s0+$0x0] =	vst v15;
	v11 =	vld.idx.msk [tilespmem:v11+s4+$0x0], $0xffff  }
0x210: {  	s12 =	sadd.s32 $0x8780, s28;
	v19 =	vor.u32 v31, v1;
	[tilespmem:s24+$0x0] =	vst v8;
	v8 =	vld.idx.msk [tilespmem:v16+s4+$0x0], $0xffff  }
0x211: {  	s21 =	sadd.s32 $0x4500, s18;
	v15 =	vor.u32 v54, v6;
	s0 =	sor.u32 s13, s12;
	v9 =	vld.idx.msk [tilespmem:v9+s4+$0x0], $0xffff;
	[tilespmem:s3+$0x0] =	vst v18  }
0x212: {  	v10 =	vor.u32 v54, v5;
	s24 =	sor.u32 s29, s21;
	[tilespmem:s0+$0x0] =	vst v17;
	v13 =	vld.idx.msk [tilespmem:v13+s4+$0x0], $0xffff  }
0x213: {  	s1 =	sor.u32 s30, s21;
	v16 =	vor.u32 v37, v22;
	[tilespmem:s24+$0x0] =	vst v14;
	v14 =	vor.u32 v31, v0;
	v31 =	vld [tilespmem:$0x1FD50]  }
0x214: {  	v18 =	vor.u32 v53, v4;
	[tilespmem:s1+$0x0] =	vst v7;
	v7 =	vor.u32 v53, v3;
	v53 =	vld [tilespmem:$0x1FE30]  }
0x215: {  	s5 =	sadd.s32 $0x6680, s31;
	v17 =	vld.idx.msk [tilespmem:v19+s4+$0x0], $0xffff  }
0x216: {  	s0 =	sor.u32 s26, s5;
	v15 =	vld.idx.msk [tilespmem:v15+s4+$0x0], $0xffff;
	[tilespmem:s11+$0x0] =	vst v11  }
0x217: {  	s6 =	sor.u32 s25, s5;
	v10 =	vld.idx.msk [tilespmem:v10+s4+$0x0], $0xffff;
	[tilespmem:s0+$0x0] =	vst v8  }
0x218: {  	s23 =	sor.u32 s16, s12;
	s12 =	sadd.s32 $0x9400, s28;
	v11 =	vor.u32 v35, v5;
	v8 =	vld.idx.msk [tilespmem:v16+s4+$0x0], $0xffff;
	[tilespmem:s6+$0x0] =	vst v9  }
0x219: {  	s21 =	sadd.s32 $0x4580, s18;
	s0 =	sor.u32 s13, s12;
	v16 =	vor.u32 v35, v6;
	v7 =	vld.idx.msk [tilespmem:v7+s4+$0x0], $0xffff;
	[tilespmem:s23+$0x0] =	vst v13  }
0x21a: {  	s24 =	sor.u32 s29, s21;
	v9 =	vld.idx.msk [tilespmem:v18+s4+$0x0], $0xffff;
	v19 =	vor.u32 v31, v1;
	[tilespmem:s0+$0x0] =	vst v17  }
0x21b: {  	s1 =	sor.u32 s30, s21;
	v13 =	vor.u32 v40, v22;
	v14 =	vld.idx.msk [tilespmem:v14+s4+$0x0], $0xffff;
	[tilespmem:s24+$0x0] =	vst v15  }
0x21c: {  	v18 =	vor.u32 v2, v4;
	v15 =	vor.u32 v31, v0;
	v31 =	vld [tilespmem:$0x1FD60];
	[tilespmem:s1+$0x0] =	vst v10  }
0x21d: {  	v10 =	vor.u32 v2, v3;
	v11 =	vld.idx.msk [tilespmem:v11+s4+$0x0], $0xffff  }
0x21e: {  	s5 =	sadd.s32 $0x6700, s31;
	v16 =	vld.idx.msk [tilespmem:v16+s4+$0x0], $0xffff  }
0x21f: {  	s0 =	sor.u32 s26, s5;
	[tilespmem:s10+$0x0] =	vst v8;
	v17 =	vld.idx.msk [tilespmem:v19+s4+$0x0], $0xffff  }
0x220: {  	s6 =	sor.u32 s25, s5;
	[tilespmem:s0+$0x0] =	vst v9;
	v9 =	vld.idx.msk [tilespmem:v13+s4+$0x0], $0xffff;
	v13 =	vor.u32 v36, v6  }
0x221: {  	s11 =	sadd.s32 $0x4600, s18;
	s23 =	sor.u32 s16, s12;
	[tilespmem:s6+$0x0] =	vst v7;
	v7 =	vld.idx.msk [tilespmem:v18+s4+$0x0], $0xffff;
	v19 =	vor.u32 v31, v1  }
0x222: {  	s21 =	sor.u32 s29, s11;
	v8 =	vor.u32 v36, v5;
	s10 =	sadd.s32 $0x9480, s28;
	v10 =	vld.idx.msk [tilespmem:v10+s4+$0x0], $0xffff;
	[tilespmem:s23+$0x0] =	vst v14  }
0x223: {  	s0 =	sor.u32 s13, s10;
	v14 =	vor.u32 v43, v22;
	v15 =	vld.idx.msk [tilespmem:v15+s4+$0x0], $0xffff;
	[tilespmem:s21+$0x0] =	vst v16  }
0x224: {  	s1 =	sor.u32 s30, s11;
	v18 =	vor.u32 v55, v4;
	v16 =	vor.u32 v31, v0;
	v31 =	vld [tilespmem:$0x1FD70];
	[tilespmem:s0+$0x0] =	vst v17  }
0x225: {  	[tilespmem:s1+$0x0] =	vst v11;
	v11 =	vor.u32 v55, v3;
	v13 =	vld.idx.msk [tilespmem:v13+s4+$0x0], $0xffff  }
0x226: {  	s23 =	sadd.s32 $0x6780, s31;
	v17 =	vld.idx.msk [tilespmem:v19+s4+$0x0], $0xffff  }
0x227: {  	s0 =	sor.u32 s26, s23;
	[tilespmem:s19+$0x0] =	vst v9;
	v8 =	vld.idx.msk [tilespmem:v8+s4+$0x0], $0xffff  }
0x228: {  	s24 =	sor.u32 s25, s23;
	[tilespmem:s0+$0x0] =	vst v7;
	v7 =	vld.idx.msk [tilespmem:v14+s4+$0x0], $0xffff;
	v14 =	vor.u32 v32, v6  }
0x229: {  	s12 =	sor.u32 s16, s10;
	s1 =	sadd.s32 $0x9500, s28;
	[tilespmem:s24+$0x0] =	vst v10;
	v10 =	vld.idx.msk [tilespmem:v18+s4+$0x0], $0xffff;
	v19 =	vor.u32 v31, v1  }
0x22a: {  	s5 =	sadd.s32 $0x4680, s18;
	v9 =	vor.u32 v32, v5;
	s0 =	sor.u32 s13, s1;
	v11 =	vld.idx.msk [tilespmem:v11+s4+$0x0], $0xffff;
	[tilespmem:s12+$0x0] =	vst v15  }
0x22b: {  	s10 =	sor.u32 s29, s5;
	v16 =	vld.idx.msk [tilespmem:v16+s4+$0x0], $0xffff;
	[tilespmem:s0+$0x0] =	vst v17  }
0x22c: {  	s6 =	sor.u32 s16, s1;
	s1 =	sor.u32 s30, s5;
	v15 =	vor.u32 v44, v22;
	[tilespmem:s10+$0x0] =	vst v13;
	v13 =	vor.u32 v31, v0;
	v31 =	vld [tilespmem:$0x1FD80]  }
0x22d: {  	[tilespmem:s1+$0x0] =	vst v8;
	v8 =	vor.u32 v56, v3;
	v14 =	vld.idx.msk [tilespmem:v14+s4+$0x0], $0xffff  }
0x22e: {  	s11 =	sadd.s32 $0x7400, s31;
	v18 =	vor.u32 v56, v4;
	v17 =	vld.idx.msk [tilespmem:v19+s4+$0x0], $0xffff  }
0x22f: {  	s0 =	sor.u32 s26, s11;
	[tilespmem:s14+$0x0] =	vst v7;
	v9 =	vld.idx.msk [tilespmem:v9+s4+$0x0], $0xffff  }
0x230: {  	v32 =	vld [tilespmem:$0x1FE40];
	s12 =	sor.u32 s25, s11;
	v7 =	vor.u32 v38, v5;
	[tilespmem:s0+$0x0] =	vst v10  }
0x231: {  	s19 =	sadd.s32 $0x9580, s28;
	v10 =	vld.idx.msk [tilespmem:v15+s4+$0x0], $0xffff;
	v15 =	vor.u32 v38, v6;
	[tilespmem:s12+$0x0] =	vst v11  }
0x232: {  	s21 =	sadd.s32 $0x4700, s18;
	s0 =	sor.u32 s13, s19;
	v19 =	vor.u32 v31, v1;
	v8 =	vld.idx.msk [tilespmem:v8+s4+$0x0], $0xffff;
	[tilespmem:s6+$0x0] =	vst v16  }
0x233: {  	s1 =	sor.u32 s30, s21;
	v11 =	vld.idx.msk [tilespmem:v18+s4+$0x0], $0xffff;
	v16 =	vor.u32 v57, v22;
	[tilespmem:s0+$0x0] =	vst v17  }
0x234: {  	s24 =	sor.u32 s29, s21;
	v18 =	vor.u32 v60, v4;
	v13 =	vld.idx.msk [tilespmem:v13+s4+$0x0], $0xffff;
	[tilespmem:s1+$0x0] =	vst v9  }
0x235: {  	[tilespmem:s24+$0x0] =	vst v14;
	v9 =	vor.u32 v60, v3;
	v7 =	vld.idx.msk [tilespmem:v7+s4+$0x0], $0xffff  }
0x236: {  	v14 =	vor.u32 v31, v0;
	s1 =	sadd.s32 $0x7480, s31;
	v15 =	vld.idx.msk [tilespmem:v15+s4+$0x0], $0xffff  }
0x237: {  	s0 =	sor.u32 s26, s1;
	[tilespmem:s22+$0x0] =	vst v10;
	v17 =	vld.idx.msk [tilespmem:v19+s4+$0x0], $0xffff  }
0x238: {  	s5 =	sor.u32 s25, s1;
	[tilespmem:s0+$0x0] =	vst v11;
	v11 =	vld.idx.msk [tilespmem:v16+s4+$0x0], $0xffff;
	v16 =	vor.u32 v21, v6  }
0x239: {  	s23 =	sor.u32 s16, s19;
	s10 =	sadd.s32 $0x4780, s18;
	v19 =	vor.u32 v53, v1;
	[tilespmem:s5+$0x0] =	vst v8;
	v8 =	vld.idx.msk [tilespmem:v18+s4+$0x0], $0xffff  }
0x23a: {  	s12 =	sor.u32 s29, s10;
	s6 =	sadd.s32 $0x9600, s28;
	v10 =	vor.u32 v21, v5;
	v9 =	vld.idx.msk [tilespmem:v9+s4+$0x0], $0xffff;
	[tilespmem:s23+$0x0] =	vst v13  }
0x23b: {  	s0 =	sor.u32 s13, s6;
	v13 =	vor.u32 v32, v22;
	v14 =	vld.idx.msk [tilespmem:v14+s4+$0x0], $0xffff;
	[tilespmem:s12+$0x0] =	vst v15  }
0x23c: {  	v50 =	vmovc v0;
	v0 =	vmov v3;
	v31 =	vld [tilespmem:$0x1FD90];
	v3 =	vmov v6;
	s1 =	sor.u32 s30, s10;
	v6 =	vor.u32 v58, v4;
	[tilespmem:s0+$0x0] =	vst v17  }
0x23d: {  	[tilespmem:s1+$0x0] =	vst v7;
	v15 =	vld.idx.msk [tilespmem:v16+s4+$0x0], $0xffff  }
0x23e: {  	s20 =	sadd.s32 $0x20, s20;
	s14 =	sadd.s32 $0x7500, s31;
	v7 =	vor.u32 v58, v0;
	v17 =	vld.idx.msk [tilespmem:v19+s4+$0x0], $0xffff  }
0x23f: {  	s3 =	sand.u32 $0x60, s20;
	s0 =	sor.u32 s26, s14;
	[tilespmem:s9+$0x0] =	vst v11;
	v10 =	vld.idx.msk [tilespmem:v10+s4+$0x0], $0xffff  }
0x240: {  	s21 =	sand.u32 $0x180, s20;
	s19 =	sor.u32 s25, s14;
	s12 =	sor.u32 $0x10, s3;
	[tilespmem:s0+$0x0] =	vst v8;
	v8 =	vld.idx.msk [tilespmem:v13+s4+$0x0], $0xffff  }
0x241: {  	s9 =	sor.u32 s12, s21;
	v13 =	vor.u32 v59, v3;
	[tilespmem:s19+$0x0] =	vst v9;
	v9 =	vld.idx.msk [tilespmem:v6+s4+$0x0], $0xffff  }
0x242: {  	s11 =	sor.u32 s16, s6;
	s23 =	sadd.s32 $0x9680, s28;
	v16 =	vor.u32 v31, v1;
	v18 =	vld [tilespmem:s9+$0x3000]  }
0x243: {  	s22 =	sadd.s32 $0x5400, s18;
	s24 =	sor.u32 s13, s23;
	v11 =	vor.u32 v59, v5;
	v7 =	vld.idx.msk [tilespmem:v7+s4+$0x0], $0xffff;
	[tilespmem:s11+$0x0] =	vst v14  }
0x244: {  	s1 =	sor.u32 s29, s22;
	v14 =	vor.u32 v53, v50;
	v53 =	vld [tilespmem:$0x1FDA0];
	[tilespmem:s24+$0x0] =	vst v17  }
0x245: {  	s0 =	sor.u32 s30, s22;
	v19 =	vor.u32 v20, v4;
	v59 =	vmov v2;
	v2 =	vld [tilespmem:$0x1FFD0];
	[tilespmem:s1+$0x0] =	vst v15  }
0x246: {  	v22 =	vlaneseq.u32;
	v6 =	vshll.u32 v12, $0xA;
	[tilespmem:s0+$0x0] =	vst v10;
	v10 =	vor.u32 v20, v0;
	v13 =	vld.idx.msk [tilespmem:v13+s4+$0x0], $0xffff  }
0x247: {  	s11 =	sadd.s32 $0x7580, s31;
	v12 =	vld.idx.msk [tilespmem:v16+s4+$0x0], $0xffff;
	v16 =	vor.u32 v22, v6  }
0x248: {  	s5 =	sor.u32 s26, s11;
	[tilespmem:s7+$0x0] =	vst v8;
	v11 =	vld.idx.msk [tilespmem:v11+s4+$0x0], $0xffff  }
0x249: {  	s14 =	sor.u32 s25, s11;
	[tilespmem:s5+$0x0] =	vst v9;
	v15 =	vor.u32 v53, v1;
	v9 =	vld.idx.msk [tilespmem:v14+s4+$0x0], $0xffff  }
0x24a: {  	s19 =	sadd.s32 $0x9700, s28;
	v17 =	vor.u32 v41, v5;
	[tilespmem:s14+$0x0] =	vst v7;
	v7 =	vld.idx.msk [tilespmem:v19+s4+$0x0], $0xffff  }
0x24b: {  	s21 =	sadd.s32 $0x5480, s18;
	s5 =	sor.u32 s13, s19;
	v14 =	vor.u32 v41, v3;
	v10 =	vld.idx.msk [tilespmem:v10+s4+$0x0], $0xffff  }
0x24c: {  	s6 =	sor.u32 s30, s21;
	v8 =	vshll.u32 v18, $0xA;
	v16 =	vld.idx.msk [tilespmem:v16+s4+$0x0], $0xffff;
	[tilespmem:s5+$0x0] =	vst v12  }
0x24d: {  	v19 =	vor.u32 v31, v50;
	v12 =	vor.u32 v22, v8;
	v22 =	vld [tilespmem:$0x1FEA0];
	[tilespmem:s6+$0x0] =	vst v11  }
0x24e: {  	s10 =	sor.u32 s16, s23;
	s23 =	sor.u32 s29, s21;
	v18 =	vor.u32 v33, v4;
	v11 =	vld.idx.msk [tilespmem:v15+s4+$0x0], $0xffff  }
0x24f: {  	[tilespmem:s23+$0x0] =	vst v13;
	v13 =	vld.idx.msk [tilespmem:v17+s4+$0x0], $0xffff  }
0x250: {  	s24 =	sadd.s32 $0x7600, s31;
	v14 =	vld.idx.msk [tilespmem:v14+s4+$0x0], $0xffff  }
0x251: {  	s5 =	sor.u32 s26, s24;
	v15 =	vor.u32 v33, v0;
	[tilespmem:s10+$0x0] =	vst v9;
	v33 =	vld [tilespmem:$0x1FF30]  }
0x252: {  	v54 =	vmov v39;
	s1 =	sor.u32 s25, s24;
	v9 =	vor.u32 v23, v1;
	[tilespmem:s5+$0x0] =	vst v7;
	v7 =	vld.idx.msk [tilespmem:v19+s4+$0x0], $0xffff  }
0x253: {  	s6 =	sadd.s32 $0x9780, s28;
	v17 =	vor.u32 v54, v5;
	[tilespmem:s1+$0x0] =	vst v10;
	v10 =	vld.idx.msk [tilespmem:v18+s4+$0x0], $0xffff  }
0x254: {  	s7 =	sadd.s32 $0x5500, s18;
	s5 =	sor.u32 s13, s6;
	v19 =	vor.u32 v54, v3;
	v18 =	vor.u32 v53, v50;
	v53 =	vld [tilespmem:$0x1FFA0]  }
0x255: {  	s21 =	sor.u32 s16, s6;
	s6 =	sor.u32 s30, s7;
	v12 =	vld.idx.msk [tilespmem:v12+s4+$0x0], $0xffff;
	[tilespmem:s5+$0x0] =	vst v11  }
0x256: {  	v15 =	vld.idx.msk [tilespmem:v15+s4+$0x0], $0xffff;
	[tilespmem:s6+$0x0] =	vst v13  }
0x257: {  	s17 =	sadd.s32 $0x100, s17;
	[tilespmem:$0x1FD20] =	vst v50;
	v20 =	vor.u32 v61, v4;
	s10 =	sor.u32 s29, s7;
	v9 =	vld.idx.msk [tilespmem:v9+s4+$0x0], $0xffff  }
0x258: {  	s22 =	sor.u32 s16, s19;
	s11 =	sand.u32 $0xC00, s17;
	s19 =	sadd.s32 $0x7680, s31;
	v11 =	vor.u32 v24, v8;
	[tilespmem:s10+$0x0] =	vst v14;
	v14 =	vld.idx.msk [tilespmem:v17+s4+$0x0], $0xffff  }
0x259: {  	s23 =	sadd.s32 $0x3400, s11;
	s24 =	sor.u32 s26, s19;
	v13 =	vor.u32 v24, v6;
	v17 =	vld.idx.msk [tilespmem:v19+s4+$0x0], $0xffff;
	[tilespmem:s22+$0x0] =	vst v7  }
0x25a: {  	s22 =	sor.u32 s12, s23;
	[tilespmem:s24+$0x0] =	vst v10;
	v7 =	vld.idx.msk [tilespmem:v18+s4+$0x0], $0xffff  }
0x25b: {  	v31 =	vmov v21;
	v21 =	vor.u32 v2, v5;
	s9 =	sor.u32 s3, s23;
	s1 =	smov.u32 s11;
	s11 =	sadd.s32 $0xA400, s28;
	v10 =	vor.u32 v2, v3;
	v2 =	vld [tilespmem:$0x1FE80];
	[tilespmem:s22+$0x0] =	vst v12  }
0x25c: {  	s0 =	smov.u32 s12;
	s5 =	sor.u32 s13, s11;
	v19 =	vor.u32 v34, v1;
	s12 =	sadd.s32 $0x5580, s18;
	[tilespmem:s9+$0x0] =	vst v16;
	v12 =	vld.idx.msk [tilespmem:v20+s4+$0x0], $0xffff  }
0x25d: {  	s10 =	sor.u32 s25, s19;
	s19 =	sor.u32 s29, s12;
	v11 =	vld.idx.msk [tilespmem:v11+s4+$0x0], $0xffff;
	[tilespmem:s5+$0x0] =	vst v9  }
0x25e: {  	s14 =	sor.u32 s17, s20;
	v50 =	vmov v41;
	v13 =	vld.idx.msk [tilespmem:v13+s4+$0x0], $0xffff;
	[tilespmem:s19+$0x0] =	vst v17  }
0x25f: {  	s7 =	sor.u32 $0x380, s14;
	s14 =	sor.u32 s16, s11;
	v41 =	vmov v50;
	v50 =	vld [tilespmem:$0x1FF10];
	v16 =	vor.u32 v61, v0;
	s11 =	sor.u32 s30, s12;
	[tilespmem:$0x1FD30] =	vst v7  }
0x260: {  	s23 =	sadd.s32 $0x7700, s31;
	v18 =	vor.u32 v22, v4;
	[tilespmem:s11+$0x0] =	vst v14;
	v10 =	vld.idx.msk [tilespmem:v10+s4+$0x0], $0xffff  }
0x261: {  	v9 =	vor.u32 v25, v8;
	s5 =	sor.u32 s26, s23;
	[tilespmem:s10+$0x0] =	vst v15;
	v14 =	vld.idx.msk [tilespmem:v19+s4+$0x0], $0xffff  }
0x262: {  	v19 =	vor.u32 v25, v6;
	v17 =	vld.idx.msk [tilespmem:v21+s4+$0x0], $0xffff;
	[tilespmem:s5+$0x0] =	vst v12  }
0x263: {  	v7 =	vld [tilespmem:$0x1FF60];
	[tilespmem:s22+$0x80] =	vst v11;
	v11 =	vor.u32 v2, v3  }
0x264: {  	s24 =	sadd.s32 $0xA480, s28;
	v15 =	vor.u32 v37, v1;
	v16 =	vld.idx.msk [tilespmem:v16+s4+$0x0], $0xffff  }
0x265: {  	s6 =	smov.u32 s3;
	s3 =	sadd.s32 $0x5600, s18;
	v20 =	vor.u32 v2, v5;
	s5 =	sor.u32 s13, s24;
	v12 =	vld.idx.msk [tilespmem:v18+s4+$0x0], $0xffff;
	[tilespmem:s9+$0x80] =	vst v13  }
0x266: {  	s12 =	sor.u32 s29, s3;
	v9 =	vld.idx.msk [tilespmem:v9+s4+$0x0], $0xffff;
	[tilespmem:s5+$0x0] =	vst v14  }
0x267: {  	[dreg:$0x5] =	wrdreg s14;
	s14 =	sor.u32 s30, s3;
	v13 =	vor.u32 v22, v0;
	v18 =	vld.idx.msk [tilespmem:v19+s4+$0x0], $0xffff;
	[tilespmem:s12+$0x0] =	vst v10  }
0x268: {  	v19 =	vor.u32 v63, v4;
	[tilespmem:s14+$0x0] =	vst v17;
	v11 =	vld.idx.msk [tilespmem:v11+s4+$0x0], $0xffff  }
0x269: {  	s10 =	sor.u32 s25, s23;
	s23 =	sadd.s32 $0x7780, s31;
	v14 =	vor.u32 v26, v8;
	v15 =	vld.idx.msk [tilespmem:v15+s4+$0x0], $0xffff  }
0x26a: {  	s5 =	sor.u32 s26, s23;
	v17 =	vor.u32 v26, v6;
	[tilespmem:s10+$0x0] =	vst v16;
	v10 =	vld.idx.msk [tilespmem:v20+s4+$0x0], $0xffff  }
0x26b: {  	v2 =	vld [tilespmem:$0x1FF40];
	v16 =	vor.u32 v40, v1;
	[tilespmem:s5+$0x0] =	vst v12  }
0x26c: {  	s11 =	sor.u32 s16, s24;
	s24 =	sadd.s32 $0xA500, s28;
	v13 =	vld.idx.msk [tilespmem:v13+s4+$0x0], $0xffff;
	[tilespmem:s22+$0x100] =	vst v9;
	v9 =	vor.u32 v45, v3  }
0x26d: {  	s3 =	sadd.s32 $0x5680, s18;
	v20 =	vor.u32 v45, v5;
	s5 =	sor.u32 s13, s24;
	v12 =	vld.idx.msk [tilespmem:v19+s4+$0x0], $0xffff;
	[tilespmem:s9+$0x100] =	vst v18  }
0x26e: {  	s19 =	sor.u32 s30, s3;
	v14 =	vld.idx.msk [tilespmem:v14+s4+$0x0], $0xffff;
	v18 =	vor.u32 v63, v0;
	[tilespmem:s5+$0x0] =	vst v15  }
0x26f: {  	s12 =	sor.u32 s29, s3;
	v19 =	vor.u32 v62, v4;
	v17 =	vld.idx.msk [tilespmem:v17+s4+$0x0], $0xffff;
	[tilespmem:s19+$0x0] =	vst v10  }
0x270: {  	s14 =	sor.u32 s25, s23;
	s23 =	sadd.s32 $0x8400, s31;
	[tilespmem:s12+$0x0] =	vst v11;
	v15 =	vor.u32 v27, v8;
	v10 =	vld.idx.msk [tilespmem:v16+s4+$0x0], $0xffff  }
0x271: {  	s5 =	sor.u32 s26, s23;
	v9 =	vld.idx.msk [tilespmem:v9+s4+$0x0], $0xffff;
	[tilespmem:s14+$0x0] =	vst v13;
	v16 =	vor.u32 v27, v6  }
0x272: {  	v11 =	vld.idx.msk [tilespmem:v20+s4+$0x0], $0xffff;
	[tilespmem:s5+$0x0] =	vst v12;
	v12 =	vor.u32 v46, v3  }
0x273: {  	s10 =	sor.u32 s16, s24;
	s24 =	sadd.s32 $0xA580, s28;
	v13 =	vor.u32 v43, v1;
	v18 =	vld.idx.msk [tilespmem:v18+s4+$0x0], $0xffff;
	[tilespmem:s22+$0x180] =	vst v14  }
0x274: {  	s3 =	sadd.s32 $0x5700, s18;
	v20 =	vor.u32 v46, v5;
	s5 =	sor.u32 s13, s24;
	[tilespmem:s9+$0x180] =	vst v17;
	v14 =	vld.idx.msk [tilespmem:v19+s4+$0x0], $0xffff  }
0x275: {  	s12 =	sor.u32 s29, s3;
	v17 =	vor.u32 v62, v0;
	v15 =	vld.idx.msk [tilespmem:v15+s4+$0x0], $0xffff;
	[tilespmem:s5+$0x0] =	vst v10  }
0x276: {  	s14 =	sor.u32 s25, s23;
	s23 =	sor.u32 s30, s3;
	v16 =	vld.idx.msk [tilespmem:v16+s4+$0x0], $0xffff;
	[tilespmem:s12+$0x0] =	vst v9  }
0x277: {  	v19 =	vor.u32 v7, v4;
	[tilespmem:s23+$0x0] =	vst v11;
	v12 =	vld.idx.msk [tilespmem:v12+s4+$0x0], $0xffff  }
0x278: {  	s19 =	sor.u32 s16, s24;
	s24 =	sadd.s32 $0x8480, s31;
	v10 =	vor.u32 v28, v8;
	v11 =	vld.idx.msk [tilespmem:v13+s4+$0x0], $0xffff  }
0x279: {  	s5 =	sor.u32 s26, s24;
	[tilespmem:s14+$0x0] =	vst v18;
	v9 =	vld.idx.msk [tilespmem:v20+s4+$0x0], $0xffff  }
0x27a: {  	v56 =	vmov v47;
	v13 =	vor.u32 v28, v6;
	v17 =	vld.idx.msk [tilespmem:v17+s4+$0x0], $0xffff;
	[tilespmem:s5+$0x0] =	vst v14  }
0x27b: {  	v47 =	vmov v56;
	v20 =	vor.u32 v56, v5;
	v14 =	vor.u32 v56, v3;
	v56 =	vld [tilespmem:$0x1FF90];
	[tilespmem:s22+$0x200] =	vst v15  }
0x27c: {  	s3 =	sadd.s32 $0xA600, s28;
	v15 =	vld.idx.msk [tilespmem:v19+s4+$0x0], $0xffff  }
0x27d: {  	s12 =	sadd.s32 $0x5780, s18;
	v18 =	vor.u32 v44, v1;
	s5 =	sor.u32 s13, s3;
	[tilespmem:s9+$0x200] =	vst v16;
	v10 =	vld.idx.msk [tilespmem:v10+s4+$0x0], $0xffff  }
0x27e: {  	s14 =	sor.u32 s16, s3;
	s3 =	sor.u32 s29, s12;
	v16 =	vor.u32 v7, v0;
	v7 =	vld [tilespmem:$0x1FF50];
	[tilespmem:s5+$0x0] =	vst v11  }
0x27f: {  	s23 =	sor.u32 s25, s24;
	s24 =	sor.u32 s30, s12;
	v13 =	vld.idx.msk [tilespmem:v13+s4+$0x0], $0xffff;
	[tilespmem:s3+$0x0] =	vst v12  }
0x280: {  	[tilespmem:s24+$0x0] =	vst v9;
	v14 =	vld.idx.msk [tilespmem:v14+s4+$0x0], $0xffff  }
0x281: {  	s3 =	sadd.s32 $0x8500, s31;
	[tilespmem:s23+$0x0] =	vst v17;
	v17 =	vor.u32 v57, v1;
	v57 =	vld [tilespmem:$0x1FE20]  }
0x282: {  	s5 =	sor.u32 s26, s3;
	v9 =	vld.idx.msk [tilespmem:v18+s4+$0x0], $0xffff;
	v18 =	vor.u32 v29, v6  }
0x283: {  	v39 =	vmov v48;
	v12 =	vld.idx.msk [tilespmem:v20+s4+$0x0], $0xffff;
	v19 =	vor.u32 v7, v4;
	[tilespmem:s5+$0x0] =	vst v15  }
0x284: {  	v11 =	vor.u32 v29, v8;
	v16 =	vld.idx.msk [tilespmem:v16+s4+$0x0], $0xffff;
	[tilespmem:s22+$0x280] =	vst v10  }
0x285: {  	v10 =	vor.u32 v39, v3;
	[tilespmem:s9+$0x280] =	vst v13;
	v13 =	vor.u32 v7, v0;
	v7 =	vld [tilespmem:$0x1FF80]  }
0x286: {  	v48 =	vmov v39;
	v20 =	vor.u32 v39, v5;
	s22 =	sadd.s32 $0x6400, s18;
	v39 =	vmov v54;
	v54 =	vld [tilespmem:$0x1FFB0]  }
0x287: {  	s12 =	sor.u32 s25, s3;
	s5 =	sadd.s32 $0xA680, s28;
	s3 =	sor.u32 s29, s22;
	v18 =	vld.idx.msk [tilespmem:v18+s4+$0x0], $0xffff  }
0x288: {  	s2 =	sadd.s32 $0x1, s2;
	s23 =	sor.u32 s13, s5;
	[tilespmem:s3+$0x0] =	vst v14;
	v15 =	vld.idx.msk [tilespmem:v19+s4+$0x0], $0xffff  }
0x289: {  	s24 =	sand.u32 $0x3, s2;
	v11 =	vld.idx.msk [tilespmem:v11+s4+$0x0], $0xffff;
	s9 =	sor.u32 s30, s22;
	[tilespmem:s23+$0x0] =	vst v9  }
0x28a: {  	s23 =	sshll.u32 s24, $0x5;
	[tilespmem:s9+$0x0] =	vst v12;
	v10 =	vld.idx.msk [tilespmem:v10+s4+$0x0], $0xffff;
	v19 =	vor.u32 v7, v4  }
0x28b: {  	s3 =	sadd.s32 $0x8580, s31;
	v9 =	vor.u32 v30, v8;
	s9 =	sadd.s32 s23, s17;
	[tilespmem:s12+$0x0] =	vst v16;
	v16 =	vor.u32 v32, v1;
	v32 =	vld [tilespmem:$0x1FE50]  }
0x28c: {  	s22 =	sor.u32 s16, s5;
	s12 =	sor.u32 s26, s3;
	v12 =	vld.idx.msk [tilespmem:v17+s4+$0x0], $0xffff;
	v17 =	vor.u32 v30, v6;
	s5 =	sadd.s32 $0x10, s9  }
0x28d: {  	v14 =	vld.idx.msk [tilespmem:v20+s4+$0x0], $0xffff;
	s24 =	sor.u32 $0x300, s5;
	[tilespmem:s12+$0x0] =	vst v15  }
0x28e: {  	v1 =	vmov v4;
	v4 =	vmov v5;
	v20 =	vld.idx.msk [tilespmem:v13+s4+$0x0], $0xffff;
	[tilespmem:s24+$0x3400] =	vst v11  }
0x28f: {  	s23 =	sor.u32 $0x300, s9;
	v5 =	vmov v8;
	v8 =	vor.u32 v49, v4;
	s24 =	sadd.s32 $0xA700, s28;
	v19 =	vld.idx.msk [tilespmem:v19+s4+$0x0], $0xffff  }
0x290: {  	[tilespmem:s23+$0x3400] =	vst v18;
	s23 =	sadd.s32 $0x6480, s18;
	v11 =	vor.u32 v49, v3;
	v9 =	vld.idx.msk [tilespmem:v9+s4+$0x0], $0xffff;
	s12 =	sor.u32 s13, s24  }
0x291: {  	v21 =	vor.u32 v32, v1;
	s9 =	sor.u32 s16, s24;
	v17 =	vld.idx.msk [tilespmem:v17+s4+$0x0], $0xffff;
	s24 =	sor.u32 s29, s23;
	s23 =	sor.u32 s30, s23;
	[tilespmem:s12+$0x0] =	vst v12  }
0x292: {  	v23 =	vor.u32 v2, v6;
	v12 =	vor.u32 v2, v5;
	v2 =	vmov v59;
	v59 =	vld [tilespmem:$0x1FE60];
	[tilespmem:s23+$0x0] =	vst v14;
	s23 =	sadd.s32 $0x8600, s31  }
0x293: {  	v18 =	vor.u32 v7, v0;
	v7 =	vmov v62;
	v62 =	vmov v22;
	[tilespmem:s24+$0x0] =	vst v10;
	v22 =	vld.idx.msk [tilespmem:v16+s4+$0x0], $0xffff;
	s24 =	sor.u32 s25, s23;
	s23 =	sor.u32 s26, s23  }
0x294: {  	s5 =	sor.u32 $0x380, s5;
	v13 =	vld.idx.msk [tilespmem:v8+s4+$0x0], $0xffff;
	[tilespmem:s23+$0x0] =	vst v19  }
0x295: {  	v14 =	vld.idx.msk [tilespmem:v11+s4+$0x0], $0xffff;
	[tilespmem:s5+$0x3400] =	vst v9  }
0x296: {  	s8 =	sadd.s32 $0x2, s8;
	v8 =	vld.idx.msk [tilespmem:v21+s4+$0x0], $0xffff  }
0x297: {  	p0 =	slt.u32 s8, $0x1E;
	s3 =	sor.u32 s25, s3;
	v21 =	vmov v31;
	v31 =	vld [tilespmem:$0x1FF70]  }
.Ltmp0:
0x298: {  	[tilespmem:s3+$0x0] =	vst v20;
	v20 =	vld [tilespmem:$0x1FE70];
	(pc) =	sbr.rel @p0 .LBB2_3-.Ltmp0, $4  }
0x299: {  	v11 =	vor.u32 v32, v0;
	v32 =	vld [tilespmem:$0x1FF20]  }
0x29a: {  	s12 =	sadd.s32 $0xA780, s28;
	s28 =	smov.u32 s31;
	s31 =	smov.u32 s18;
	v10 =	vld.idx.msk [tilespmem:v18+s4+$0x0], $0xffff;
	[tilespmem:s7+$0x3400] =	vst v17  }
0x29b: {  	s15 =	sadd.s32 $0x20, s15;
	v15 =	vor.u32 v50, v4;
	s3 =	sor.u32 s13, s12;
	s23 =	sadd.s32 $0x6500, s31;
	v18 =	vld.idx.msk [tilespmem:v23+s4+$0x0], $0xffff  }
0x29c: {  	v16 =	vor.u32 v50, v3;
	s7 =	sor.u32 s16, s12;
	s13 =	sor.u32 s29, s23;
	s16 =	sor.u32 s30, s23;
	v17 =	vld.idx.msk [tilespmem:v12+s4+$0x0], $0xffff;
	[tilespmem:s3+$0x0] =	vst v22;
	v22 =	vmov v7;
	v9 =	vor.u32 v31, v1  }
0x29d: {  	v12 =	vor.u32 v42, v5  }
0x29e: {  	v19 =	vor.u32 v42, v6  }
0x29f: {  	s2 =	sadd.s32 $0x4400, s1  }
0x2a0: {  	s3 =	sor.u32 s0, s2  }
0x2a1: {  	v7 =	vmov v59;
	v59 =	vld [tilespmem:$0x1FF40];
	s2 =	sor.u32 s6, s2;
	[tilespmem:s3+$0x0] =	vst v17  }
0x2a2: {  	[tilespmem:s2+$0x0] =	vst v18;
	v12 =	vld.idx.msk [tilespmem:v12+s4+$0x0], $0xffff  }
0x2a3: {  	v18 =	vor.u32 v51, v5;
	v17 =	vld.idx.msk [tilespmem:v19+s4+$0x0], $0xffff  }
0x2a4: {  	s12 =	smov.u32 s1;
	v19 =	vor.u32 v51, v6  }
0x2a5: {  	s17 =	sadd.s32 $0x4480, s12  }
0x2a6: {  	s18 =	sor.u32 s0, s17  }
0x2a7: {  	s2 =	sor.u32 s6, s17;
	[tilespmem:s18+$0x0] =	vst v12  }
0x2a8: {  	[tilespmem:s2+$0x0] =	vst v17;
	v12 =	vld.idx.msk [tilespmem:v18+s4+$0x0], $0xffff  }
0x2a9: {  	v17 =	vld.idx.msk [tilespmem:v19+s4+$0x0], $0xffff;
	v18 =	vor.u32 v54, v5  }
0x2aa: {  	v19 =	vor.u32 v54, v6  }
0x2ab: {  	s20 =	sadd.s32 $0x4500, s12  }
0x2ac: {  	s23 =	sor.u32 s0, s20  }
0x2ad: {  	s2 =	sor.u32 s6, s20;
	[tilespmem:s23+$0x0] =	vst v12  }
0x2ae: {  	[tilespmem:s2+$0x0] =	vst v17;
	v12 =	vld.idx.msk [tilespmem:v18+s4+$0x0], $0xffff  }
0x2af: {  	v17 =	vld.idx.msk [tilespmem:v19+s4+$0x0], $0xffff;
	v18 =	vor.u32 v35, v5  }
0x2b0: {  	v19 =	vor.u32 v35, v6  }
0x2b1: {  	s5 =	sadd.s32 $0x4580, s12  }
0x2b2: {  	s15 =	sor.u32 s0, s5  }
0x2b3: {  	s2 =	sor.u32 s6, s5;
	[tilespmem:s15+$0x0] =	vst v12  }
0x2b4: {  	[tilespmem:s2+$0x0] =	vst v17;
	v12 =	vld.idx.msk [tilespmem:v18+s4+$0x0], $0xffff  }
0x2b5: {  	v17 =	vld.idx.msk [tilespmem:v19+s4+$0x0], $0xffff;
	v18 =	vor.u32 v36, v5  }
0x2b6: {  	v19 =	vor.u32 v36, v6  }
0x2b7: {  	s17 =	sadd.s32 $0x4600, s12  }
0x2b8: {  	s18 =	sor.u32 s0, s17  }
0x2b9: {  	s2 =	sor.u32 s6, s17;
	[tilespmem:s18+$0x0] =	vst v12  }
0x2ba: {  	[tilespmem:s2+$0x0] =	vst v17;
	v12 =	vld.idx.msk [tilespmem:v18+s4+$0x0], $0xffff  }
0x2bb: {  	v17 =	vld.idx.msk [tilespmem:v19+s4+$0x0], $0xffff;
	v18 =	vor.u32 v32, v5  }
0x2bc: {  	v19 =	vor.u32 v32, v6  }
0x2bd: {  	s20 =	sadd.s32 $0x4680, s12  }
0x2be: {  	s23 =	sor.u32 s0, s20  }
0x2bf: {  	s2 =	sor.u32 s6, s20;
	[tilespmem:s23+$0x0] =	vst v12  }
0x2c0: {  	[tilespmem:s2+$0x0] =	vst v17;
	v12 =	vld.idx.msk [tilespmem:v18+s4+$0x0], $0xffff  }
0x2c1: {  	v17 =	vld.idx.msk [tilespmem:v19+s4+$0x0], $0xffff;
	v18 =	vor.u32 v38, v5  }
0x2c2: {  	v19 =	vor.u32 v38, v6  }
0x2c3: {  	s5 =	sadd.s32 $0x4700, s12  }
0x2c4: {  	s15 =	sor.u32 s0, s5  }
0x2c5: {  	s2 =	sor.u32 s6, s5;
	[tilespmem:s15+$0x0] =	vst v12  }
0x2c6: {  	[tilespmem:s2+$0x0] =	vst v17;
	v12 =	vld.idx.msk [tilespmem:v18+s4+$0x0], $0xffff  }
0x2c7: {  	v17 =	vld.idx.msk [tilespmem:v19+s4+$0x0], $0xffff;
	v18 =	vor.u32 v21, v5  }
0x2c8: {  	v19 =	vor.u32 v21, v6  }
0x2c9: {  	s17 =	sadd.s32 $0x4780, s12  }
0x2ca: {  	s18 =	sor.u32 s0, s17  }
0x2cb: {  	s2 =	sor.u32 s6, s17;
	[tilespmem:s18+$0x0] =	vst v12  }
0x2cc: {  	[tilespmem:s2+$0x0] =	vst v17;
	v12 =	vld.idx.msk [tilespmem:v18+s4+$0x0], $0xffff  }
0x2cd: {  	v17 =	vld.idx.msk [tilespmem:v19+s4+$0x0], $0xffff;
	v18 =	vor.u32 v7, v5  }
0x2ce: {  	v19 =	vor.u32 v7, v6  }
0x2cf: {  	s20 =	sadd.s32 $0x5400, s12  }
0x2d0: {  	s23 =	sor.u32 s0, s20  }
0x2d1: {  	s2 =	sor.u32 s6, s20;
	[tilespmem:s23+$0x0] =	vst v12  }
0x2d2: {  	[tilespmem:s2+$0x0] =	vst v17;
	v12 =	vld.idx.msk [tilespmem:v18+s4+$0x0], $0xffff  }
0x2d3: {  	v17 =	vld.idx.msk [tilespmem:v19+s4+$0x0], $0xffff;
	v18 =	vor.u32 v41, v5  }
0x2d4: {  	v19 =	vor.u32 v41, v6  }
0x2d5: {  	s5 =	sadd.s32 $0x5480, s12  }
0x2d6: {  	s15 =	sor.u32 s0, s5  }
0x2d7: {  	s2 =	sor.u32 s6, s5;
	[tilespmem:s15+$0x0] =	vst v12  }
0x2d8: {  	[tilespmem:s2+$0x0] =	vst v17;
	v12 =	vld.idx.msk [tilespmem:v18+s4+$0x0], $0xffff  }
0x2d9: {  	v17 =	vld.idx.msk [tilespmem:v19+s4+$0x0], $0xffff;
	v18 =	vor.u32 v39, v5  }
0x2da: {  	v19 =	vor.u32 v39, v6  }
0x2db: {  	s17 =	sadd.s32 $0x5500, s12  }
0x2dc: {  	s18 =	sor.u32 s0, s17  }
0x2dd: {  	s2 =	sor.u32 s6, s17;
	[tilespmem:s18+$0x0] =	vst v12  }
0x2de: {  	[tilespmem:s2+$0x0] =	vst v17;
	v12 =	vld.idx.msk [tilespmem:v18+s4+$0x0], $0xffff  }
0x2df: {  	v17 =	vld.idx.msk [tilespmem:v19+s4+$0x0], $0xffff  }
0x2e0: {  	v7 =	vld [tilespmem:$0x1FFD0];
	_ =	sdelay $0x1  }
0x2e1: {  	s20 =	sadd.s32 $0x5580, s12  }
0x2e2: {  	s23 =	sor.u32 s0, s20  }
0x2e3: {  	s2 =	sor.u32 s6, s20;
	[tilespmem:s23+$0x0] =	vst v12  }
0x2e4: {  	v40 =	vmov v29;
	v29 =	vmov v25;
	v18 =	vor.u32 v7, v5;
	[tilespmem:s2+$0x0] =	vst v17  }
0x2e5: {  	v25 =	vmovc v55;
	v55 =	vmovc v38;
	v38 =	vmov v41;
	v41 =	vmov v7;
	v19 =	vor.u32 v7, v6;
	v7 =	vld [tilespmem:$0x1FE80];
	_ =	sdelay $0x3  }
0x2e6: {  	v12 =	vld.idx.msk [tilespmem:v18+s4+$0x0], $0xffff  }
0x2e7: {  	v17 =	vld.idx.msk [tilespmem:v19+s4+$0x0], $0xffff;
	v18 =	vor.u32 v7, v5  }
0x2e8: {  	v19 =	vor.u32 v7, v6  }
0x2e9: {  	s5 =	sadd.s32 $0x5600, s12  }
0x2ea: {  	s15 =	sor.u32 s0, s5  }
0x2eb: {  	s2 =	sor.u32 s6, s5;
	[tilespmem:s15+$0x0] =	vst v12  }
0x2ec: {  	[tilespmem:s2+$0x0] =	vst v17;
	v12 =	vld.idx.msk [tilespmem:v18+s4+$0x0], $0xffff  }
0x2ed: {  	v17 =	vld.idx.msk [tilespmem:v19+s4+$0x0], $0xffff;
	v18 =	vor.u32 v45, v5  }
0x2ee: {  	v19 =	vor.u32 v45, v6  }
0x2ef: {  	s17 =	sadd.s32 $0x5680, s12  }
0x2f0: {  	s18 =	sor.u32 s0, s17  }
0x2f1: {  	s2 =	sor.u32 s6, s17;
	[tilespmem:s18+$0x0] =	vst v12  }
0x2f2: {  	[tilespmem:s2+$0x0] =	vst v17;
	v12 =	vld.idx.msk [tilespmem:v18+s4+$0x0], $0xffff  }
0x2f3: {  	v17 =	vld.idx.msk [tilespmem:v19+s4+$0x0], $0xffff;
	v18 =	vor.u32 v46, v5  }
0x2f4: {  	v19 =	vor.u32 v46, v6  }
0x2f5: {  	s20 =	sadd.s32 $0x5700, s12  }
0x2f6: {  	s23 =	sor.u32 s0, s20  }
0x2f7: {  	s2 =	sor.u32 s6, s20;
	[tilespmem:s23+$0x0] =	vst v12  }
0x2f8: {  	[tilespmem:s2+$0x0] =	vst v17;
	v12 =	vld.idx.msk [tilespmem:v18+s4+$0x0], $0xffff  }
0x2f9: {  	v17 =	vld.idx.msk [tilespmem:v19+s4+$0x0], $0xffff;
	v18 =	vor.u32 v47, v5  }
0x2fa: {  	v19 =	vor.u32 v47, v6  }
0x2fb: {  	s5 =	sadd.s32 $0x5780, s12  }
0x2fc: {  	s15 =	sor.u32 s0, s5  }
0x2fd: {  	s2 =	sor.u32 s6, s5;
	[tilespmem:s15+$0x0] =	vst v12  }
0x2fe: {  	[tilespmem:s2+$0x0] =	vst v17;
	v12 =	vld.idx.msk [tilespmem:v18+s4+$0x0], $0xffff  }
0x2ff: {  	v17 =	vld.idx.msk [tilespmem:v19+s4+$0x0], $0xffff;
	v18 =	vor.u32 v48, v5  }
0x300: {  	v19 =	vor.u32 v48, v6  }
0x301: {  	s17 =	sadd.s32 $0x6400, s12  }
0x302: {  	s18 =	sor.u32 s0, s17  }
0x303: {  	s2 =	sor.u32 s6, s17;
	[tilespmem:s18+$0x0] =	vst v12  }
0x304: {  	[tilespmem:s2+$0x0] =	vst v17;
	v12 =	vld.idx.msk [tilespmem:v18+s4+$0x0], $0xffff  }
0x305: {  	v17 =	vld.idx.msk [tilespmem:v19+s4+$0x0], $0xffff;
	_ =	sdelay $0x1  }
0x306: {  	[tilespmem:s16+$0x0] =	vst v13;
	s20 =	sadd.s32 $0x6480, s12;
	v18 =	vor.u32 v49, v5  }
0x307: {  	[tilespmem:s13+$0x0] =	vst v14;
	s23 =	sor.u32 s0, s20  }
0x308: {  	s2 =	sor.u32 s6, s20;
	v19 =	vor.u32 v49, v6;
	[tilespmem:s23+$0x0] =	vst v12  }
0x309: {  	[tilespmem:s2+$0x0] =	vst v17  }
0x30a: {  	v7 =	vld [tilespmem:$0x1FEE0]  }
0x30b: {  	v12 =	vld.idx.msk [tilespmem:v18+s4+$0x0], $0xffff;
	_ =	sdelay $0x1  }
0x30c: {  	v17 =	vld.idx.msk [tilespmem:v19+s4+$0x0], $0xffff;
	v18 =	vor.u32 v50, v5  }
0x30d: {  	s3 =	sadd.s32 $0x6500, s12;
	v13 =	vld.idx.msk [tilespmem:v15+s4+$0x0], $0xffff;
	v19 =	vor.u32 v50, v6  }
0x30e: {  	v14 =	vld.idx.msk [tilespmem:v16+s4+$0x0], $0xffff;
	s5 =	sor.u32 s0, s3;
	v15 =	vor.u32 v7, v4  }
0x30f: {  	[tilespmem:s5+$0x0] =	vst v12;
	v12 =	vor.u32 v7, v3  }
0x310: {  	s13 =	sadd.s32 $0x6580, s31;
	s2 =	sor.u32 s6, s3  }
0x311: {  	s15 =	sor.u32 s30, s13;
	[tilespmem:s2+$0x0] =	vst v17;
	v16 =	vld.idx.msk [tilespmem:v18+s4+$0x0], $0xffff  }
0x312: {  	[tilespmem:s15+$0x0] =	vst v13;
	s2 =	sor.u32 s29, s13;
	v17 =	vld.idx.msk [tilespmem:v19+s4+$0x0], $0xffff;
	v18 =	vor.u32 v7, v5  }
0x313: {  	v23 =	vmov v52;
	v19 =	vor.u32 v7, v6;
	[tilespmem:s2+$0x0] =	vst v14;
	v13 =	vld.idx.msk [tilespmem:v15+s4+$0x0], $0xffff  }
0x314: {  	s16 =	sadd.s32 $0x6580, s12;
	v14 =	vor.u32 v23, v4;
	v12 =	vld.idx.msk [tilespmem:v12+s4+$0x0], $0xffff  }
0x315: {  	s17 =	sor.u32 s0, s16;
	v15 =	vor.u32 v23, v3  }
0x316: {  	s18 =	sadd.s32 $0x6600, s31;
	s3 =	sor.u32 s6, s16;
	[tilespmem:s17+$0x0] =	vst v16  }
0x317: {  	s20 =	sor.u32 s30, s18;
	[tilespmem:s3+$0x0] =	vst v17;
	v16 =	vld.idx.msk [tilespmem:v18+s4+$0x0], $0xffff  }
0x318: {  	s2 =	sor.u32 s29, s18;
	v17 =	vld.idx.msk [tilespmem:v19+s4+$0x0], $0xffff;
	v18 =	vor.u32 v23, v5;
	[tilespmem:s20+$0x0] =	vst v13  }
0x319: {  	v19 =	vor.u32 v23, v6;
	[tilespmem:s2+$0x0] =	vst v12;
	v12 =	vld.idx.msk [tilespmem:v14+s4+$0x0], $0xffff  }
0x31a: {  	s23 =	sadd.s32 $0x6600, s12;
	v13 =	vld.idx.msk [tilespmem:v15+s4+$0x0], $0xffff;
	v14 =	vor.u32 v53, v4  }
0x31b: {  	s5 =	sor.u32 s0, s23;
	v15 =	vor.u32 v53, v3  }
0x31c: {  	s13 =	sadd.s32 $0x6680, s31;
	s3 =	sor.u32 s6, s23;
	[tilespmem:s5+$0x0] =	vst v16  }
0x31d: {  	s15 =	sor.u32 s30, s13;
	[tilespmem:s3+$0x0] =	vst v17;
	v16 =	vld.idx.msk [tilespmem:v18+s4+$0x0], $0xffff  }
0x31e: {  	s2 =	sor.u32 s29, s13;
	v17 =	vld.idx.msk [tilespmem:v19+s4+$0x0], $0xffff;
	v18 =	vor.u32 v53, v5;
	[tilespmem:s15+$0x0] =	vst v12  }
0x31f: {  	v19 =	vor.u32 v53, v6;
	[tilespmem:s2+$0x0] =	vst v13;
	v12 =	vld.idx.msk [tilespmem:v14+s4+$0x0], $0xffff  }
0x320: {  	s16 =	sadd.s32 $0x6680, s12;
	v13 =	vld.idx.msk [tilespmem:v15+s4+$0x0], $0xffff;
	v14 =	vor.u32 v2, v4  }
0x321: {  	s17 =	sor.u32 s0, s16;
	v15 =	vor.u32 v2, v3  }
0x322: {  	s18 =	sadd.s32 $0x6700, s31;
	s3 =	sor.u32 s6, s16;
	[tilespmem:s17+$0x0] =	vst v16  }
0x323: {  	s20 =	sor.u32 s30, s18;
	[tilespmem:s3+$0x0] =	vst v17;
	v16 =	vld.idx.msk [tilespmem:v18+s4+$0x0], $0xffff  }
0x324: {  	s2 =	sor.u32 s29, s18;
	v17 =	vld.idx.msk [tilespmem:v19+s4+$0x0], $0xffff;
	v18 =	vor.u32 v2, v5;
	[tilespmem:s20+$0x0] =	vst v12  }
0x325: {  	v19 =	vor.u32 v2, v6;
	[tilespmem:s2+$0x0] =	vst v13;
	v12 =	vld.idx.msk [tilespmem:v14+s4+$0x0], $0xffff  }
0x326: {  	s23 =	sadd.s32 $0x6700, s12;
	v13 =	vld.idx.msk [tilespmem:v15+s4+$0x0], $0xffff;
	v14 =	vor.u32 v25, v4  }
0x327: {  	s5 =	sor.u32 s0, s23;
	v15 =	vor.u32 v25, v3  }
0x328: {  	s13 =	sadd.s32 $0x6780, s31;
	s3 =	sor.u32 s6, s23;
	[tilespmem:s5+$0x0] =	vst v16  }
0x329: {  	s15 =	sor.u32 s30, s13;
	[tilespmem:s3+$0x0] =	vst v17;
	v16 =	vld.idx.msk [tilespmem:v18+s4+$0x0], $0xffff  }
0x32a: {  	s2 =	sor.u32 s29, s13;
	v17 =	vld.idx.msk [tilespmem:v19+s4+$0x0], $0xffff;
	v18 =	vor.u32 v25, v5;
	[tilespmem:s15+$0x0] =	vst v12  }
0x32b: {  	v19 =	vor.u32 v25, v6;
	[tilespmem:s2+$0x0] =	vst v13;
	v12 =	vld.idx.msk [tilespmem:v14+s4+$0x0], $0xffff  }
0x32c: {  	s16 =	sadd.s32 $0x6780, s12;
	v13 =	vld.idx.msk [tilespmem:v15+s4+$0x0], $0xffff;
	v14 =	vor.u32 v56, v4  }
0x32d: {  	s17 =	sor.u32 s0, s16;
	v15 =	vor.u32 v56, v3  }
0x32e: {  	s18 =	sadd.s32 $0x7400, s31;
	s3 =	sor.u32 s6, s16;
	[tilespmem:s17+$0x0] =	vst v16  }
0x32f: {  	s20 =	sor.u32 s30, s18;
	[tilespmem:s3+$0x0] =	vst v17;
	v16 =	vld.idx.msk [tilespmem:v18+s4+$0x0], $0xffff  }
0x330: {  	s2 =	sor.u32 s29, s18;
	v17 =	vld.idx.msk [tilespmem:v19+s4+$0x0], $0xffff;
	v18 =	vor.u32 v56, v5;
	[tilespmem:s20+$0x0] =	vst v12  }
0x331: {  	v19 =	vor.u32 v56, v6;
	[tilespmem:s2+$0x0] =	vst v13;
	v12 =	vld.idx.msk [tilespmem:v14+s4+$0x0], $0xffff  }
0x332: {  	s23 =	sadd.s32 $0x7400, s12;
	v13 =	vld.idx.msk [tilespmem:v15+s4+$0x0], $0xffff;
	v14 =	vor.u32 v60, v4  }
0x333: {  	s5 =	sor.u32 s0, s23;
	v15 =	vor.u32 v60, v3  }
0x334: {  	s13 =	sadd.s32 $0x7480, s31;
	s3 =	sor.u32 s6, s23;
	[tilespmem:s5+$0x0] =	vst v16  }
0x335: {  	s15 =	sor.u32 s30, s13;
	[tilespmem:s3+$0x0] =	vst v17;
	v16 =	vld.idx.msk [tilespmem:v18+s4+$0x0], $0xffff  }
0x336: {  	s2 =	sor.u32 s29, s13;
	v17 =	vld.idx.msk [tilespmem:v19+s4+$0x0], $0xffff;
	v18 =	vor.u32 v60, v5;
	[tilespmem:s15+$0x0] =	vst v12  }
0x337: {  	v19 =	vor.u32 v60, v6;
	[tilespmem:s2+$0x0] =	vst v13;
	v12 =	vld.idx.msk [tilespmem:v14+s4+$0x0], $0xffff  }
0x338: {  	s16 =	sadd.s32 $0x7480, s12;
	v13 =	vld.idx.msk [tilespmem:v15+s4+$0x0], $0xffff;
	v14 =	vor.u32 v58, v4  }
0x339: {  	s17 =	sor.u32 s0, s16;
	v15 =	vor.u32 v58, v3  }
0x33a: {  	s18 =	sadd.s32 $0x7500, s31;
	s3 =	sor.u32 s6, s16;
	[tilespmem:s17+$0x0] =	vst v16  }
0x33b: {  	s20 =	sor.u32 s30, s18;
	[tilespmem:s3+$0x0] =	vst v17;
	v16 =	vld.idx.msk [tilespmem:v18+s4+$0x0], $0xffff  }
0x33c: {  	s2 =	sor.u32 s29, s18;
	v17 =	vld.idx.msk [tilespmem:v19+s4+$0x0], $0xffff;
	v18 =	vor.u32 v58, v5;
	[tilespmem:s20+$0x0] =	vst v12  }
0x33d: {  	v19 =	vor.u32 v58, v6;
	[tilespmem:s2+$0x0] =	vst v13;
	v12 =	vld.idx.msk [tilespmem:v14+s4+$0x0], $0xffff  }
0x33e: {  	s23 =	sadd.s32 $0x7500, s12;
	v13 =	vld.idx.msk [tilespmem:v15+s4+$0x0], $0xffff;
	v14 =	vor.u32 v20, v4  }
0x33f: {  	s5 =	sor.u32 s0, s23;
	v15 =	vor.u32 v20, v3  }
0x340: {  	s13 =	sadd.s32 $0x7580, s31;
	s3 =	sor.u32 s6, s23;
	[tilespmem:s5+$0x0] =	vst v16  }
0x341: {  	s15 =	sor.u32 s30, s13;
	[tilespmem:s3+$0x0] =	vst v17;
	v16 =	vld.idx.msk [tilespmem:v18+s4+$0x0], $0xffff  }
0x342: {  	s2 =	sor.u32 s29, s13;
	v17 =	vld.idx.msk [tilespmem:v19+s4+$0x0], $0xffff;
	v18 =	vor.u32 v20, v5;
	[tilespmem:s15+$0x0] =	vst v12  }
0x343: {  	v19 =	vor.u32 v20, v6;
	[tilespmem:s2+$0x0] =	vst v13;
	v12 =	vld.idx.msk [tilespmem:v14+s4+$0x0], $0xffff  }
0x344: {  	s16 =	sadd.s32 $0x7580, s12;
	v13 =	vld.idx.msk [tilespmem:v15+s4+$0x0], $0xffff;
	v14 =	vor.u32 v33, v4  }
0x345: {  	s17 =	sor.u32 s0, s16;
	v15 =	vor.u32 v33, v3  }
0x346: {  	s18 =	sadd.s32 $0x7600, s31;
	s3 =	sor.u32 s6, s16;
	[tilespmem:s17+$0x0] =	vst v16  }
0x347: {  	s20 =	sor.u32 s30, s18;
	[tilespmem:s3+$0x0] =	vst v17;
	v16 =	vld.idx.msk [tilespmem:v18+s4+$0x0], $0xffff  }
0x348: {  	s2 =	sor.u32 s29, s18;
	v17 =	vld.idx.msk [tilespmem:v19+s4+$0x0], $0xffff;
	v18 =	vor.u32 v33, v5;
	[tilespmem:s20+$0x0] =	vst v12  }
0x349: {  	v19 =	vor.u32 v33, v6;
	[tilespmem:s2+$0x0] =	vst v13;
	v12 =	vld.idx.msk [tilespmem:v14+s4+$0x0], $0xffff  }
0x34a: {  	s23 =	sadd.s32 $0x7600, s12;
	v13 =	vld.idx.msk [tilespmem:v15+s4+$0x0], $0xffff;
	v14 =	vor.u32 v61, v4  }
0x34b: {  	s5 =	sor.u32 s0, s23;
	v15 =	vor.u32 v61, v3  }
0x34c: {  	s13 =	sadd.s32 $0x7680, s31;
	s3 =	sor.u32 s6, s23;
	[tilespmem:s5+$0x0] =	vst v16  }
0x34d: {  	s15 =	sor.u32 s30, s13;
	[tilespmem:s3+$0x0] =	vst v17;
	v16 =	vld.idx.msk [tilespmem:v18+s4+$0x0], $0xffff  }
0x34e: {  	s2 =	sor.u32 s29, s13;
	v17 =	vld.idx.msk [tilespmem:v19+s4+$0x0], $0xffff;
	v18 =	vor.u32 v61, v5;
	[tilespmem:s15+$0x0] =	vst v12  }
0x34f: {  	v19 =	vor.u32 v61, v6;
	[tilespmem:s2+$0x0] =	vst v13;
	v12 =	vld.idx.msk [tilespmem:v14+s4+$0x0], $0xffff  }
0x350: {  	s16 =	sadd.s32 $0x7680, s12;
	v13 =	vor.u32 v62, v4;
	v14 =	vld.idx.msk [tilespmem:v15+s4+$0x0], $0xffff  }
0x351: {  	s17 =	sor.u32 s0, s16;
	v15 =	vor.u32 v62, v3  }
0x352: {  	s18 =	sadd.s32 $0x7700, s31;
	s3 =	sor.u32 s6, s16;
	[tilespmem:s17+$0x0] =	vst v16  }
0x353: {  	s20 =	sor.u32 s30, s18;
	[tilespmem:s3+$0x0] =	vst v17;
	v16 =	vld.idx.msk [tilespmem:v18+s4+$0x0], $0xffff  }
0x354: {  	s2 =	sor.u32 s29, s18;
	v17 =	vor.u32 v62, v5;
	v18 =	vld.idx.msk [tilespmem:v19+s4+$0x0], $0xffff;
	[tilespmem:s20+$0x0] =	vst v12  }
0x355: {  	v19 =	vor.u32 v62, v6;
	[tilespmem:s2+$0x0] =	vst v14;
	v12 =	vld.idx.msk [tilespmem:v13+s4+$0x0], $0xffff  }
0x356: {  	s23 =	sadd.s32 $0x7700, s12;
	v13 =	vor.u32 v63, v4;
	v14 =	vld.idx.msk [tilespmem:v15+s4+$0x0], $0xffff  }
0x357: {  	s5 =	sor.u32 s0, s23;
	v15 =	vor.u32 v63, v3  }
0x358: {  	s13 =	sadd.s32 $0x7780, s31;
	s3 =	sor.u32 s6, s23;
	[tilespmem:s5+$0x0] =	vst v16  }
0x359: {  	s15 =	sor.u32 s30, s13;
	[tilespmem:s3+$0x0] =	vst v18;
	v16 =	vld.idx.msk [tilespmem:v17+s4+$0x0], $0xffff  }
0x35a: {  	s2 =	sor.u32 s29, s13;
	v17 =	vor.u32 v63, v5;
	v18 =	vld.idx.msk [tilespmem:v19+s4+$0x0], $0xffff;
	[tilespmem:s15+$0x0] =	vst v12  }
0x35b: {  	s20 =	sadd.s32 $0x8680, s28;
	v19 =	vor.u32 v63, v6;
	[tilespmem:s2+$0x0] =	vst v14;
	v12 =	vld.idx.msk [tilespmem:v13+s4+$0x0], $0xffff  }
0x35c: {  	[tilespmem:s24+$0x0] =	vst v10;
	s16 =	sadd.s32 $0x7780, s12;
	s23 =	sor.u32 s26, s20;
	v14 =	vld.idx.msk [tilespmem:v15+s4+$0x0], $0xffff  }
0x35d: {  	s17 =	sor.u32 s0, s16;
	[tilespmem:s23+$0x0] =	vst v8  }
0x35e: {  	s18 =	sor.u32 s6, s16;
	s5 =	sadd.s32 $0x8400, s31;
	[tilespmem:s17+$0x0] =	vst v16  }
0x35f: {  	s24 =	sor.u32 s30, s5;
	v13 =	vor.u32 v22, v4;
	[tilespmem:s18+$0x0] =	vst v18;
	v16 =	vld.idx.msk [tilespmem:v17+s4+$0x0], $0xffff  }
0x360: {  	s5 =	sor.u32 s29, s5;
	v17 =	vld.idx.msk [tilespmem:v19+s4+$0x0], $0xffff;
	[tilespmem:s24+$0x0] =	vst v12  }
0x361: {  	v11 =	vld.idx.msk [tilespmem:v11+s4+$0x0], $0xffff;
	[tilespmem:s5+$0x0] =	vst v14  }
0x362: {  	s13 =	sadd.s32 $0x8400, s12;
	v15 =	vor.u32 v22, v3;
	v19 =	vld [tilespmem:$0x1FDB0]  }
0x363: {  	v10 =	vor.u32 v22, v5;
	s15 =	sor.u32 s0, s13;
	v2 =	vld [tilespmem:$0x1FD20]  }
0x364: {  	s16 =	sor.u32 s6, s13;
	v13 =	vld.idx.msk [tilespmem:v13+s4+$0x0], $0xffff;
	[tilespmem:s15+$0x0] =	vst v16  }
0x365: {  	v54 =	vmov v35;
	v35 =	vmov v36;
	v36 =	vld [tilespmem:$0x1FF60];
	[tilespmem:s16+$0x0] =	vst v17  }
0x366: {  	v8 =	vor.u32 v22, v6;
	v7 =	vld [tilespmem:$0x1FD30]  }
0x367: {  	v15 =	vld.idx.msk [tilespmem:v15+s4+$0x0], $0xffff  }
0x368: {  	s17 =	sor.u32 s25, s20;
	s18 =	sadd.s32 $0x8480, s31;
	v10 =	vld.idx.msk [tilespmem:v10+s4+$0x0], $0xffff;
	v12 =	vor.u32 v19, v2  }
0x369: {  	s20 =	sor.u32 s30, s18;
	[tilespmem:s17+$0x0] =	vst v11  }
0x36a: {  	[tilespmem:s20+$0x0] =	vst v13;
	v14 =	vor.u32 v36, v4  }
0x36b: {  	s1 =	smov.u32 s0;
	s0 =	sor.u32 s29, s18;
	v8 =	vld.idx.msk [tilespmem:v8+s4+$0x0], $0xffff;
	v16 =	vor.u32 v36, v3;
	[tilespmem:s21+$0x0] =	vst v7;
	s21 =	sadd.s32 $0x8480, s12  }
0x36c: {  	v9 =	vld.idx.msk [tilespmem:v9+s4+$0x0], $0xffff;
	[tilespmem:s0+$0x0] =	vst v15;
	v7 =	vor.u32 v36, v5;
	s23 =	sor.u32 s1, s21  }
0x36d: {  	v12 =	vld.idx.msk [tilespmem:v12+s4+$0x0], $0xffff;
	[tilespmem:s23+$0x0] =	vst v10  }
0x36e: {  	v13 =	vor.u32 v31, v0;
	v20 =	vld [tilespmem:$0x1FF50]  }
0x36f: {  	s24 =	sadd.s32 $0x8700, s28;
	v11 =	vor.u32 v36, v6;
	s2 =	sor.u32 s6, s21;
	v14 =	vld.idx.msk [tilespmem:v14+s4+$0x0], $0xffff  }
0x370: {  	s3 =	sor.u32 s26, s24;
	[tilespmem:s2+$0x0] =	vst v8;
	v16 =	vld.idx.msk [tilespmem:v16+s4+$0x0], $0xffff  }
0x371: {  	v15 =	vor.u32 v57, v1;
	[tilespmem:s3+$0x0] =	vst v9;
	v7 =	vld.idx.msk [tilespmem:v7+s4+$0x0], $0xffff  }
0x372: {  	s5 =	sadd.s32 $0x8500, s31;
	s13 =	rddreg [dreg:$0x5]  }
0x373: {  	s15 =	sor.u32 s30, s5;
	v13 =	vld.idx.msk [tilespmem:v13+s4+$0x0], $0xffff;
	[tilespmem:s13+$0x0] =	vst v12;
	v10 =	vor.u32 v20, v4  }
0x374: {  	s16 =	sadd.s32 $0x8500, s12;
	s2 =	sor.u32 s29, s5;
	v11 =	vld.idx.msk [tilespmem:v11+s4+$0x0], $0xffff;
	[tilespmem:s15+$0x0] =	vst v14  }
0x375: {  	s17 =	sor.u32 s1, s16;
	v8 =	vor.u32 v20, v3;
	v33 =	vld [tilespmem:$0x1FDC0];
	[tilespmem:s2+$0x0] =	vst v16  }
0x376: {  	v15 =	vld.idx.msk [tilespmem:v15+s4+$0x0], $0xffff;
	v9 =	vor.u32 v20, v5;
	[tilespmem:s17+$0x0] =	vst v7  }
0x377: {  	v44 =	vmov v51;
	v12 =	vor.u32 v20, v6;
	v51 =	vld [tilespmem:$0x1FF80]  }
0x378: {  	v16 =	vor.u32 v57, v0;
	v10 =	vld.idx.msk [tilespmem:v10+s4+$0x0], $0xffff  }
0x379: {  	s18 =	sor.u32 s6, s16  }
0x37a: {  	s0 =	sor.u32 s25, s24;
	s20 =	sadd.s32 $0x8780, s28;
	[tilespmem:s18+$0x0] =	vst v11;
	v8 =	vld.idx.msk [tilespmem:v8+s4+$0x0], $0xffff;
	v14 =	vor.u32 v33, v2  }
0x37b: {  	s21 =	sor.u32 s26, s20;
	s23 =	sadd.s32 $0x8580, s31;
	[tilespmem:s0+$0x0] =	vst v13;
	v9 =	vld.idx.msk [tilespmem:v9+s4+$0x0], $0xffff  }
0x37c: {  	s24 =	sor.u32 s30, s23;
	[tilespmem:s21+$0x0] =	vst v15;
	v12 =	vld.idx.msk [tilespmem:v12+s4+$0x0], $0xffff;
	v7 =	vor.u32 v51, v4  }
0x37d: {  	v16 =	vld.idx.msk [tilespmem:v16+s4+$0x0], $0xffff;
	[tilespmem:s24+$0x0] =	vst v10  }
0x37e: {  	s2 =	sor.u32 s29, s23;
	v11 =	vor.u32 v51, v3;
	v17 =	vld [tilespmem:$0x1FD40]  }
0x37f: {  	s5 =	sadd.s32 $0x8580, s12;
	[tilespmem:s2+$0x0] =	vst v8;
	v14 =	vld.idx.msk [tilespmem:v14+s4+$0x0], $0xffff  }
0x380: {  	v50 =	vmov v53;
	v53 =	vmov v56;
	s13 =	sor.u32 s1, s5;
	v56 =	vld [tilespmem:$0x1FDD0]  }
0x381: {  	[tilespmem:s13+$0x0] =	vst v9;
	v7 =	vld.idx.msk [tilespmem:v7+s4+$0x0], $0xffff  }
0x382: {  	v13 =	vor.u32 v51, v5;
	v18 =	vld [tilespmem:$0x1FE50]  }
0x383: {  	s15 =	sor.u32 s6, s5;
	v15 =	vor.u32 v51, v6;
	v11 =	vld.idx.msk [tilespmem:v11+s4+$0x0], $0xffff  }
0x384: {  	s16 =	sor.u32 s25, s20;
	[tilespmem:s15+$0x0] =	vst v12  }
0x385: {  	s17 =	sadd.s32 $0x8600, s31;
	[tilespmem:s16+$0x0] =	vst v16;
	v10 =	vor.u32 v17, v1  }
0x386: {  	s18 =	sor.u32 s30, s17;
	v8 =	vor.u32 v56, v2;
	[tilespmem:s11+$0x0] =	vst v14  }
0x387: {  	s20 =	sor.u32 s29, s17;
	v13 =	vld.idx.msk [tilespmem:v13+s4+$0x0], $0xffff;
	v9 =	vor.u32 v18, v4;
	[tilespmem:s18+$0x0] =	vst v7  }
0x388: {  	v15 =	vld.idx.msk [tilespmem:v15+s4+$0x0], $0xffff;
	[tilespmem:s20+$0x0] =	vst v11  }
0x389: {  	v12 =	vor.u32 v18, v3;
	v14 =	vor.u32 v18, v5;
	v16 =	vor.u32 v18, v6;
	v18 =	vld [tilespmem:$0x1FD50]  }
0x38a: {  	v10 =	vld.idx.msk [tilespmem:v10+s4+$0x0], $0xffff  }
0x38b: {  	s21 =	sadd.s32 $0x8600, s12;
	v8 =	vld.idx.msk [tilespmem:v8+s4+$0x0], $0xffff  }
0x38c: {  	s23 =	sor.u32 s1, s21;
	v7 =	vor.u32 v17, v0;
	v9 =	vld.idx.msk [tilespmem:v9+s4+$0x0], $0xffff  }
0x38d: {  	s24 =	sadd.s32 $0x9400, s28;
	s2 =	sor.u32 s6, s21;
	[tilespmem:s23+$0x0] =	vst v13  }
0x38e: {  	s3 =	sor.u32 s26, s24;
	[tilespmem:s2+$0x0] =	vst v15;
	v12 =	vld.idx.msk [tilespmem:v12+s4+$0x0], $0xffff;
	v11 =	vor.u32 v18, v1  }
0x38f: {  	s5 =	sadd.s32 $0x8680, s31;
	v13 =	vor.u32 v31, v4;
	v14 =	vld.idx.msk [tilespmem:v14+s4+$0x0], $0xffff;
	[tilespmem:s3+$0x0] =	vst v10  }
0x390: {  	v16 =	vld.idx.msk [tilespmem:v16+s4+$0x0], $0xffff;
	[tilespmem:s10+$0x0] =	vst v8;
	s10 =	sor.u32 s30, s5  }
0x391: {  	v15 =	vor.u32 v31, v3;
	v7 =	vld.idx.msk [tilespmem:v7+s4+$0x0], $0xffff;
	[tilespmem:s10+$0x0] =	vst v9  }
0x392: {  	v10 =	vor.u32 v31, v5;
	v25 =	vld [tilespmem:$0x1FDE0]  }
0x393: {  	s11 =	sadd.s32 $0x8680, s12;
	s2 =	sor.u32 s29, s5;
	v8 =	vor.u32 v31, v6;
	v11 =	vld.idx.msk [tilespmem:v11+s4+$0x0], $0xffff  }
0x394: {  	s13 =	sor.u32 s1, s11;
	[tilespmem:s2+$0x0] =	vst v12;
	v12 =	vor.u32 v18, v0;
	v13 =	vld.idx.msk [tilespmem:v13+s4+$0x0], $0xffff  }
0x395: {  	s15 =	sor.u32 s6, s11;
	[tilespmem:s13+$0x0] =	vst v14  }
0x396: {  	s0 =	sor.u32 s25, s24;
	s16 =	sadd.s32 $0x9480, s28;
	v14 =	vor.u32 v57, v4;
	[tilespmem:s15+$0x0] =	vst v16;
	v15 =	vld.idx.msk [tilespmem:v15+s4+$0x0], $0xffff  }
0x397: {  	s17 =	sor.u32 s26, s16;
	s18 =	sadd.s32 $0x8700, s31;
	[tilespmem:s0+$0x0] =	vst v7;
	v10 =	vld.idx.msk [tilespmem:v10+s4+$0x0], $0xffff  }
0x398: {  	s20 =	sor.u32 s30, s18;
	v16 =	vor.u32 v57, v3;
	v8 =	vld.idx.msk [tilespmem:v8+s4+$0x0], $0xffff;
	[tilespmem:s17+$0x0] =	vst v11  }
0x399: {  	v9 =	vor.u32 v25, v2;
	[tilespmem:s20+$0x0] =	vst v13;
	v12 =	vld.idx.msk [tilespmem:v12+s4+$0x0], $0xffff  }
0x39a: {  	v60 =	vmov v31;
	s21 =	sor.u32 s29, s18;
	v31 =	vld [tilespmem:$0x1FD60]  }
0x39b: {  	[tilespmem:s21+$0x0] =	vst v15;
	v14 =	vld.idx.msk [tilespmem:v14+s4+$0x0], $0xffff  }
0x39c: {  	v43 =	vmov v30;
	v30 =	vmov v26;
	s23 =	sadd.s32 $0x8700, s12;
	v7 =	vor.u32 v57, v5;
	v26 =	vld [tilespmem:$0x1FDF0]  }
0x39d: {  	s24 =	sor.u32 s1, s23;
	v11 =	vor.u32 v57, v6;
	v16 =	vld.idx.msk [tilespmem:v16+s4+$0x0], $0xffff  }
0x39e: {  	s5 =	sor.u32 s6, s23;
	[tilespmem:s24+$0x0] =	vst v10;
	v10 =	vor.u32 v17, v4;
	v9 =	vld.idx.msk [tilespmem:v9+s4+$0x0], $0xffff  }
0x39f: {  	s11 =	sadd.s32 $0x8780, s31;
	s10 =	sor.u32 s25, s16;
	[tilespmem:s5+$0x0] =	vst v8  }
0x3a0: {  	s13 =	sor.u32 s30, s11;
	[tilespmem:s10+$0x0] =	vst v12;
	v13 =	vor.u32 v31, v1  }
0x3a1: {  	s15 =	sor.u32 s29, s11;
	v7 =	vld.idx.msk [tilespmem:v7+s4+$0x0], $0xffff;
	[tilespmem:s13+$0x0] =	vst v14;
	v15 =	vor.u32 v26, v2  }
0x3a2: {  	v11 =	vld.idx.msk [tilespmem:v11+s4+$0x0], $0xffff;
	[tilespmem:s15+$0x0] =	vst v16  }
0x3a3: {  	v8 =	vor.u32 v17, v3;
	v10 =	vld.idx.msk [tilespmem:v10+s4+$0x0], $0xffff;
	[tilespmem:s19+$0x0] =	vst v9  }
0x3a4: {  	v12 =	vor.u32 v17, v6;
	v9 =	vor.u32 v17, v5;
	v17 =	vld [tilespmem:$0x1FD70]  }
0x3a5: {  	s16 =	sadd.s32 $0x8780, s12;
	v14 =	vor.u32 v31, v0;
	v13 =	vld.idx.msk [tilespmem:v13+s4+$0x0], $0xffff  }
0x3a6: {  	s17 =	sor.u32 s1, s16;
	v15 =	vld.idx.msk [tilespmem:v15+s4+$0x0], $0xffff  }
0x3a7: {  	s2 =	sor.u32 s6, s16;
	s20 =	sadd.s32 $0x9400, s31;
	[tilespmem:s17+$0x0] =	vst v7  }
0x3a8: {  	s18 =	sadd.s32 $0x9500, s28;
	s21 =	sor.u32 s30, s20;
	v8 =	vld.idx.msk [tilespmem:v8+s4+$0x0], $0xffff;
	v7 =	vor.u32 v18, v4;
	[tilespmem:s2+$0x0] =	vst v11  }
0x3a9: {  	s19 =	sor.u32 s26, s18;
	[tilespmem:s21+$0x0] =	vst v10;
	v9 =	vld.idx.msk [tilespmem:v9+s4+$0x0], $0xffff;
	v16 =	vor.u32 v17, v1  }
0x3aa: {  	v11 =	vor.u32 v18, v3;
	v14 =	vld.idx.msk [tilespmem:v14+s4+$0x0], $0xffff;
	[tilespmem:s19+$0x0] =	vst v13  }
0x3ab: {  	v12 =	vld.idx.msk [tilespmem:v12+s4+$0x0], $0xffff;
	v13 =	vor.u32 v18, v5;
	[tilespmem:s14+$0x0] =	vst v15  }
0x3ac: {  	v34 =	vmov v27;
	s23 =	sadd.s32 $0x9400, s12;
	s2 =	sor.u32 s29, s20;
	v15 =	vor.u32 v18, v6;
	v27 =	vld [tilespmem:$0x1FE00]  }
0x3ad: {  	s24 =	sor.u32 s1, s23;
	v7 =	vld.idx.msk [tilespmem:v7+s4+$0x0], $0xffff;
	[tilespmem:s2+$0x0] =	vst v8;
	v8 =	vor.u32 v17, v0  }
0x3ae: {  	[tilespmem:s24+$0x0] =	vst v9;
	v9 =	vor.u32 v31, v4;
	v16 =	vld.idx.msk [tilespmem:v16+s4+$0x0], $0xffff  }
0x3af: {  	s3 =	sor.u32 s6, s23;
	v11 =	vld.idx.msk [tilespmem:v11+s4+$0x0], $0xffff  }
0x3b0: {  	s0 =	sor.u32 s25, s18;
	s11 =	sadd.s32 $0x9480, s31;
	[tilespmem:s3+$0x0] =	vst v12;
	v13 =	vld.idx.msk [tilespmem:v13+s4+$0x0], $0xffff  }
0x3b1: {  	s5 =	sadd.s32 $0x9580, s28;
	s13 =	sor.u32 s30, s11;
	[tilespmem:s0+$0x0] =	vst v14;
	v15 =	vld.idx.msk [tilespmem:v15+s4+$0x0], $0xffff;
	v10 =	vor.u32 v27, v2  }
0x3b2: {  	s10 =	sor.u32 s26, s5;
	v12 =	vor.u32 v31, v3;
	[tilespmem:s13+$0x0] =	vst v7;
	v8 =	vld.idx.msk [tilespmem:v8+s4+$0x0], $0xffff  }
0x3b3: {  	s14 =	sor.u32 s29, s11;
	v9 =	vld.idx.msk [tilespmem:v9+s4+$0x0], $0xffff;
	[tilespmem:s10+$0x0] =	vst v16  }
0x3b4: {  	v18 =	vld [tilespmem:$0x1FD80];
	[tilespmem:s14+$0x0] =	vst v11  }
0x3b5: {  	v37 =	vmov v28;
	s15 =	sadd.s32 $0x9480, s12;
	v28 =	vld [tilespmem:$0x1FE10]  }
0x3b6: {  	s16 =	sor.u32 s1, s15;
	v14 =	vor.u32 v31, v5;
	v10 =	vld.idx.msk [tilespmem:v10+s4+$0x0], $0xffff  }
0x3b7: {  	s17 =	sor.u32 s6, s15;
	v16 =	vor.u32 v31, v6;
	[tilespmem:s16+$0x0] =	vst v13;
	v12 =	vld.idx.msk [tilespmem:v12+s4+$0x0], $0xffff  }
0x3b8: {  	s18 =	sor.u32 s25, s5;
	s19 =	sadd.s32 $0x9500, s31;
	[tilespmem:s17+$0x0] =	vst v15  }
0x3b9: {  	s20 =	sor.u32 s30, s19;
	[tilespmem:s18+$0x0] =	vst v8;
	v7 =	vor.u32 v18, v1  }
0x3ba: {  	[tilespmem:s20+$0x0] =	vst v9;
	v11 =	vor.u32 v28, v2  }
0x3bb: {  	s21 =	sor.u32 s29, s19;
	v13 =	vor.u32 v17, v4;
	v14 =	vld.idx.msk [tilespmem:v14+s4+$0x0], $0xffff;
	[tilespmem:s22+$0x0] =	vst v10  }
0x3bc: {  	v16 =	vld.idx.msk [tilespmem:v16+s4+$0x0], $0xffff;
	[tilespmem:s21+$0x0] =	vst v12  }
0x3bd: {  	v15 =	vor.u32 v17, v3;
	v58 =	vld [tilespmem:$0x1FE30]  }
0x3be: {  	v8 =	vor.u32 v17, v6;
	v7 =	vld.idx.msk [tilespmem:v7+s4+$0x0], $0xffff  }
0x3bf: {  	v10 =	vor.u32 v17, v5;
	s22 =	sadd.s32 $0x9500, s12;
	v11 =	vld.idx.msk [tilespmem:v11+s4+$0x0], $0xffff  }
0x3c0: {  	v9 =	vor.u32 v18, v0;
	v13 =	vld.idx.msk [tilespmem:v13+s4+$0x0], $0xffff;
	s23 =	sor.u32 s1, s22  }
0x3c1: {  	s24 =	sadd.s32 $0x9600, s28;
	s2 =	sor.u32 s6, s22;
	[tilespmem:s23+$0x0] =	vst v14  }
0x3c2: {  	s3 =	sor.u32 s26, s24;
	v15 =	vld.idx.msk [tilespmem:v15+s4+$0x0], $0xffff;
	[tilespmem:s2+$0x0] =	vst v16;
	v12 =	vor.u32 v58, v1  }
0x3c3: {  	s5 =	sadd.s32 $0x9580, s31;
	v14 =	vor.u32 v18, v4;
	v8 =	vld.idx.msk [tilespmem:v8+s4+$0x0], $0xffff;
	[tilespmem:s3+$0x0] =	vst v7  }
0x3c4: {  	v10 =	vld.idx.msk [tilespmem:v10+s4+$0x0], $0xffff;
	[tilespmem:s9+$0x0] =	vst v11;
	s9 =	sor.u32 s30, s5  }
0x3c5: {  	v16 =	vor.u32 v18, v3;
	v9 =	vld.idx.msk [tilespmem:v9+s4+$0x0], $0xffff;
	[tilespmem:s9+$0x0] =	vst v13  }
0x3c6: {  	v7 =	vor.u32 v18, v5;
	v17 =	vld [tilespmem:$0x1FE40]  }
0x3c7: {  	s10 =	sadd.s32 $0x9580, s12;
	s2 =	sor.u32 s29, s5;
	v11 =	vor.u32 v18, v6;
	v12 =	vld.idx.msk [tilespmem:v12+s4+$0x0], $0xffff  }
0x3c8: {  	s11 =	sor.u32 s1, s10;
	v13 =	vor.u32 v58, v0;
	[tilespmem:s2+$0x0] =	vst v15;
	v14 =	vld.idx.msk [tilespmem:v14+s4+$0x0], $0xffff  }
0x3c9: {  	s13 =	sor.u32 s6, s10;
	[tilespmem:s11+$0x0] =	vst v10  }
0x3ca: {  	s0 =	sor.u32 s25, s24;
	s14 =	sadd.s32 $0x9680, s28;
	v10 =	vor.u32 v58, v4;
	[tilespmem:s13+$0x0] =	vst v8;
	v15 =	vld.idx.msk [tilespmem:v16+s4+$0x0], $0xffff  }
0x3cb: {  	s15 =	sor.u32 s26, s14;
	s16 =	sadd.s32 $0x9600, s31;
	[tilespmem:s0+$0x0] =	vst v9;
	v7 =	vld.idx.msk [tilespmem:v7+s4+$0x0], $0xffff;
	v2 =	vor.u32 v17, v2  }
0x3cc: {  	s17 =	sor.u32 s30, s16;
	v11 =	vld.idx.msk [tilespmem:v11+s4+$0x0], $0xffff;
	[tilespmem:s15+$0x0] =	vst v12  }
0x3cd: {  	v13 =	vld.idx.msk [tilespmem:v13+s4+$0x0], $0xffff;
	[tilespmem:s17+$0x0] =	vst v14  }
0x3ce: {  	v16 =	vld [tilespmem:$0x1FD90]  }
0x3cf: {  	s19 =	sadd.s32 $0x9600, s12;
	s18 =	sor.u32 s29, s16;
	v10 =	vld.idx.msk [tilespmem:v10+s4+$0x0], $0xffff  }
0x3d0: {  	s20 =	sor.u32 s1, s19;
	[tilespmem:s18+$0x0] =	vst v15;
	v2 =	vld.idx.msk [tilespmem:v2+s4+$0x0], $0xffff  }
0x3d1: {  	s21 =	sor.u32 s6, s19;
	[tilespmem:s20+$0x0] =	vst v7  }
0x3d2: {  	s22 =	sor.u32 s25, s14;
	s23 =	sadd.s32 $0x9680, s31;
	v8 =	vor.u32 v58, v3;
	[tilespmem:s21+$0x0] =	vst v11  }
0x3d3: {  	s24 =	sor.u32 s30, s23;
	v9 =	vor.u32 v58, v5;
	[tilespmem:s22+$0x0] =	vst v13  }
0x3d4: {  	v12 =	vor.u32 v58, v6;
	[tilespmem:s24+$0x0] =	vst v10  }
0x3d5: {  	v14 =	vor.u32 v16, v1;
	v15 =	vor.u32 v16, v0;
	v7 =	vor.u32 v16, v4;
	[tilespmem:s7+$0x0] =	vst v2  }
0x3d6: {  	v11 =	vor.u32 v16, v3;
	v13 =	vor.u32 v16, v6;
	v2 =	vor.u32 v16, v5;
	v16 =	vld [tilespmem:$0x1FDA0]  }
0x3d7: {  	v8 =	vld.idx.msk [tilespmem:v8+s4+$0x0], $0xffff  }
0x3d8: {  	v9 =	vld.idx.msk [tilespmem:v9+s4+$0x0], $0xffff  }
0x3d9: {  	v12 =	vld.idx.msk [tilespmem:v12+s4+$0x0], $0xffff  }
0x3da: {  	v14 =	vld.idx.msk [tilespmem:v14+s4+$0x0], $0xffff  }
0x3db: {  	s3 =	sadd.s32 $0x9680, s12;
	s2 =	sor.u32 s29, s23;
	v15 =	vld.idx.msk [tilespmem:v15+s4+$0x0], $0xffff;
	v10 =	vor.u32 v16, v1  }
0x3dc: {  	s5 =	sor.u32 s1, s3;
	[tilespmem:s2+$0x0] =	vst v8;
	v7 =	vld.idx.msk [tilespmem:v7+s4+$0x0], $0xffff;
	v8 =	vor.u32 v16, v0  }
0x3dd: {  	s7 =	sadd.s32 $0x9700, s28;
	[tilespmem:s5+$0x0] =	vst v9;
	s2 =	sor.u32 s6, s3;
	v11 =	vld.idx.msk [tilespmem:v11+s4+$0x0], $0xffff;
	v9 =	vor.u32 v16, v4  }
0x3de: {  	s9 =	sor.u32 s26, s7;
	[tilespmem:s2+$0x0] =	vst v12;
	v2 =	vld.idx.msk [tilespmem:v2+s4+$0x0], $0xffff;
	v12 =	vor.u32 v16, v3  }
0x3df: {  	s10 =	sadd.s32 $0x9700, s31;
	s0 =	sor.u32 s25, s7;
	v13 =	vld.idx.msk [tilespmem:v13+s4+$0x0], $0xffff;
	[tilespmem:s9+$0x0] =	vst v14;
	v14 =	vor.u32 v16, v5  }
0x3e0: {  	s11 =	sor.u32 s30, s10;
	[tilespmem:s0+$0x0] =	vst v15;
	v15 =	vor.u32 v16, v6;
	v10 =	vld.idx.msk [tilespmem:v10+s4+$0x0], $0xffff  }
0x3e1: {  	s14 =	sadd.s32 $0x9700, s12;
	s13 =	sor.u32 s29, s10;
	[tilespmem:s11+$0x0] =	vst v7;
	v7 =	vor.u32 v19, v1;
	v8 =	vld.idx.msk [tilespmem:v8+s4+$0x0], $0xffff  }
0x3e2: {  	s15 =	sor.u32 s1, s14;
	[tilespmem:s13+$0x0] =	vst v11;
	v11 =	vor.u32 v19, v0;
	v9 =	vld.idx.msk [tilespmem:v9+s4+$0x0], $0xffff  }
0x3e3: {  	s16 =	sadd.s32 $0x9780, s28;
	s2 =	sor.u32 s6, s14;
	[tilespmem:s15+$0x0] =	vst v2;
	v2 =	vor.u32 v19, v4;
	v12 =	vld.idx.msk [tilespmem:v12+s4+$0x0], $0xffff  }
0x3e4: {  	s17 =	sor.u32 s26, s16;
	[tilespmem:s2+$0x0] =	vst v13;
	v13 =	vor.u32 v19, v3;
	v14 =	vld.idx.msk [tilespmem:v14+s4+$0x0], $0xffff  }
0x3e5: {  	s18 =	sadd.s32 $0x9780, s31;
	s0 =	sor.u32 s25, s16;
	v15 =	vld.idx.msk [tilespmem:v15+s4+$0x0], $0xffff;
	[tilespmem:s17+$0x0] =	vst v10;
	v10 =	vor.u32 v19, v5  }
0x3e6: {  	s19 =	sor.u32 s30, s18;
	[tilespmem:s0+$0x0] =	vst v8;
	v8 =	vor.u32 v19, v6;
	v7 =	vld.idx.msk [tilespmem:v7+s4+$0x0], $0xffff  }
0x3e7: {  	s20 =	sor.u32 s29, s18;
	s21 =	sadd.s32 $0x9780, s12;
	[tilespmem:s19+$0x0] =	vst v9;
	v9 =	vor.u32 v33, v1;
	v11 =	vld.idx.msk [tilespmem:v11+s4+$0x0], $0xffff  }
0x3e8: {  	s22 =	sor.u32 s1, s21;
	[tilespmem:s20+$0x0] =	vst v12;
	v12 =	vor.u32 v33, v0;
	v2 =	vld.idx.msk [tilespmem:v2+s4+$0x0], $0xffff  }
0x3e9: {  	s23 =	sadd.s32 $0xA400, s28;
	s2 =	sor.u32 s6, s21;
	[tilespmem:s22+$0x0] =	vst v14;
	v14 =	vor.u32 v33, v4;
	v13 =	vld.idx.msk [tilespmem:v13+s4+$0x0], $0xffff  }
0x3ea: {  	s24 =	sor.u32 s26, s23;
	[tilespmem:s2+$0x0] =	vst v15;
	v15 =	vor.u32 v33, v3;
	v10 =	vld.idx.msk [tilespmem:v10+s4+$0x0], $0xffff  }
0x3eb: {  	s3 =	sadd.s32 $0xA400, s31;
	s0 =	sor.u32 s25, s23;
	v8 =	vld.idx.msk [tilespmem:v8+s4+$0x0], $0xffff;
	[tilespmem:s24+$0x0] =	vst v7;
	v7 =	vor.u32 v33, v5  }
0x3ec: {  	s5 =	sor.u32 s30, s3;
	[tilespmem:s0+$0x0] =	vst v11;
	v11 =	vor.u32 v33, v6;
	v9 =	vld.idx.msk [tilespmem:v9+s4+$0x0], $0xffff  }
0x3ed: {  	s7 =	sor.u32 s29, s3;
	s9 =	sadd.s32 $0xA400, s12;
	[tilespmem:s5+$0x0] =	vst v2;
	v2 =	vor.u32 v56, v1;
	v12 =	vld.idx.msk [tilespmem:v12+s4+$0x0], $0xffff  }
0x3ee: {  	s10 =	sor.u32 s1, s9;
	[tilespmem:s7+$0x0] =	vst v13;
	v13 =	vor.u32 v56, v0;
	v14 =	vld.idx.msk [tilespmem:v14+s4+$0x0], $0xffff  }
0x3ef: {  	s11 =	sadd.s32 $0xA480, s28;
	s2 =	sor.u32 s6, s9;
	v15 =	vld.idx.msk [tilespmem:v15+s4+$0x0], $0xffff;
	[tilespmem:s10+$0x0] =	vst v10;
	v10 =	vor.u32 v56, v4  }
0x3f0: {  	s13 =	sor.u32 s26, s11;
	[tilespmem:s2+$0x0] =	vst v8;
	v8 =	vor.u32 v56, v3;
	v7 =	vld.idx.msk [tilespmem:v7+s4+$0x0], $0xffff  }
0x3f1: {  	s14 =	sadd.s32 $0xA480, s31;
	s0 =	sor.u32 s25, s11;
	v11 =	vld.idx.msk [tilespmem:v11+s4+$0x0], $0xffff;
	[tilespmem:s13+$0x0] =	vst v9;
	v9 =	vor.u32 v56, v5  }
0x3f2: {  	s15 =	sor.u32 s30, s14;
	[tilespmem:s0+$0x0] =	vst v12;
	v12 =	vor.u32 v56, v6;
	v2 =	vld.idx.msk [tilespmem:v2+s4+$0x0], $0xffff  }
0x3f3: {  	s16 =	sor.u32 s29, s14;
	s17 =	sadd.s32 $0xA480, s12;
	[tilespmem:s15+$0x0] =	vst v14;
	v14 =	vor.u32 v25, v1;
	v13 =	vld.idx.msk [tilespmem:v13+s4+$0x0], $0xffff  }
0x3f4: {  	s18 =	sor.u32 s1, s17;
	[tilespmem:s16+$0x0] =	vst v15;
	v15 =	vor.u32 v25, v0;
	v10 =	vld.idx.msk [tilespmem:v10+s4+$0x0], $0xffff  }
0x3f5: {  	s19 =	sadd.s32 $0xA500, s28;
	s2 =	sor.u32 s6, s17;
	v8 =	vld.idx.msk [tilespmem:v8+s4+$0x0], $0xffff;
	[tilespmem:s18+$0x0] =	vst v7;
	v7 =	vor.u32 v25, v4  }
0x3f6: {  	s20 =	sor.u32 s26, s19;
	[tilespmem:s2+$0x0] =	vst v11;
	v11 =	vor.u32 v25, v3;
	v9 =	vld.idx.msk [tilespmem:v9+s4+$0x0], $0xffff  }
0x3f7: {  	s21 =	sadd.s32 $0xA500, s31;
	s0 =	sor.u32 s25, s19;
	v12 =	vld.idx.msk [tilespmem:v12+s4+$0x0], $0xffff;
	[tilespmem:s20+$0x0] =	vst v2;
	v2 =	vor.u32 v25, v5  }
0x3f8: {  	s22 =	sor.u32 s30, s21;
	[tilespmem:s0+$0x0] =	vst v13;
	v13 =	vor.u32 v25, v6;
	v14 =	vld.idx.msk [tilespmem:v14+s4+$0x0], $0xffff  }
0x3f9: {  	s23 =	sor.u32 s29, s21;
	s24 =	sadd.s32 $0xA500, s12;
	v15 =	vld.idx.msk [tilespmem:v15+s4+$0x0], $0xffff;
	[tilespmem:s22+$0x0] =	vst v10;
	v10 =	vor.u32 v26, v1  }
0x3fa: {  	s3 =	sor.u32 s1, s24;
	[tilespmem:s23+$0x0] =	vst v8;
	v8 =	vor.u32 v26, v0;
	v7 =	vld.idx.msk [tilespmem:v7+s4+$0x0], $0xffff  }
0x3fb: {  	s5 =	sadd.s32 $0xA580, s28;
	s2 =	sor.u32 s6, s24;
	v11 =	vld.idx.msk [tilespmem:v11+s4+$0x0], $0xffff;
	[tilespmem:s3+$0x0] =	vst v9;
	v9 =	vor.u32 v26, v4  }
0x3fc: {  	s7 =	sor.u32 s26, s5;
	[tilespmem:s2+$0x0] =	vst v12;
	v12 =	vor.u32 v26, v3;
	v2 =	vld.idx.msk [tilespmem:v2+s4+$0x0], $0xffff  }
0x3fd: {  	s9 =	sadd.s32 $0xA580, s31;
	s0 =	sor.u32 s25, s5;
	v13 =	vld.idx.msk [tilespmem:v13+s4+$0x0], $0xffff;
	[tilespmem:s7+$0x0] =	vst v14;
	v14 =	vor.u32 v26, v5  }
0x3fe: {  	s10 =	sor.u32 s30, s9;
	[tilespmem:s0+$0x0] =	vst v15;
	v15 =	vor.u32 v26, v6;
	v10 =	vld.idx.msk [tilespmem:v10+s4+$0x0], $0xffff  }
0x3ff: {  	s11 =	sor.u32 s29, s9;
	s13 =	sadd.s32 $0xA580, s12;
	v8 =	vld.idx.msk [tilespmem:v8+s4+$0x0], $0xffff;
	[tilespmem:s10+$0x0] =	vst v7;
	v7 =	vor.u32 v27, v1  }
0x400: {  	s14 =	sor.u32 s1, s13;
	[tilespmem:s11+$0x0] =	vst v11;
	v11 =	vor.u32 v27, v0;
	v9 =	vld.idx.msk [tilespmem:v9+s4+$0x0], $0xffff  }
0x401: {  	s15 =	sadd.s32 $0xA600, s28;
	s2 =	sor.u32 s6, s13;
	v12 =	vld.idx.msk [tilespmem:v12+s4+$0x0], $0xffff;
	[tilespmem:s14+$0x0] =	vst v2;
	v2 =	vor.u32 v27, v4  }
0x402: {  	s16 =	sor.u32 s26, s15;
	[tilespmem:s2+$0x0] =	vst v13;
	v13 =	vor.u32 v27, v3;
	v14 =	vld.idx.msk [tilespmem:v14+s4+$0x0], $0xffff  }
0x403: {  	s17 =	sadd.s32 $0xA600, s31;
	s0 =	sor.u32 s25, s15;
	v15 =	vld.idx.msk [tilespmem:v15+s4+$0x0], $0xffff;
	[tilespmem:s16+$0x0] =	vst v10;
	v10 =	vor.u32 v27, v5  }
0x404: {  	s18 =	sor.u32 s30, s17;
	[tilespmem:s0+$0x0] =	vst v8;
	v8 =	vor.u32 v27, v6;
	v7 =	vld.idx.msk [tilespmem:v7+s4+$0x0], $0xffff  }
0x405: {  	s19 =	sor.u32 s29, s17;
	s20 =	sadd.s32 $0xA600, s12;
	v11 =	vld.idx.msk [tilespmem:v11+s4+$0x0], $0xffff;
	[tilespmem:s18+$0x0] =	vst v9;
	v9 =	vor.u32 v28, v1  }
0x406: {  	s21 =	sor.u32 s1, s20;
	[tilespmem:s19+$0x0] =	vst v12;
	v12 =	vor.u32 v28, v0;
	v2 =	vld.idx.msk [tilespmem:v2+s4+$0x0], $0xffff  }
0x407: {  	s22 =	sadd.s32 $0xA680, s28;
	s2 =	sor.u32 s6, s20;
	v13 =	vld.idx.msk [tilespmem:v13+s4+$0x0], $0xffff;
	[tilespmem:s21+$0x0] =	vst v14;
	v14 =	vor.u32 v28, v4  }
0x408: {  	s23 =	sor.u32 s26, s22;
	[tilespmem:s2+$0x0] =	vst v15;
	v15 =	vor.u32 v28, v3;
	v10 =	vld.idx.msk [tilespmem:v10+s4+$0x0], $0xffff  }
0x409: {  	s24 =	sadd.s32 $0xA680, s31;
	s0 =	sor.u32 s25, s22;
	v8 =	vld.idx.msk [tilespmem:v8+s4+$0x0], $0xffff;
	[tilespmem:s23+$0x0] =	vst v7;
	v7 =	vor.u32 v28, v5  }
0x40a: {  	s3 =	sor.u32 s30, s24;
	[tilespmem:s0+$0x0] =	vst v11;
	v11 =	vor.u32 v28, v6;
	v9 =	vld.idx.msk [tilespmem:v9+s4+$0x0], $0xffff  }
0x40b: {  	s5 =	sor.u32 s29, s24;
	s7 =	sadd.s32 $0xA680, s12;
	v1 =	vor.u32 v17, v1;
	[tilespmem:s3+$0x0] =	vst v2;
	v2 =	vld.idx.msk [tilespmem:v12+s4+$0x0], $0xffff  }
0x40c: {  	s9 =	sor.u32 s1, s7;
	v0 =	vor.u32 v17, v0;
	[tilespmem:s5+$0x0] =	vst v13;
	v12 =	vld.idx.msk [tilespmem:v14+s4+$0x0], $0xffff  }
0x40d: {  	s10 =	sadd.s32 $0xA700, s28;
	v4 =	vor.u32 v17, v4;
	s2 =	sor.u32 s6, s7;
	[tilespmem:s9+$0x0] =	vst v10;
	v10 =	vld.idx.msk [tilespmem:v15+s4+$0x0], $0xffff  }
0x40e: {  	s11 =	sor.u32 s26, s10;
	v3 =	vor.u32 v17, v3;
	[tilespmem:s2+$0x0] =	vst v8;
	v7 =	vld.idx.msk [tilespmem:v7+s4+$0x0], $0xffff  }
0x40f: {  	s13 =	sadd.s32 $0xA700, s31;
	s0 =	sor.u32 s25, s10;
	v8 =	vld.idx.msk [tilespmem:v11+s4+$0x0], $0xffff;
	[tilespmem:s11+$0x0] =	vst v9  }
0x410: {  	s14 =	sor.u32 s30, s13;
	[tilespmem:s0+$0x0] =	vst v2;
	v1 =	vld.idx.msk [tilespmem:v1+s4+$0x0], $0xffff  }
0x411: {  	s15 =	sor.u32 s29, s13;
	s16 =	sadd.s32 $0xA700, s12;
	v5 =	vor.u32 v17, v5;
	[tilespmem:s14+$0x0] =	vst v12;
	v0 =	vld.idx.msk [tilespmem:v0+s4+$0x0], $0xffff  }
0x412: {  	s17 =	sor.u32 s1, s16;
	v2 =	vor.u32 v17, v6;
	[tilespmem:s15+$0x0] =	vst v10;
	v4 =	vld.idx.msk [tilespmem:v4+s4+$0x0], $0xffff  }
0x413: {  	s18 =	sadd.s32 $0xA780, s28;
	s2 =	sor.u32 s6, s16;
	[tilespmem:s17+$0x0] =	vst v7;
	v3 =	vld.idx.msk [tilespmem:v3+s4+$0x0], $0xffff  }
0x414: {  	s19 =	sor.u32 s26, s18;
	[tilespmem:s2+$0x0] =	vst v8  }
0x415: {  	s20 =	sadd.s32 $0xA780, s31;
	s0 =	sor.u32 s25, s18;
	[tilespmem:s19+$0x0] =	vst v1  }
0x416: {  	s21 =	sor.u32 s30, s20;
	v5 =	vld.idx.msk [tilespmem:v5+s4+$0x0], $0xffff;
	[tilespmem:s0+$0x0] =	vst v0  }
0x417: {  	s22 =	sor.u32 s29, s20;
	v1 =	vld.idx.msk [tilespmem:v2+s4+$0x0], $0xffff;
	[tilespmem:s21+$0x0] =	vst v4  }
0x418: {  	s8 =	smov.u32 s6;
	s6 =	rddreg [dreg:$0xb];
	[tilespmem:s22+$0x0] =	vst v3  }
0x419: {  	s23 =	sadd.s32 $0xA780, s12;
	s24 =	sshll.u32 s6, $0x15;
	s5 =	rddreg [dreg:$0x6]  }
0x41a: {  	s7 =	simm.s32 $0x1000;
	s25 =	sor.u32 s1, s23;
	s26 =	sor.u32 s5, s24  }
0x41b: {  	s3 =	rddreg [dreg:$0x2];
	s2 =	sor.u32 s8, s23;
	[tilespmem:s25+$0x0] =	vst v5;
	s1 =	sshrl.u32 s26, $0x3  }
0x41c: {  	s9 =	simm.s32 $0x3400;
	s8 =	simm.s32 $0x20000;
	[tilespmem:s2+$0x0] =	vst v1;
	s0 =	sadd.s32 s3, s1  }
0x41d: {  	[hbm4b:s0+s7] =	stream.strided.scatter [tilespmem:s9], [sflag:$0x3], $0x8000, s8, s7, $0x38;
	[tilespmem:$0x13400] =	vst v63  }
0x41e: {  	p0 =	seq.s32 s6, $0x63;
	s0 =	rddreg [dreg:$0xd]  }
0x41f: {  	s0 =	sadd.s32 @!p0 $0x2, s0  }
0x420: {  	s10 =	simm.s32 $0x2;
	s1 =	sshll.u32 @!p0 s0, $0x7;
	s0 =	sshll.u32 @!p0 s0, $0xE  }
0x421: {  	_ =	swait.ge [sflag:s10], $0x200;
	s1 =	sand.u32 @!p0 $0x300, s1;
	s0 =	sand.u32 @!p0 $0x7E0000, s0  }
0x422: {  	[sflag:s10] =	ssyncset.done $0x0;
	s0 =	sor.u32 @!p0 s0, s1  }
0x423: {  	s2 =	simm.s32 @!p0 $0x400;
	[sflag:s10] =	ssyncadd.s32 $0xFFFFFE00;
	s0 =	sor.u32 @!p0 s5, s0  }
0x424: {  	p1 =	seq.s32 @!p0 s6, $0x0;
	s1 =	rddreg [dreg:$0x1];
	s0 =	sshrl.u32 @!p0 s0, $0x3  }
0x425: {  	s3 =	simm.s32 @!p0 $0x3000;
	s0 =	sadd.s32 @!p0 s1, s0;
	s1 =	simm.s32 @!p0 $0x80  }
0x426: {  	[tilespmem:s3], [sflag:$0x1] =	stream.strided.gather @!p0 [hbm4b:s0+s1], $0x200, s2, s1, $0x38;
	[tilespmem:$0x13400] =	vst v63  }
0x427: {  	p0 =	por p0, !p1  }
0x428: {  	s11 =	simm.s32 $0x0;
	s0 =	simm.s32 @p0 $0x4  }
0x429: {  	s12 =	sand.u32 $0x60, s11;
	_ =	swait.ge @p0 [sflag:s0], $0x8000  }
0x42a: {  	s13 =	sand.u32 $0x180, s11;
	s7 =	sor.u32 $0x10, s12;
	[sflag:s0] =	ssyncset.done @p0 $0x0  }
0x42b: {  	s1 =	sor.u32 s7, s13;
	[sflag:s0] =	ssyncadd.s32 @p0 $0xFFFF8000  }
0x42c: {  	s14 =	simm.s32 $0x3200;
	v0 =	vld [tilespmem:s1+$0x3200]  }
0x42d: {  	v1 =	vld [tilespmem:s14+$0x0];
	_ =	sdelay $0x4  }
0x42e: {  	v31 =	vmovc v51;
	v51 =	vshll.u32 v0, $0xA;
	v2 =	vshll.u32 v1, $0xA;
	v1 =	vlaneseq.u32  }
0x42f: {  	v0 =	vor.u32 v1, v51  }
0x430: {  	v1 =	vor.u32 v1, v2;
	_ =	sdelay $0x3  }
0x431: {  	v0 =	vld.idx.msk [tilespmem:v0+s4+$0x0], $0xffff  }
0x432: {  	v3 =	vor.u32 v24, v51;
	v1 =	vld.idx.msk [tilespmem:v1+s4+$0x0], $0xffff  }
0x433: {  	s8 =	sand.u32 $0xC00, s11;
	v4 =	vor.u32 v24, v2  }
0x434: {  	s15 =	sadd.s32 $0xB400, s8  }
0x435: {  	s16 =	sor.u32 s7, s15  }
0x436: {  	s1 =	sor.u32 s12, s15;
	[tilespmem:s16+$0x0] =	vst v0  }
0x437: {  	[tilespmem:s1+$0x0] =	vst v1;
	v0 =	vld.idx.msk [tilespmem:v3+s4+$0x0], $0xffff  }
0x438: {  	v1 =	vld.idx.msk [tilespmem:v4+s4+$0x0], $0xffff;
	v3 =	vor.u32 v29, v51  }
0x439: {  	v4 =	vor.u32 v29, v2;
	_ =	sdelay $0x2  }
0x43a: {  	[tilespmem:s16+$0x80] =	vst v0  }
0x43b: {  	[tilespmem:s1+$0x80] =	vst v1;
	v0 =	vld.idx.msk [tilespmem:v3+s4+$0x0], $0xffff  }
0x43c: {  	v1 =	vld.idx.msk [tilespmem:v4+s4+$0x0], $0xffff;
	v3 =	vor.u32 v30, v51  }
0x43d: {  	v4 =	vor.u32 v30, v2;
	_ =	sdelay $0x2  }
0x43e: {  	[tilespmem:s16+$0x100] =	vst v0  }
0x43f: {  	[tilespmem:s1+$0x100] =	vst v1;
	v0 =	vld.idx.msk [tilespmem:v3+s4+$0x0], $0xffff  }
0x440: {  	v1 =	vld.idx.msk [tilespmem:v4+s4+$0x0], $0xffff;
	v3 =	vor.u32 v34, v51  }
0x441: {  	v4 =	vor.u32 v34, v2;
	_ =	sdelay $0x2  }
0x442: {  	[tilespmem:s16+$0x180] =	vst v0  }
0x443: {  	[tilespmem:s1+$0x180] =	vst v1;
	v0 =	vld.idx.msk [tilespmem:v3+s4+$0x0], $0xffff  }
0x444: {  	v1 =	vld.idx.msk [tilespmem:v4+s4+$0x0], $0xffff;
	v3 =	vor.u32 v37, v51  }
0x445: {  	v4 =	vor.u32 v37, v2;
	_ =	sdelay $0x2  }
0x446: {  	[tilespmem:s16+$0x200] =	vst v0  }
0x447: {  	[tilespmem:s1+$0x200] =	vst v1;
	v0 =	vld.idx.msk [tilespmem:v3+s4+$0x0], $0xffff  }
0x448: {  	v1 =	vld.idx.msk [tilespmem:v4+s4+$0x0], $0xffff;
	v3 =	vor.u32 v40, v51  }
0x449: {  	v4 =	vor.u32 v40, v2;
	_ =	sdelay $0x2  }
0x44a: {  	[tilespmem:s16+$0x280] =	vst v0  }
0x44b: {  	s17 =	sand.u32 $0x3, s11;
	[tilespmem:s1+$0x280] =	vst v1;
	v0 =	vld.idx.msk [tilespmem:v3+s4+$0x0], $0xffff  }
0x44c: {  	s1 =	sshll.u32 s17, $0x5;
	v1 =	vld.idx.msk [tilespmem:v4+s4+$0x0], $0xffff;
	v3 =	vor.u32 v43, v51  }
0x44d: {  	s1 =	sadd.s32 $0x0, s1;
	v4 =	vor.u32 v43, v2  }
0x44e: {  	s18 =	sadd.s32 $0x10, s1  }
0x44f: {  	s19 =	sor.u32 $0x300, s18  }
0x450: {  	s1 =	sor.u32 $0x300, s1;
	[tilespmem:s19+$0xB400] =	vst v0  }
0x451: {  	[tilespmem:s1+$0xB400] =	vst v1;
	v0 =	vld.idx.msk [tilespmem:v3+s4+$0x0], $0xffff  }
0x452: {  	v1 =	vld.idx.msk [tilespmem:v4+s4+$0x0], $0xffff;
	v3 =	vor.u32 v59, v51  }
0x453: {  	v4 =	vor.u32 v59, v2;
	_ =	sdelay $0x1  }
0x454: {  	s0 =	sor.u32 s11, s11;
	s20 =	sor.u32 $0x380, s18  }
0x455: {  	s0 =	sor.u32 $0x380, s0;
	[tilespmem:s20+$0xB400] =	vst v0  }
0x456: {  	v52 =	vmov v42;
	[tilespmem:s0+$0xB400] =	vst v1;
	v0 =	vld.idx.msk [tilespmem:v3+s4+$0x0], $0xffff  }
0x457: {  	v1 =	vld.idx.msk [tilespmem:v4+s4+$0x0], $0xffff;
	v3 =	vor.u32 v52, v51  }
0x458: {  	v4 =	vor.u32 v52, v2  }
0x459: {  	s21 =	sadd.s32 $0xC400, s8  }
0x45a: {  	s22 =	sor.u32 s7, s21  }
0x45b: {  	s0 =	sor.u32 s12, s21;
	[tilespmem:s22+$0x0] =	vst v0  }
0x45c: {  	[tilespmem:s0+$0x0] =	vst v1;
	v0 =	vld.idx.msk [tilespmem:v3+s4+$0x0], $0xffff  }
0x45d: {  	v1 =	vld.idx.msk [tilespmem:v4+s4+$0x0], $0xffff;
	_ =	sdelay $0x1  }
0x45e: {  	s23 =	sadd.s32 $0xC480, s8  }
0x45f: {  	s24 =	sor.u32 s7, s23  }
0x460: {  	s0 =	sor.u32 s12, s23;
	[tilespmem:s24+$0x0] =	vst v0  }
0x461: {  	v3 =	vor.u32 v44, v51;
	[tilespmem:s0+$0x0] =	vst v1  }
0x462: {  	v26 =	vmov v30;
	v4 =	vor.u32 v44, v2;
	v30 =	vld [tilespmem:$0x1FFB0];
	_ =	sdelay $0x3  }
0x463: {  	v0 =	vld.idx.msk [tilespmem:v3+s4+$0x0], $0xffff  }
0x464: {  	v1 =	vld.idx.msk [tilespmem:v4+s4+$0x0], $0xffff;
	v3 =	vor.u32 v30, v51  }
0x465: {  	v4 =	vor.u32 v30, v2  }
0x466: {  	s25 =	sadd.s32 $0xC500, s8  }
0x467: {  	s26 =	sor.u32 s7, s25  }
0x468: {  	s0 =	sor.u32 s12, s25;
	[tilespmem:s26+$0x0] =	vst v0  }
0x469: {  	[tilespmem:s0+$0x0] =	vst v1;
	v0 =	vld.idx.msk [tilespmem:v3+s4+$0x0], $0xffff  }
0x46a: {  	v1 =	vld.idx.msk [tilespmem:v4+s4+$0x0], $0xffff;
	v3 =	vor.u32 v54, v51  }
0x46b: {  	v4 =	vor.u32 v54, v2  }
0x46c: {  	s2 =	sadd.s32 $0xC580, s8  }
0x46d: {  	s3 =	sor.u32 s7, s2  }
0x46e: {  	s0 =	sor.u32 s12, s2;
	[tilespmem:s3+$0x0] =	vst v0  }
0x46f: {  	[tilespmem:s0+$0x0] =	vst v1;
	v0 =	vld.idx.msk [tilespmem:v3+s4+$0x0], $0xffff  }
0x470: {  	v1 =	vld.idx.msk [tilespmem:v4+s4+$0x0], $0xffff;
	_ =	sdelay $0x1  }
0x471: {  	s5 =	sadd.s32 $0xC600, s8  }
0x472: {  	s6 =	sor.u32 s7, s5  }
0x473: {  	s0 =	sor.u32 s12, s5;
	[tilespmem:s6+$0x0] =	vst v0  }
0x474: {  	v3 =	vor.u32 v35, v51;
	[tilespmem:s0+$0x0] =	vst v1  }
0x475: {  	v28 =	vmov v37;
	v4 =	vor.u32 v35, v2;
	v37 =	vld [tilespmem:$0x1FF20];
	_ =	sdelay $0x3  }
0x476: {  	v0 =	vld.idx.msk [tilespmem:v3+s4+$0x0], $0xffff  }
0x477: {  	v1 =	vld.idx.msk [tilespmem:v4+s4+$0x0], $0xffff;
	v3 =	vor.u32 v37, v51  }
0x478: {  	v4 =	vor.u32 v37, v2  }
0x479: {  	s9 =	sadd.s32 $0xC680, s8  }
0x47a: {  	s10 =	sor.u32 s7, s9  }
0x47b: {  	s0 =	sor.u32 s12, s9;
	[tilespmem:s10+$0x0] =	vst v0  }
0x47c: {  	[tilespmem:s0+$0x0] =	vst v1;
	v0 =	vld.idx.msk [tilespmem:v3+s4+$0x0], $0xffff  }
0x47d: {  	v1 =	vld.idx.msk [tilespmem:v4+s4+$0x0], $0xffff;
	v3 =	vor.u32 v55, v51  }
0x47e: {  	v4 =	vor.u32 v55, v2  }
0x47f: {  	s11 =	sadd.s32 $0xC700, s8  }
0x480: {  	s13 =	sor.u32 s7, s11  }
0x481: {  	s0 =	sor.u32 s12, s11;
	[tilespmem:s13+$0x0] =	vst v0  }
0x482: {  	[tilespmem:s0+$0x0] =	vst v1;
	v0 =	vld.idx.msk [tilespmem:v3+s4+$0x0], $0xffff  }
0x483: {  	v1 =	vld.idx.msk [tilespmem:v4+s4+$0x0], $0xffff;
	_ =	sdelay $0x1  }
0x484: {  	s14 =	sadd.s32 $0xC780, s8  }
0x485: {  	s15 =	sor.u32 s7, s14  }
0x486: {  	v42 =	vmov v39;
	v39 =	vmov v21;
	s0 =	sor.u32 s12, s14;
	[tilespmem:s15+$0x0] =	vst v0  }
0x487: {  	v3 =	vor.u32 v39, v51;
	[tilespmem:s0+$0x0] =	vst v1  }
0x488: {  	v25 =	vmov v29;
	v29 =	vmov v40;
	v40 =	vld [tilespmem:$0x1FE60];
	_ =	sdelay $0x2  }
0x489: {  	v1 =	vor.u32 v39, v2;
	s0 =	simm.s32 $0x20  }
0x48a: {  	v3 =	vld.idx.msk [tilespmem:v3+s4+$0x0], $0xffff;
	s25 =	sand.u32 $0x60, s0  }
0x48b: {  	s17 =	sand.u32 $0x180, s0;
	s26 =	sor.u32 $0x10, s25;
	v4 =	vor.u32 v40, v51  }
0x48c: {  	s1 =	sor.u32 s26, s17  }
0x48d: {  	s18 =	sadd.s32 $0xD400, s8;
	v5 =	vld [tilespmem:s1+$0x3200]  }
0x48e: {  	s16 =	simm.s32 $0x3220;
	s19 =	sor.u32 s7, s18;
	v6 =	vld.idx.msk [tilespmem:v1+s4+$0x0], $0xffff  }
0x48f: {  	v0 =	vld [tilespmem:s16+$0x0];
	[tilespmem:s19+$0x0] =	vst v3  }
0x490: {  	v3 =	vor.u32 v40, v2;
	v4 =	vld.idx.msk [tilespmem:v4+s4+$0x0], $0xffff  }
0x491: {  	v7 =	vor.u32 v38, v51  }
0x492: {  	s20 =	sor.u32 s12, s18  }
0x493: {  	s21 =	sadd.s32 $0xD480, s8;
	v1 =	vshll.u32 v5, $0xA;
	[tilespmem:s20+$0x0] =	vst v6;
	v6 =	vlaneseq.u32  }
0x494: {  	s22 =	sor.u32 s7, s21;
	v0 =	vshll.u32 v0, $0xA;
	v5 =	vor.u32 v6, v1  }
0x495: {  	v6 =	vor.u32 v6, v0;
	v3 =	vld.idx.msk [tilespmem:v3+s4+$0x0], $0xffff;
	[tilespmem:s22+$0x0] =	vst v4  }
0x496: {  	v4 =	vor.u32 v38, v2;
	v7 =	vld.idx.msk [tilespmem:v7+s4+$0x0], $0xffff  }
0x497: {  	v8 =	vor.u32 v42, v51;
	_ =	sdelay $0x1  }
0x498: {  	s23 =	sor.u32 s12, s21;
	s24 =	sadd.s32 $0xD500, s8;
	v5 =	vld.idx.msk [tilespmem:v5+s4+$0x0], $0xffff  }
0x499: {  	s3 =	sor.u32 s7, s24;
	s1 =	simm.s32 $0x100;
	v6 =	vld.idx.msk [tilespmem:v6+s4+$0x0], $0xffff;
	[tilespmem:s23+$0x0] =	vst v3  }
0x49a: {  	s28 =	sand.u32 $0xC00, s1;
	v4 =	vld.idx.msk [tilespmem:v4+s4+$0x0], $0xffff;
	[tilespmem:s3+$0x0] =	vst v7  }
0x49b: {  	s6 =	sadd.s32 $0xB400, s28;
	v8 =	vld.idx.msk [tilespmem:v8+s4+$0x0], $0xffff  }
0x49c: {  	v57 =	vmov v46;
	v46 =	vmov v24;
	s9 =	sor.u32 s26, s6  }
0x49d: {  	s2 =	sor.u32 s25, s6;
	v3 =	vor.u32 v46, v1;
	[tilespmem:s9+$0x0] =	vst v5  }
0x49e: {  	s5 =	sor.u32 s12, s24;
	s10 =	sadd.s32 $0xD580, s8;
	[tilespmem:s2+$0x0] =	vst v6;
	v7 =	vor.u32 v46, v0  }
0x49f: {  	v9 =	vor.u32 v42, v2;
	s11 =	sor.u32 s7, s10;
	[tilespmem:s5+$0x0] =	vst v4  }
0x4a0: {  	v10 =	vor.u32 v41, v51;
	[tilespmem:s11+$0x0] =	vst v8  }
0x4a1: {  	v24 =	vmov v44;
	v44 =	vld [tilespmem:$0x1FE80]  }
0x4a2: {  	v3 =	vld.idx.msk [tilespmem:v3+s4+$0x0], $0xffff  }
0x4a3: {  	v5 =	vor.u32 v25, v1;
	v4 =	vld.idx.msk [tilespmem:v7+s4+$0x0], $0xffff  }
0x4a4: {  	v6 =	vld.idx.msk [tilespmem:v9+s4+$0x0], $0xffff;
	v7 =	vor.u32 v25, v0  }
0x4a5: {  	v8 =	vor.u32 v41, v2;
	v9 =	vld.idx.msk [tilespmem:v10+s4+$0x0], $0xffff  }
0x4a6: {  	v10 =	vor.u32 v44, v51  }
0x4a7: {  	[tilespmem:s9+$0x80] =	vst v3  }
0x4a8: {  	s13 =	sor.u32 s12, s10;
	s14 =	sadd.s32 $0xD600, s8;
	v3 =	vld.idx.msk [tilespmem:v5+s4+$0x0], $0xffff;
	[tilespmem:s2+$0x80] =	vst v4  }
0x4a9: {  	s15 =	sor.u32 s7, s14;
	v5 =	vor.u32 v26, v1;
	[tilespmem:s13+$0x0] =	vst v6;
	v4 =	vld.idx.msk [tilespmem:v7+s4+$0x0], $0xffff  }
0x4aa: {  	v6 =	vld.idx.msk [tilespmem:v8+s4+$0x0], $0xffff;
	v7 =	vor.u32 v26, v0;
	[tilespmem:s15+$0x0] =	vst v9  }
0x4ab: {  	v8 =	vor.u32 v44, v2;
	v9 =	vld.idx.msk [tilespmem:v10+s4+$0x0], $0xffff  }
0x4ac: {  	v10 =	vor.u32 v45, v51  }
0x4ad: {  	[tilespmem:s9+$0x100] =	vst v3  }
0x4ae: {  	v27 =	vmov v34;
	s16 =	sor.u32 s12, s14;
	s17 =	sadd.s32 $0xD680, s8;
	[tilespmem:s2+$0x100] =	vst v4;
	v3 =	vld.idx.msk [tilespmem:v5+s4+$0x0], $0xffff  }
0x4af: {  	s18 =	sor.u32 s7, s17;
	[tilespmem:s16+$0x0] =	vst v6;
	v4 =	vld.idx.msk [tilespmem:v7+s4+$0x0], $0xffff;
	v5 =	vor.u32 v27, v1  }
0x4b0: {  	v6 =	vld.idx.msk [tilespmem:v8+s4+$0x0], $0xffff;
	v7 =	vor.u32 v27, v0;
	[tilespmem:s18+$0x0] =	vst v9  }
0x4b1: {  	v8 =	vor.u32 v45, v2;
	v9 =	vld.idx.msk [tilespmem:v10+s4+$0x0], $0xffff  }
0x4b2: {  	v10 =	vor.u32 v57, v51  }
0x4b3: {  	[tilespmem:s9+$0x180] =	vst v3  }
0x4b4: {  	s19 =	sor.u32 s12, s17;
	s20 =	sadd.s32 $0xD700, s8;
	[tilespmem:s2+$0x180] =	vst v4;
	v3 =	vld.idx.msk [tilespmem:v5+s4+$0x0], $0xffff  }
0x4b5: {  	s21 =	sor.u32 s7, s20;
	[tilespmem:s19+$0x0] =	vst v6;
	v4 =	vld.idx.msk [tilespmem:v7+s4+$0x0], $0xffff;
	v5 =	vor.u32 v28, v1  }
0x4b6: {  	v6 =	vld.idx.msk [tilespmem:v8+s4+$0x0], $0xffff;
	v7 =	vor.u32 v28, v0;
	[tilespmem:s21+$0x0] =	vst v9  }
0x4b7: {  	v8 =	vor.u32 v57, v2;
	v9 =	vld.idx.msk [tilespmem:v10+s4+$0x0], $0xffff  }
0x4b8: {  	v10 =	vor.u32 v47, v51  }
0x4b9: {  	[tilespmem:s9+$0x200] =	vst v3  }
0x4ba: {  	s22 =	sor.u32 s12, s20;
	s23 =	sadd.s32 $0xD780, s8;
	[tilespmem:s2+$0x200] =	vst v4;
	v3 =	vld.idx.msk [tilespmem:v5+s4+$0x0], $0xffff  }
0x4bb: {  	s24 =	sor.u32 s7, s23;
	[tilespmem:s22+$0x0] =	vst v6;
	v4 =	vld.idx.msk [tilespmem:v7+s4+$0x0], $0xffff;
	v5 =	vor.u32 v29, v1  }
0x4bc: {  	v6 =	vld.idx.msk [tilespmem:v8+s4+$0x0], $0xffff;
	v7 =	vor.u32 v29, v0;
	[tilespmem:s24+$0x0] =	vst v9  }
0x4bd: {  	v56 =	vmov v48;
	v8 =	vor.u32 v47, v2;
	v9 =	vld.idx.msk [tilespmem:v10+s4+$0x0], $0xffff  }
0x4be: {  	v10 =	vor.u32 v56, v51  }
0x4bf: {  	s5 =	simm.s32 $0x1;
	[tilespmem:s9+$0x280] =	vst v3  }
0x4c0: {  	s10 =	sadd.s32 $0xE400, s8;
	s3 =	sand.u32 $0x3, s5;
	s9 =	sor.u32 s12, s23;
	[tilespmem:s2+$0x280] =	vst v4;
	v3 =	vld.idx.msk [tilespmem:v5+s4+$0x0], $0xffff  }
0x4c1: {  	s11 =	sor.u32 s7, s10;
	s3 =	sshll.u32 s3, $0x5;
	[tilespmem:s9+$0x0] =	vst v6;
	v4 =	vld.idx.msk [tilespmem:v7+s4+$0x0], $0xffff  }
0x4c2: {  	v34 =	vmov v43;
	s3 =	sadd.s32 $0x100, s3;
	v6 =	vld.idx.msk [tilespmem:v8+s4+$0x0], $0xffff;
	[tilespmem:s11+$0x0] =	vst v9  }
0x4c3: {  	s13 =	sadd.s32 $0x10, s3;
	v5 =	vor.u32 v34, v1;
	v9 =	vld.idx.msk [tilespmem:v10+s4+$0x0], $0xffff  }
0x4c4: {  	s14 =	sor.u32 $0x300, s13  }
0x4c5: {  	s3 =	sor.u32 $0x300, s3;
	v7 =	vor.u32 v34, v0;
	[tilespmem:s14+$0xB400] =	vst v3  }
0x4c6: {  	v11 =	vmov v49;
	s15 =	sadd.s32 $0xE480, s8;
	s2 =	sor.u32 s12, s10;
	v8 =	vor.u32 v56, v2;
	[tilespmem:s3+$0xB400] =	vst v4  }
0x4c7: {  	s16 =	sor.u32 s7, s15;
	v10 =	vor.u32 v11, v51;
	[tilespmem:s2+$0x0] =	vst v6  }
0x4c8: {  	v3 =	vld.idx.msk [tilespmem:v5+s4+$0x0], $0xffff;
	[tilespmem:s16+$0x0] =	vst v9  }
0x4c9: {  	v21 =	vmov v35;
	v35 =	vmov v38;
	v38 =	vld [tilespmem:$0x1FF10]  }
0x4ca: {  	v4 =	vld.idx.msk [tilespmem:v7+s4+$0x0], $0xffff;
	v5 =	vor.u32 v59, v1  }
0x4cb: {  	v7 =	vor.u32 v59, v0;
	v6 =	vld.idx.msk [tilespmem:v8+s4+$0x0], $0xffff  }
0x4cc: {  	v8 =	vor.u32 v11, v2;
	v9 =	vld.idx.msk [tilespmem:v10+s4+$0x0], $0xffff  }
0x4cd: {  	s0 =	sor.u32 s1, s0;
	s17 =	sor.u32 $0x380, s13  }
0x4ce: {  	s0 =	sor.u32 $0x380, s0;
	[tilespmem:s17+$0xB400] =	vst v3;
	v10 =	vor.u32 v38, v51  }
0x4cf: {  	s18 =	sor.u32 s12, s15;
	s19 =	sadd.s32 $0xE500, s8;
	[tilespmem:s0+$0xB400] =	vst v4;
	v3 =	vld.idx.msk [tilespmem:v5+s4+$0x0], $0xffff  }
0x4d0: {  	s20 =	sor.u32 s7, s19;
	[tilespmem:s18+$0x0] =	vst v6;
	v4 =	vld.idx.msk [tilespmem:v7+s4+$0x0], $0xffff  }
0x4d1: {  	v6 =	vld.idx.msk [tilespmem:v8+s4+$0x0], $0xffff;
	[tilespmem:s20+$0x0] =	vst v9  }
0x4d2: {  	v19 =	vld [tilespmem:$0x1FEE0]  }
0x4d3: {  	s21 =	sadd.s32 $0xC400, s28;
	v9 =	vld.idx.msk [tilespmem:v10+s4+$0x0], $0xffff  }
0x4d4: {  	s22 =	sor.u32 s26, s21  }
0x4d5: {  	s1 =	sor.u32 s25, s21;
	v5 =	vor.u32 v52, v1;
	[tilespmem:s22+$0x0] =	vst v3  }
0x4d6: {  	s23 =	sadd.s32 $0xE580, s8;
	s0 =	sor.u32 s12, s19;
	v7 =	vor.u32 v52, v0;
	[tilespmem:s1+$0x0] =	vst v4  }
0x4d7: {  	s24 =	sor.u32 s7, s23;
	v8 =	vor.u32 v38, v2;
	[tilespmem:s0+$0x0] =	vst v6  }
0x4d8: {  	v10 =	vor.u32 v19, v51;
	[tilespmem:s24+$0x0] =	vst v9  }
0x4d9: {  	v49 =	vld [tilespmem:$0x1FEB0]  }
0x4da: {  	v3 =	vld.idx.msk [tilespmem:v5+s4+$0x0], $0xffff  }
0x4db: {  	v4 =	vld.idx.msk [tilespmem:v7+s4+$0x0], $0xffff;
	v5 =	vor.u32 v24, v1  }
0x4dc: {  	v7 =	vor.u32 v24, v0;
	v6 =	vld.idx.msk [tilespmem:v8+s4+$0x0], $0xffff  }
0x4dd: {  	s2 =	sadd.s32 $0xC480, s28;
	v8 =	vor.u32 v19, v2;
	v9 =	vld.idx.msk [tilespmem:v10+s4+$0x0], $0xffff  }
0x4de: {  	s3 =	sor.u32 s26, s2;
	v10 =	vor.u32 v49, v51  }
0x4df: {  	s0 =	sor.u32 s25, s2;
	[tilespmem:s3+$0x0] =	vst v3  }
0x4e0: {  	s5 =	sadd.s32 $0xE600, s8;
	s1 =	sor.u32 s12, s23;
	[tilespmem:s0+$0x0] =	vst v4;
	v3 =	vld.idx.msk [tilespmem:v5+s4+$0x0], $0xffff  }
0x4e1: {  	s6 =	sor.u32 s7, s5;
	[tilespmem:s1+$0x0] =	vst v6;
	v4 =	vld.idx.msk [tilespmem:v7+s4+$0x0], $0xffff;
	v5 =	vor.u32 v30, v1  }
0x4e2: {  	v6 =	vld.idx.msk [tilespmem:v8+s4+$0x0], $0xffff;
	v7 =	vor.u32 v30, v0;
	[tilespmem:s6+$0x0] =	vst v9  }
0x4e3: {  	s9 =	sadd.s32 $0xC500, s28;
	v8 =	vor.u32 v49, v2;
	v9 =	vld.idx.msk [tilespmem:v10+s4+$0x0], $0xffff  }
0x4e4: {  	s10 =	sor.u32 s26, s9;
	v10 =	vor.u32 v50, v51  }
0x4e5: {  	s1 =	sor.u32 s25, s9;
	[tilespmem:s10+$0x0] =	vst v3  }
0x4e6: {  	s11 =	sadd.s32 $0xE680, s8;
	s0 =	sor.u32 s12, s5;
	[tilespmem:s1+$0x0] =	vst v4;
	v3 =	vld.idx.msk [tilespmem:v5+s4+$0x0], $0xffff  }
0x4e7: {  	s13 =	sor.u32 s7, s11;
	[tilespmem:s0+$0x0] =	vst v6;
	v4 =	vld.idx.msk [tilespmem:v7+s4+$0x0], $0xffff  }
0x4e8: {  	v6 =	vld.idx.msk [tilespmem:v8+s4+$0x0], $0xffff;
	[tilespmem:s13+$0x0] =	vst v9  }
0x4e9: {  	v9 =	vld.idx.msk [tilespmem:v10+s4+$0x0], $0xffff  }
0x4ea: {  	v32 =	vmov v54;
	s14 =	sadd.s32 $0xC580, s28;
	v5 =	vor.u32 v54, v1;
	v7 =	vor.u32 v54, v0;
	v54 =	vld [tilespmem:$0x1FEF0]  }
0x4eb: {  	s15 =	sor.u32 s26, s14  }
0x4ec: {  	s0 =	sor.u32 s25, s14;
	[tilespmem:s15+$0x0] =	vst v3  }
0x4ed: {  	s16 =	sadd.s32 $0xE700, s8;
	s1 =	sor.u32 s12, s11;
	[tilespmem:s0+$0x0] =	vst v4  }
0x4ee: {  	s17 =	sor.u32 s7, s16;
	v8 =	vor.u32 v50, v2;
	[tilespmem:s1+$0x0] =	vst v6  }
0x4ef: {  	v10 =	vor.u32 v54, v51;
	[tilespmem:s17+$0x0] =	vst v9  }
0x4f0: {  	v18 =	vmov v36;
	v36 =	vmov v52;
	v52 =	vld [tilespmem:$0x1FED0]  }
0x4f1: {  	v3 =	vld.idx.msk [tilespmem:v5+s4+$0x0], $0xffff  }
0x4f2: {  	v4 =	vld.idx.msk [tilespmem:v7+s4+$0x0], $0xffff;
	v5 =	vor.u32 v21, v1  }
0x4f3: {  	v6 =	vld.idx.msk [tilespmem:v8+s4+$0x0], $0xffff;
	v7 =	vor.u32 v21, v0  }
0x4f4: {  	s18 =	sadd.s32 $0xC600, s28;
	v8 =	vor.u32 v54, v2;
	v9 =	vld.idx.msk [tilespmem:v10+s4+$0x0], $0xffff  }
0x4f5: {  	s19 =	sor.u32 s26, s18;
	v10 =	vor.u32 v52, v51  }
0x4f6: {  	s1 =	sor.u32 s25, s18;
	[tilespmem:s19+$0x0] =	vst v3  }
0x4f7: {  	s20 =	sadd.s32 $0xE780, s8;
	s0 =	sor.u32 s12, s16;
	[tilespmem:s1+$0x0] =	vst v4;
	v3 =	vld.idx.msk [tilespmem:v5+s4+$0x0], $0xffff  }
0x4f8: {  	s21 =	sor.u32 s7, s20;
	[tilespmem:s0+$0x0] =	vst v6;
	v4 =	vld.idx.msk [tilespmem:v7+s4+$0x0], $0xffff;
	v5 =	vor.u32 v37, v1  }
0x4f9: {  	v7 =	vor.u32 v37, v0;
	v6 =	vld.idx.msk [tilespmem:v8+s4+$0x0], $0xffff;
	[tilespmem:s21+$0x0] =	vst v9  }
0x4fa: {  	s22 =	sadd.s32 $0xC680, s28;
	v8 =	vor.u32 v52, v2;
	v9 =	vld.idx.msk [tilespmem:v10+s4+$0x0], $0xffff  }
0x4fb: {  	s23 =	sor.u32 s26, s22;
	v10 =	vor.u32 v53, v51  }
0x4fc: {  	s0 =	sor.u32 s25, s22;
	[tilespmem:s23+$0x0] =	vst v3  }
0x4fd: {  	s24 =	sadd.s32 $0xF400, s8;
	s1 =	sor.u32 s12, s20;
	[tilespmem:s0+$0x0] =	vst v4;
	v3 =	vld.idx.msk [tilespmem:v5+s4+$0x0], $0xffff  }
0x4fe: {  	s2 =	sor.u32 s7, s24;
	v4 =	vld.idx.msk [tilespmem:v7+s4+$0x0], $0xffff;
	[tilespmem:s1+$0x0] =	vst v6  }
0x4ff: {  	v6 =	vld.idx.msk [tilespmem:v8+s4+$0x0], $0xffff;
	[tilespmem:s2+$0x0] =	vst v9  }
0x500: {  	v9 =	vld.idx.msk [tilespmem:v10+s4+$0x0], $0xffff  }
0x501: {  	s3 =	sadd.s32 $0xC700, s28;
	v48 =	vld [tilespmem:$0x1FF00]  }
0x502: {  	s5 =	sor.u32 s26, s3  }
0x503: {  	v5 =	vor.u32 v55, v1;
	s1 =	sor.u32 s25, s3;
	[tilespmem:s5+$0x0] =	vst v3  }
0x504: {  	s6 =	sadd.s32 $0xF480, s8;
	s0 =	sor.u32 s12, s24;
	v7 =	vor.u32 v55, v0;
	[tilespmem:s1+$0x0] =	vst v4  }
0x505: {  	s9 =	sor.u32 s7, s6;
	v8 =	vor.u32 v53, v2;
	[tilespmem:s0+$0x0] =	vst v6  }
0x506: {  	v10 =	vor.u32 v48, v51;
	[tilespmem:s9+$0x0] =	vst v9  }
0x507: {  	v33 =	vmov v55;
	v55 =	vld [tilespmem:$0x1FE90]  }
0x508: {  	v3 =	vld.idx.msk [tilespmem:v5+s4+$0x0], $0xffff  }
0x509: {  	v4 =	vld.idx.msk [tilespmem:v7+s4+$0x0], $0xffff;
	v5 =	vor.u32 v39, v1  }
0x50a: {  	v6 =	vld.idx.msk [tilespmem:v8+s4+$0x0], $0xffff;
	v7 =	vor.u32 v39, v0  }
0x50b: {  	s10 =	sadd.s32 $0xC780, s28;
	v8 =	vor.u32 v48, v2;
	v9 =	vld.idx.msk [tilespmem:v10+s4+$0x0], $0xffff  }
0x50c: {  	s11 =	sor.u32 s26, s10;
	v10 =	vor.u32 v55, v51  }
0x50d: {  	s0 =	sor.u32 s25, s10;
	[tilespmem:s11+$0x0] =	vst v3  }
0x50e: {  	s13 =	sadd.s32 $0xF500, s8;
	s1 =	sor.u32 s12, s6;
	[tilespmem:s0+$0x0] =	vst v4;
	v3 =	vld.idx.msk [tilespmem:v5+s4+$0x0], $0xffff  }
0x50f: {  	s14 =	sor.u32 s7, s13;
	[tilespmem:s1+$0x0] =	vst v6;
	v4 =	vld.idx.msk [tilespmem:v7+s4+$0x0], $0xffff  }
0x510: {  	s0 =	simm.s32 $0x40;
	v6 =	vld.idx.msk [tilespmem:v8+s4+$0x0], $0xffff;
	[tilespmem:s14+$0x0] =	vst v9  }
0x511: {  	v5 =	vor.u32 v40, v1;
	s29 =	sand.u32 $0x60, s0;
	v9 =	vld.idx.msk [tilespmem:v10+s4+$0x0], $0xffff  }
0x512: {  	v17 =	vmov v20;
	s17 =	sadd.s32 $0xD400, s28;
	v7 =	vor.u32 v40, v0;
	s16 =	sand.u32 $0x180, s0;
	s30 =	sor.u32 $0x10, s29;
	v20 =	vld [tilespmem:$0x1FE70]  }
0x513: {  	s18 =	sor.u32 s26, s17;
	s1 =	sor.u32 s30, s16  }
0x514: {  	s15 =	simm.s32 $0x3240;
	s19 =	sor.u32 s25, s17;
	v12 =	vld [tilespmem:s1+$0x3200];
	v8 =	vor.u32 v55, v2;
	[tilespmem:s18+$0x0] =	vst v3  }
0x515: {  	s20 =	sadd.s32 $0xF580, s8;
	s2 =	sor.u32 s12, s13;
	v10 =	vld [tilespmem:s15+$0x0];
	[tilespmem:s19+$0x0] =	vst v4  }
0x516: {  	s21 =	sor.u32 s7, s20;
	[tilespmem:s2+$0x0] =	vst v6;
	v5 =	vld.idx.msk [tilespmem:v5+s4+$0x0], $0xffff  }
0x517: {  	v22 =	vmovc v59;
	v59 =	vmov v50;
	v50 =	vmov v11;
	v6 =	vld.idx.msk [tilespmem:v7+s4+$0x0], $0xffff;
	v11 =	vor.u32 v20, v51;
	[tilespmem:s21+$0x0] =	vst v9  }
0x518: {  	v43 =	vmov v41;
	v41 =	vmov v53;
	v7 =	vor.u32 v35, v1;
	v53 =	vld [tilespmem:$0x1FF30]  }
0x519: {  	v8 =	vld.idx.msk [tilespmem:v8+s4+$0x0], $0xffff;
	v9 =	vor.u32 v35, v0  }
0x51a: {  	v14 =	vlaneseq.u32;
	s22 =	sadd.s32 $0xD480, s28;
	v4 =	vshll.u32 v12, $0xA;
	v13 =	vor.u32 v20, v2  }
0x51b: {  	s23 =	sor.u32 s26, s22;
	v3 =	vshll.u32 v10, $0xA;
	v10 =	vor.u32 v14, v4  }
0x51c: {  	s2 =	sor.u32 s25, s22;
	[tilespmem:s23+$0x0] =	vst v5;
	v5 =	vor.u32 v14, v3;
	v11 =	vld.idx.msk [tilespmem:v11+s4+$0x0], $0xffff  }
0x51d: {  	s1 =	sor.u32 s12, s20;
	[tilespmem:s2+$0x0] =	vst v6;
	v6 =	vld.idx.msk [tilespmem:v7+s4+$0x0], $0xffff;
	v12 =	vor.u32 v53, v51  }
0x51e: {  	[tilespmem:s1+$0x0] =	vst v8;
	v7 =	vld.idx.msk [tilespmem:v9+s4+$0x0], $0xffff  }
0x51f: {  	s24 =	sadd.s32 $0xF600, s8;
	v9 =	vld.idx.msk [tilespmem:v13+s4+$0x0], $0xffff  }
0x520: {  	s3 =	sor.u32 s7, s24;
	s5 =	sadd.s32 $0xD500, s28;
	v8 =	vor.u32 v42, v1;
	v10 =	vld.idx.msk [tilespmem:v10+s4+$0x0], $0xffff  }
0x521: {  	s6 =	sor.u32 s26, s5;
	v15 =	vor.u32 v46, v4;
	s1 =	simm.s32 $0x200;
	v5 =	vld.idx.msk [tilespmem:v5+s4+$0x0], $0xffff;
	[tilespmem:s3+$0x0] =	vst v11  }
0x522: {  	s9 =	sor.u32 s25, s5;
	s31 =	sand.u32 $0xC00, s1;
	[tilespmem:s6+$0x0] =	vst v6;
	v6 =	vor.u32 v46, v3;
	v12 =	vld.idx.msk [tilespmem:v12+s4+$0x0], $0xffff  }
0x523: {  	s2 =	sor.u32 s12, s24;
	s11 =	sadd.s32 $0xB400, s31;
	[tilespmem:s9+$0x0] =	vst v7  }
0x524: {  	v11 =	vor.u32 v42, v0;
	[tilespmem:s2+$0x0] =	vst v9;
	s3 =	sor.u32 s30, s11  }
0x525: {  	v58 =	vmov v61;
	s10 =	sadd.s32 $0xF680, s8;
	v13 =	vor.u32 v53, v2;
	v7 =	vld.idx.msk [tilespmem:v8+s4+$0x0], $0xffff;
	s2 =	sor.u32 s29, s11;
	[tilespmem:s3+$0x0] =	vst v10  }
0x526: {  	s13 =	sor.u32 s7, s10;
	v14 =	vor.u32 v58, v51;
	[tilespmem:s2+$0x0] =	vst v5;
	v5 =	vld.idx.msk [tilespmem:v15+s4+$0x0], $0xffff  }
0x527: {  	v6 =	vld.idx.msk [tilespmem:v6+s4+$0x0], $0xffff;
	[tilespmem:s13+$0x0] =	vst v12  }
0x528: {  	v15 =	vor.u32 v25, v4;
	v61 =	vld [tilespmem:$0x1FEA0]  }
0x529: {  	s14 =	sadd.s32 $0xD580, s28;
	v9 =	vor.u32 v43, v1;
	v8 =	vld.idx.msk [tilespmem:v11+s4+$0x0], $0xffff  }
0x52a: {  	s15 =	sor.u32 s26, s14;
	v11 =	vld.idx.msk [tilespmem:v13+s4+$0x0], $0xffff;
	v12 =	vor.u32 v43, v0  }
0x52b: {  	v13 =	vor.u32 v58, v2;
	v10 =	vld.idx.msk [tilespmem:v14+s4+$0x0], $0xffff;
	[tilespmem:s15+$0x0] =	vst v7  }
0x52c: {  	v7 =	vor.u32 v25, v3;
	[tilespmem:s3+$0x80] =	vst v5  }
0x52d: {  	s6 =	sor.u32 s25, s14;
	[tilespmem:s2+$0x80] =	vst v6;
	v6 =	vld.idx.msk [tilespmem:v15+s4+$0x0], $0xffff;
	v14 =	vor.u32 v61, v51  }
0x52e: {  	s5 =	sor.u32 s12, s10;
	s16 =	sadd.s32 $0xF700, s8;
	[tilespmem:s6+$0x0] =	vst v8;
	v8 =	vld.idx.msk [tilespmem:v9+s4+$0x0], $0xffff  }
0x52f: {  	s17 =	sor.u32 s7, s16;
	[tilespmem:s5+$0x0] =	vst v11;
	v11 =	vor.u32 v44, v1;
	v9 =	vld.idx.msk [tilespmem:v12+s4+$0x0], $0xffff  }
0x530: {  	v12 =	vld.idx.msk [tilespmem:v13+s4+$0x0], $0xffff;
	[tilespmem:s17+$0x0] =	vst v10;
	v10 =	vor.u32 v44, v0  }
0x531: {  	s18 =	sadd.s32 $0xD600, s28;
	v13 =	vor.u32 v61, v2;
	v7 =	vld.idx.msk [tilespmem:v7+s4+$0x0], $0xffff  }
0x532: {  	s19 =	sor.u32 s26, s18;
	v15 =	vor.u32 v26, v4;
	[tilespmem:s3+$0x100] =	vst v6;
	v5 =	vld.idx.msk [tilespmem:v14+s4+$0x0], $0xffff  }
0x533: {  	v16 =	vmov v63;
	s5 =	sor.u32 s25, s18;
	[tilespmem:s19+$0x0] =	vst v8  }
0x534: {  	s6 =	sor.u32 s12, s16;
	[tilespmem:s5+$0x0] =	vst v9;
	v9 =	vld.idx.msk [tilespmem:v11+s4+$0x0], $0xffff;
	v14 =	vor.u32 v16, v51  }
0x535: {  	s20 =	sadd.s32 $0xF780, s8;
	v8 =	vor.u32 v26, v3;
	[tilespmem:s6+$0x0] =	vst v12;
	v10 =	vld.idx.msk [tilespmem:v10+s4+$0x0], $0xffff  }
0x536: {  	s21 =	sor.u32 s7, s20;
	v11 =	vor.u32 v45, v1;
	v12 =	vld.idx.msk [tilespmem:v13+s4+$0x0], $0xffff;
	[tilespmem:s2+$0x100] =	vst v7  }
0x537: {  	v7 =	vld.idx.msk [tilespmem:v15+s4+$0x0], $0xffff;
	[tilespmem:s21+$0x0] =	vst v5;
	v5 =	vor.u32 v45, v0  }
0x538: {  	s22 =	sadd.s32 $0xD680, s28;
	v63 =	vld [tilespmem:$0x1FEC0]  }
0x539: {  	s23 =	sor.u32 s26, s22;
	v13 =	vor.u32 v16, v2;
	v6 =	vld.idx.msk [tilespmem:v14+s4+$0x0], $0xffff  }
0x53a: {  	s6 =	sor.u32 s25, s22;
	v15 =	vor.u32 v27, v4;
	v8 =	vld.idx.msk [tilespmem:v8+s4+$0x0], $0xffff;
	[tilespmem:s23+$0x0] =	vst v9  }
0x53b: {  	s5 =	sor.u32 s12, s20;
	v9 =	vor.u32 v27, v3;
	[tilespmem:s6+$0x0] =	vst v10;
	v10 =	vld.idx.msk [tilespmem:v11+s4+$0x0], $0xffff  }
0x53c: {  	s24 =	sadd.s32 $0x10400, s8;
	[tilespmem:s5+$0x0] =	vst v12;
	v11 =	vor.u32 v57, v1;
	v5 =	vld.idx.msk [tilespmem:v5+s4+$0x0], $0xffff  }
0x53d: {  	s10 =	sor.u32 s7, s24;
	[tilespmem:s3+$0x180] =	vst v7;
	v14 =	vor.u32 v63, v51  }
0x53e: {  	s11 =	sadd.s32 $0xD700, s28;
	v12 =	vld.idx.msk [tilespmem:v13+s4+$0x0], $0xffff;
	[tilespmem:s10+$0x0] =	vst v6;
	v6 =	vor.u32 v57, v0  }
0x53f: {  	s13 =	sor.u32 s26, s11;
	[tilespmem:s2+$0x180] =	vst v8;
	v8 =	vld.idx.msk [tilespmem:v15+s4+$0x0], $0xffff;
	v13 =	vor.u32 v63, v2  }
0x540: {  	s5 =	sor.u32 s25, s11;
	v15 =	vor.u32 v28, v4;
	v9 =	vld.idx.msk [tilespmem:v9+s4+$0x0], $0xffff;
	[tilespmem:s13+$0x0] =	vst v10  }
0x541: {  	v10 =	vor.u32 v28, v3;
	[tilespmem:s5+$0x0] =	vst v5;
	v5 =	vld.idx.msk [tilespmem:v11+s4+$0x0], $0xffff  }
0x542: {  	s6 =	sor.u32 s12, s24;
	v7 =	vld.idx.msk [tilespmem:v14+s4+$0x0], $0xffff  }
0x543: {  	[tilespmem:s6+$0x0] =	vst v12;
	v14 =	vor.u32 v18, v51;
	v6 =	vld.idx.msk [tilespmem:v6+s4+$0x0], $0xffff  }
0x544: {  	s16 =	sadd.s32 $0xD780, s28;
	[tilespmem:s3+$0x200] =	vst v8;
	v11 =	vor.u32 v47, v1;
	v12 =	vld.idx.msk [tilespmem:v13+s4+$0x0], $0xffff  }
0x545: {  	s14 =	sadd.s32 $0x10480, s8;
	s17 =	sor.u32 s26, s16;
	v13 =	vor.u32 v18, v2;
	[tilespmem:s2+$0x200] =	vst v9;
	v9 =	vld.idx.msk [tilespmem:v15+s4+$0x0], $0xffff  }
0x546: {  	s15 =	sor.u32 s7, s14;
	v15 =	vor.u32 v29, v4;
	v10 =	vld.idx.msk [tilespmem:v10+s4+$0x0], $0xffff;
	[tilespmem:s17+$0x0] =	vst v5  }
0x547: {  	s6 =	sor.u32 s25, s16;
	v5 =	vor.u32 v29, v3;
	[tilespmem:s15+$0x0] =	vst v7  }
0x548: {  	s5 =	sor.u32 s12, s14;
	v7 =	vor.u32 v47, v0;
	[tilespmem:s6+$0x0] =	vst v6;
	v8 =	vld.idx.msk [tilespmem:v14+s4+$0x0], $0xffff  }
0x549: {  	v6 =	vld.idx.msk [tilespmem:v11+s4+$0x0], $0xffff;
	[tilespmem:s5+$0x0] =	vst v12;
	v14 =	vor.u32 v17, v51  }
0x54a: {  	s21 =	simm.s32 $0x2;
	[tilespmem:s3+$0x280] =	vst v9;
	v12 =	vld.idx.msk [tilespmem:v13+s4+$0x0], $0xffff  }
0x54b: {  	s18 =	sadd.s32 $0x10500, s8;
	s22 =	sand.u32 $0x3, s21;
	[tilespmem:s2+$0x280] =	vst v10;
	v10 =	vld.idx.msk [tilespmem:v15+s4+$0x0], $0xffff  }
0x54c: {  	s19 =	sor.u32 s7, s18;
	s20 =	sadd.s32 $0xE400, s28;
	s2 =	sshll.u32 s22, $0x5;
	v15 =	vor.u32 v34, v4;
	v5 =	vld.idx.msk [tilespmem:v5+s4+$0x0], $0xffff  }
0x54d: {  	s23 =	sor.u32 s26, s20;
	v11 =	vor.u32 v56, v1;
	s2 =	sadd.s32 $0x200, s2;
	v7 =	vld.idx.msk [tilespmem:v7+s4+$0x0], $0xffff;
	[tilespmem:s19+$0x0] =	vst v8  }
0x54e: {  	s24 =	sor.u32 s12, s18;
	s10 =	sadd.s32 $0x10, s2;
	[tilespmem:s23+$0x0] =	vst v6;
	v8 =	vor.u32 v56, v0;
	v9 =	vld.idx.msk [tilespmem:v14+s4+$0x0], $0xffff  }
0x54f: {  	s13 =	sor.u32 $0x300, s10;
	[tilespmem:s24+$0x0] =	vst v12  }
0x550: {  	s2 =	sor.u32 $0x300, s2;
	v6 =	vor.u32 v34, v3;
	[tilespmem:s13+$0xB400] =	vst v10  }
0x551: {  	s3 =	sor.u32 s25, s20;
	s6 =	sadd.s32 $0x10580, s8;
	v14 =	vor.u32 v31, v51;
	[tilespmem:s2+$0xB400] =	vst v5;
	v5 =	vld.idx.msk [tilespmem:v15+s4+$0x0], $0xffff  }
0x552: {  	v13 =	vor.u32 v17, v2;
	s11 =	sor.u32 s7, s6;
	[tilespmem:s3+$0x0] =	vst v7;
	v7 =	vld.idx.msk [tilespmem:v11+s4+$0x0], $0xffff  }
0x553: {  	v11 =	vor.u32 v50, v1;
	v8 =	vld.idx.msk [tilespmem:v8+s4+$0x0], $0xffff;
	[tilespmem:s11+$0x0] =	vst v9  }
0x554: {  	v23 =	vld [tilespmem:$0x1FE50]  }
0x555: {  	s14 =	sadd.s32 $0xE480, s28;
	v6 =	vld.idx.msk [tilespmem:v6+s4+$0x0], $0xffff;
	v9 =	vor.u32 v50, v0  }
0x556: {  	s15 =	sor.u32 s26, s14;
	v15 =	vor.u32 v22, v4;
	v10 =	vld.idx.msk [tilespmem:v14+s4+$0x0], $0xffff  }
0x557: {  	s5 =	sor.u32 s25, s14;
	v12 =	vld.idx.msk [tilespmem:v13+s4+$0x0], $0xffff;
	[tilespmem:s15+$0x0] =	vst v7;
	v7 =	vor.u32 v22, v3  }
0x558: {  	s0 =	sor.u32 s1, s0;
	s19 =	sor.u32 $0x380, s10;
	v13 =	vor.u32 v31, v2;
	[tilespmem:s5+$0x0] =	vst v8;
	v8 =	vld.idx.msk [tilespmem:v11+s4+$0x0], $0xffff  }
0x559: {  	s0 =	sor.u32 $0x380, s0;
	s17 =	sadd.s32 $0x10600, s8;
	[tilespmem:s19+$0xB400] =	vst v5;
	v14 =	vor.u32 v23, v51  }
0x55a: {  	s18 =	sor.u32 s7, s17;
	[tilespmem:s0+$0xB400] =	vst v6;
	v11 =	vor.u32 v38, v1;
	v9 =	vld.idx.msk [tilespmem:v9+s4+$0x0], $0xffff  }
0x55b: {  	s20 =	sadd.s32 $0xE500, s28;
	s16 =	sor.u32 s12, s6;
	v6 =	vld.idx.msk [tilespmem:v15+s4+$0x0], $0xffff;
	[tilespmem:s18+$0x0] =	vst v10;
	v10 =	vor.u32 v38, v0  }
0x55c: {  	v62 =	vmov v16;
	v16 =	vor.u32 v36, v4;
	s22 =	sor.u32 s26, s20;
	[tilespmem:s16+$0x0] =	vst v12;
	v7 =	vld.idx.msk [tilespmem:v7+s4+$0x0], $0xffff  }
0x55d: {  	v12 =	vld.idx.msk [tilespmem:v13+s4+$0x0], $0xffff;
	[tilespmem:s22+$0x0] =	vst v8;
	v8 =	vor.u32 v36, v3  }
0x55e: {  	s3 =	sadd.s32 $0xC400, s31;
	s0 =	sor.u32 s25, s20;
	v13 =	vld.idx.msk [tilespmem:v14+s4+$0x0], $0xffff;
	v14 =	vor.u32 v23, v2  }
0x55f: {  	s6 =	sor.u32 s30, s3;
	[tilespmem:s0+$0x0] =	vst v9;
	v9 =	vld.idx.msk [tilespmem:v11+s4+$0x0], $0xffff  }
0x560: {  	s9 =	sor.u32 s29, s3;
	v15 =	vor.u32 v60, v51;
	[tilespmem:s6+$0x0] =	vst v6;
	v10 =	vld.idx.msk [tilespmem:v10+s4+$0x0], $0xffff  }
0x561: {  	s23 =	sor.u32 s12, s17;
	s24 =	sadd.s32 $0x10680, s8;
	[tilespmem:s9+$0x0] =	vst v7;
	v7 =	vld.idx.msk [tilespmem:v16+s4+$0x0], $0xffff  }
0x562: {  	s5 =	sor.u32 s7, s24;
	[tilespmem:s23+$0x0] =	vst v12;
	v11 =	vor.u32 v19, v1;
	v8 =	vld.idx.msk [tilespmem:v8+s4+$0x0], $0xffff  }
0x563: {  	s10 =	sadd.s32 $0xE580, s28;
	v16 =	vor.u32 v24, v4;
	v12 =	vld.idx.msk [tilespmem:v14+s4+$0x0], $0xffff;
	[tilespmem:s5+$0x0] =	vst v13  }
0x564: {  	s11 =	sor.u32 s26, s10;
	v13 =	vor.u32 v19, v0;
	v19 =	vld [tilespmem:$0x1FE20]  }
0x565: {  	s14 =	sadd.s32 $0xC480, s31;
	s2 =	sor.u32 s25, s10;
	v14 =	vor.u32 v60, v2;
	v6 =	vld.idx.msk [tilespmem:v15+s4+$0x0], $0xffff;
	[tilespmem:s11+$0x0] =	vst v9  }
0x566: {  	s16 =	sor.u32 s30, s14;
	[tilespmem:s2+$0x0] =	vst v10  }
0x567: {  	s17 =	sor.u32 s29, s14;
	v9 =	vor.u32 v24, v3;
	v10 =	vld.idx.msk [tilespmem:v11+s4+$0x0], $0xffff;
	[tilespmem:s16+$0x0] =	vst v7  }
0x568: {  	s13 =	sadd.s32 $0x10700, s8;
	s0 =	sor.u32 s12, s24;
	[tilespmem:s17+$0x0] =	vst v8;
	v8 =	vld.idx.msk [tilespmem:v16+s4+$0x0], $0xffff  }
0x569: {  	s15 =	sor.u32 s7, s13;
	v11 =	vld.idx.msk [tilespmem:v13+s4+$0x0], $0xffff;
	[tilespmem:s0+$0x0] =	vst v12;
	v15 =	vor.u32 v19, v51  }
0x56a: {  	v12 =	vor.u32 v49, v1;
	v13 =	vld.idx.msk [tilespmem:v14+s4+$0x0], $0xffff;
	[tilespmem:s15+$0x0] =	vst v6  }
0x56b: {  	s18 =	sadd.s32 $0xE600, s28;
	v6 =	vor.u32 v49, v0;
	v14 =	vor.u32 v19, v2;
	v19 =	vld [tilespmem:$0x1FD40]  }
0x56c: {  	s21 =	simm.s32 $0x3260;
	s19 =	sor.u32 s26, s18;
	s22 =	sadd.s32 $0xC500, s31;
	v16 =	vor.u32 v30, v4;
	v9 =	vld.idx.msk [tilespmem:v9+s4+$0x0], $0xffff  }
0x56d: {  	v5 =	vld [tilespmem:s21+$0x0];
	s24 =	sor.u32 s30, s22;
	[tilespmem:s19+$0x0] =	vst v10  }
0x56e: {  	s2 =	sor.u32 s25, s18;
	v10 =	vor.u32 v30, v3;
	[tilespmem:s24+$0x0] =	vst v8;
	v7 =	vld.idx.msk [tilespmem:v15+s4+$0x0], $0xffff  }
0x56f: {  	s20 =	sor.u32 s12, s13;
	[tilespmem:s2+$0x0] =	vst v11;
	v11 =	vld.idx.msk [tilespmem:v12+s4+$0x0], $0xffff  }
0x570: {  	s2 =	sor.u32 s29, s22;
	v6 =	vld.idx.msk [tilespmem:v6+s4+$0x0], $0xffff;
	[tilespmem:s20+$0x0] =	vst v13;
	v15 =	vor.u32 v19, v51  }
0x571: {  	s21 =	sadd.s32 $0x10780, s8;
	[tilespmem:s2+$0x0] =	vst v9;
	v9 =	vld.idx.msk [tilespmem:v16+s4+$0x0], $0xffff  }
0x572: {  	s23 =	sor.u32 s7, s21;
	v13 =	vld.idx.msk [tilespmem:v14+s4+$0x0], $0xffff  }
0x573: {  	s3 =	sadd.s32 $0xE680, s28;
	v12 =	vor.u32 v59, v1;
	v10 =	vld.idx.msk [tilespmem:v10+s4+$0x0], $0xffff;
	[tilespmem:s23+$0x0] =	vst v7  }
0x574: {  	s5 =	sor.u32 s26, s3;
	v14 =	vor.u32 v19, v2;
	v19 =	vld [tilespmem:$0x1FD50]  }
0x575: {  	s2 =	sor.u32 s25, s3;
	v7 =	vor.u32 v59, v0;
	v8 =	vld.idx.msk [tilespmem:v15+s4+$0x0], $0xffff;
	[tilespmem:s5+$0x0] =	vst v11  }
0x576: {  	s10 =	sadd.s32 $0xC580, s31;
	s6 =	sor.u32 s12, s21;
	[tilespmem:s2+$0x0] =	vst v6  }
0x577: {  	s13 =	sor.u32 s30, s10;
	v16 =	vor.u32 v32, v4;
	[tilespmem:s6+$0x0] =	vst v13  }
0x578: {  	s14 =	sor.u32 s29, s10;
	s9 =	sadd.s32 $0x11400, s8;
	v11 =	vor.u32 v32, v3;
	[tilespmem:s13+$0x0] =	vst v9;
	v6 =	vld.idx.msk [tilespmem:v12+s4+$0x0], $0xffff  }
0x579: {  	s11 =	sor.u32 s7, s9;
	[tilespmem:s14+$0x0] =	vst v10;
	v13 =	vld.idx.msk [tilespmem:v14+s4+$0x0], $0xffff;
	v15 =	vor.u32 v19, v51  }
0x57a: {  	v12 =	vor.u32 v54, v1;
	v7 =	vld.idx.msk [tilespmem:v7+s4+$0x0], $0xffff;
	[tilespmem:s11+$0x0] =	vst v8  }
0x57b: {  	v8 =	vor.u32 v54, v0;
	v14 =	vor.u32 v19, v2;
	v19 =	vld [tilespmem:$0x1FD60]  }
0x57c: {  	s15 =	sadd.s32 $0xE700, s28;
	v10 =	vld.idx.msk [tilespmem:v16+s4+$0x0], $0xffff  }
0x57d: {  	s16 =	sor.u32 s26, s15;
	v16 =	vor.u32 v21, v4;
	v11 =	vld.idx.msk [tilespmem:v11+s4+$0x0], $0xffff  }
0x57e: {  	s2 =	sor.u32 s25, s15;
	[tilespmem:s16+$0x0] =	vst v6;
	v6 =	vor.u32 v21, v3;
	v9 =	vld.idx.msk [tilespmem:v15+s4+$0x0], $0xffff  }
0x57f: {  	s17 =	sor.u32 s12, s9;
	s19 =	sadd.s32 $0xC600, s31;
	[tilespmem:s2+$0x0] =	vst v7;
	v7 =	vld.idx.msk [tilespmem:v12+s4+$0x0], $0xffff  }
0x580: {  	s21 =	sor.u32 s30, s19;
	[tilespmem:s17+$0x0] =	vst v13;
	v8 =	vld.idx.msk [tilespmem:v8+s4+$0x0], $0xffff;
	v15 =	vor.u32 v19, v51  }
0x581: {  	s18 =	sadd.s32 $0x11480, s8;
	s22 =	sor.u32 s29, s19;
	[tilespmem:s21+$0x0] =	vst v10;
	v13 =	vld.idx.msk [tilespmem:v14+s4+$0x0], $0xffff  }
0x582: {  	s20 =	sor.u32 s7, s18;
	[tilespmem:s22+$0x0] =	vst v11;
	v11 =	vld.idx.msk [tilespmem:v16+s4+$0x0], $0xffff  }
0x583: {  	s23 =	sadd.s32 $0xE780, s28;
	v12 =	vor.u32 v52, v1;
	v6 =	vld.idx.msk [tilespmem:v6+s4+$0x0], $0xffff;
	[tilespmem:s20+$0x0] =	vst v9  }
0x584: {  	s24 =	sor.u32 s26, s23;
	v14 =	vor.u32 v19, v2;
	v19 =	vld [tilespmem:$0x1FD70]  }
0x585: {  	s2 =	sor.u32 s25, s23;
	v9 =	vor.u32 v52, v0;
	v10 =	vld.idx.msk [tilespmem:v15+s4+$0x0], $0xffff;
	[tilespmem:s24+$0x0] =	vst v7  }
0x586: {  	s3 =	sor.u32 s12, s18;
	s6 =	sadd.s32 $0xC680, s31;
	[tilespmem:s2+$0x0] =	vst v8  }
0x587: {  	s10 =	sor.u32 s30, s6;
	v16 =	vor.u32 v37, v4;
	[tilespmem:s3+$0x0] =	vst v13  }
0x588: {  	s5 =	sadd.s32 $0x11500, s8;
	s11 =	sor.u32 s29, s6;
	v7 =	vor.u32 v37, v3;
	[tilespmem:s10+$0x0] =	vst v11;
	v8 =	vld.idx.msk [tilespmem:v12+s4+$0x0], $0xffff  }
0x589: {  	s9 =	sor.u32 s7, s5;
	[tilespmem:s11+$0x0] =	vst v6;
	v13 =	vld.idx.msk [tilespmem:v14+s4+$0x0], $0xffff;
	v15 =	vor.u32 v19, v51  }
0x58a: {  	v12 =	vor.u32 v41, v1;
	v9 =	vld.idx.msk [tilespmem:v9+s4+$0x0], $0xffff;
	[tilespmem:s9+$0x0] =	vst v10  }
0x58b: {  	v10 =	vor.u32 v41, v0;
	v14 =	vor.u32 v19, v2;
	v19 =	vld [tilespmem:$0x1FD80]  }
0x58c: {  	s13 =	sadd.s32 $0xF400, s28;
	v6 =	vld.idx.msk [tilespmem:v16+s4+$0x0], $0xffff  }
0x58d: {  	s14 =	sor.u32 s26, s13;
	v16 =	vor.u32 v33, v4;
	v7 =	vld.idx.msk [tilespmem:v7+s4+$0x0], $0xffff  }
0x58e: {  	s2 =	sor.u32 s25, s13;
	[tilespmem:s14+$0x0] =	vst v8;
	v8 =	vor.u32 v33, v3;
	v11 =	vld.idx.msk [tilespmem:v15+s4+$0x0], $0xffff  }
0x58f: {  	s15 =	sor.u32 s12, s5;
	s17 =	sadd.s32 $0xC700, s31;
	[tilespmem:s2+$0x0] =	vst v9;
	v9 =	vld.idx.msk [tilespmem:v12+s4+$0x0], $0xffff  }
0x590: {  	s19 =	sor.u32 s30, s17;
	[tilespmem:s15+$0x0] =	vst v13;
	v10 =	vld.idx.msk [tilespmem:v10+s4+$0x0], $0xffff;
	v15 =	vor.u32 v19, v51  }
0x591: {  	s16 =	sadd.s32 $0x11580, s8;
	s20 =	sor.u32 s29, s17;
	[tilespmem:s19+$0x0] =	vst v6;
	v13 =	vld.idx.msk [tilespmem:v14+s4+$0x0], $0xffff  }
0x592: {  	s18 =	sor.u32 s7, s16;
	[tilespmem:s20+$0x0] =	vst v7;
	v7 =	vld.idx.msk [tilespmem:v16+s4+$0x0], $0xffff  }
0x593: {  	s21 =	sadd.s32 $0xF480, s28;
	v12 =	vor.u32 v48, v1;
	v8 =	vld.idx.msk [tilespmem:v8+s4+$0x0], $0xffff;
	[tilespmem:s18+$0x0] =	vst v11  }
0x594: {  	s22 =	sor.u32 s26, s21;
	v16 =	vor.u32 v39, v4;
	v59 =	vld [tilespmem:$0x1FE30]  }
0x595: {  	s2 =	sor.u32 s25, s21;
	v11 =	vor.u32 v48, v0;
	v6 =	vld.idx.msk [tilespmem:v15+s4+$0x0], $0xffff;
	[tilespmem:s22+$0x0] =	vst v9  }
0x596: {  	s6 =	sadd.s32 $0xC780, s31;
	s23 =	sor.u32 s12, s16;
	[tilespmem:s2+$0x0] =	vst v10  }
0x597: {  	s10 =	sor.u32 s30, s6;
	v9 =	vor.u32 v39, v3;
	[tilespmem:s23+$0x0] =	vst v13  }
0x598: {  	s24 =	sadd.s32 $0x11600, s8;
	s11 =	sor.u32 s29, s6;
	v14 =	vor.u32 v19, v2;
	[tilespmem:s10+$0x0] =	vst v7;
	v10 =	vld.idx.msk [tilespmem:v12+s4+$0x0], $0xffff  }
0x599: {  	s9 =	sor.u32 s7, s24;
	[tilespmem:s11+$0x0] =	vst v8;
	v8 =	vld.idx.msk [tilespmem:v16+s4+$0x0], $0xffff;
	v15 =	vor.u32 v59, v51  }
0x59a: {  	v11 =	vld.idx.msk [tilespmem:v11+s4+$0x0], $0xffff;
	[tilespmem:s9+$0x0] =	vst v6  }
0x59b: {  	s13 =	sadd.s32 $0xF500, s28;
	s20 =	simm.s32 $0x60;
	v12 =	vor.u32 v55, v1;
	v19 =	vld [tilespmem:$0x1FD90]  }
0x59c: {  	s14 =	sor.u32 s26, s13;
	s3 =	sand.u32 $0x60, s20;
	v6 =	vor.u32 v55, v0;
	v9 =	vld.idx.msk [tilespmem:v9+s4+$0x0], $0xffff  }
0x59d: {  	s16 =	sand.u32 $0x180, s20;
	s18 =	sadd.s32 $0xD400, s31;
	s11 =	sor.u32 $0x10, s3;
	v13 =	vld.idx.msk [tilespmem:v14+s4+$0x0], $0xffff;
	[tilespmem:s14+$0x0] =	vst v10;
	v10 =	vor.u32 v40, v3  }
0x59e: {  	s21 =	sor.u32 s30, s18;
	s0 =	sor.u32 s11, s16;
	v7 =	vld.idx.msk [tilespmem:v15+s4+$0x0], $0xffff;
	v15 =	vor.u32 v40, v4  }
0x59f: {  	s15 =	sor.u32 s25, s13;
	v48 =	vmov v17;
	v17 =	vld [tilespmem:s0+$0x3200];
	[tilespmem:s21+$0x0] =	vst v8  }
0x5a0: {  	s6 =	sor.u32 s29, s18;
	[tilespmem:s15+$0x0] =	vst v11;
	v11 =	vld.idx.msk [tilespmem:v12+s4+$0x0], $0xffff;
	v14 =	vor.u32 v19, v51  }
0x5a1: {  	s17 =	sadd.s32 $0x11680, s8;
	s22 =	sor.u32 s12, s24;
	v16 =	vor.u32 v59, v2;
	v12 =	vld.idx.msk [tilespmem:v6+s4+$0x0], $0xffff;
	[tilespmem:s6+$0x0] =	vst v9  }
0x5a2: {  	s19 =	sor.u32 s7, s17;
	[tilespmem:s22+$0x0] =	vst v13;
	v10 =	vld.idx.msk [tilespmem:v10+s4+$0x0], $0xffff  }
0x5a3: {  	v54 =	vmov v18;
	v18 =	vor.u32 v20, v1;
	[tilespmem:s19+$0x0] =	vst v7;
	v9 =	vld.idx.msk [tilespmem:v15+s4+$0x0], $0xffff  }
0x5a4: {  	s23 =	sadd.s32 $0xF580, s28;
	v6 =	vshll.u32 v5, $0xA;
	v5 =	vor.u32 v20, v0;
	v41 =	vld [tilespmem:$0x1FDA0]  }
0x5a5: {  	s24 =	sor.u32 s26, s23;
	v7 =	vld.idx.msk [tilespmem:v14+s4+$0x0], $0xffff;
	v14 =	vor.u32 v35, v4  }
0x5a6: {  	s10 =	sadd.s32 $0xD480, s31;
	s2 =	sor.u32 s25, s23;
	v15 =	vor.u32 v35, v3;
	[tilespmem:s24+$0x0] =	vst v11;
	v11 =	vld.idx.msk [tilespmem:v16+s4+$0x0], $0xffff  }
0x5a7: {  	s0 =	sor.u32 s29, s10;
	[tilespmem:s2+$0x0] =	vst v12  }
0x5a8: {  	s1 =	sadd.s32 $0x11700, s8;
	s14 =	sor.u32 s30, s10;
	[tilespmem:s0+$0x0] =	vst v10;
	v12 =	vld.idx.msk [tilespmem:v18+s4+$0x0], $0xffff;
	v18 =	vor.u32 v19, v2  }
0x5a9: {  	s13 =	sor.u32 s7, s1;
	v20 =	vlaneseq.u32;
	v16 =	vld.idx.msk [tilespmem:v5+s4+$0x0], $0xffff;
	[tilespmem:s14+$0x0] =	vst v9;
	v13 =	vor.u32 v41, v51  }
0x5aa: {  	s5 =	sor.u32 s12, s17;
	v8 =	vor.u32 v20, v6;
	[tilespmem:s13+$0x0] =	vst v7;
	v10 =	vld.idx.msk [tilespmem:v14+s4+$0x0], $0xffff  }
0x5ab: {  	s15 =	sadd.s32 $0xF600, s28;
	v5 =	vshll.u32 v17, $0xA;
	v17 =	vor.u32 v53, v1;
	v14 =	vld.idx.msk [tilespmem:v15+s4+$0x0], $0xffff;
	[tilespmem:s5+$0x0] =	vst v11  }
0x5ac: {  	s16 =	sor.u32 s26, s15;
	v15 =	vor.u32 v42, v4;
	v11 =	vld [tilespmem:$0x1FDB0]  }
0x5ad: {  	[tilespmem:s16+$0x0] =	vst v12;
	v12 =	vld.idx.msk [tilespmem:v18+s4+$0x0], $0xffff;
	v18 =	vor.u32 v42, v3  }
0x5ae: {  	s18 =	sadd.s32 $0xD500, s31;
	v7 =	vor.u32 v20, v5;
	v9 =	vld.idx.msk [tilespmem:v13+s4+$0x0], $0xffff  }
0x5af: {  	s21 =	sor.u32 s30, s18;
	v8 =	vld.idx.msk [tilespmem:v8+s4+$0x0], $0xffff;
	v13 =	vor.u32 v53, v0  }
0x5b0: {  	s5 =	sor.u32 s29, s18;
	v17 =	vld.idx.msk [tilespmem:v17+s4+$0x0], $0xffff;
	[tilespmem:s21+$0x0] =	vst v10  }
0x5b1: {  	s22 =	sadd.s32 $0x11780, s8;
	s17 =	sor.u32 s25, s15;
	[tilespmem:s5+$0x0] =	vst v14;
	v11 =	vor.u32 v11, v51;
	v15 =	vld.idx.msk [tilespmem:v15+s4+$0x0], $0xffff  }
0x5b2: {  	s19 =	sor.u32 s7, s22;
	[tilespmem:s17+$0x0] =	vst v16;
	v18 =	vld.idx.msk [tilespmem:v18+s4+$0x0], $0xffff  }
0x5b3: {  	s2 =	sor.u32 s12, s1;
	s24 =	sadd.s32 $0xF680, s28;
	v16 =	vld.idx.msk [tilespmem:v7+s4+$0x0], $0xffff;
	[tilespmem:s19+$0x0] =	vst v9;
	v9 =	vor.u32 v58, v1  }
0x5b4: {  	s15 =	sadd.s32 $0xD580, s31;
	s14 =	sor.u32 s26, s24;
	v10 =	vor.u32 v46, v5;
	[tilespmem:s2+$0x0] =	vst v12;
	v13 =	vld.idx.msk [tilespmem:v13+s4+$0x0], $0xffff;
	s19 =	simm.s32 $0x300  }
0x5b5: {  	s17 =	sor.u32 s30, s15;
	v14 =	vor.u32 v46, v6;
	s23 =	sand.u32 $0xC00, s19;
	v12 =	vld [tilespmem:$0x1FDC0];
	[tilespmem:s14+$0x0] =	vst v17  }
0x5b6: {  	s10 =	sor.u32 s29, s15;
	v11 =	vld.idx.msk [tilespmem:v11+s4+$0x0], $0xffff;
	v17 =	vor.u32 v43, v4;
	[tilespmem:s17+$0x0] =	vst v15;
	s13 =	sadd.s32 $0xB400, s23  }
0x5b7: {  	s0 =	smov.u32 s11;
	[tilespmem:s10+$0x0] =	vst v18;
	s11 =	sor.u32 s11, s13  }
0x5b8: {  	s2 =	sor.u32 s3, s13;
	[tilespmem:s11+$0x0] =	vst v16;
	v16 =	vor.u32 v43, v3;
	v9 =	vld.idx.msk [tilespmem:v9+s4+$0x0], $0xffff  }
0x5b9: {  	s9 =	sadd.s32 $0x12400, s8;
	s5 =	sor.u32 s25, s24;
	[tilespmem:s2+$0x0] =	vst v8;
	v8 =	vld.idx.msk [tilespmem:v10+s4+$0x0], $0xffff;
	v10 =	vor.u32 v58, v0  }
0x5ba: {  	s16 =	sor.u32 s7, s9;
	v14 =	vld.idx.msk [tilespmem:v14+s4+$0x0], $0xffff;
	[tilespmem:s5+$0x0] =	vst v13;
	v12 =	vor.u32 v12, v51  }
0x5bb: {  	v15 =	vor.u32 v25, v5;
	[tilespmem:s16+$0x0] =	vst v11;
	v17 =	vld.idx.msk [tilespmem:v17+s4+$0x0], $0xffff  }
0x5bc: {  	s18 =	sadd.s32 $0xF700, s28;
	v11 =	vor.u32 v61, v1;
	v13 =	vld [tilespmem:$0x1FDD0]  }
0x5bd: {  	s21 =	sor.u32 s26, s18;
	v18 =	vor.u32 v25, v6;
	v16 =	vld.idx.msk [tilespmem:v16+s4+$0x0], $0xffff  }
0x5be: {  	[tilespmem:s21+$0x0] =	vst v9;
	v9 =	vor.u32 v44, v4;
	v10 =	vld.idx.msk [tilespmem:v10+s4+$0x0], $0xffff  }
0x5bf: {  	[tilespmem:s11+$0x80] =	vst v8;
	v8 =	vor.u32 v44, v3;
	v12 =	vld.idx.msk [tilespmem:v12+s4+$0x0], $0xffff  }
0x5c0: {  	s1 =	smov.u32 s23;
	s23 =	sadd.s32 $0xD600, s31;
	[tilespmem:s2+$0x80] =	vst v14;
	v14 =	vld.idx.msk [tilespmem:v15+s4+$0x0], $0xffff;
	v15 =	vor.u32 v61, v0  }
0x5c1: {  	s15 =	sor.u32 s30, s23;
	v11 =	vld.idx.msk [tilespmem:v11+s4+$0x0], $0xffff  }
0x5c2: {  	s5 =	sor.u32 s29, s23;
	v18 =	vld.idx.msk [tilespmem:v18+s4+$0x0], $0xffff;
	[tilespmem:s15+$0x0] =	vst v17;
	v13 =	vor.u32 v13, v51  }
0x5c3: {  	s10 =	sadd.s32 $0x12480, s8;
	s13 =	sor.u32 s25, s18;
	v17 =	vor.u32 v26, v5;
	[tilespmem:s5+$0x0] =	vst v16;
	v9 =	vld.idx.msk [tilespmem:v9+s4+$0x0], $0xffff  }
0x5c4: {  	s6 =	smov.u32 s3;
	s24 =	sor.u32 s7, s10;
	s3 =	sadd.s32 $0xF780, s28;
	v16 =	vor.u32 v26, v6;
	v8 =	vld.idx.msk [tilespmem:v8+s4+$0x0], $0xffff;
	[tilespmem:s13+$0x0] =	vst v10  }
0x5c5: {  	s16 =	sor.u32 s26, s3;
	[tilespmem:s24+$0x0] =	vst v12;
	v12 =	vor.u32 v62, v1;
	v15 =	vld.idx.msk [tilespmem:v15+s4+$0x0], $0xffff  }
0x5c6: {  	v10 =	vld [tilespmem:$0x1FDE0];
	[tilespmem:s16+$0x0] =	vst v11;
	v11 =	vor.u32 v45, v4  }
0x5c7: {  	s17 =	sadd.s32 $0xD680, s31;
	v13 =	vld.idx.msk [tilespmem:v13+s4+$0x0], $0xffff;
	[tilespmem:s11+$0x100] =	vst v14;
	v14 =	vor.u32 v45, v3  }
0x5c8: {  	s21 =	sor.u32 s30, s17;
	[tilespmem:s2+$0x100] =	vst v18;
	v17 =	vld.idx.msk [tilespmem:v17+s4+$0x0], $0xffff  }
0x5c9: {  	s14 =	sor.u32 s29, s17;
	v18 =	vor.u32 v62, v0;
	v16 =	vld.idx.msk [tilespmem:v16+s4+$0x0], $0xffff;
	[tilespmem:s21+$0x0] =	vst v9  }
0x5ca: {  	s5 =	sor.u32 s25, s3;
	s13 =	sadd.s32 $0x12500, s8;
	v9 =	vor.u32 v27, v5;
	[tilespmem:s14+$0x0] =	vst v8;
	v12 =	vld.idx.msk [tilespmem:v12+s4+$0x0], $0xffff  }
0x5cb: {  	s18 =	sor.u32 s7, s13;
	[tilespmem:s5+$0x0] =	vst v15;
	v10 =	vor.u32 v10, v51;
	v11 =	vld.idx.msk [tilespmem:v11+s4+$0x0], $0xffff  }
0x5cc: {  	[tilespmem:s18+$0x0] =	vst v13;
	v13 =	vor.u32 v63, v1;
	v14 =	vld.idx.msk [tilespmem:v14+s4+$0x0], $0xffff  }
0x5cd: {  	v8 =	vor.u32 v27, v6;
	v15 =	vld [tilespmem:$0x1FDF0]  }
0x5ce: {  	s23 =	sadd.s32 $0x10400, s28;
	v18 =	vld.idx.msk [tilespmem:v18+s4+$0x0], $0xffff;
	[tilespmem:s11+$0x180] =	vst v17;
	v17 =	vor.u32 v57, v3  }
0x5cf: {  	s24 =	sor.u32 s26, s23;
	[tilespmem:s2+$0x180] =	vst v16;
	v16 =	vor.u32 v63, v0;
	v9 =	vld.idx.msk [tilespmem:v9+s4+$0x0], $0xffff  }
0x5d0: {  	s3 =	sadd.s32 $0xD700, s31;
	[tilespmem:s24+$0x0] =	vst v12;
	v12 =	vor.u32 v57, v4;
	v10 =	vld.idx.msk [tilespmem:v10+s4+$0x0], $0xffff  }
0x5d1: {  	s5 =	sor.u32 s29, s3;
	v13 =	vld.idx.msk [tilespmem:v13+s4+$0x0], $0xffff  }
0x5d2: {  	s15 =	sor.u32 s25, s23;
	v8 =	vld.idx.msk [tilespmem:v8+s4+$0x0], $0xffff;
	[tilespmem:s5+$0x0] =	vst v14;
	v15 =	vor.u32 v15, v51  }
0x5d3: {  	s17 =	sor.u32 s30, s3;
	s14 =	sadd.s32 $0x12580, s8;
	[tilespmem:s15+$0x0] =	vst v18;
	v17 =	vld.idx.msk [tilespmem:v17+s4+$0x0], $0xffff  }
0x5d4: {  	s21 =	sadd.s32 $0x10480, s28;
	s18 =	sor.u32 s7, s14;
	[tilespmem:s17+$0x0] =	vst v11;
	v11 =	vor.u32 v28, v5;
	v16 =	vld.idx.msk [tilespmem:v16+s4+$0x0], $0xffff  }
0x5d5: {  	s23 =	sor.u32 s26, s21;
	v14 =	vor.u32 v28, v6;
	v12 =	vld.idx.msk [tilespmem:v12+s4+$0x0], $0xffff;
	[tilespmem:s18+$0x0] =	vst v10  }
0x5d6: {  	v10 =	vor.u32 v54, v1;
	v18 =	vld [tilespmem:$0x1FE00];
	[tilespmem:s23+$0x0] =	vst v13  }
0x5d7: {  	s24 =	sadd.s32 $0xD780, s31;
	v15 =	vld.idx.msk [tilespmem:v15+s4+$0x0], $0xffff;
	v13 =	vor.u32 v47, v4;
	[tilespmem:s11+$0x200] =	vst v9  }
0x5d8: {  	s16 =	sor.u32 s29, s24;
	[tilespmem:s2+$0x200] =	vst v8  }
0x5d9: {  	s5 =	sor.u32 s25, s21;
	v9 =	vor.u32 v47, v3;
	[tilespmem:s16+$0x0] =	vst v17;
	v8 =	vld.idx.msk [tilespmem:v11+s4+$0x0], $0xffff  }
0x5da: {  	s15 =	sadd.s32 $0x12600, s8;
	s18 =	sor.u32 s30, s24;
	v11 =	vor.u32 v54, v0;
	v14 =	vld.idx.msk [tilespmem:v14+s4+$0x0], $0xffff;
	[tilespmem:s5+$0x0] =	vst v16  }
0x5db: {  	s3 =	sor.u32 s7, s15;
	[tilespmem:s18+$0x0] =	vst v12;
	v10 =	vld.idx.msk [tilespmem:v10+s4+$0x0], $0xffff;
	v18 =	vor.u32 v18, v51  }
0x5dc: {  	[tilespmem:s3+$0x0] =	vst v15;
	v13 =	vld.idx.msk [tilespmem:v13+s4+$0x0], $0xffff  }
0x5dd: {  	v16 =	vld [tilespmem:$0x1FE10]  }
0x5de: {  	v17 =	vor.u32 v29, v6;
	v9 =	vld.idx.msk [tilespmem:v9+s4+$0x0], $0xffff  }
0x5df: {  	s17 =	sadd.s32 $0x10500, s28;
	v15 =	vor.u32 v48, v1;
	v11 =	vld.idx.msk [tilespmem:v11+s4+$0x0], $0xffff;
	[tilespmem:s11+$0x280] =	vst v8  }
0x5e0: {  	s21 =	sadd.s32 $0xE400, s31;
	v12 =	vor.u32 v29, v5;
	s18 =	sor.u32 s26, s17;
	[tilespmem:s2+$0x280] =	vst v14;
	v18 =	vld.idx.msk [tilespmem:v18+s4+$0x0], $0xffff  }
0x5e1: {  	s3 =	sor.u32 s30, s21;
	[tilespmem:s18+$0x0] =	vst v10  }
0x5e2: {  	s5 =	sor.u32 s29, s21;
	[tilespmem:s3+$0x0] =	vst v13;
	v16 =	vor.u32 v16, v51  }
0x5e3: {  	s16 =	sadd.s32 $0x12680, s8;
	s17 =	sor.u32 s25, s17;
	v17 =	vld.idx.msk [tilespmem:v17+s4+$0x0], $0xffff;
	v10 =	vor.u32 v56, v4;
	[tilespmem:s5+$0x0] =	vst v9  }
0x5e4: {  	v7 =	vor.u32 v41, v2;
	s23 =	sor.u32 s7, s16;
	s2 =	simm.s32 $0x3;
	v15 =	vld.idx.msk [tilespmem:v15+s4+$0x0], $0xffff;
	[tilespmem:s17+$0x0] =	vst v11  }
0x5e5: {  	v8 =	vor.u32 v56, v3;
	s24 =	sand.u32 $0x3, s2;
	v12 =	vld.idx.msk [tilespmem:v12+s4+$0x0], $0xffff;
	[tilespmem:s23+$0x0] =	vst v18  }
0x5e6: {  	v14 =	vor.u32 v48, v0;
	s18 =	sshll.u32 s24, $0x5;
	v11 =	vld [tilespmem:$0x1FE40]  }
0x5e7: {  	v13 =	vor.u32 v34, v5;
	s21 =	sadd.s32 $0x300, s18;
	s5 =	sadd.s32 $0x10580, s28;
	v16 =	vld.idx.msk [tilespmem:v16+s4+$0x0], $0xffff  }
0x5e8: {  	v9 =	vor.u32 v34, v6;
	s18 =	sadd.s32 $0x10, s21;
	v10 =	vld.idx.msk [tilespmem:v10+s4+$0x0], $0xffff;
	s23 =	sor.u32 s26, s5  }
0x5e9: {  	v7 =	vld.idx.msk [tilespmem:v7+s4+$0x0], $0xffff;
	s24 =	sor.u32 $0x300, s18;
	v18 =	vor.u32 v31, v1;
	[tilespmem:s23+$0x0] =	vst v15  }
0x5ea: {  	v8 =	vld.idx.msk [tilespmem:v8+s4+$0x0], $0xffff;
	s17 =	sor.u32 $0x300, s21;
	v15 =	vor.u32 v50, v4;
	[tilespmem:s24+$0xB400] =	vst v12;
	s23 =	sadd.s32 $0x12700, s8  }
0x5eb: {  	s3 =	sor.u32 s19, s20;
	v14 =	vld.idx.msk [tilespmem:v14+s4+$0x0], $0xffff;
	[tilespmem:s17+$0xB400] =	vst v17;
	s17 =	sadd.s32 $0xE480, s31;
	s24 =	sor.u32 s7, s23;
	v11 =	vor.u32 v11, v51  }
0x5ec: {  	v12 =	vor.u32 v50, v3;
	v17 =	vld.idx.msk [tilespmem:v13+s4+$0x0], $0xffff;
	[tilespmem:s24+$0x0] =	vst v16;
	s24 =	sor.u32 $0x380, s3;
	s3 =	sor.u32 s30, s17  }
0x5ed: {  	v19 =	vor.u32 v31, v0;
	s11 =	sor.u32 s12, s9;
	v9 =	vld.idx.msk [tilespmem:v9+s4+$0x0], $0xffff;
	[tilespmem:s3+$0x0] =	vst v10  }
0x5ee: {  	v20 =	vor.u32 v22, v5;
	v18 =	vld.idx.msk [tilespmem:v18+s4+$0x0], $0xffff;
	[dreg:$0x4] =	wrdreg s11  }
0x5ef: {  	v22 =	vor.u32 v22, v6;
	s21 =	sor.u32 s12, s22;
	s18 =	sor.u32 $0x380, s18;
	s22 =	sor.u32 s29, s17;
	v13 =	vld.idx.msk [tilespmem:v15+s4+$0x0], $0xffff  }
0x5f0: {  	s5 =	sor.u32 s25, s5;
	s9 =	sor.u32 s12, s23;
	s23 =	sadd.s32 $0x12780, s8;
	v16 =	vor.u32 v23, v1;
	[tilespmem:s22+$0x0] =	vst v8;
	v54 =	vld.idx.msk [tilespmem:v11+s4+$0x0], $0xffff  }
0x5f1: {  	s8 =	sor.u32 s12, s23;
	s17 =	sor.u32 s12, s14;
	s14 =	sor.u32 s12, s15;
	[tilespmem:s5+$0x0] =	vst v14;
	v14 =	vld.idx.msk [tilespmem:v12+s4+$0x0], $0xffff  }
0x5f2: {  	v59 =	vmov v50;
	v41 =	vmov v38;
	v38 =	vmov v32;
	s3 =	sadd.s32 $0x10600, s28;
	s11 =	sor.u32 s12, s10;
	s10 =	sor.u32 s12, s13;
	[tilespmem:s18+$0xB400] =	vst v17;
	v10 =	vld.idx.msk [tilespmem:v19+s4+$0x0], $0xffff  }
0x5f3: {  	v32 =	vmovc v36;
	v36 =	vmovc v21;
	v48 =	vmov v56;
	v51 =	vmov v33;
	v33 =	vmov v24;
	s15 =	sor.u32 s26, s3;
	s22 =	sor.u32 s12, s16;
	s18 =	sor.u32 s25, s3;
	[tilespmem:s24+$0xB400] =	vst v9;
	v17 =	vld.idx.msk [tilespmem:v20+s4+$0x0], $0xffff  }
0x5f4: {  	v24 =	vmov v46;
	v15 =	vor.u32 v41, v3;
	s24 =	sadd.s32 $0xE500, s31;
	s5 =	sor.u32 s7, s23;
	s7 =	simm.s32 $0x3280;
	v9 =	vor.u32 v60, v1;
	[tilespmem:s15+$0x0] =	vst v18;
	v18 =	vld.idx.msk [tilespmem:v22+s4+$0x0], $0xffff  }
0x5f5: {  	v46 =	vmov v57;
	s15 =	simm.s32 $0x6;
	s13 =	sor.u32 s29, s24;
	s12 =	sor.u32 s30, s24;
	v8 =	vld.idx.msk [tilespmem:v16+s4+$0x0], $0xffff;
	v16 =	vor.u32 v41, v4;
	v11 =	vor.u32 v23, v0;
	[tilespmem:s5+$0x0] =	vst v54  }
.LBB2_5:
0x5f6: {  	v12 =	vld [tilespmem:s7+$0x0]  }
0x5f7: {  	v22 =	vld [tilespmem:$0x1FDB0]  }
0x5f8: {  	v20 =	vld [tilespmem:$0x1FEE0]  }
0x5f9: {  	v54 =	vld [tilespmem:$0x1FF70]  }
0x5fa: {  	v56 =	vld [tilespmem:$0x1FDC0]  }
0x5fb: {  	v53 =	vld [tilespmem:$0x1FDD0]  }
0x5fc: {  	v21 =	vld [tilespmem:$0x1FFA0]  }
0x5fd: {  	v31 =	vld [tilespmem:$0x1FDE0]  }
0x5fe: {  	v50 =	vld [tilespmem:$0x1FEF0]  }
0x5ff: {  	[tilespmem:s12+$0x0] =	vst v13;
	v13 =	vor.u32 v32, v6;
	v60 =	vld [tilespmem:$0x1FE00]  }
0x600: {  	s12 =	smov.u32 s25;
	v57 =	vld [tilespmem:$0x1FF90]  }
0x601: {  	s25 =	smov.u32 s29;
	s29 =	smov.u32 s6;
	s5 =	sadd.s32 $0xC400, s1;
	[tilespmem:s13+$0x0] =	vst v14;
	v14 =	vld.idx.msk [tilespmem:v16+s4+$0x0], $0xffff  }
0x602: {  	v19 =	vor.u32 v32, v5;
	s3 =	sadd.s32 $0x10680, s28;
	s23 =	sor.u32 s29, s5;
	s13 =	smov.u32 s26;
	v15 =	vld.idx.msk [tilespmem:v15+s4+$0x0], $0xffff;
	[tilespmem:s18+$0x0] =	vst v10  }
0x603: {  	s18 =	sor.u32 s12, s3;
	s3 =	sor.u32 s13, s3;
	v11 =	vld.idx.msk [tilespmem:v11+s4+$0x0], $0xffff;
	[tilespmem:s23+$0x0] =	vst v18  }
0x604: {  	s5 =	sor.u32 s0, s5;
	[tilespmem:s3+$0x0] =	vst v8;
	v10 =	vor.u32 v22, v2;
	v13 =	vld.idx.msk [tilespmem:v13+s4+$0x0], $0xffff  }
0x605: {  	v16 =	vor.u32 v20, v4;
	[tilespmem:s5+$0x0] =	vst v17;
	v8 =	vor.u32 v20, v3;
	v20 =	vld [tilespmem:$0x1FE20]  }
0x606: {  	s24 =	sadd.s32 $0xE580, s31;
	s26 =	smov.u32 s30;
	v9 =	vld.idx.msk [tilespmem:v9+s4+$0x0], $0xffff  }
0x607: {  	s16 =	smov.u32 s1;
	s1 =	sor.u32 s26, s24;
	v18 =	vor.u32 v54, v0;
	[tilespmem:s21+$0x0] =	vst v7;
	v17 =	vld.idx.msk [tilespmem:v19+s4+$0x0], $0xffff  }
0x608: {  	v41 =	vld [tilespmem:$0x1FF00];
	s30 =	smov.u32 s0;
	s0 =	sor.u32 s25, s24;
	[tilespmem:s1+$0x0] =	vst v14  }
0x609: {  	v7 =	vor.u32 v33, v5;
	s5 =	sadd.s32 $0x10700, s28;
	v10 =	vld.idx.msk [tilespmem:v10+s4+$0x0], $0xffff;
	[tilespmem:s0+$0x0] =	vst v15  }
0x60a: {  	s6 =	sadd.s32 $0xC480, s16;
	v14 =	vor.u32 v33, v6;
	s0 =	sor.u32 s13, s5;
	v8 =	vld.idx.msk [tilespmem:v8+s4+$0x0], $0xffff;
	[tilespmem:s18+$0x0] =	vst v11  }
0x60b: {  	s1 =	sor.u32 s30, s6;
	v19 =	vor.u32 v20, v1;
	v15 =	vld.idx.msk [tilespmem:v16+s4+$0x0], $0xffff;
	[tilespmem:s0+$0x0] =	vst v9  }
0x60c: {  	s21 =	sor.u32 s29, s6;
	v11 =	vor.u32 v56, v2;
	v18 =	vld.idx.msk [tilespmem:v18+s4+$0x0], $0xffff;
	[tilespmem:s1+$0x0] =	vst v17  }
0x60d: {  	v16 =	vor.u32 v49, v4;
	[tilespmem:s21+$0x0] =	vst v13;
	v13 =	vor.u32 v20, v0;
	v20 =	vld [tilespmem:$0x1FD40]  }
0x60e: {  	v9 =	vor.u32 v49, v3;
	v7 =	vld.idx.msk [tilespmem:v7+s4+$0x0], $0xffff  }
0x60f: {  	s23 =	sadd.s32 $0xE600, s31;
	s6 =	rddreg [dreg:$0x4];
	v14 =	vld.idx.msk [tilespmem:v14+s4+$0x0], $0xffff  }
0x610: {  	s0 =	sor.u32 s26, s23;
	v17 =	vld.idx.msk [tilespmem:v19+s4+$0x0], $0xffff;
	[tilespmem:s6+$0x0] =	vst v10  }
0x611: {  	s24 =	sor.u32 s25, s23;
	[tilespmem:s0+$0x0] =	vst v15;
	v15 =	vor.u32 v30, v6;
	v11 =	vld.idx.msk [tilespmem:v11+s4+$0x0], $0xffff  }
0x612: {  	s3 =	sor.u32 s12, s5;
	s21 =	sadd.s32 $0xC500, s16;
	[tilespmem:s24+$0x0] =	vst v8;
	v8 =	vld.idx.msk [tilespmem:v16+s4+$0x0], $0xffff;
	v19 =	vor.u32 v20, v1  }
0x613: {  	s18 =	sadd.s32 $0x10780, s28;
	v10 =	vor.u32 v30, v5;
	s24 =	sor.u32 s29, s21;
	v9 =	vld.idx.msk [tilespmem:v9+s4+$0x0], $0xffff;
	[tilespmem:s3+$0x0] =	vst v18  }
0x614: {  	s0 =	sor.u32 s13, s18;
	v16 =	vor.u32 v53, v2;
	v13 =	vld.idx.msk [tilespmem:v13+s4+$0x0], $0xffff;
	[tilespmem:s24+$0x0] =	vst v14  }
0x615: {  	s1 =	sor.u32 s30, s21;
	v18 =	vor.u32 v21, v4;
	v14 =	vor.u32 v20, v0;
	v20 =	vld [tilespmem:$0x1FD50];
	[tilespmem:s0+$0x0] =	vst v17  }
0x616: {  	v15 =	vld.idx.msk [tilespmem:v15+s4+$0x0], $0xffff;
	[tilespmem:s1+$0x0] =	vst v7;
	v7 =	vor.u32 v21, v3  }
0x617: {  	s1 =	sadd.s32 $0xE680, s31;
	v17 =	vld.idx.msk [tilespmem:v19+s4+$0x0], $0xffff  }
0x618: {  	[tilespmem:s11+$0x0] =	vst v11;
	v10 =	vld.idx.msk [tilespmem:v10+s4+$0x0], $0xffff;
	s0 =	sor.u32 s26, s1  }
0x619: {  	s5 =	sor.u32 s25, s1;
	[tilespmem:s0+$0x0] =	vst v8;
	v8 =	vld.idx.msk [tilespmem:v16+s4+$0x0], $0xffff;
	v16 =	vor.u32 v38, v6  }
0x61a: {  	s23 =	sor.u32 s12, s18;
	s6 =	sadd.s32 $0x11400, s28;
	v19 =	vor.u32 v20, v1;
	[tilespmem:s5+$0x0] =	vst v9;
	v9 =	vld.idx.msk [tilespmem:v18+s4+$0x0], $0xffff  }
0x61b: {  	s11 =	sadd.s32 $0xC580, s16;
	s0 =	sor.u32 s13, s6;
	v7 =	vld.idx.msk [tilespmem:v7+s4+$0x0], $0xffff;
	[tilespmem:s23+$0x0] =	vst v13  }
0x61c: {  	v11 =	vor.u32 v38, v5;
	s21 =	sor.u32 s29, s11;
	v14 =	vld.idx.msk [tilespmem:v14+s4+$0x0], $0xffff;
	[tilespmem:s0+$0x0] =	vst v17  }
0x61d: {  	s1 =	sor.u32 s30, s11;
	v13 =	vor.u32 v31, v2;
	[tilespmem:s21+$0x0] =	vst v15;
	v15 =	vor.u32 v20, v0;
	v20 =	vld [tilespmem:$0x1FD60]  }
0x61e: {  	[tilespmem:s1+$0x0] =	vst v10;
	v10 =	vor.u32 v50, v3;
	v16 =	vld.idx.msk [tilespmem:v16+s4+$0x0], $0xffff  }
0x61f: {  	v18 =	vor.u32 v50, v4;
	s23 =	sadd.s32 $0xE700, s31;
	v17 =	vld.idx.msk [tilespmem:v19+s4+$0x0], $0xffff  }
0x620: {  	s0 =	sor.u32 s26, s23;
	[tilespmem:s10+$0x0] =	vst v8;
	v50 =	vld [tilespmem:$0x1FDF0]  }
0x621: {  	s24 =	sor.u32 s25, s23;
	v11 =	vld.idx.msk [tilespmem:v11+s4+$0x0], $0xffff;
	[tilespmem:s0+$0x0] =	vst v9  }
0x622: {  	s18 =	sor.u32 s12, s6;
	v8 =	vor.u32 v36, v5;
	s1 =	sadd.s32 $0x11480, s28;
	v9 =	vld.idx.msk [tilespmem:v13+s4+$0x0], $0xffff;
	[tilespmem:s24+$0x0] =	vst v7  }
0x623: {  	s5 =	sadd.s32 $0xC600, s16;
	s0 =	sor.u32 s13, s1;
	v13 =	vor.u32 v36, v6;
	v10 =	vld.idx.msk [tilespmem:v10+s4+$0x0], $0xffff;
	[tilespmem:s18+$0x0] =	vst v14  }
0x624: {  	s10 =	sor.u32 s29, s5;
	v7 =	vld.idx.msk [tilespmem:v18+s4+$0x0], $0xffff;
	v19 =	vor.u32 v20, v1;
	[tilespmem:s0+$0x0] =	vst v17  }
0x625: {  	s6 =	sor.u32 s12, s1;
	s1 =	sor.u32 s30, s5;
	v14 =	vor.u32 v50, v2;
	v15 =	vld.idx.msk [tilespmem:v15+s4+$0x0], $0xffff;
	[tilespmem:s10+$0x0] =	vst v16  }
0x626: {  	v18 =	vor.u32 v52, v4;
	v16 =	vor.u32 v20, v0;
	v20 =	vld [tilespmem:$0x1FD70];
	[tilespmem:s1+$0x0] =	vst v11  }
0x627: {  	v11 =	vor.u32 v52, v3;
	v8 =	vld.idx.msk [tilespmem:v8+s4+$0x0], $0xffff  }
0x628: {  	s11 =	sadd.s32 $0xE780, s31;
	v13 =	vld.idx.msk [tilespmem:v13+s4+$0x0], $0xffff  }
0x629: {  	s0 =	sor.u32 s26, s11;
	[tilespmem:s17+$0x0] =	vst v9;
	v17 =	vld.idx.msk [tilespmem:v19+s4+$0x0], $0xffff  }
0x62a: {  	s18 =	sor.u32 s25, s11;
	[tilespmem:s0+$0x0] =	vst v7;
	v7 =	vld.idx.msk [tilespmem:v14+s4+$0x0], $0xffff;
	v14 =	vor.u32 v37, v6  }
0x62b: {  	[tilespmem:s18+$0x0] =	vst v10;
	v10 =	vld.idx.msk [tilespmem:v18+s4+$0x0], $0xffff  }
0x62c: {  	s23 =	sadd.s32 $0xC680, s16;
	v19 =	vor.u32 v20, v1;
	v11 =	vld.idx.msk [tilespmem:v11+s4+$0x0], $0xffff;
	[tilespmem:s6+$0x0] =	vst v15  }
0x62d: {  	s21 =	sadd.s32 $0x11500, s28;
	v9 =	vor.u32 v37, v5;
	s6 =	sor.u32 s29, s23;
	v16 =	vld.idx.msk [tilespmem:v16+s4+$0x0], $0xffff  }
0x62e: {  	s0 =	sor.u32 s13, s21;
	v15 =	vor.u32 v60, v2;
	[tilespmem:s6+$0x0] =	vst v13;
	v13 =	vor.u32 v20, v0;
	v20 =	vld [tilespmem:$0x1FD80]  }
0x62f: {  	s1 =	sor.u32 s30, s23;
	[tilespmem:s0+$0x0] =	vst v17;
	v14 =	vld.idx.msk [tilespmem:v14+s4+$0x0], $0xffff  }
0x630: {  	v18 =	vor.u32 v57, v4;
	[tilespmem:s1+$0x0] =	vst v8;
	v8 =	vor.u32 v57, v3;
	v57 =	vld [tilespmem:$0x1FE10]  }
0x631: {  	s10 =	sadd.s32 $0xF400, s31;
	v17 =	vld.idx.msk [tilespmem:v19+s4+$0x0], $0xffff  }
0x632: {  	s0 =	sor.u32 s26, s10;
	[tilespmem:s14+$0x0] =	vst v7;
	v9 =	vld.idx.msk [tilespmem:v9+s4+$0x0], $0xffff  }
0x633: {  	[tilespmem:s0+$0x0] =	vst v10;
	v10 =	vld.idx.msk [tilespmem:v15+s4+$0x0], $0xffff;
	v15 =	vor.u32 v51, v6  }
0x634: {  	v21 =	vld [tilespmem:$0x1FE30];
	s11 =	sor.u32 s25, s10  }
0x635: {  	s24 =	sor.u32 s12, s21;
	s17 =	sadd.s32 $0xC700, s16;
	[tilespmem:s11+$0x0] =	vst v11;
	v11 =	vld.idx.msk [tilespmem:v18+s4+$0x0], $0xffff;
	v19 =	vor.u32 v20, v1  }
0x636: {  	s21 =	sor.u32 s29, s17;
	v7 =	vor.u32 v51, v5;
	s14 =	sadd.s32 $0x11580, s28;
	v8 =	vld.idx.msk [tilespmem:v8+s4+$0x0], $0xffff;
	[tilespmem:s24+$0x0] =	vst v16  }
0x637: {  	s0 =	sor.u32 s13, s14;
	v16 =	vor.u32 v57, v2;
	v13 =	vld.idx.msk [tilespmem:v13+s4+$0x0], $0xffff;
	[tilespmem:s21+$0x0] =	vst v14  }
0x638: {  	s1 =	sor.u32 s30, s17;
	v18 =	vor.u32 v41, v4;
	[tilespmem:s0+$0x0] =	vst v17;
	v15 =	vld.idx.msk [tilespmem:v15+s4+$0x0], $0xffff  }
0x639: {  	[tilespmem:s1+$0x0] =	vst v9;
	v9 =	vor.u32 v41, v3;
	v41 =	vld [tilespmem:$0x1FE40]  }
0x63a: {  	s23 =	sadd.s32 $0xF480, s31;
	v17 =	vld.idx.msk [tilespmem:v19+s4+$0x0], $0xffff  }
0x63b: {  	v14 =	vor.u32 v20, v0;
	s0 =	sor.u32 s26, s23;
	[tilespmem:s22+$0x0] =	vst v10;
	v7 =	vld.idx.msk [tilespmem:v7+s4+$0x0], $0xffff  }
0x63c: {  	s24 =	sor.u32 s25, s23;
	v19 =	vor.u32 v21, v1;
	[tilespmem:s0+$0x0] =	vst v11;
	v11 =	vld.idx.msk [tilespmem:v16+s4+$0x0], $0xffff  }
0x63d: {  	s5 =	sadd.s32 $0x11600, s28;
	s18 =	sor.u32 s12, s14;
	v16 =	vor.u32 v39, v6;
	[tilespmem:s24+$0x0] =	vst v8;
	v8 =	vld.idx.msk [tilespmem:v18+s4+$0x0], $0xffff  }
0x63e: {  	s6 =	sadd.s32 $0xC780, s16;
	v10 =	vor.u32 v39, v5;
	s0 =	sor.u32 s13, s5;
	v9 =	vld.idx.msk [tilespmem:v9+s4+$0x0], $0xffff;
	[tilespmem:s18+$0x0] =	vst v13  }
0x63f: {  	v20 =	vld [tilespmem:$0x1FD90];
	s1 =	sor.u32 s30, s6;
	v13 =	vor.u32 v41, v2;
	v2 =	vmov v0;
	v0 =	vmov v3;
	[tilespmem:s0+$0x0] =	vst v17  }
0x640: {  	s11 =	sor.u32 s29, s6;
	v14 =	vld.idx.msk [tilespmem:v14+s4+$0x0], $0xffff;
	[tilespmem:s1+$0x0] =	vst v7;
	v7 =	vor.u32 v55, v0  }
0x641: {  	s14 =	sadd.s32 $0xF500, s31;
	[tilespmem:s11+$0x0] =	vst v15;
	v17 =	vld.idx.msk [tilespmem:v19+s4+$0x0], $0xffff  }
0x642: {  	s0 =	sor.u32 s26, s14;
	v15 =	vld.idx.msk [tilespmem:v16+s4+$0x0], $0xffff;
	[tilespmem:s9+$0x0] =	vst v11  }
0x643: {  	s17 =	sor.u32 s25, s14;
	v10 =	vld.idx.msk [tilespmem:v10+s4+$0x0], $0xffff;
	[tilespmem:s0+$0x0] =	vst v8  }
0x644: {  	s20 =	sadd.s32 $0x20, s20;
	v3 =	vmov v6;
	v6 =	vor.u32 v55, v4;
	v8 =	vld.idx.msk [tilespmem:v13+s4+$0x0], $0xffff;
	[tilespmem:s17+$0x0] =	vst v9  }
0x645: {  	s3 =	sand.u32 $0x60, s20;
	s10 =	sor.u32 s12, s5;
	v7 =	vld.idx.msk [tilespmem:v7+s4+$0x0], $0xffff  }
0x646: {  	s18 =	sand.u32 $0x180, s20;
	s14 =	sor.u32 $0x10, s3;
	v16 =	vor.u32 v20, v1;
	[tilespmem:s10+$0x0] =	vst v14;
	v14 =	vor.u32 v21, v2;
	v21 =	vld [tilespmem:$0x1FE70]  }
0x647: {  	s22 =	sadd.s32 $0x11680, s28;
	s9 =	sor.u32 s14, s18  }
0x648: {  	s21 =	sadd.s32 $0xD400, s16;
	s23 =	sor.u32 s13, s22;
	v11 =	vor.u32 v40, v5;
	v18 =	vld [tilespmem:s9+$0x3200]  }
0x649: {  	s0 =	sor.u32 s30, s21;
	v13 =	vor.u32 v40, v3;
	v9 =	vld.idx.msk [tilespmem:v6+s4+$0x0], $0xffff;
	[tilespmem:s23+$0x0] =	vst v17  }
0x64a: {  	[tilespmem:s0+$0x0] =	vst v10  }
0x64b: {  	v6 =	vshll.u32 v12, $0xA;
	v12 =	vld.idx.msk [tilespmem:v16+s4+$0x0], $0xffff;
	v19 =	vor.u32 v21, v4  }
0x64c: {  	s24 =	sor.u32 s29, s21;
	v10 =	vor.u32 v21, v0;
	v21 =	vld [tilespmem:$0x1FDA0]  }
0x64d: {  	s10 =	sadd.s32 $0xF580, s31;
	[tilespmem:s24+$0x0] =	vst v15;
	v11 =	vld.idx.msk [tilespmem:v11+s4+$0x0], $0xffff  }
0x64e: {  	v23 =	vlaneseq.u32;
	s5 =	sor.u32 s26, s10;
	v13 =	vld.idx.msk [tilespmem:v13+s4+$0x0], $0xffff;
	[tilespmem:s8+$0x0] =	vst v8  }
0x64f: {  	s11 =	sor.u32 s25, s10;
	v16 =	vor.u32 v23, v6;
	[tilespmem:s5+$0x0] =	vst v9;
	v9 =	vld.idx.msk [tilespmem:v14+s4+$0x0], $0xffff  }
0x650: {  	[tilespmem:s11+$0x0] =	vst v7;
	v7 =	vld.idx.msk [tilespmem:v19+s4+$0x0], $0xffff  }
0x651: {  	v15 =	vor.u32 v21, v1;
	v19 =	vor.u32 v20, v2;
	v20 =	vld [tilespmem:$0x1FF30]  }
0x652: {  	s17 =	sadd.s32 $0x11700, s28;
	v17 =	vor.u32 v35, v5  }
0x653: {  	s18 =	sadd.s32 $0xD480, s16;
	s5 =	sor.u32 s13, s17;
	v14 =	vor.u32 v35, v3  }
0x654: {  	s6 =	sor.u32 s30, s18;
	v8 =	vshll.u32 v18, $0xA;
	v16 =	vld.idx.msk [tilespmem:v16+s4+$0x0], $0xffff;
	[tilespmem:s5+$0x0] =	vst v12  }
0x655: {  	v10 =	vld.idx.msk [tilespmem:v10+s4+$0x0], $0xffff;
	v12 =	vor.u32 v23, v8;
	[tilespmem:s6+$0x0] =	vst v11  }
0x656: {  	s21 =	sor.u32 s29, s18;
	v18 =	vor.u32 v20, v4;
	v11 =	vld.idx.msk [tilespmem:v15+s4+$0x0], $0xffff  }
0x657: {  	s1 =	sor.u32 s12, s22;
	s22 =	sadd.s32 $0xF600, s31;
	[tilespmem:s21+$0x0] =	vst v13;
	v13 =	vld.idx.msk [tilespmem:v17+s4+$0x0], $0xffff;
	v15 =	vor.u32 v20, v0  }
0x658: {  	s5 =	sor.u32 s26, s22;
	v14 =	vld.idx.msk [tilespmem:v14+s4+$0x0], $0xffff;
	[tilespmem:s1+$0x0] =	vst v9;
	v9 =	vor.u32 v22, v1  }
0x659: {  	s23 =	sor.u32 s25, s22;
	s24 =	sadd.s32 $0x11780, s28;
	v17 =	vor.u32 v42, v5;
	[tilespmem:s5+$0x0] =	vst v7;
	v7 =	vld.idx.msk [tilespmem:v19+s4+$0x0], $0xffff  }
0x65a: {  	s0 =	sadd.s32 $0xD500, s16;
	v19 =	vor.u32 v42, v3;
	[tilespmem:s23+$0x0] =	vst v10;
	s5 =	sor.u32 s13, s24;
	v12 =	vld.idx.msk [tilespmem:v12+s4+$0x0], $0xffff  }
0x65b: {  	s6 =	sor.u32 s30, s0;
	v10 =	vld.idx.msk [tilespmem:v18+s4+$0x0], $0xffff;
	[tilespmem:s5+$0x0] =	vst v11  }
0x65c: {  	v18 =	vor.u32 v21, v2;
	v15 =	vld.idx.msk [tilespmem:v15+s4+$0x0], $0xffff;
	[tilespmem:s6+$0x0] =	vst v13  }
0x65d: {  	s19 =	sadd.s32 $0x100, s19;
	s1 =	sor.u32 s29, s0;
	v20 =	vor.u32 v58, v4;
	v9 =	vld.idx.msk [tilespmem:v9+s4+$0x0], $0xffff  }
0x65e: {  	s9 =	sor.u32 s12, s17;
	s10 =	sand.u32 $0xC00, s19;
	s17 =	sadd.s32 $0xF680, s31;
	v11 =	vor.u32 v24, v8;
	[tilespmem:s1+$0x0] =	vst v14;
	v14 =	vld.idx.msk [tilespmem:v17+s4+$0x0], $0xffff  }
0x65f: {  	s18 =	sadd.s32 $0xB400, s10;
	s22 =	sor.u32 s26, s17;
	v13 =	vor.u32 v24, v6;
	v17 =	vld.idx.msk [tilespmem:v19+s4+$0x0], $0xffff;
	[tilespmem:s9+$0x0] =	vst v7  }
0x660: {  	v19 =	vor.u32 v56, v1;
	s9 =	sor.u32 s3, s18;
	s18 =	sor.u32 s14, s18;
	[tilespmem:s22+$0x0] =	vst v10  }
0x661: {  	s11 =	sor.u32 s19, s20;
	s23 =	sadd.s32 $0x12400, s28;
	v56 =	vor.u32 v43, v5;
	v7 =	vld.idx.msk [tilespmem:v18+s4+$0x0], $0xffff;
	[tilespmem:s18+$0x0] =	vst v12  }
0x662: {  	s21 =	sor.u32 s12, s24;
	s24 =	sadd.s32 $0xD580, s16;
	s5 =	sor.u32 s13, s23;
	v10 =	vor.u32 v43, v3;
	[tilespmem:s9+$0x0] =	vst v16;
	v12 =	vld.idx.msk [tilespmem:v20+s4+$0x0], $0xffff  }
0x663: {  	s8 =	sor.u32 $0x380, s11;
	s11 =	sor.u32 s30, s24;
	v11 =	vld.idx.msk [tilespmem:v11+s4+$0x0], $0xffff;
	[tilespmem:s5+$0x0] =	vst v9  }
0x664: {  	v16 =	vor.u32 v58, v0;
	v13 =	vld.idx.msk [tilespmem:v13+s4+$0x0], $0xffff;
	[tilespmem:s11+$0x0] =	vst v14  }
0x665: {  	s1 =	smov.u32 s10;
	s10 =	sor.u32 s25, s17;
	s17 =	sor.u32 s29, s24;
	v18 =	vor.u32 v61, v4;
	v14 =	vld.idx.msk [tilespmem:v19+s4+$0x0], $0xffff  }
0x666: {  	s22 =	sadd.s32 $0xF700, s31;
	v9 =	vor.u32 v25, v8;
	[tilespmem:s17+$0x0] =	vst v17;
	v17 =	vld.idx.msk [tilespmem:v56+s4+$0x0], $0xffff  }
0x667: {  	s5 =	sor.u32 s26, s22;
	v19 =	vor.u32 v25, v6;
	v10 =	vld.idx.msk [tilespmem:v10+s4+$0x0], $0xffff;
	[tilespmem:s10+$0x0] =	vst v15  }
0x668: {  	v15 =	vor.u32 v53, v1;
	[tilespmem:s5+$0x0] =	vst v12  }
0x669: {  	s0 =	smov.u32 s14;
	s14 =	sor.u32 s12, s23;
	s23 =	sadd.s32 $0x12480, s28;
	v20 =	vor.u32 v44, v5;
	v16 =	vld.idx.msk [tilespmem:v16+s4+$0x0], $0xffff;
	[tilespmem:s18+$0x80] =	vst v11  }
0x66a: {  	s24 =	sadd.s32 $0xD600, s16;
	[tilespmem:s9+$0x80] =	vst v13;
	s5 =	sor.u32 s13, s23;
	v11 =	vor.u32 v44, v3;
	v12 =	vld.idx.msk [tilespmem:v18+s4+$0x0], $0xffff  }
0x66b: {  	[dreg:$0x4] =	wrdreg s14;
	s14 =	sor.u32 s30, s24;
	v9 =	vld.idx.msk [tilespmem:v9+s4+$0x0], $0xffff;
	[tilespmem:s5+$0x0] =	vst v14  }
0x66c: {  	v13 =	vor.u32 v61, v0;
	v18 =	vld.idx.msk [tilespmem:v19+s4+$0x0], $0xffff;
	[tilespmem:s14+$0x0] =	vst v17  }
0x66d: {  	s6 =	smov.u32 s3;
	s3 =	sor.u32 s29, s24;
	v19 =	vor.u32 v62, v4;
	v15 =	vld.idx.msk [tilespmem:v15+s4+$0x0], $0xffff  }
0x66e: {  	s10 =	sor.u32 s25, s22;
	s22 =	sadd.s32 $0xF780, s31;
	v14 =	vor.u32 v26, v8;
	[tilespmem:s3+$0x0] =	vst v10;
	v10 =	vld.idx.msk [tilespmem:v20+s4+$0x0], $0xffff  }
0x66f: {  	s5 =	sor.u32 s26, s22;
	v17 =	vor.u32 v26, v6;
	v11 =	vld.idx.msk [tilespmem:v11+s4+$0x0], $0xffff;
	[tilespmem:s10+$0x0] =	vst v16  }
0x670: {  	v16 =	vor.u32 v31, v1;
	[tilespmem:s5+$0x0] =	vst v12  }
0x671: {  	s11 =	sor.u32 s12, s23;
	s23 =	sadd.s32 $0x12500, s28;
	v20 =	vor.u32 v45, v5;
	v13 =	vld.idx.msk [tilespmem:v13+s4+$0x0], $0xffff;
	[tilespmem:s18+$0x100] =	vst v9  }
0x672: {  	s24 =	sadd.s32 $0xD680, s16;
	[tilespmem:s9+$0x100] =	vst v18;
	s5 =	sor.u32 s13, s23;
	v9 =	vor.u32 v45, v3;
	v12 =	vld.idx.msk [tilespmem:v19+s4+$0x0], $0xffff  }
0x673: {  	s17 =	sor.u32 s30, s24;
	v14 =	vld.idx.msk [tilespmem:v14+s4+$0x0], $0xffff;
	[tilespmem:s5+$0x0] =	vst v15  }
0x674: {  	v18 =	vor.u32 v62, v0;
	v17 =	vld.idx.msk [tilespmem:v17+s4+$0x0], $0xffff;
	[tilespmem:s17+$0x0] =	vst v10  }
0x675: {  	s3 =	sor.u32 s29, s24;
	v19 =	vor.u32 v63, v4;
	v10 =	vld.idx.msk [tilespmem:v16+s4+$0x0], $0xffff  }
0x676: {  	s14 =	sor.u32 s25, s22;
	s22 =	sadd.s32 $0x10400, s31;
	v15 =	vor.u32 v27, v8;
	[tilespmem:s3+$0x0] =	vst v11;
	v11 =	vld.idx.msk [tilespmem:v20+s4+$0x0], $0xffff  }
0x677: {  	s5 =	sor.u32 s26, s22;
	v16 =	vor.u32 v27, v6;
	v9 =	vld.idx.msk [tilespmem:v9+s4+$0x0], $0xffff;
	[tilespmem:s14+$0x0] =	vst v13  }
0x678: {  	v56 =	vld [tilespmem:$0x1FF60];
	v13 =	vor.u32 v50, v1;
	[tilespmem:s5+$0x0] =	vst v12  }
0x679: {  	s10 =	sor.u32 s12, s23;
	s23 =	sadd.s32 $0x12580, s28;
	v20 =	vor.u32 v46, v5;
	v18 =	vld.idx.msk [tilespmem:v18+s4+$0x0], $0xffff;
	[tilespmem:s18+$0x180] =	vst v14  }
0x67a: {  	s24 =	sadd.s32 $0xD700, s16;
	v12 =	vor.u32 v46, v3;
	[tilespmem:s9+$0x180] =	vst v17;
	s5 =	sor.u32 s13, s23;
	v14 =	vld.idx.msk [tilespmem:v19+s4+$0x0], $0xffff  }
0x67b: {  	s14 =	sor.u32 s25, s22;
	s22 =	sor.u32 s30, s24;
	v15 =	vld.idx.msk [tilespmem:v15+s4+$0x0], $0xffff;
	[tilespmem:s5+$0x0] =	vst v10  }
0x67c: {  	v17 =	vor.u32 v63, v0;
	v16 =	vld.idx.msk [tilespmem:v16+s4+$0x0], $0xffff;
	[tilespmem:s22+$0x0] =	vst v11  }
0x67d: {  	s3 =	sor.u32 s29, s24;
	v19 =	vor.u32 v56, v4;
	v11 =	vld.idx.msk [tilespmem:v13+s4+$0x0], $0xffff  }
0x67e: {  	s17 =	sor.u32 s12, s23;
	s23 =	sadd.s32 $0x10480, s31;
	v10 =	vor.u32 v28, v8;
	[tilespmem:s3+$0x0] =	vst v9;
	v9 =	vld.idx.msk [tilespmem:v20+s4+$0x0], $0xffff  }
0x67f: {  	s5 =	sor.u32 s26, s23;
	v13 =	vor.u32 v28, v6;
	v12 =	vld.idx.msk [tilespmem:v12+s4+$0x0], $0xffff;
	[tilespmem:s14+$0x0] =	vst v18  }
0x680: {  	v50 =	vld [tilespmem:$0x1FF50];
	v18 =	vor.u32 v60, v1;
	[tilespmem:s5+$0x0] =	vst v14  }
0x681: {  	s24 =	sadd.s32 $0x12600, s28;
	v20 =	vor.u32 v47, v5;
	v17 =	vld.idx.msk [tilespmem:v17+s4+$0x0], $0xffff;
	[tilespmem:s18+$0x200] =	vst v15  }
0x682: {  	s3 =	sadd.s32 $0xD780, s16;
	v14 =	vor.u32 v47, v3;
	[tilespmem:s9+$0x200] =	vst v16;
	s5 =	sor.u32 s13, s24;
	v15 =	vld.idx.msk [tilespmem:v19+s4+$0x0], $0xffff  }
0x683: {  	s22 =	sor.u32 s25, s23;
	s23 =	sor.u32 s30, s3;
	v10 =	vld.idx.msk [tilespmem:v10+s4+$0x0], $0xffff;
	[tilespmem:s5+$0x0] =	vst v11  }
0x684: {  	v16 =	vor.u32 v56, v0;
	v13 =	vld.idx.msk [tilespmem:v13+s4+$0x0], $0xffff;
	[tilespmem:s23+$0x0] =	vst v9  }
0x685: {  	s14 =	sor.u32 s12, s24;
	s24 =	sor.u32 s29, s3;
	v19 =	vor.u32 v50, v4;
	v9 =	vld.idx.msk [tilespmem:v18+s4+$0x0], $0xffff  }
0x686: {  	s3 =	sadd.s32 $0x10500, s31;
	v11 =	vor.u32 v29, v8;
	[tilespmem:s24+$0x0] =	vst v12;
	v12 =	vld.idx.msk [tilespmem:v20+s4+$0x0], $0xffff  }
0x687: {  	s5 =	sor.u32 s26, s3;
	v18 =	vor.u32 v29, v6;
	v14 =	vld.idx.msk [tilespmem:v14+s4+$0x0], $0xffff;
	[tilespmem:s22+$0x0] =	vst v17  }
0x688: {  	v53 =	vld [tilespmem:$0x1FF80];
	v17 =	vor.u32 v57, v1;
	[tilespmem:s5+$0x0] =	vst v15  }
0x689: {  	v20 =	vor.u32 v48, v5;
	v16 =	vld.idx.msk [tilespmem:v16+s4+$0x0], $0xffff;
	s5 =	sadd.s32 $0x12680, s28;
	[tilespmem:s18+$0x280] =	vst v10  }
0x68a: {  	[tilespmem:s9+$0x280] =	vst v13;
	v10 =	vor.u32 v48, v3;
	s18 =	sadd.s32 $0xE400, s16;
	s22 =	sor.u32 s13, s5;
	v15 =	vld.idx.msk [tilespmem:v19+s4+$0x0], $0xffff  }
0x68b: {  	v13 =	vor.u32 v50, v0;
	v11 =	vld.idx.msk [tilespmem:v11+s4+$0x0], $0xffff;
	s9 =	sor.u32 s30, s18;
	[tilespmem:s22+$0x0] =	vst v9  }
0x68c: {  	s2 =	sadd.s32 $0x1, s2;
	v18 =	vld.idx.msk [tilespmem:v18+s4+$0x0], $0xffff;
	[tilespmem:s9+$0x0] =	vst v12  }
0x68d: {  	s23 =	sor.u32 s25, s3;
	s3 =	sand.u32 $0x3, s2;
	s24 =	sor.u32 s29, s18;
	v12 =	vld.idx.msk [tilespmem:v17+s4+$0x0], $0xffff  }
0x68e: {  	s3 =	sshll.u32 s3, $0x5;
	v19 =	vor.u32 v53, v4;
	[tilespmem:s24+$0x0] =	vst v14;
	v14 =	vld.idx.msk [tilespmem:v20+s4+$0x0], $0xffff  }
0x68f: {  	v9 =	vor.u32 v34, v8;
	s9 =	sadd.s32 s3, s19;
	s3 =	sadd.s32 $0x10580, s31;
	v10 =	vld.idx.msk [tilespmem:v10+s4+$0x0], $0xffff;
	[tilespmem:s23+$0x0] =	vst v16  }
0x690: {  	s22 =	sor.u32 s12, s5;
	v17 =	vor.u32 v34, v6;
	s5 =	sadd.s32 $0x10, s9;
	s23 =	sor.u32 s26, s3;
	v16 =	vor.u32 v41, v1;
	v1 =	vmovc v4;
	v4 =	vmov v5;
	v20 =	vld.idx.msk [tilespmem:v13+s4+$0x0], $0xffff  }
0x691: {  	s24 =	sor.u32 $0x300, s5;
	v5 =	vmov v8;
	v8 =	vor.u32 v59, v4;
	[tilespmem:s23+$0x0] =	vst v15;
	v13 =	vld [tilespmem:$0x1FF40]  }
0x692: {  	v56 =	vld [tilespmem:$0x1FE50];
	s18 =	sor.u32 $0x300, s9;
	[tilespmem:s24+$0xB400] =	vst v11;
	s24 =	sadd.s32 $0x12700, s28  }
0x693: {  	[tilespmem:s18+$0xB400] =	vst v18;
	s18 =	sadd.s32 $0xE480, s16;
	v15 =	vld.idx.msk [tilespmem:v19+s4+$0x0], $0xffff;
	s23 =	sor.u32 s13, s24  }
0x694: {  	v11 =	vor.u32 v59, v3;
	v9 =	vld.idx.msk [tilespmem:v9+s4+$0x0], $0xffff;
	s9 =	sor.u32 s12, s24;
	s24 =	sor.u32 s29, s18;
	s18 =	sor.u32 s30, s18;
	[tilespmem:s23+$0x0] =	vst v12  }
0x695: {  	v17 =	vld.idx.msk [tilespmem:v17+s4+$0x0], $0xffff;
	[tilespmem:s18+$0x0] =	vst v14  }
0x696: {  	v18 =	vor.u32 v53, v0;
	v12 =	vor.u32 v13, v5;
	v60 =	vor.u32 v13, v6;
	v13 =	vld.idx.msk [tilespmem:v8+s4+$0x0], $0xffff  }
0x697: {  	v19 =	vor.u32 v56, v1;
	v8 =	vld [tilespmem:$0x1FF10]  }
0x698: {  	s15 =	sadd.s32 $0x2, s15;
	s3 =	sor.u32 s25, s3;
	[tilespmem:s24+$0x0] =	vst v10;
	s24 =	sadd.s32 $0x10600, s31;
	v57 =	vld.idx.msk [tilespmem:v16+s4+$0x0], $0xffff  }
0x699: {  	p0 =	slt.u32 s15, $0x1E;
	s18 =	sor.u32 s25, s24;
	s24 =	sor.u32 s26, s24;
	v14 =	vld.idx.msk [tilespmem:v11+s4+$0x0], $0xffff;
	[tilespmem:s3+$0x0] =	vst v20  }
.Ltmp1:
0x69a: {  	s5 =	sor.u32 $0x380, s5;
	[tilespmem:s24+$0x0] =	vst v15;
	(pc) =	sbr.rel @p0 .LBB2_5-.Ltmp1, $4  }
0x69b: {  	v10 =	vld.idx.msk [tilespmem:v18+s4+$0x0], $0xffff;
	[tilespmem:s5+$0xB400] =	vst v9  }
0x69c: {  	s23 =	sadd.s32 $0x12780, s28;
	s28 =	smov.u32 s31;
	s31 =	smov.u32 s16;
	v16 =	vor.u32 v8, v4;
	v15 =	vor.u32 v8, v3;
	v8 =	vld.idx.msk [tilespmem:v19+s4+$0x0], $0xffff  }
0x69d: {  	s7 =	sadd.s32 $0x20, s7;
	s3 =	sor.u32 s13, s23;
	[tilespmem:s8+$0xB400] =	vst v17;
	s24 =	sadd.s32 $0xE500, s31;
	v17 =	vld.idx.msk [tilespmem:v12+s4+$0x0], $0xffff  }
0x69e: {  	v11 =	vor.u32 v56, v0;
	s8 =	sor.u32 s12, s23;
	s13 =	sor.u32 s29, s24;
	s12 =	sor.u32 s30, s24;
	v9 =	vor.u32 v54, v1;
	v18 =	vld.idx.msk [tilespmem:v60+s4+$0x0], $0xffff;
	[tilespmem:s3+$0x0] =	vst v57  }
0x69f: {  	v12 =	vor.u32 v32, v5  }
0x6a0: {  	v19 =	vor.u32 v32, v6  }
0x6a1: {  	s2 =	sadd.s32 $0xC400, s1  }
0x6a2: {  	s3 =	sor.u32 s0, s2  }
0x6a3: {  	s2 =	sor.u32 s6, s2;
	[tilespmem:s3+$0x0] =	vst v17  }
0x6a4: {  	[tilespmem:s2+$0x0] =	vst v18;
	v12 =	vld.idx.msk [tilespmem:v12+s4+$0x0], $0xffff  }
0x6a5: {  	v18 =	vor.u32 v33, v5;
	v17 =	vld.idx.msk [tilespmem:v19+s4+$0x0], $0xffff  }
0x6a6: {  	s15 =	smov.u32 s1;
	v19 =	vor.u32 v33, v6  }
0x6a7: {  	s5 =	sadd.s32 $0xC480, s15  }
0x6a8: {  	s16 =	sor.u32 s0, s5  }
0x6a9: {  	s2 =	sor.u32 s6, s5;
	[tilespmem:s16+$0x0] =	vst v12  }
0x6aa: {  	[tilespmem:s2+$0x0] =	vst v17;
	v12 =	vld.idx.msk [tilespmem:v18+s4+$0x0], $0xffff  }
0x6ab: {  	v17 =	vld.idx.msk [tilespmem:v19+s4+$0x0], $0xffff;
	v18 =	vor.u32 v30, v5  }
0x6ac: {  	v19 =	vor.u32 v30, v6  }
0x6ad: {  	s19 =	sadd.s32 $0xC500, s15  }
0x6ae: {  	s20 =	sor.u32 s0, s19  }
0x6af: {  	s2 =	sor.u32 s6, s19;
	[tilespmem:s20+$0x0] =	vst v12  }
0x6b0: {  	[tilespmem:s2+$0x0] =	vst v17;
	v12 =	vld.idx.msk [tilespmem:v18+s4+$0x0], $0xffff  }
0x6b1: {  	v17 =	vld.idx.msk [tilespmem:v19+s4+$0x0], $0xffff  }
0x6b2: {  	v19 =	vor.u32 v38, v6  }
0x6b3: {  	s23 =	sadd.s32 $0xC580, s15;
	v18 =	vor.u32 v38, v5  }
0x6b4: {  	s24 =	sor.u32 s0, s23  }
0x6b5: {  	s2 =	sor.u32 s6, s23;
	[tilespmem:s24+$0x0] =	vst v12  }
0x6b6: {  	[tilespmem:s2+$0x0] =	vst v17  }
0x6b7: {  	v17 =	vld.idx.msk [tilespmem:v19+s4+$0x0], $0xffff  }
0x6b8: {  	v12 =	vld.idx.msk [tilespmem:v18+s4+$0x0], $0xffff;
	v19 =	vor.u32 v36, v6  }
0x6b9: {  	v18 =	vor.u32 v36, v5  }
0x6ba: {  	s5 =	sadd.s32 $0xC600, s15  }
0x6bb: {  	s2 =	sor.u32 s6, s5  }
0x6bc: {  	s16 =	sor.u32 s0, s5;
	[tilespmem:s2+$0x0] =	vst v17  }
0x6bd: {  	[tilespmem:s16+$0x0] =	vst v12;
	v17 =	vld.idx.msk [tilespmem:v19+s4+$0x0], $0xffff  }
0x6be: {  	v12 =	vld.idx.msk [tilespmem:v18+s4+$0x0], $0xffff;
	v19 =	vor.u32 v37, v6  }
0x6bf: {  	v18 =	vor.u32 v37, v5  }
0x6c0: {  	s19 =	sadd.s32 $0xC680, s15  }
0x6c1: {  	s2 =	sor.u32 s6, s19  }
0x6c2: {  	s20 =	sor.u32 s0, s19;
	[tilespmem:s2+$0x0] =	vst v17  }
0x6c3: {  	[tilespmem:s20+$0x0] =	vst v12;
	v17 =	vld.idx.msk [tilespmem:v19+s4+$0x0], $0xffff  }
0x6c4: {  	v12 =	vld.idx.msk [tilespmem:v18+s4+$0x0], $0xffff;
	v19 =	vor.u32 v51, v6  }
0x6c5: {  	v18 =	vor.u32 v51, v5  }
0x6c6: {  	s23 =	sadd.s32 $0xC700, s15  }
0x6c7: {  	s2 =	sor.u32 s6, s23  }
0x6c8: {  	s24 =	sor.u32 s0, s23;
	[tilespmem:s2+$0x0] =	vst v17  }
0x6c9: {  	[tilespmem:s24+$0x0] =	vst v12;
	v17 =	vld.idx.msk [tilespmem:v19+s4+$0x0], $0xffff  }
0x6ca: {  	v12 =	vld.idx.msk [tilespmem:v18+s4+$0x0], $0xffff;
	v19 =	vor.u32 v39, v6  }
0x6cb: {  	v18 =	vor.u32 v39, v5  }
0x6cc: {  	s5 =	sadd.s32 $0xC780, s15  }
0x6cd: {  	s2 =	sor.u32 s6, s5  }
0x6ce: {  	s16 =	sor.u32 s0, s5;
	[tilespmem:s2+$0x0] =	vst v17  }
0x6cf: {  	[tilespmem:s16+$0x0] =	vst v12;
	v17 =	vld.idx.msk [tilespmem:v19+s4+$0x0], $0xffff  }
0x6d0: {  	v12 =	vld.idx.msk [tilespmem:v18+s4+$0x0], $0xffff;
	v19 =	vor.u32 v40, v6  }
0x6d1: {  	v18 =	vor.u32 v40, v5  }
0x6d2: {  	s19 =	sadd.s32 $0xD400, s15  }
0x6d3: {  	s2 =	sor.u32 s6, s19  }
0x6d4: {  	s20 =	sor.u32 s0, s19;
	[tilespmem:s2+$0x0] =	vst v17  }
0x6d5: {  	[tilespmem:s20+$0x0] =	vst v12;
	v17 =	vld.idx.msk [tilespmem:v19+s4+$0x0], $0xffff  }
0x6d6: {  	v12 =	vld.idx.msk [tilespmem:v18+s4+$0x0], $0xffff;
	v19 =	vor.u32 v35, v6  }
0x6d7: {  	v18 =	vor.u32 v35, v5  }
0x6d8: {  	s23 =	sadd.s32 $0xD480, s15  }
0x6d9: {  	s2 =	sor.u32 s6, s23  }
0x6da: {  	s24 =	sor.u32 s0, s23;
	[tilespmem:s2+$0x0] =	vst v17  }
0x6db: {  	[tilespmem:s24+$0x0] =	vst v12;
	v17 =	vld.idx.msk [tilespmem:v19+s4+$0x0], $0xffff  }
0x6dc: {  	v12 =	vld.idx.msk [tilespmem:v18+s4+$0x0], $0xffff;
	v19 =	vor.u32 v42, v6  }
0x6dd: {  	v18 =	vor.u32 v42, v5  }
0x6de: {  	s5 =	sadd.s32 $0xD500, s15  }
0x6df: {  	s2 =	sor.u32 s6, s5  }
0x6e0: {  	s16 =	sor.u32 s0, s5;
	[tilespmem:s2+$0x0] =	vst v17  }
0x6e1: {  	[tilespmem:s16+$0x0] =	vst v12;
	v17 =	vld.idx.msk [tilespmem:v19+s4+$0x0], $0xffff  }
0x6e2: {  	v12 =	vld.idx.msk [tilespmem:v18+s4+$0x0], $0xffff;
	v19 =	vor.u32 v43, v6  }
0x6e3: {  	v18 =	vor.u32 v43, v5  }
0x6e4: {  	s19 =	sadd.s32 $0xD580, s15  }
0x6e5: {  	s2 =	sor.u32 s6, s19  }
0x6e6: {  	s20 =	sor.u32 s0, s19;
	[tilespmem:s2+$0x0] =	vst v17  }
0x6e7: {  	[tilespmem:s20+$0x0] =	vst v12;
	v17 =	vld.idx.msk [tilespmem:v19+s4+$0x0], $0xffff  }
0x6e8: {  	v12 =	vld.idx.msk [tilespmem:v18+s4+$0x0], $0xffff;
	v19 =	vor.u32 v44, v6  }
0x6e9: {  	v18 =	vor.u32 v44, v5  }
0x6ea: {  	s23 =	sadd.s32 $0xD600, s15  }
0x6eb: {  	s2 =	sor.u32 s6, s23  }
0x6ec: {  	s24 =	sor.u32 s0, s23;
	[tilespmem:s2+$0x0] =	vst v17  }
0x6ed: {  	[tilespmem:s24+$0x0] =	vst v12;
	v17 =	vld.idx.msk [tilespmem:v19+s4+$0x0], $0xffff  }
0x6ee: {  	v12 =	vld.idx.msk [tilespmem:v18+s4+$0x0], $0xffff;
	v19 =	vor.u32 v45, v6  }
0x6ef: {  	v18 =	vor.u32 v45, v5  }
0x6f0: {  	s5 =	sadd.s32 $0xD680, s15  }
0x6f1: {  	s2 =	sor.u32 s6, s5  }
0x6f2: {  	s16 =	sor.u32 s0, s5;
	[tilespmem:s2+$0x0] =	vst v17  }
0x6f3: {  	[tilespmem:s16+$0x0] =	vst v12;
	v17 =	vld.idx.msk [tilespmem:v19+s4+$0x0], $0xffff  }
0x6f4: {  	v12 =	vld.idx.msk [tilespmem:v18+s4+$0x0], $0xffff;
	v19 =	vor.u32 v46, v6  }
0x6f5: {  	v18 =	vor.u32 v46, v5  }
0x6f6: {  	s19 =	sadd.s32 $0xD700, s15  }
0x6f7: {  	s2 =	sor.u32 s6, s19  }
0x6f8: {  	s20 =	sor.u32 s0, s19;
	[tilespmem:s2+$0x0] =	vst v17  }
0x6f9: {  	[tilespmem:s20+$0x0] =	vst v12;
	v17 =	vld.idx.msk [tilespmem:v19+s4+$0x0], $0xffff  }
0x6fa: {  	v12 =	vld.idx.msk [tilespmem:v18+s4+$0x0], $0xffff;
	v19 =	vor.u32 v47, v6  }
0x6fb: {  	v18 =	vor.u32 v47, v5  }
0x6fc: {  	s23 =	sadd.s32 $0xD780, s15  }
0x6fd: {  	s2 =	sor.u32 s6, s23  }
0x6fe: {  	s24 =	sor.u32 s0, s23;
	[tilespmem:s2+$0x0] =	vst v17  }
0x6ff: {  	[tilespmem:s24+$0x0] =	vst v12;
	v17 =	vld.idx.msk [tilespmem:v19+s4+$0x0], $0xffff  }
0x700: {  	v12 =	vld.idx.msk [tilespmem:v18+s4+$0x0], $0xffff;
	v19 =	vor.u32 v48, v6  }
0x701: {  	v18 =	vor.u32 v48, v5  }
0x702: {  	s5 =	sadd.s32 $0xE400, s15  }
0x703: {  	s2 =	sor.u32 s6, s5  }
0x704: {  	s16 =	sor.u32 s0, s5;
	[tilespmem:s2+$0x0] =	vst v17  }
0x705: {  	[tilespmem:s16+$0x0] =	vst v12;
	v17 =	vld.idx.msk [tilespmem:v19+s4+$0x0], $0xffff  }
0x706: {  	v12 =	vld.idx.msk [tilespmem:v18+s4+$0x0], $0xffff;
	v19 =	vor.u32 v59, v6;
	_ =	sdelay $0x1  }
0x707: {  	s19 =	sadd.s32 $0xE480, s15  }
0x708: {  	s2 =	sor.u32 s6, s19  }
0x709: {  	s20 =	sor.u32 s0, s19;
	v18 =	vor.u32 v59, v5;
	[tilespmem:s2+$0x0] =	vst v17  }
0x70a: {  	[tilespmem:s20+$0x0] =	vst v12;
	v17 =	vld.idx.msk [tilespmem:v19+s4+$0x0], $0xffff  }
0x70b: {  	v19 =	vld [tilespmem:$0x1FF10];
	[tilespmem:s12+$0x0] =	vst v13  }
0x70c: {  	[tilespmem:s13+$0x0] =	vst v14  }
0x70d: {  	v20 =	vld [tilespmem:$0x1FEE0]  }
0x70e: {  	v12 =	vld.idx.msk [tilespmem:v18+s4+$0x0], $0xffff;
	_ =	sdelay $0x1  }
0x70f: {  	v18 =	vor.u32 v19, v5  }
0x710: {  	s23 =	sadd.s32 $0xE500, s15;
	v13 =	vld.idx.msk [tilespmem:v16+s4+$0x0], $0xffff;
	v19 =	vor.u32 v19, v6  }
0x711: {  	s24 =	sor.u32 s0, s23;
	v14 =	vld.idx.msk [tilespmem:v15+s4+$0x0], $0xffff;
	v15 =	vor.u32 v20, v4  }
0x712: {  	[tilespmem:s24+$0x0] =	vst v12;
	v12 =	vor.u32 v20, v3  }
0x713: {  	s5 =	sadd.s32 $0xE580, s31;
	s2 =	sor.u32 s6, s23  }
0x714: {  	s12 =	sor.u32 s30, s5;
	[tilespmem:s2+$0x0] =	vst v17;
	v16 =	vld.idx.msk [tilespmem:v18+s4+$0x0], $0xffff  }
0x715: {  	s2 =	sor.u32 s29, s5;
	[tilespmem:s12+$0x0] =	vst v13;
	v17 =	vld.idx.msk [tilespmem:v19+s4+$0x0], $0xffff;
	v18 =	vor.u32 v20, v5  }
0x716: {  	[tilespmem:s2+$0x0] =	vst v14;
	v19 =	vor.u32 v20, v6;
	v13 =	vld.idx.msk [tilespmem:v15+s4+$0x0], $0xffff  }
0x717: {  	s13 =	sadd.s32 $0xE580, s15;
	v14 =	vor.u32 v49, v4;
	v12 =	vld.idx.msk [tilespmem:v12+s4+$0x0], $0xffff  }
0x718: {  	s16 =	sor.u32 s0, s13;
	v15 =	vor.u32 v49, v3  }
0x719: {  	s19 =	sadd.s32 $0xE600, s31;
	s3 =	sor.u32 s6, s13;
	[tilespmem:s16+$0x0] =	vst v16  }
0x71a: {  	s20 =	sor.u32 s30, s19;
	[tilespmem:s3+$0x0] =	vst v17;
	v16 =	vld.idx.msk [tilespmem:v18+s4+$0x0], $0xffff  }
0x71b: {  	s2 =	sor.u32 s29, s19;
	v17 =	vld.idx.msk [tilespmem:v19+s4+$0x0], $0xffff;
	[tilespmem:s20+$0x0] =	vst v13  }
0x71c: {  	[tilespmem:s2+$0x0] =	vst v12;
	v12 =	vld.idx.msk [tilespmem:v14+s4+$0x0], $0xffff  }
0x71d: {  	v18 =	vor.u32 v49, v5;
	v13 =	vld.idx.msk [tilespmem:v15+s4+$0x0], $0xffff  }
0x71e: {  	s23 =	sadd.s32 $0xE600, s15;
	v19 =	vor.u32 v49, v6;
	v20 =	vld [tilespmem:$0x1FFA0]  }
0x71f: {  	s24 =	sor.u32 s0, s23  }
0x720: {  	s5 =	sadd.s32 $0xE680, s31;
	s3 =	sor.u32 s6, s23;
	[tilespmem:s24+$0x0] =	vst v16  }
0x721: {  	s12 =	sor.u32 s30, s5;
	[tilespmem:s3+$0x0] =	vst v17  }
0x722: {  	s2 =	sor.u32 s29, s5;
	v16 =	vld.idx.msk [tilespmem:v18+s4+$0x0], $0xffff;
	[tilespmem:s12+$0x0] =	vst v12  }
0x723: {  	v14 =	vor.u32 v20, v4;
	v17 =	vld.idx.msk [tilespmem:v19+s4+$0x0], $0xffff;
	[tilespmem:s2+$0x0] =	vst v13  }
0x724: {  	v15 =	vor.u32 v20, v3;
	v18 =	vor.u32 v20, v5;
	v19 =	vor.u32 v20, v6;
	v20 =	vld [tilespmem:$0x1FEF0];
	_ =	sdelay $0x3  }
0x725: {  	v12 =	vld.idx.msk [tilespmem:v14+s4+$0x0], $0xffff  }
0x726: {  	s13 =	sadd.s32 $0xE680, s15;
	v13 =	vld.idx.msk [tilespmem:v15+s4+$0x0], $0xffff;
	v14 =	vor.u32 v20, v4  }
0x727: {  	s16 =	sor.u32 s0, s13;
	v15 =	vor.u32 v20, v3  }
0x728: {  	s19 =	sadd.s32 $0xE700, s31;
	s3 =	sor.u32 s6, s13;
	[tilespmem:s16+$0x0] =	vst v16  }
0x729: {  	s20 =	sor.u32 s30, s19;
	[tilespmem:s3+$0x0] =	vst v17;
	v16 =	vld.idx.msk [tilespmem:v18+s4+$0x0], $0xffff  }
0x72a: {  	s2 =	sor.u32 s29, s19;
	v17 =	vld.idx.msk [tilespmem:v19+s4+$0x0], $0xffff;
	v18 =	vor.u32 v20, v5;
	[tilespmem:s20+$0x0] =	vst v12  }
0x72b: {  	v19 =	vor.u32 v20, v6;
	[tilespmem:s2+$0x0] =	vst v13;
	v12 =	vld.idx.msk [tilespmem:v14+s4+$0x0], $0xffff  }
0x72c: {  	s23 =	sadd.s32 $0xE700, s15;
	v13 =	vld.idx.msk [tilespmem:v15+s4+$0x0], $0xffff;
	v14 =	vor.u32 v52, v4  }
0x72d: {  	s24 =	sor.u32 s0, s23;
	v15 =	vor.u32 v52, v3  }
0x72e: {  	s5 =	sadd.s32 $0xE780, s31;
	s3 =	sor.u32 s6, s23;
	[tilespmem:s24+$0x0] =	vst v16  }
0x72f: {  	s12 =	sor.u32 s30, s5;
	[tilespmem:s3+$0x0] =	vst v17;
	v16 =	vld.idx.msk [tilespmem:v18+s4+$0x0], $0xffff  }
0x730: {  	s2 =	sor.u32 s29, s5;
	v17 =	vld.idx.msk [tilespmem:v19+s4+$0x0], $0xffff;
	[tilespmem:s12+$0x0] =	vst v12  }
0x731: {  	[tilespmem:s2+$0x0] =	vst v13;
	v12 =	vld.idx.msk [tilespmem:v14+s4+$0x0], $0xffff  }
0x732: {  	v18 =	vor.u32 v52, v5;
	v13 =	vld.idx.msk [tilespmem:v15+s4+$0x0], $0xffff  }
0x733: {  	s13 =	sadd.s32 $0xE780, s15;
	v19 =	vor.u32 v52, v6;
	v20 =	vld [tilespmem:$0x1FF90]  }
0x734: {  	s16 =	sor.u32 s0, s13  }
0x735: {  	s19 =	sadd.s32 $0xF400, s31;
	s3 =	sor.u32 s6, s13;
	[tilespmem:s16+$0x0] =	vst v16  }
0x736: {  	s20 =	sor.u32 s30, s19;
	[tilespmem:s3+$0x0] =	vst v17  }
0x737: {  	s2 =	sor.u32 s29, s19;
	v16 =	vld.idx.msk [tilespmem:v18+s4+$0x0], $0xffff;
	[tilespmem:s20+$0x0] =	vst v12  }
0x738: {  	v17 =	vld.idx.msk [tilespmem:v19+s4+$0x0], $0xffff;
	v14 =	vor.u32 v20, v4;
	[tilespmem:s2+$0x0] =	vst v13  }
0x739: {  	v15 =	vor.u32 v20, v3;
	v18 =	vor.u32 v20, v5;
	v19 =	vor.u32 v20, v6;
	v20 =	vld [tilespmem:$0x1FF00];
	_ =	sdelay $0x3  }
0x73a: {  	v12 =	vld.idx.msk [tilespmem:v14+s4+$0x0], $0xffff  }
0x73b: {  	s23 =	sadd.s32 $0xF400, s15;
	v13 =	vld.idx.msk [tilespmem:v15+s4+$0x0], $0xffff;
	v14 =	vor.u32 v20, v4  }
0x73c: {  	s24 =	sor.u32 s0, s23;
	v15 =	vor.u32 v20, v3  }
0x73d: {  	s5 =	sadd.s32 $0xF480, s31;
	s3 =	sor.u32 s6, s23;
	[tilespmem:s24+$0x0] =	vst v16  }
0x73e: {  	s12 =	sor.u32 s30, s5;
	[tilespmem:s3+$0x0] =	vst v17;
	v16 =	vld.idx.msk [tilespmem:v18+s4+$0x0], $0xffff  }
0x73f: {  	s2 =	sor.u32 s29, s5;
	v17 =	vld.idx.msk [tilespmem:v19+s4+$0x0], $0xffff;
	v18 =	vor.u32 v20, v5;
	[tilespmem:s12+$0x0] =	vst v12  }
0x740: {  	v19 =	vor.u32 v20, v6;
	[tilespmem:s2+$0x0] =	vst v13;
	v12 =	vld.idx.msk [tilespmem:v14+s4+$0x0], $0xffff  }
0x741: {  	s13 =	sadd.s32 $0xF480, s15;
	v13 =	vld.idx.msk [tilespmem:v15+s4+$0x0], $0xffff;
	v14 =	vor.u32 v55, v4  }
0x742: {  	s16 =	sor.u32 s0, s13;
	v15 =	vor.u32 v55, v3  }
0x743: {  	s19 =	sadd.s32 $0xF500, s31;
	s3 =	sor.u32 s6, s13;
	[tilespmem:s16+$0x0] =	vst v16  }
0x744: {  	s20 =	sor.u32 s30, s19;
	[tilespmem:s3+$0x0] =	vst v17;
	v16 =	vld.idx.msk [tilespmem:v18+s4+$0x0], $0xffff  }
0x745: {  	s2 =	sor.u32 s29, s19;
	v17 =	vld.idx.msk [tilespmem:v19+s4+$0x0], $0xffff;
	[tilespmem:s20+$0x0] =	vst v12  }
0x746: {  	[tilespmem:s2+$0x0] =	vst v13;
	v12 =	vld.idx.msk [tilespmem:v14+s4+$0x0], $0xffff  }
0x747: {  	v18 =	vor.u32 v55, v5;
	v13 =	vld.idx.msk [tilespmem:v15+s4+$0x0], $0xffff  }
0x748: {  	s23 =	sadd.s32 $0xF500, s15;
	v19 =	vor.u32 v55, v6;
	v20 =	vld [tilespmem:$0x1FE70]  }
0x749: {  	s24 =	sor.u32 s0, s23  }
0x74a: {  	s5 =	sadd.s32 $0xF580, s31;
	s3 =	sor.u32 s6, s23;
	[tilespmem:s24+$0x0] =	vst v16  }
0x74b: {  	s12 =	sor.u32 s30, s5;
	[tilespmem:s3+$0x0] =	vst v17  }
0x74c: {  	s2 =	sor.u32 s29, s5;
	v16 =	vld.idx.msk [tilespmem:v18+s4+$0x0], $0xffff;
	[tilespmem:s12+$0x0] =	vst v12  }
0x74d: {  	v17 =	vld.idx.msk [tilespmem:v19+s4+$0x0], $0xffff;
	v14 =	vor.u32 v20, v4;
	[tilespmem:s2+$0x0] =	vst v13  }
0x74e: {  	v15 =	vor.u32 v20, v3;
	v18 =	vor.u32 v20, v5;
	v19 =	vor.u32 v20, v6;
	v20 =	vld [tilespmem:$0x1FF30];
	_ =	sdelay $0x3  }
0x74f: {  	s13 =	sadd.s32 $0xF580, s15;
	v12 =	vld.idx.msk [tilespmem:v14+s4+$0x0], $0xffff  }
0x750: {  	s16 =	sor.u32 s0, s13;
	v13 =	vld.idx.msk [tilespmem:v15+s4+$0x0], $0xffff;
	v14 =	vor.u32 v20, v4  }
0x751: {  	[tilespmem:s16+$0x0] =	vst v16;
	v15 =	vor.u32 v20, v3  }
0x752: {  	s19 =	sadd.s32 $0xF600, s31;
	s3 =	sor.u32 s6, s13;
	v16 =	vld.idx.msk [tilespmem:v18+s4+$0x0], $0xffff  }
0x753: {  	s20 =	sor.u32 s30, s19;
	[tilespmem:s3+$0x0] =	vst v17;
	v18 =	vor.u32 v20, v5  }
0x754: {  	s2 =	sor.u32 s29, s19;
	v17 =	vld.idx.msk [tilespmem:v19+s4+$0x0], $0xffff;
	[tilespmem:s20+$0x0] =	vst v12  }
0x755: {  	s23 =	sadd.s32 $0xF600, s15;
	v19 =	vor.u32 v20, v6;
	[tilespmem:s2+$0x0] =	vst v13;
	v12 =	vld.idx.msk [tilespmem:v14+s4+$0x0], $0xffff  }
0x756: {  	s24 =	sor.u32 s0, s23;
	v13 =	vld.idx.msk [tilespmem:v15+s4+$0x0], $0xffff;
	v14 =	vor.u32 v58, v4  }
0x757: {  	[tilespmem:s24+$0x0] =	vst v16;
	v15 =	vor.u32 v58, v3  }
0x758: {  	s5 =	sadd.s32 $0xF680, s31;
	s3 =	sor.u32 s6, s23;
	v16 =	vld.idx.msk [tilespmem:v18+s4+$0x0], $0xffff  }
0x759: {  	s12 =	sor.u32 s30, s5;
	[tilespmem:s3+$0x0] =	vst v17;
	v18 =	vor.u32 v58, v5  }
0x75a: {  	s2 =	sor.u32 s29, s5;
	v17 =	vld.idx.msk [tilespmem:v19+s4+$0x0], $0xffff;
	[tilespmem:s12+$0x0] =	vst v12  }
0x75b: {  	s13 =	sadd.s32 $0xF680, s15;
	v19 =	vor.u32 v58, v6;
	[tilespmem:s2+$0x0] =	vst v13;
	v12 =	vld.idx.msk [tilespmem:v14+s4+$0x0], $0xffff  }
0x75c: {  	s16 =	sor.u32 s0, s13;
	v13 =	vor.u32 v61, v4;
	v14 =	vld.idx.msk [tilespmem:v15+s4+$0x0], $0xffff  }
0x75d: {  	[tilespmem:s16+$0x0] =	vst v16;
	v15 =	vor.u32 v61, v3  }
0x75e: {  	s19 =	sadd.s32 $0xF700, s31;
	s3 =	sor.u32 s6, s13;
	v16 =	vld.idx.msk [tilespmem:v18+s4+$0x0], $0xffff  }
0x75f: {  	s20 =	sor.u32 s30, s19;
	[tilespmem:s3+$0x0] =	vst v17;
	v17 =	vor.u32 v61, v5  }
0x760: {  	s2 =	sor.u32 s29, s19;
	v18 =	vld.idx.msk [tilespmem:v19+s4+$0x0], $0xffff;
	[tilespmem:s20+$0x0] =	vst v12  }
0x761: {  	s23 =	sadd.s32 $0xF700, s15;
	v19 =	vor.u32 v61, v6;
	[tilespmem:s2+$0x0] =	vst v14;
	v12 =	vld.idx.msk [tilespmem:v13+s4+$0x0], $0xffff  }
0x762: {  	s24 =	sor.u32 s0, s23;
	v13 =	vor.u32 v62, v4;
	v14 =	vld.idx.msk [tilespmem:v15+s4+$0x0], $0xffff  }
0x763: {  	[tilespmem:s24+$0x0] =	vst v16;
	v15 =	vor.u32 v62, v3  }
0x764: {  	s5 =	sadd.s32 $0xF780, s31;
	s3 =	sor.u32 s6, s23;
	v16 =	vld.idx.msk [tilespmem:v17+s4+$0x0], $0xffff  }
0x765: {  	s12 =	sor.u32 s30, s5;
	[tilespmem:s3+$0x0] =	vst v18;
	v17 =	vor.u32 v62, v5  }
0x766: {  	s2 =	sor.u32 s29, s5;
	v18 =	vld.idx.msk [tilespmem:v19+s4+$0x0], $0xffff;
	[tilespmem:s12+$0x0] =	vst v12  }
0x767: {  	s13 =	sadd.s32 $0xF780, s15;
	v19 =	vor.u32 v62, v6;
	[tilespmem:s2+$0x0] =	vst v14;
	v12 =	vld.idx.msk [tilespmem:v13+s4+$0x0], $0xffff  }
0x768: {  	[tilespmem:s18+$0x0] =	vst v10;
	s16 =	sor.u32 s0, s13;
	s20 =	sadd.s32 $0x10680, s28;
	v14 =	vld.idx.msk [tilespmem:v15+s4+$0x0], $0xffff  }
0x769: {  	s23 =	sor.u32 s26, s20;
	[tilespmem:s16+$0x0] =	vst v16  }
0x76a: {  	s19 =	sor.u32 s6, s13;
	s5 =	sadd.s32 $0x10400, s31;
	[tilespmem:s23+$0x0] =	vst v8;
	v13 =	vor.u32 v63, v4;
	v16 =	vld.idx.msk [tilespmem:v17+s4+$0x0], $0xffff  }
0x76b: {  	s24 =	sor.u32 s30, s5;
	[tilespmem:s19+$0x0] =	vst v18  }
0x76c: {  	s5 =	sor.u32 s29, s5;
	v15 =	vor.u32 v63, v3;
	v17 =	vld.idx.msk [tilespmem:v19+s4+$0x0], $0xffff;
	[tilespmem:s24+$0x0] =	vst v12  }
0x76d: {  	v41 =	vor.u32 v63, v5;
	v11 =	vld.idx.msk [tilespmem:v11+s4+$0x0], $0xffff;
	s12 =	sadd.s32 $0x10400, s15;
	[tilespmem:s5+$0x0] =	vst v14  }
0x76e: {  	s13 =	sor.u32 s0, s12;
	v20 =	vld [tilespmem:$0x1FDB0]  }
0x76f: {  	v13 =	vld.idx.msk [tilespmem:v13+s4+$0x0], $0xffff;
	[tilespmem:s13+$0x0] =	vst v16  }
0x770: {  	s16 =	sor.u32 s6, s12;
	v18 =	vld [tilespmem:$0x1FF60]  }
0x771: {  	v8 =	vor.u32 v63, v6;
	v15 =	vld.idx.msk [tilespmem:v15+s4+$0x0], $0xffff;
	[tilespmem:s16+$0x0] =	vst v17  }
0x772: {  	s18 =	sor.u32 s25, s20;
	s19 =	sadd.s32 $0x10480, s31;
	v10 =	vld.idx.msk [tilespmem:v41+s4+$0x0], $0xffff;
	[tilespmem:s21+$0x0] =	vst v7  }
0x773: {  	s20 =	sor.u32 s30, s19;
	[tilespmem:s18+$0x0] =	vst v11  }
0x774: {  	v9 =	vld.idx.msk [tilespmem:v9+s4+$0x0], $0xffff;
	v12 =	vor.u32 v20, v2;
	[tilespmem:s20+$0x0] =	vst v13  }
0x775: {  	s1 =	smov.u32 s0;
	s0 =	sor.u32 s29, s19;
	s21 =	sadd.s32 $0x10480, s15;
	v14 =	vor.u32 v18, v4;
	v54 =	vld [tilespmem:$0x1FF70]  }
0x776: {  	v8 =	vld.idx.msk [tilespmem:v8+s4+$0x0], $0xffff;
	s23 =	sor.u32 s1, s21;
	[tilespmem:s0+$0x0] =	vst v15  }
0x777: {  	v16 =	vor.u32 v18, v3;
	v57 =	vld [tilespmem:$0x1FE20];
	[tilespmem:s23+$0x0] =	vst v10  }
0x778: {  	v7 =	vor.u32 v18, v5;
	v56 =	vld [tilespmem:$0x1FF50]  }
0x779: {  	v50 =	vor.u32 v18, v6;
	v12 =	vld.idx.msk [tilespmem:v12+s4+$0x0], $0xffff  }
0x77a: {  	s24 =	sadd.s32 $0x10700, s28;
	s2 =	sor.u32 s6, s21;
	v13 =	vor.u32 v54, v0;
	v14 =	vld.idx.msk [tilespmem:v14+s4+$0x0], $0xffff  }
0x77b: {  	s3 =	sor.u32 s26, s24;
	[tilespmem:s2+$0x0] =	vst v8  }
0x77c: {  	[tilespmem:s3+$0x0] =	vst v9;
	v16 =	vld.idx.msk [tilespmem:v16+s4+$0x0], $0xffff;
	v15 =	vor.u32 v57, v1  }
0x77d: {  	s5 =	sadd.s32 $0x10500, s31;
	s12 =	rddreg [dreg:$0x4];
	v7 =	vld.idx.msk [tilespmem:v7+s4+$0x0], $0xffff;
	v53 =	vor.u32 v56, v4  }
0x77e: {  	s13 =	sor.u32 s30, s5;
	v11 =	vld.idx.msk [tilespmem:v50+s4+$0x0], $0xffff;
	[tilespmem:s12+$0x0] =	vst v12  }
0x77f: {  	v8 =	vor.u32 v56, v3;
	v13 =	vld.idx.msk [tilespmem:v13+s4+$0x0], $0xffff;
	[tilespmem:s13+$0x0] =	vst v14  }
0x780: {  	s16 =	sadd.s32 $0x10500, s15;
	s2 =	sor.u32 s29, s5;
	v60 =	vor.u32 v56, v5;
	v21 =	vld [tilespmem:$0x1FDC0]  }
0x781: {  	s18 =	sor.u32 s1, s16;
	v15 =	vld.idx.msk [tilespmem:v15+s4+$0x0], $0xffff;
	[tilespmem:s2+$0x0] =	vst v16  }
0x782: {  	v12 =	vor.u32 v56, v6;
	[tilespmem:s18+$0x0] =	vst v7;
	v10 =	vld.idx.msk [tilespmem:v53+s4+$0x0], $0xffff  }
0x783: {  	v16 =	vor.u32 v57, v0;
	v41 =	vld [tilespmem:$0x1FF80]  }
0x784: {  	s19 =	sor.u32 s6, s16;
	v8 =	vld.idx.msk [tilespmem:v8+s4+$0x0], $0xffff  }
0x785: {  	s20 =	sadd.s32 $0x10780, s28;
	s0 =	sor.u32 s25, s24;
	[tilespmem:s19+$0x0] =	vst v11;
	v9 =	vld.idx.msk [tilespmem:v60+s4+$0x0], $0xffff  }
0x786: {  	s21 =	sor.u32 s26, s20;
	s23 =	sadd.s32 $0x10580, s31;
	[tilespmem:s0+$0x0] =	vst v13  }
0x787: {  	s24 =	sor.u32 s30, s23;
	v12 =	vld.idx.msk [tilespmem:v12+s4+$0x0], $0xffff;
	v14 =	vor.u32 v21, v2;
	[tilespmem:s21+$0x0] =	vst v15  }
0x788: {  	s5 =	sadd.s32 $0x10580, s15;
	s2 =	sor.u32 s29, s23;
	v16 =	vld.idx.msk [tilespmem:v16+s4+$0x0], $0xffff;
	v7 =	vor.u32 v41, v4;
	[tilespmem:s24+$0x0] =	vst v10  }
0x789: {  	s12 =	sor.u32 s1, s5;
	v35 =	vor.u32 v41, v3;
	v17 =	vld [tilespmem:$0x1FD40];
	[tilespmem:s2+$0x0] =	vst v8  }
0x78a: {  	v22 =	vld [tilespmem:$0x1FDD0];
	[tilespmem:s12+$0x0] =	vst v9  }
0x78b: {  	v53 =	vld [tilespmem:$0x1FE50]  }
0x78c: {  	v13 =	vor.u32 v41, v5;
	v14 =	vld.idx.msk [tilespmem:v14+s4+$0x0], $0xffff  }
0x78d: {  	v15 =	vor.u32 v41, v6;
	v7 =	vld.idx.msk [tilespmem:v7+s4+$0x0], $0xffff  }
0x78e: {  	s13 =	sor.u32 s6, s5;
	v11 =	vld.idx.msk [tilespmem:v35+s4+$0x0], $0xffff;
	v50 =	vor.u32 v17, v1  }
0x78f: {  	s16 =	sor.u32 s25, s20;
	[tilespmem:s13+$0x0] =	vst v12  }
0x790: {  	s18 =	sadd.s32 $0x10600, s31;
	[tilespmem:s16+$0x0] =	vst v16;
	v8 =	vor.u32 v22, v2  }
0x791: {  	s19 =	sor.u32 s30, s18;
	v13 =	vld.idx.msk [tilespmem:v13+s4+$0x0], $0xffff;
	v60 =	vor.u32 v53, v4;
	[tilespmem:s11+$0x0] =	vst v14  }
0x792: {  	s20 =	sor.u32 s29, s18;
	v15 =	vld.idx.msk [tilespmem:v15+s4+$0x0], $0xffff;
	[tilespmem:s19+$0x0] =	vst v7  }
0x793: {  	v12 =	vor.u32 v53, v3;
	[tilespmem:s20+$0x0] =	vst v11;
	v10 =	vld.idx.msk [tilespmem:v50+s4+$0x0], $0xffff  }
0x794: {  	v14 =	vor.u32 v53, v5;
	v18 =	vld [tilespmem:$0x1FD50]  }
0x795: {  	s21 =	sadd.s32 $0x10600, s15;
	v16 =	vor.u32 v53, v6;
	v8 =	vld.idx.msk [tilespmem:v8+s4+$0x0], $0xffff  }
0x796: {  	s23 =	sor.u32 s1, s21;
	v7 =	vor.u32 v17, v0;
	v9 =	vld.idx.msk [tilespmem:v60+s4+$0x0], $0xffff  }
0x797: {  	s24 =	sadd.s32 $0x11400, s28;
	s2 =	sor.u32 s6, s21;
	[tilespmem:s23+$0x0] =	vst v13  }
0x798: {  	s3 =	sor.u32 s26, s24;
	v13 =	vor.u32 v54, v4;
	[tilespmem:s2+$0x0] =	vst v15;
	v12 =	vld.idx.msk [tilespmem:v12+s4+$0x0], $0xffff  }
0x799: {  	s5 =	sadd.s32 $0x10680, s31;
	v14 =	vld.idx.msk [tilespmem:v14+s4+$0x0], $0xffff;
	v35 =	vor.u32 v18, v1;
	[tilespmem:s3+$0x0] =	vst v10  }
0x79a: {  	v15 =	vor.u32 v54, v3;
	v16 =	vld.idx.msk [tilespmem:v16+s4+$0x0], $0xffff;
	[tilespmem:s10+$0x0] =	vst v8;
	s10 =	sor.u32 s30, s5  }
0x79b: {  	v50 =	vor.u32 v54, v5;
	v7 =	vld.idx.msk [tilespmem:v7+s4+$0x0], $0xffff;
	[tilespmem:s10+$0x0] =	vst v9  }
0x79c: {  	s11 =	sadd.s32 $0x10680, s15;
	s2 =	sor.u32 s29, s5;
	v8 =	vor.u32 v54, v6;
	v23 =	vld [tilespmem:$0x1FDE0]  }
0x79d: {  	s12 =	sor.u32 s1, s11;
	[tilespmem:s2+$0x0] =	vst v12;
	v12 =	vor.u32 v18, v0;
	v13 =	vld.idx.msk [tilespmem:v13+s4+$0x0], $0xffff  }
0x79e: {  	[tilespmem:s12+$0x0] =	vst v14;
	v14 =	vor.u32 v57, v4;
	v11 =	vld.idx.msk [tilespmem:v35+s4+$0x0], $0xffff  }
0x79f: {  	s13 =	sor.u32 s6, s11;
	v15 =	vld.idx.msk [tilespmem:v15+s4+$0x0], $0xffff  }
0x7a0: {  	s0 =	sor.u32 s25, s24;
	s19 =	sadd.s32 $0x10700, s31;
	[tilespmem:s13+$0x0] =	vst v16;
	v10 =	vld.idx.msk [tilespmem:v50+s4+$0x0], $0xffff  }
0x7a1: {  	s16 =	sadd.s32 $0x11480, s28;
	s20 =	sor.u32 s30, s19;
	v16 =	vor.u32 v57, v3;
	[tilespmem:s0+$0x0] =	vst v7;
	v8 =	vld.idx.msk [tilespmem:v8+s4+$0x0], $0xffff  }
0x7a2: {  	s18 =	sor.u32 s26, s16;
	v60 =	vor.u32 v23, v2;
	[tilespmem:s20+$0x0] =	vst v13;
	v12 =	vld.idx.msk [tilespmem:v12+s4+$0x0], $0xffff  }
0x7a3: {  	s21 =	sor.u32 s29, s19;
	v14 =	vld.idx.msk [tilespmem:v14+s4+$0x0], $0xffff;
	[tilespmem:s18+$0x0] =	vst v11  }
0x7a4: {  	v19 =	vld [tilespmem:$0x1FD60];
	[tilespmem:s21+$0x0] =	vst v15  }
0x7a5: {  	s23 =	sadd.s32 $0x10700, s15;
	v31 =	vld [tilespmem:$0x1FDF0]  }
0x7a6: {  	s24 =	sor.u32 s1, s23;
	v7 =	vor.u32 v57, v5;
	v16 =	vld.idx.msk [tilespmem:v16+s4+$0x0], $0xffff  }
0x7a7: {  	s5 =	sor.u32 s6, s23;
	v35 =	vor.u32 v57, v6;
	[tilespmem:s24+$0x0] =	vst v10;
	v9 =	vld.idx.msk [tilespmem:v60+s4+$0x0], $0xffff  }
0x7a8: {  	s11 =	sadd.s32 $0x10780, s31;
	s10 =	sor.u32 s25, s16;
	[tilespmem:s5+$0x0] =	vst v8  }
0x7a9: {  	s12 =	sor.u32 s30, s11;
	v50 =	vor.u32 v17, v4;
	[tilespmem:s10+$0x0] =	vst v12  }
0x7aa: {  	s13 =	sor.u32 s29, s11;
	[tilespmem:s12+$0x0] =	vst v14;
	v13 =	vor.u32 v19, v1  }
0x7ab: {  	v7 =	vld.idx.msk [tilespmem:v7+s4+$0x0], $0xffff;
	v15 =	vor.u32 v31, v2;
	[tilespmem:s13+$0x0] =	vst v16  }
0x7ac: {  	v8 =	vor.u32 v17, v3;
	v11 =	vld.idx.msk [tilespmem:v35+s4+$0x0], $0xffff;
	[tilespmem:s17+$0x0] =	vst v9  }
0x7ad: {  	v57 =	vor.u32 v17, v5;
	v12 =	vor.u32 v17, v6;
	v17 =	vld [tilespmem:$0x1FD70]  }
0x7ae: {  	s16 =	sadd.s32 $0x10780, s15;
	v10 =	vld.idx.msk [tilespmem:v50+s4+$0x0], $0xffff  }
0x7af: {  	v14 =	vor.u32 v19, v0;
	s17 =	sor.u32 s1, s16;
	v13 =	vld.idx.msk [tilespmem:v13+s4+$0x0], $0xffff  }
0x7b0: {  	[tilespmem:s17+$0x0] =	vst v7;
	v7 =	vor.u32 v18, v4;
	v15 =	vld.idx.msk [tilespmem:v15+s4+$0x0], $0xffff  }
0x7b1: {  	s2 =	sor.u32 s6, s16;
	s20 =	sadd.s32 $0x11400, s31;
	v8 =	vld.idx.msk [tilespmem:v8+s4+$0x0], $0xffff  }
0x7b2: {  	s18 =	sadd.s32 $0x11500, s28;
	s21 =	sor.u32 s30, s20;
	[tilespmem:s2+$0x0] =	vst v11;
	v9 =	vld.idx.msk [tilespmem:v57+s4+$0x0], $0xffff;
	v16 =	vor.u32 v17, v1  }
0x7b3: {  	s19 =	sor.u32 s26, s18;
	v60 =	vor.u32 v18, v3;
	v12 =	vld.idx.msk [tilespmem:v12+s4+$0x0], $0xffff;
	[tilespmem:s21+$0x0] =	vst v10  }
0x7b4: {  	v14 =	vld.idx.msk [tilespmem:v14+s4+$0x0], $0xffff;
	[tilespmem:s19+$0x0] =	vst v13  }
0x7b5: {  	v7 =	vld.idx.msk [tilespmem:v7+s4+$0x0], $0xffff;
	[tilespmem:s14+$0x0] =	vst v15  }
0x7b6: {  	s23 =	sadd.s32 $0x11400, s15;
	s2 =	sor.u32 s29, s20;
	v50 =	vld [tilespmem:$0x1FE00]  }
0x7b7: {  	s24 =	sor.u32 s1, s23;
	v13 =	vor.u32 v18, v5;
	[tilespmem:s2+$0x0] =	vst v8;
	v16 =	vld.idx.msk [tilespmem:v16+s4+$0x0], $0xffff  }
0x7b8: {  	s3 =	sor.u32 s6, s23;
	[tilespmem:s24+$0x0] =	vst v9;
	v11 =	vld.idx.msk [tilespmem:v60+s4+$0x0], $0xffff  }
0x7b9: {  	s11 =	sadd.s32 $0x11480, s31;
	s0 =	sor.u32 s25, s18;
	[tilespmem:s3+$0x0] =	vst v12  }
0x7ba: {  	s5 =	sadd.s32 $0x11580, s28;
	s12 =	sor.u32 s30, s11;
	v57 =	vor.u32 v19, v4;
	[tilespmem:s0+$0x0] =	vst v14  }
0x7bb: {  	s10 =	sor.u32 s26, s5;
	v15 =	vor.u32 v18, v6;
	[tilespmem:s12+$0x0] =	vst v7  }
0x7bc: {  	s13 =	sor.u32 s29, s11;
	v8 =	vor.u32 v17, v0;
	v13 =	vld.idx.msk [tilespmem:v13+s4+$0x0], $0xffff;
	[tilespmem:s10+$0x0] =	vst v16  }
0x7bd: {  	v35 =	vor.u32 v50, v2;
	v18 =	vld [tilespmem:$0x1FD80];
	[tilespmem:s13+$0x0] =	vst v11  }
0x7be: {  	v12 =	vor.u32 v19, v3;
	v14 =	vor.u32 v19, v5;
	v16 =	vor.u32 v19, v6;
	v19 =	vld [tilespmem:$0x1FE10]  }
0x7bf: {  	v9 =	vld.idx.msk [tilespmem:v57+s4+$0x0], $0xffff  }
0x7c0: {  	v15 =	vld.idx.msk [tilespmem:v15+s4+$0x0], $0xffff  }
0x7c1: {  	s14 =	sadd.s32 $0x11480, s15;
	v8 =	vld.idx.msk [tilespmem:v8+s4+$0x0], $0xffff  }
0x7c2: {  	s19 =	sadd.s32 $0x11500, s31;
	s16 =	sor.u32 s1, s14;
	v10 =	vld.idx.msk [tilespmem:v35+s4+$0x0], $0xffff;
	v7 =	vor.u32 v18, v1  }
0x7c3: {  	s20 =	sor.u32 s30, s19;
	[tilespmem:s16+$0x0] =	vst v13;
	v12 =	vld.idx.msk [tilespmem:v12+s4+$0x0], $0xffff;
	v60 =	vor.u32 v19, v2  }
0x7c4: {  	s17 =	sor.u32 s6, s14;
	[tilespmem:s20+$0x0] =	vst v9  }
0x7c5: {  	s18 =	sor.u32 s25, s5;
	v13 =	vor.u32 v17, v4;
	[tilespmem:s17+$0x0] =	vst v15;
	v14 =	vld.idx.msk [tilespmem:v14+s4+$0x0], $0xffff  }
0x7c6: {  	[tilespmem:s18+$0x0] =	vst v8;
	v16 =	vld.idx.msk [tilespmem:v16+s4+$0x0], $0xffff  }
0x7c7: {  	s21 =	sor.u32 s29, s19;
	[tilespmem:s22+$0x0] =	vst v10;
	v7 =	vld.idx.msk [tilespmem:v7+s4+$0x0], $0xffff  }
0x7c8: {  	v15 =	vor.u32 v17, v3;
	[tilespmem:s21+$0x0] =	vst v12;
	v11 =	vld.idx.msk [tilespmem:v60+s4+$0x0], $0xffff  }
0x7c9: {  	v57 =	vor.u32 v17, v5;
	s22 =	sadd.s32 $0x11500, s15;
	v60 =	vld [tilespmem:$0x1FE30]  }
0x7ca: {  	v8 =	vor.u32 v17, v6;
	v13 =	vld.idx.msk [tilespmem:v13+s4+$0x0], $0xffff;
	s23 =	sor.u32 s1, s22  }
0x7cb: {  	s24 =	sadd.s32 $0x11600, s28;
	s2 =	sor.u32 s6, s22;
	[tilespmem:s23+$0x0] =	vst v14  }
0x7cc: {  	s3 =	sor.u32 s26, s24;
	v35 =	vor.u32 v18, v0;
	[tilespmem:s2+$0x0] =	vst v16  }
0x7cd: {  	s5 =	sadd.s32 $0x11580, s31;
	v15 =	vld.idx.msk [tilespmem:v15+s4+$0x0], $0xffff;
	v14 =	vor.u32 v18, v4;
	[tilespmem:s3+$0x0] =	vst v7  }
0x7ce: {  	v10 =	vld.idx.msk [tilespmem:v57+s4+$0x0], $0xffff;
	v12 =	vor.u32 v60, v1;
	[tilespmem:s9+$0x0] =	vst v11;
	s9 =	sor.u32 s30, s5  }
0x7cf: {  	v16 =	vor.u32 v18, v3;
	v8 =	vld.idx.msk [tilespmem:v8+s4+$0x0], $0xffff;
	[tilespmem:s9+$0x0] =	vst v13  }
0x7d0: {  	v7 =	vor.u32 v18, v5;
	v11 =	vor.u32 v18, v6;
	v18 =	vld [tilespmem:$0x1FE40]  }
0x7d1: {  	v9 =	vld.idx.msk [tilespmem:v35+s4+$0x0], $0xffff  }
0x7d2: {  	s10 =	sadd.s32 $0x11580, s15;
	s2 =	sor.u32 s29, s5;
	v13 =	vor.u32 v60, v0;
	v14 =	vld.idx.msk [tilespmem:v14+s4+$0x0], $0xffff  }
0x7d3: {  	s11 =	sor.u32 s1, s10;
	v57 =	vor.u32 v60, v4;
	[tilespmem:s2+$0x0] =	vst v15;
	v12 =	vld.idx.msk [tilespmem:v12+s4+$0x0], $0xffff  }
0x7d4: {  	s12 =	sor.u32 s6, s10;
	[tilespmem:s11+$0x0] =	vst v10;
	v15 =	vld.idx.msk [tilespmem:v16+s4+$0x0], $0xffff  }
0x7d5: {  	s0 =	sor.u32 s25, s24;
	s16 =	sadd.s32 $0x11600, s31;
	[tilespmem:s12+$0x0] =	vst v8;
	v7 =	vld.idx.msk [tilespmem:v7+s4+$0x0], $0xffff;
	v2 =	vor.u32 v18, v2  }
0x7d6: {  	s13 =	sadd.s32 $0x11680, s28;
	s17 =	sor.u32 s30, s16;
	[tilespmem:s0+$0x0] =	vst v9;
	v11 =	vld.idx.msk [tilespmem:v11+s4+$0x0], $0xffff  }
0x7d7: {  	s14 =	sor.u32 s26, s13;
	v13 =	vld.idx.msk [tilespmem:v13+s4+$0x0], $0xffff;
	[tilespmem:s17+$0x0] =	vst v14  }
0x7d8: {  	v10 =	vld.idx.msk [tilespmem:v57+s4+$0x0], $0xffff;
	[tilespmem:s14+$0x0] =	vst v12  }
0x7d9: {  	s19 =	sadd.s32 $0x11600, s15;
	s18 =	sor.u32 s29, s16;
	v16 =	vld [tilespmem:$0x1FD90]  }
0x7da: {  	s20 =	sor.u32 s1, s19;
	[tilespmem:s18+$0x0] =	vst v15;
	v2 =	vld.idx.msk [tilespmem:v2+s4+$0x0], $0xffff  }
0x7db: {  	s21 =	sor.u32 s6, s19;
	[tilespmem:s20+$0x0] =	vst v7  }
0x7dc: {  	s22 =	sor.u32 s25, s13;
	s23 =	sadd.s32 $0x11680, s31;
	v8 =	vor.u32 v60, v3;
	[tilespmem:s21+$0x0] =	vst v11  }
0x7dd: {  	s24 =	sor.u32 s30, s23;
	v35 =	vor.u32 v60, v5;
	[tilespmem:s22+$0x0] =	vst v13  }
0x7de: {  	v12 =	vor.u32 v60, v6;
	[tilespmem:s24+$0x0] =	vst v10  }
0x7df: {  	v14 =	vor.u32 v16, v1;
	v15 =	vor.u32 v16, v0;
	v7 =	vor.u32 v16, v4;
	[tilespmem:s8+$0x0] =	vst v2  }
0x7e0: {  	v11 =	vor.u32 v16, v3;
	v13 =	vor.u32 v16, v6;
	v2 =	vor.u32 v16, v5;
	v16 =	vld [tilespmem:$0x1FDA0]  }
0x7e1: {  	v8 =	vld.idx.msk [tilespmem:v8+s4+$0x0], $0xffff  }
0x7e2: {  	v9 =	vld.idx.msk [tilespmem:v35+s4+$0x0], $0xffff  }
0x7e3: {  	v12 =	vld.idx.msk [tilespmem:v12+s4+$0x0], $0xffff  }
0x7e4: {  	v14 =	vld.idx.msk [tilespmem:v14+s4+$0x0], $0xffff  }
0x7e5: {  	s3 =	sadd.s32 $0x11680, s15;
	s2 =	sor.u32 s29, s23;
	v15 =	vld.idx.msk [tilespmem:v15+s4+$0x0], $0xffff;
	v57 =	vor.u32 v16, v1  }
0x7e6: {  	s5 =	sor.u32 s1, s3;
	[tilespmem:s2+$0x0] =	vst v8;
	v7 =	vld.idx.msk [tilespmem:v7+s4+$0x0], $0xffff;
	v8 =	vor.u32 v16, v0  }
0x7e7: {  	s8 =	sadd.s32 $0x11700, s28;
	[tilespmem:s5+$0x0] =	vst v9;
	s2 =	sor.u32 s6, s3;
	v11 =	vld.idx.msk [tilespmem:v11+s4+$0x0], $0xffff;
	v35 =	vor.u32 v16, v4  }
0x7e8: {  	s9 =	sor.u32 s26, s8;
	[tilespmem:s2+$0x0] =	vst v12;
	v2 =	vld.idx.msk [tilespmem:v2+s4+$0x0], $0xffff;
	v12 =	vor.u32 v16, v3  }
0x7e9: {  	s10 =	sadd.s32 $0x11700, s31;
	s0 =	sor.u32 s25, s8;
	v13 =	vld.idx.msk [tilespmem:v13+s4+$0x0], $0xffff;
	[tilespmem:s9+$0x0] =	vst v14;
	v14 =	vor.u32 v16, v5  }
0x7ea: {  	s11 =	sor.u32 s30, s10;
	[tilespmem:s0+$0x0] =	vst v15;
	v15 =	vor.u32 v16, v6;
	v10 =	vld.idx.msk [tilespmem:v57+s4+$0x0], $0xffff  }
0x7eb: {  	s13 =	sadd.s32 $0x11700, s15;
	s12 =	sor.u32 s29, s10;
	[tilespmem:s11+$0x0] =	vst v7;
	v7 =	vor.u32 v20, v1;
	v8 =	vld.idx.msk [tilespmem:v8+s4+$0x0], $0xffff  }
0x7ec: {  	s14 =	sor.u32 s1, s13;
	[tilespmem:s12+$0x0] =	vst v11;
	v11 =	vor.u32 v20, v0;
	v9 =	vld.idx.msk [tilespmem:v35+s4+$0x0], $0xffff  }
0x7ed: {  	s16 =	sadd.s32 $0x11780, s28;
	s2 =	sor.u32 s6, s13;
	[tilespmem:s14+$0x0] =	vst v2;
	v2 =	vor.u32 v20, v4;
	v12 =	vld.idx.msk [tilespmem:v12+s4+$0x0], $0xffff  }
0x7ee: {  	s17 =	sor.u32 s26, s16;
	[tilespmem:s2+$0x0] =	vst v13;
	v13 =	vor.u32 v20, v3;
	v14 =	vld.idx.msk [tilespmem:v14+s4+$0x0], $0xffff  }
0x7ef: {  	s18 =	sadd.s32 $0x11780, s31;
	s0 =	sor.u32 s25, s16;
	v57 =	vor.u32 v20, v5;
	v15 =	vld.idx.msk [tilespmem:v15+s4+$0x0], $0xffff;
	[tilespmem:s17+$0x0] =	vst v10  }
0x7f0: {  	s19 =	sor.u32 s30, s18;
	[tilespmem:s0+$0x0] =	vst v8;
	v8 =	vor.u32 v20, v6;
	v7 =	vld.idx.msk [tilespmem:v7+s4+$0x0], $0xffff  }
0x7f1: {  	s21 =	sadd.s32 $0x11780, s15;
	s20 =	sor.u32 s29, s18;
	v35 =	vor.u32 v21, v1;
	[tilespmem:s19+$0x0] =	vst v9;
	v11 =	vld.idx.msk [tilespmem:v11+s4+$0x0], $0xffff  }
0x7f2: {  	s22 =	sor.u32 s1, s21;
	[tilespmem:s20+$0x0] =	vst v12;
	v12 =	vor.u32 v21, v0;
	v2 =	vld.idx.msk [tilespmem:v2+s4+$0x0], $0xffff  }
0x7f3: {  	s23 =	sadd.s32 $0x12400, s28;
	s2 =	sor.u32 s6, s21;
	v13 =	vld.idx.msk [tilespmem:v13+s4+$0x0], $0xffff;
	[tilespmem:s22+$0x0] =	vst v14;
	v14 =	vor.u32 v21, v4  }
0x7f4: {  	s24 =	sor.u32 s26, s23;
	[tilespmem:s2+$0x0] =	vst v15;
	v15 =	vor.u32 v21, v3;
	v10 =	vld.idx.msk [tilespmem:v57+s4+$0x0], $0xffff  }
0x7f5: {  	s3 =	sadd.s32 $0x12400, s31;
	s0 =	sor.u32 s25, s23;
	v8 =	vld.idx.msk [tilespmem:v8+s4+$0x0], $0xffff;
	[tilespmem:s24+$0x0] =	vst v7;
	v7 =	vor.u32 v21, v5  }
0x7f6: {  	s5 =	sor.u32 s30, s3;
	[tilespmem:s0+$0x0] =	vst v11;
	v11 =	vor.u32 v21, v6;
	v9 =	vld.idx.msk [tilespmem:v35+s4+$0x0], $0xffff  }
0x7f7: {  	s8 =	sor.u32 s29, s3;
	s9 =	sadd.s32 $0x12400, s15;
	[tilespmem:s5+$0x0] =	vst v2;
	v2 =	vor.u32 v22, v1;
	v12 =	vld.idx.msk [tilespmem:v12+s4+$0x0], $0xffff  }
0x7f8: {  	s10 =	sor.u32 s1, s9;
	[tilespmem:s8+$0x0] =	vst v13;
	v13 =	vor.u32 v22, v0;
	v14 =	vld.idx.msk [tilespmem:v14+s4+$0x0], $0xffff  }
0x7f9: {  	s11 =	sadd.s32 $0x12480, s28;
	s2 =	sor.u32 s6, s9;
	v57 =	vor.u32 v22, v4;
	v15 =	vld.idx.msk [tilespmem:v15+s4+$0x0], $0xffff;
	[tilespmem:s10+$0x0] =	vst v10  }
0x7fa: {  	s12 =	sor.u32 s26, s11;
	[tilespmem:s2+$0x0] =	vst v8;
	v8 =	vor.u32 v22, v3;
	v7 =	vld.idx.msk [tilespmem:v7+s4+$0x0], $0xffff  }
0x7fb: {  	s13 =	sadd.s32 $0x12480, s31;
	s0 =	sor.u32 s25, s11;
	v35 =	vor.u32 v22, v5;
	v11 =	vld.idx.msk [tilespmem:v11+s4+$0x0], $0xffff;
	[tilespmem:s12+$0x0] =	vst v9  }
0x7fc: {  	s14 =	sor.u32 s30, s13;
	[tilespmem:s0+$0x0] =	vst v12;
	v12 =	vor.u32 v22, v6;
	v2 =	vld.idx.msk [tilespmem:v2+s4+$0x0], $0xffff  }
0x7fd: {  	s16 =	sor.u32 s29, s13;
	s17 =	sadd.s32 $0x12480, s15;
	[tilespmem:s14+$0x0] =	vst v14;
	v14 =	vor.u32 v23, v1;
	v13 =	vld.idx.msk [tilespmem:v13+s4+$0x0], $0xffff  }
0x7fe: {  	s18 =	sor.u32 s1, s17;
	[tilespmem:s16+$0x0] =	vst v15;
	v15 =	vor.u32 v23, v0;
	v10 =	vld.idx.msk [tilespmem:v57+s4+$0x0], $0xffff  }
0x7ff: {  	s19 =	sadd.s32 $0x12500, s28;
	s2 =	sor.u32 s6, s17;
	v8 =	vld.idx.msk [tilespmem:v8+s4+$0x0], $0xffff;
	[tilespmem:s18+$0x0] =	vst v7;
	v7 =	vor.u32 v23, v4  }
0x800: {  	s20 =	sor.u32 s26, s19;
	[tilespmem:s2+$0x0] =	vst v11;
	v11 =	vor.u32 v23, v3;
	v9 =	vld.idx.msk [tilespmem:v35+s4+$0x0], $0xffff  }
0x801: {  	s21 =	sadd.s32 $0x12500, s31;
	s0 =	sor.u32 s25, s19;
	v12 =	vld.idx.msk [tilespmem:v12+s4+$0x0], $0xffff;
	[tilespmem:s20+$0x0] =	vst v2;
	v2 =	vor.u32 v23, v5  }
0x802: {  	s22 =	sor.u32 s30, s21;
	[tilespmem:s0+$0x0] =	vst v13;
	v13 =	vor.u32 v23, v6;
	v14 =	vld.idx.msk [tilespmem:v14+s4+$0x0], $0xffff  }
0x803: {  	s23 =	sor.u32 s29, s21;
	s24 =	sadd.s32 $0x12500, s15;
	v57 =	vor.u32 v31, v1;
	[tilespmem:s22+$0x0] =	vst v10;
	v15 =	vld.idx.msk [tilespmem:v15+s4+$0x0], $0xffff  }
0x804: {  	s3 =	sor.u32 s1, s24;
	[tilespmem:s23+$0x0] =	vst v8;
	v8 =	vor.u32 v31, v0;
	v7 =	vld.idx.msk [tilespmem:v7+s4+$0x0], $0xffff  }
0x805: {  	s5 =	sadd.s32 $0x12580, s28;
	s2 =	sor.u32 s6, s24;
	v35 =	vor.u32 v31, v4;
	v11 =	vld.idx.msk [tilespmem:v11+s4+$0x0], $0xffff;
	[tilespmem:s3+$0x0] =	vst v9  }
0x806: {  	s8 =	sor.u32 s26, s5;
	[tilespmem:s2+$0x0] =	vst v12;
	v12 =	vor.u32 v31, v3;
	v2 =	vld.idx.msk [tilespmem:v2+s4+$0x0], $0xffff  }
0x807: {  	s9 =	sadd.s32 $0x12580, s31;
	s0 =	sor.u32 s25, s5;
	v13 =	vld.idx.msk [tilespmem:v13+s4+$0x0], $0xffff;
	[tilespmem:s8+$0x0] =	vst v14;
	v14 =	vor.u32 v31, v5  }
0x808: {  	s10 =	sor.u32 s30, s9;
	[tilespmem:s0+$0x0] =	vst v15;
	v15 =	vor.u32 v31, v6;
	v10 =	vld.idx.msk [tilespmem:v57+s4+$0x0], $0xffff  }
0x809: {  	s11 =	sor.u32 s29, s9;
	s12 =	sadd.s32 $0x12580, s15;
	v8 =	vld.idx.msk [tilespmem:v8+s4+$0x0], $0xffff;
	[tilespmem:s10+$0x0] =	vst v7;
	v7 =	vor.u32 v50, v1  }
0x80a: {  	s13 =	sor.u32 s1, s12;
	[tilespmem:s11+$0x0] =	vst v11;
	v11 =	vor.u32 v50, v0;
	v9 =	vld.idx.msk [tilespmem:v35+s4+$0x0], $0xffff  }
0x80b: {  	s14 =	sadd.s32 $0x12600, s28;
	s2 =	sor.u32 s6, s12;
	v12 =	vld.idx.msk [tilespmem:v12+s4+$0x0], $0xffff;
	[tilespmem:s13+$0x0] =	vst v2;
	v2 =	vor.u32 v50, v4  }
0x80c: {  	s16 =	sor.u32 s26, s14;
	[tilespmem:s2+$0x0] =	vst v13;
	v13 =	vor.u32 v50, v3;
	v14 =	vld.idx.msk [tilespmem:v14+s4+$0x0], $0xffff  }
0x80d: {  	s17 =	sadd.s32 $0x12600, s31;
	s0 =	sor.u32 s25, s14;
	v57 =	vor.u32 v50, v5;
	v15 =	vld.idx.msk [tilespmem:v15+s4+$0x0], $0xffff;
	[tilespmem:s16+$0x0] =	vst v10  }
0x80e: {  	s18 =	sor.u32 s30, s17;
	[tilespmem:s0+$0x0] =	vst v8;
	v8 =	vor.u32 v50, v6;
	v7 =	vld.idx.msk [tilespmem:v7+s4+$0x0], $0xffff  }
0x80f: {  	s19 =	sor.u32 s29, s17;
	s20 =	sadd.s32 $0x12600, s15;
	v35 =	vor.u32 v19, v1;
	v11 =	vld.idx.msk [tilespmem:v11+s4+$0x0], $0xffff;
	[tilespmem:s18+$0x0] =	vst v9  }
0x810: {  	s21 =	sor.u32 s1, s20;
	[tilespmem:s19+$0x0] =	vst v12;
	v12 =	vor.u32 v19, v0;
	v2 =	vld.idx.msk [tilespmem:v2+s4+$0x0], $0xffff  }
0x811: {  	s22 =	sadd.s32 $0x12680, s28;
	s2 =	sor.u32 s6, s20;
	v13 =	vld.idx.msk [tilespmem:v13+s4+$0x0], $0xffff;
	[tilespmem:s21+$0x0] =	vst v14;
	v14 =	vor.u32 v19, v4  }
0x812: {  	s23 =	sor.u32 s26, s22;
	[tilespmem:s2+$0x0] =	vst v15;
	v15 =	vor.u32 v19, v3;
	v10 =	vld.idx.msk [tilespmem:v57+s4+$0x0], $0xffff  }
0x813: {  	s24 =	sadd.s32 $0x12680, s31;
	s0 =	sor.u32 s25, s22;
	v8 =	vld.idx.msk [tilespmem:v8+s4+$0x0], $0xffff;
	[tilespmem:s23+$0x0] =	vst v7;
	v7 =	vor.u32 v19, v5  }
0x814: {  	s3 =	sor.u32 s30, s24;
	v50 =	vor.u32 v19, v6;
	[tilespmem:s0+$0x0] =	vst v11;
	v9 =	vld.idx.msk [tilespmem:v35+s4+$0x0], $0xffff  }
0x815: {  	s5 =	sor.u32 s29, s24;
	s8 =	sadd.s32 $0x12680, s15;
	v1 =	vor.u32 v18, v1;
	[tilespmem:s3+$0x0] =	vst v2;
	v2 =	vld.idx.msk [tilespmem:v12+s4+$0x0], $0xffff  }
0x816: {  	s9 =	sor.u32 s1, s8;
	v0 =	vor.u32 v18, v0;
	[tilespmem:s5+$0x0] =	vst v13;
	v12 =	vld.idx.msk [tilespmem:v14+s4+$0x0], $0xffff  }
0x817: {  	s10 =	sadd.s32 $0x12700, s28;
	v4 =	vor.u32 v18, v4;
	s2 =	sor.u32 s6, s8;
	v57 =	vld.idx.msk [tilespmem:v15+s4+$0x0], $0xffff;
	[tilespmem:s9+$0x0] =	vst v10  }
0x818: {  	s11 =	sor.u32 s26, s10;
	v3 =	vor.u32 v18, v3;
	[tilespmem:s2+$0x0] =	vst v8;
	v7 =	vld.idx.msk [tilespmem:v7+s4+$0x0], $0xffff  }
0x819: {  	s12 =	sadd.s32 $0x12700, s31;
	s0 =	sor.u32 s25, s10;
	v5 =	vor.u32 v18, v5;
	v8 =	vld.idx.msk [tilespmem:v50+s4+$0x0], $0xffff;
	[tilespmem:s11+$0x0] =	vst v9  }
0x81a: {  	s13 =	sor.u32 s30, s12;
	[tilespmem:s0+$0x0] =	vst v2;
	v1 =	vld.idx.msk [tilespmem:v1+s4+$0x0], $0xffff;
	v2 =	vor.u32 v18, v6  }
0x81b: {  	s14 =	sor.u32 s29, s12;
	s16 =	sadd.s32 $0x12700, s15;
	[tilespmem:s13+$0x0] =	vst v12;
	v0 =	vld.idx.msk [tilespmem:v0+s4+$0x0], $0xffff  }
0x81c: {  	s17 =	sor.u32 s1, s16;
	[tilespmem:s14+$0x0] =	vst v57;
	v4 =	vld.idx.msk [tilespmem:v4+s4+$0x0], $0xffff  }
0x81d: {  	s18 =	sadd.s32 $0x12780, s28;
	s2 =	sor.u32 s6, s16;
	v3 =	vld.idx.msk [tilespmem:v3+s4+$0x0], $0xffff;
	[tilespmem:s17+$0x0] =	vst v7  }
0x81e: {  	s19 =	sor.u32 s26, s18;
	[tilespmem:s2+$0x0] =	vst v8;
	v5 =	vld.idx.msk [tilespmem:v5+s4+$0x0], $0xffff  }
0x81f: {  	s20 =	sadd.s32 $0x12780, s31;
	s0 =	sor.u32 s25, s18;
	[tilespmem:s19+$0x0] =	vst v1;
	v1 =	vld.idx.msk [tilespmem:v2+s4+$0x0], $0xffff  }
0x820: {  	s21 =	sor.u32 s30, s20;
	[tilespmem:s0+$0x0] =	vst v0  }
0x821: {  	s22 =	sadd.s32 $0x12780, s15;
	s2 =	sor.u32 s29, s20;
	[tilespmem:s21+$0x0] =	vst v4  }
0x822: {  	s7 =	smov.u32 s6;
	s1 =	sor.u32 s1, s22;
	s23 =	rddreg [dreg:$0xc];
	[tilespmem:s2+$0x0] =	vst v3  }
0x823: {  	s0 =	sor.u32 s7, s22;
	s6 =	rddreg [dreg:$0x6];
	[tilespmem:s1+$0x0] =	vst v5  }
0x824: {  	[tilespmem:s0+$0x0] =	vst v1  }
0x825: {  	v22 =	vld [tilespmem:$0x1FF40]  }
0x826: {  	v6 =	vmov v36;
	v36 =	vld [tilespmem:$0x1FFC0]  }
0x827: {  	v50 =	vld [tilespmem:$0x1FF10]  }
0x828: {  	s31 =	rddreg [dreg:$0xb];
	v2 =	vld [tilespmem:$0x1FEE0]  }
0x829: {  	v17 =	vld [tilespmem:$0x1FFA0];
	s5 =	sadd.s32 $0x1, s31  }
0x82a: {  	v19 =	vmov v49;
	v49 =	vld [tilespmem:$0x1FEF0];
	p0 =	sne.s32 s5, $0x64  }
.Ltmp2:
0x82b: {  	s3 =	sshll.u32 s23, $0x14;
	v20 =	vld [tilespmem:$0x1FF90];
	(pc) =	sbr.rel @p0 .LBB2_2-.Ltmp2, $4  }
0x82c: {  	s24 =	sor.u32 s6, s3;
	v13 =	vld [tilespmem:$0x1FF00]  }
0x82d: {  	v16 =	vmovc v60;
	v21 =	vmov v39;
	v39 =	vmov v42;
	v23 =	vmov v52;
	s28 =	simm.s32 $0x1000;
	s26 =	rddreg [dreg:$0x2];
	s25 =	sshrl.u32 s24, $0x3;
	v14 =	vld [tilespmem:$0x1FE70]  }
0x82e: {  	v31 =	vmovc v53;
	s30 =	simm.s32 $0xB400;
	v35 =	vmovc v51;
	v12 =	vmov v55;
	v55 =	vmov v54;
	s29 =	simm.s32 $0x20000;
	v7 =	vmov v30;
	v15 =	vld [tilespmem:$0x1FF30];
	s0 =	sadd.s32 s26, s25  }
0x82f: {  	v30 =	vmovc v38;
	v4 =	vmovc v58;
	v58 =	vmov v56;
	v5 =	vmov v37;
	v37 =	vmov v59;
	v59 =	vld [tilespmem:$0x1FF60];
	[hbm4b:s0+s28] =	stream.strided.scatter [tilespmem:s30], [sflag:$0x4], $0x8000, s29, s28, $0x38  }
0x830: {  	s0 =	simm.s32 $0x3  }
0x831: {  	_ =	swait.ge [sflag:s0], $0x8000  }
0x832: {  	[sflag:s0] =	ssyncset.done $0x0  }
0x833: {  	s1 =	simm.s32 $0x4;
	[sflag:s0] =	ssyncadd.s32 $0xFFFF8000  }
0x834: {  	_ =	swait.ge [sflag:s1], $0x8000  }
0x835: {  	s2 =	rddreg [dreg:$0xa]  }
0x836: {  	s31 =	rddreg [dreg:$0x9];
	s2 =	sadd.s32 $0x1, s2  }
0x837: {  	p0 =	sne.s32 s2, s31  }
.Ltmp3:
0x838: {  	_ = 	snop;
	(pc) =	sbr.rel @p0 .LBB2_1-.Ltmp3, $3  }
0x839: {  	_ =	sdelay $0x1  }
0x83a: {  	[sflag:s1] =	ssyncset.done $0x0  }
0x83b: {  	v3 =	vmov v23;
	v23 =	vmov v19;
	[sflag:s1] =	ssyncadd.s32 $0xFFFF8000  }
0x83c: {  	_ =	sfence.sel $0x180000  }
0x83d: {  	[bflag:$0x0] =	sbarrier.arrive $0xFFFF  }
0x83e: {  	_ =	strace $0x90000047  }
0x83f: {  	s0 =	stileid.u32;
	[bflag:$0x2] =	sbarrier.arrive $0xFFFF  }
0x840: {  	p0 =	sne.s32 s0, $0x0;
	s0 =	rddreg [dreg:$0x3]  }
0x841: {  	s0 =	sadd.s32 @!p0 $0x100000, s0  }
0x842: {  	[sflag:s0] =	ssyncadd.tile.s32 @!p0 $0x1;
	_ =	shalt  }
.Lfunc_end2:
_tile_overlayer_lowered:
.L_overlay_start_2:
0x843: {  	(tag) =	ssettag $0x2  }
0x844: {  	s0 =	rddreg [dreg:$0x0];
	s2 =	stileid.u32  }
0x845: {  	s1 =	rddreg [dreg:$0x1];
	p0 =	sne.s32 s2, $0x0  }
0x846: {  	s3 =	rddreg [dreg:$0x2];
	[bflag:$0x3] =	sbarrier.arrive $0xFFFF;
	s2 =	simm.s32 @!p0 $0x1C05  }
0x847: {  	[timem:s3], [sflag:s2] =	dma.local @!p0 [hbm:s0], s1  }
0x848: {  	s0 =	simm.s32 @!p0 $0x5  }
0x849: {  	_ =	swait.ge @!p0 [sflag:s0], s1  }
0x84a: {  	s1 =	ssub.s32 @!p0 $0x0, s1;
	[sflag:s0] =	ssyncset.done @!p0 $0x0  }
0x84b: {  	[sflag:s0] =	ssyncadd.s32 @!p0 s1  }
0x84c: {  	[bflag:$0x3] =	sbarrier.arrive $0xFFFF  }
0x84d: {  	_ =	shalt  }

</sc_bundles>
